<compile_context>
chip_gen: v7x
topology: tpu7x:2x2x1
jax: 0.10.2.dev20260603
libtpu: 0.0.44.dev20260713+nightly
codegen_flags: <defaults>
</compile_context>

<pallas_src>
import jax
import jax.numpy as jnp
from jax import lax
from jax.experimental import pallas as pl
from jax.experimental.pallas import tpu as pltpu, tpu_sc as plsc

_NC = 2
_NS = 16
_K = 80
_ZR = 8
_F32 = jnp.float32


def _sc_mesh():
    return plsc.VectorSubcoreMesh(
        core_axis_name="c", subcore_axis_name="s",
        num_cores=_NC, num_subcores=_NS)


def _sc_deg(dst_chunk, n, per_tile, acc_rows):
    nchunk = per_tile // _K
    rows_out = acc_rows // _NS
    zcopies = rows_out // _ZR

    def body(dst_hbm, deg_hbm, dstbuf, ones_v, zbuf, acc):
        c = lax.axis_index("c")
        s = lax.axis_index("s")
        z16 = jnp.zeros((16,), _F32)
        o16 = jnp.ones((16,), _F32)

        def fill(i, carry):
            zbuf[i, pl.ds(0, 16)] = z16
            return carry
        lax.fori_loop(0, _ZR, fill, 0)

        def fill1(i, carry):
            ones_v[i, pl.ds(0, 16)] = o16
            return carry
        lax.fori_loop(0, _K, fill1, 0)

        for rz in range(zcopies):
            pltpu.sync_copy(zbuf, acc.at[pl.ds((s * zcopies + rz) * _ZR, _ZR)])
        plsc.subcore_barrier()

        pltpu.sync_copy(dst_hbm.at[c, s], dstbuf)

        def ch(j, carry):
            pltpu.sync_copy(ones_v, acc.at[dstbuf.at[j]], add=True)
            return carry
        lax.fori_loop(0, nchunk, ch, 0)
        plsc.subcore_barrier()

        row0 = s * rows_out
        pltpu.sync_copy(acc.at[pl.ds(row0, rows_out)],
                        deg_hbm.at[c, pl.ds(row0, rows_out)])

    return pl.kernel(
        body,
        out_type=jax.ShapeDtypeStruct((2, acc_rows, 16), _F32),
        mesh=_sc_mesh(),
        scratch_types=[
            pltpu.VMEM((nchunk, _K), jnp.int32),
            pltpu.VMEM((_K, 16), _F32),
            pltpu.VMEM((_ZR, 16), _F32),
            pltpu.VMEM_SHARED((acc_rows, 16), _F32),
        ],
    )(dst_chunk)


def _sc_agg(tab, src_idx, dst_chunk, n, per_tile, acc_rows, dh):
    nchunk = per_tile // _K
    assert nchunk % 2 == 0 and nchunk >= 4
    rows_io = acc_rows // _NS
    zcopies = rows_io // _ZR

    def body(tab_hbm, src_hbm, dst_hbm, z_hbm, agg_hbm,
             srcbuf, dstbuf, ga, gb, acc, sema, semb):
        c = lax.axis_index("c")
        s = lax.axis_index("s")

        def gath(j, buf, sem):
            return pltpu.async_copy(
                tab_hbm.at[srcbuf.at[pl.ds(j * _K, _K)]], buf, sem)

        def scat(j, buf):
            pltpu.sync_copy(buf, acc.at[dstbuf.at[j]], add=True)

        for g in range(2):
            pltpu.sync_copy(z_hbm.at[pl.ds(s * rows_io, rows_io)],
                            acc.at[pl.ds(s * rows_io, rows_io)])
            plsc.subcore_barrier()

            pltpu.sync_copy(src_hbm.at[c, g, s], srcbuf)
            pltpu.sync_copy(dst_hbm.at[g, s], dstbuf)

            def ch(j2, carry):
                j = j2 * 2
                h0 = gath(j, ga, sema)
                h1 = gath(j + 1, gb, semb)
                h0.wait()
                scat(j, ga)
                h1.wait()
                scat(j + 1, gb)
                return carry
            lax.fori_loop(0, nchunk // 2, ch, 0)

            plsc.subcore_barrier()
            out0 = (g * 2 + c) * acc_rows + s * rows_io
            pltpu.sync_copy(acc.at[pl.ds(s * rows_io, rows_io)],
                            agg_hbm.at[pl.ds(out0, rows_io)])
            plsc.subcore_barrier()

    return pl.kernel(
        body,
        out_type=jax.ShapeDtypeStruct((4 * acc_rows, dh), _F32),
        mesh=_sc_mesh(),
        scratch_types=[
            pltpu.VMEM((per_tile,), jnp.int32),
            pltpu.VMEM((nchunk, _K), jnp.int32),
            pltpu.VMEM((_K, dh), _F32),
            pltpu.VMEM((_K, dh), _F32),
            pltpu.VMEM_SHARED((acc_rows, dh), _F32),
            pltpu.SemaphoreType.DMA,
            pltpu.SemaphoreType.DMA,
        ],
    )(tab, src_idx, dst_chunk, jnp.zeros((acc_rows, dh), _F32))


def _tc_prologue(xs, deg, Wr, br2, Wg0, r):
    g_, n, d = xs.shape
    nb = n // r
    dh = d // 2

    def body(x_ref, deg_ref, wr_ref, br_ref, wg0_ref, xo_ref, dv_ref, yw_ref):
        xw = jnp.dot(x_ref[0], wr_ref[0], preferred_element_type=_F32) + br_ref[0]
        dinv = lax.rsqrt(deg_ref[0] + 1.0)
        y = jnp.dot(dinv * xw, wg0_ref[0], preferred_element_type=_F32)
        xo_ref[0] = xw
        dv_ref[0] = dinv
        yw_ref[0, 0] = y[:, :dh]
        yw_ref[1, 0] = y[:, dh:]

    return pl.pallas_call(
        body,
        grid=(g_, nb),
        in_specs=[
            pl.BlockSpec((1, r, d), lambda g, i: (g, i, 0)),
            pl.BlockSpec((1, r, 1), lambda g, i: (g, i, 0)),
            pl.BlockSpec((1, d, d), lambda g, i: (g, 0, 0)),
            pl.BlockSpec((1, 1, d), lambda g, i: (g, 0, 0)),
            pl.BlockSpec((1, d, d), lambda g, i: (g, 0, 0)),
        ],
        out_specs=[
            pl.BlockSpec((1, r, d), lambda g, i: (g, i, 0)),
            pl.BlockSpec((1, r, 1), lambda g, i: (g, i, 0)),
            pl.BlockSpec((2, 1, r, dh), lambda g, i: (0, g, i, 0)),
        ],
        out_shape=[
            jax.ShapeDtypeStruct((g_, n, d), _F32),
            jax.ShapeDtypeStruct((g_, n, 1), _F32),
            jax.ShapeDtypeStruct((2, g_, n, dh), _F32),
        ],
    )(xs, deg, Wr, br2, Wg0)


def _tc_layer(x, agg, ywp, dinv, bg_l, lng_l, lnb_l, Wg_next, r):
    g_, n, d = x.shape
    nb = n // r
    dh = d // 2
    last = Wg_next is None

    def body(x_ref, a_ref, y_ref, dv_ref, bg_ref, lg_ref, lb_ref, *rest):
        if last:
            (xo_ref,) = rest
        else:
            wn_ref, xo_ref, yw_ref = rest
        aggf = jnp.concatenate([a_ref[0, 0] + y_ref[0, 0],
                                a_ref[0, 1] + y_ref[1, 0]], axis=-1)
        dinv = dv_ref[0]
        cv = dinv * aggf + bg_ref[0]
        mu = jnp.mean(cv, axis=-1, keepdims=True)
        var = jnp.mean((cv - mu) ** 2, axis=-1, keepdims=True)
        cv = (cv - mu) * lax.rsqrt(var + 1e-5) * lg_ref[0] + lb_ref[0]
        xn = x_ref[0] + jnp.maximum(cv, 0.0)
        xo_ref[0] = xn
        if not last:
            y = jnp.dot(dinv * xn, wn_ref[0], preferred_element_type=_F32)
            yw_ref[0, 0] = y[:, :dh]
            yw_ref[1, 0] = y[:, dh:]

    in_specs = [
        pl.BlockSpec((1, r, d), lambda g, i: (g, i, 0)),
        pl.BlockSpec((1, 2, r, dh), lambda g, i: (g, 0, i, 0)),
        pl.BlockSpec((2, 1, r, dh), lambda g, i: (0, g, i, 0)),
        pl.BlockSpec((1, r, 1), lambda g, i: (g, i, 0)),
        pl.BlockSpec((1, 1, d), lambda g, i: (g, 0, 0)),
        pl.BlockSpec((1, 1, d), lambda g, i: (g, 0, 0)),
        pl.BlockSpec((1, 1, d), lambda g, i: (g, 0, 0)),
    ]
    out_specs = [pl.BlockSpec((1, r, d), lambda g, i: (g, i, 0))]
    out_shape = [jax.ShapeDtypeStruct((g_, n, d), _F32)]
    args = [x, agg, ywp, dinv, bg_l, lng_l, lnb_l]
    if not last:
        in_specs.append(pl.BlockSpec((1, d, d), lambda g, i: (g, 0, 0)))
        out_specs.append(pl.BlockSpec((2, 1, r, dh), lambda g, i: (0, g, i, 0)))
        out_shape.append(jax.ShapeDtypeStruct((2, g_, n, dh), _F32))
        args.append(Wg_next)

    res = pl.pallas_call(
        body, grid=(g_, nb), in_specs=in_specs,
        out_specs=out_specs, out_shape=out_shape,
    )(*args)
    return (res[0], None) if last else (res[0], res[1])


def _tc_pool(x, batch3, r):
    g_, n, d = x.shape
    nb = n // r

    def body(x_ref, b_ref, f_ref, acc):
        i = pl.program_id(1)

        @pl.when(i == 0)
        def _():
            acc[...] = jnp.zeros_like(acc)

        bt = b_ref[0, 0, 0, :]
        oh = (bt[:, None] == lax.broadcasted_iota(jnp.int32, (r, 8), 1)
              ).astype(_F32)
        xa = jnp.concatenate([x_ref[0], jnp.ones((r, 128), _F32)], axis=-1)
        acc[...] += jnp.dot(oh.T, xa, preferred_element_type=_F32)

        @pl.when(i == nb - 1)
        def _():
            f_ref[0] = acc[:, :d] / jnp.maximum(acc[:, d:d + 1], 1.0)

    return pl.pallas_call(
        body,
        grid=(g_, nb),
        in_specs=[
            pl.BlockSpec((1, r, d), lambda g, i: (g, i, 0)),
            pl.BlockSpec((1, 1, 1, r), lambda g, i: (g, i, 0, 0)),
        ],
        out_specs=pl.BlockSpec((1, 8, d), lambda g, i: (g, 0, 0)),
        out_shape=jax.ShapeDtypeStruct((g_, 8, d), _F32),
        scratch_shapes=[pltpu.VMEM((8, d + 128), _F32)],
    )(x, batch3)


def _tc_logits(feats, Wc2, bc2):
    g_, _, d = feats.shape
    c = Wc2.shape[-1]

    def body(f_ref, wc_ref, bc_ref, o_ref):
        o_ref[...] = (
            jnp.dot(f_ref[0], wc_ref[0], preferred_element_type=_F32)
            + jnp.dot(f_ref[1], wc_ref[1], preferred_element_type=_F32)
            + bc_ref[...])

    return pl.pallas_call(
        body,
        out_shape=jax.ShapeDtypeStruct((8, c), _F32),
    )(feats, Wc2, bc2)


def kernel(x0, x1, edge_index0, edge_index1, batch0, batch1,
           Wr, br, Wg, bg, ln_g, ln_b, Wc, bc):
    n, d = x0.shape
    e = edge_index0.shape[1]
    nlayers = Wg.shape[1]
    ncls = Wc.shape[-1]
    dh = d // 2
    r = 2000
    nb = n // r

    per_tile = -(-e // (_NS * 2 * _K)) * (2 * _K)
    epad = per_tile * _NS
    acc_rows = -(-(n + 1) // (_NS * _ZR)) * (_NS * _ZR)

    ii = jnp.int32
    pads = epad - e

    def prep(eidx):
        srcv = jnp.concatenate([eidx[0], jnp.zeros((pads,), ii)])
        dstv = jnp.concatenate([eidx[1], jnp.full((pads,), n, ii)])
        return srcv, dstv

    s0, d0 = prep(edge_index0)
    s1, d1 = prep(edge_index1)
    src2 = jnp.stack([s0, s1])
    coff = jnp.arange(2, dtype=ii) * (2 * n)
    goff = jnp.arange(2, dtype=ii) * n
    src_idx = (src2[None] + coff[:, None, None] + goff[None, :, None]
               ).reshape(2, 2, _NS, per_tile)
    dst_flat = jnp.stack([d0, d1]).reshape(2, _NS, per_tile)
    dst_chunk = dst_flat.reshape(2, _NS, per_tile // _K, _K)

    deg_full = _sc_deg(dst_chunk, n, per_tile, acc_rows)
    deg = deg_full[:, :n, :1]

    xs = jnp.stack([x0, x1])
    x, dinv, yw = _tc_prologue(
        xs, deg, Wr, br.reshape(2, 1, d), Wg[:, 0], r)

    for l in range(nlayers):
        tab = yw.reshape(4 * n, dh)
        agg = _sc_agg(tab, src_idx, dst_chunk, n, per_tile, acc_rows, dh
                      ).reshape(2, 2, acc_rows, dh)
        wn = Wg[:, l + 1] if l + 1 < nlayers else None
        x, yw = _tc_layer(
            x, agg, yw, dinv,
            bg[:, l].reshape(2, 1, d),
            ln_g[:, l].reshape(2, 1, d),
            ln_b[:, l].reshape(2, 1, d),
            wn, r)

    batch3 = jnp.stack([batch0, batch1]).reshape(2, nb, 1, r)
    feats = _tc_pool(x, batch3, r)
    return _tc_logits(feats, Wc.reshape(2, d, ncls), bc.reshape(1, ncls))

# --- scband reference (transcript-rebuilt; emitter-appended) ---
"""Pipeline reference for scband-multi-graph-classification-model-2241972928701 (READ-ONLY COPY).

The authoritative reference and input builder live on the scoring server;
editing this copy changes nothing except your own understanding.
"""

import jax, jax.numpy as jnp
import numpy as np

N = 10000
E = 160000
D = 256
L = 4
G = 2
B = 8
C = 10


def setup_inputs(seed: int = 0) -> dict:
    key = jax.random.key(seed)
    ks = jax.random.split(key, 12)
    s = 1.0 / np.sqrt(D)
    inp = {}
    inp['x0'] = jax.random.normal(ks[0], (N, D), jnp.float32)
    inp['x1'] = jax.random.normal(ks[1], (N, D), jnp.float32)
    inp['edge_index0'] = jax.random.randint(ks[2], (2, E), 0, N, jnp.int32)
    inp['edge_index1'] = jax.random.randint(ks[3], (2, E), 0, N, jnp.int32)
    inp['batch0'] = jnp.sort(jax.random.randint(ks[4], (N,), 0, B, jnp.int32))
    inp['batch1'] = jnp.sort(jax.random.randint(ks[5], (N,), 0, B, jnp.int32))
    inp['Wr'] = jax.random.normal(ks[6], (G, D, D), jnp.float32) * s
    inp['br'] = jnp.zeros((G, D), jnp.float32)
    inp['Wg'] = jax.random.normal(ks[7], (G, L, D, D), jnp.float32) * s
    inp['bg'] = jnp.zeros((G, L, D), jnp.float32)
    inp['ln_g'] = jnp.ones((G, L, D), jnp.float32)
    inp['ln_b'] = jnp.zeros((G, L, D), jnp.float32)
    inp['Wc'] = jax.random.normal(ks[8], (G * D, C), jnp.float32) * (1.0 / np.sqrt(G * D))
    inp['bc'] = jnp.zeros((C,), jnp.float32)
    return inp


def _gcn_conv(x, ei, W, b):
    # PyG GCNConv: add self-loops, symmetric D^{-1/2}(A+I)D^{-1/2} normalization,
    # linear transform, scatter-add aggregation at dst, then bias.
    n = x.shape[0]
    loop = jnp.arange(n, dtype=ei.dtype)
    src = jnp.concatenate([ei[0], loop])
    dst = jnp.concatenate([ei[1], loop])
    deg = jax.ops.segment_sum(jnp.ones(src.shape[0], jnp.float32), dst, num_segments=n)
    dinv = jnp.where(deg > 0, 1.0 / jnp.sqrt(deg), 0.0)
    norm = dinv[src] * dinv[dst]
    xw = x @ W
    msg = xw[src] * norm[:, None]
    return jax.ops.segment_sum(msg, dst, num_segments=n) + b


def _ln(x, g, b, eps=1e-5):
    mu = jnp.mean(x, axis=-1, keepdims=True)
    var = jnp.mean((x - mu) ** 2, axis=-1, keepdims=True)
    return (x - mu) / jnp.sqrt(var + eps) * g + b


def _pool(x, batch):
    s = jax.ops.segment_sum(x, batch, num_segments=B)
    c = jax.ops.segment_sum(jnp.ones((x.shape[0],), jnp.float32), batch, num_segments=B)
    return s / jnp.maximum(c, 1.0)[:, None]


def reference(x0, x1, edge_index0, edge_index1, batch0, batch1, Wr, br, Wg, bg, ln_g, ln_b, Wc, bc):
    xs = [x0, x1]
    eis = [edge_index0, edge_index1]
    bts = [batch0, batch1]
    feats = []
    for i in range(G):
        x = xs[i] @ Wr[i] + br[i]
        for l in range(L):
            c = _gcn_conv(x, eis[i], Wg[i, l], bg[i, l])
            c = _ln(c, ln_g[i, l], ln_b[i, l])
            c = jax.nn.relu(c)
            x = x + c
        feats.append(_pool(x, bts[i]))
    h = jnp.concatenate(feats, axis=-1)
    return h @ Wc + bc

if __name__ == "__main__":
    import jax
    _d = setup_inputs()
    print(jax.jit(kernel)(*tuple(_d.values())))

</pallas_src>

<mosaic_0001>
#map = affine_map<(d0, d1) -> (0, 0, 0, 0)>
#map1 = affine_map<(d0, d1) -> (0, 0, 0)>
module attributes {stable_mosaic.version = 14 : i64} {
  func.func @body(%arg0: i32, %arg1: i32, %arg2: memref<2x16x126x80xi32, #tpu.memory_space<hbm>>, %arg3: memref<2x10112x16xf32, #tpu.memory_space<hbm>>, %arg4: memref<126x80xi32, #tpu.memory_space<vmem>>, %arg5: memref<80x16xf32, #tpu.memory_space<vmem>>, %arg6: memref<8x16xf32, #tpu.memory_space<vmem>>, %arg7: memref<10112x16xf32, #tpu.memory_space<vmem_shared>>) attributes {dimension_semantics = [#tpu.dimension_semantics<core_parallel>, #tpu.dimension_semantics<subcore_parallel>], iteration_bounds = array<i64: 2, 16>, scalar_prefetch = 0 : i64, scratch_operands = 4 : i64, tpu.core_type = #tpu.core_type<sc_vector_subcore>, window_params = [{transform_indices = #map}, {transform_indices = #map1}]} {
    %broadcast_in_dim3A = arith.constant 0.000000e+00 : f32
    %broadcast_in_dim3A_0 = vector.broadcast %broadcast_in_dim3A : f32 to vector<16xf32>
    %broadcast_in_dim3A_1 = arith.constant 1.000000e+00 : f32
    %broadcast_in_dim3A_2 = vector.broadcast %broadcast_in_dim3A_1 : f32 to vector<16xf32>
    %scan3A = arith.constant 0 : i32
    %scan3A_3 = arith.constant 0 : i32
    %scan3A_4 = arith.constant 8 : i32
    %scan3A_5 = arith.addi %scan3A_3, %scan3A_4 : i32
    %scan3A_6 = arith.constant 1 : i32
    scf.for %scan3A_495 = %scan3A_3 to %scan3A_5 step %scan3A_6  : i32 {
      %swap3A = arith.index_cast %scan3A_495 : i32 to index
      %swap3A_496 = arith.constant 0 : index
      %swap3A_497 = tpu.vector_load %arg6[%swap3A, %swap3A_496] {strides = array<i32>} : memref<8x16xf32, #tpu.memory_space<vmem>>, vector<1x16xf32>,
      %swap3A_498 = vector.shape_cast %swap3A_497 : vector<1x16xf32> to vector<16xf32>
      %swap3A_499 = vector.shape_cast %broadcast_in_dim3A_0 : vector<16xf32> to vector<1x16xf32>
      tpu.vector_store %arg6[%swap3A, %swap3A_496], %swap3A_499 {strides = array<i32>} : memref<8x16xf32, #tpu.memory_space<vmem>>, vector<1x16xf32>,
    }
    %scan3A_7 = arith.constant 8 : i32
    %scan3A_8 = arith.constant 0 : i32
    %scan3A_9 = arith.constant 0 : i32
    %scan3A_10 = arith.constant 80 : i32
    %scan3A_11 = arith.addi %scan3A_9, %scan3A_10 : i32
    %scan3A_12 = arith.constant 1 : i32
    scf.for %scan3A_495 = %scan3A_9 to %scan3A_11 step %scan3A_12  : i32 {
      %swap3A = arith.index_cast %scan3A_495 : i32 to index
      %swap3A_496 = arith.constant 0 : index
      %swap3A_497 = tpu.vector_load %arg5[%swap3A, %swap3A_496] {strides = array<i32>} : memref<80x16xf32, #tpu.memory_space<vmem>>, vector<1x16xf32>,
      %swap3A_498 = vector.shape_cast %swap3A_497 : vector<1x16xf32> to vector<16xf32>
      %swap3A_499 = vector.shape_cast %broadcast_in_dim3A_2 : vector<16xf32> to vector<1x16xf32>
      tpu.vector_store %arg5[%swap3A, %swap3A_496], %swap3A_499 {strides = array<i32>} : memref<80x16xf32, #tpu.memory_space<vmem>>, vector<1x16xf32>,
    }
    %scan3A_13 = arith.constant 80 : i32
    %mul3A = arith.constant 79 : i32
    %mul3A_14 = arith.muli %arg1, %mul3A : i32
    %add3A = arith.constant 0 : i32
    %add3A_15 = arith.addi %mul3A_14, %add3A : i32
    %mul3A_16 = arith.constant 8 : i32
    %mul3A_17 = arith.muli %add3A_15, %mul3A_16 : i32
    "tpu.region"() ({
      %run_scoped3A = tpu.sem_alloc : memref<!tpu.dma_semaphore, #tpu.memory_space<semaphore_mem>>
      %dma_start3A = arith.constant 0 : i32
      %dma_start3A_495 = tpu.memref_slice %arg7[%mul3A_17, %dma_start3A] : memref<10112x16xf32, #tpu.memory_space<vmem_shared>> -> memref<8x16xf32, #tpu.memory_space<vmem_shared>>
      %dma_start3A_496 = arith.constant 0 : i32
      %dma_start3A_497 = tpu.memref_slice %arg7[%mul3A_17, %dma_start3A_496] : memref<10112x16xf32, #tpu.memory_space<vmem_shared>> -> memref<8x16xf32, #tpu.memory_space<vmem_shared>>
      tpu.enqueue_dma source(%arg6 : memref<8x16xf32, #tpu.memory_space<vmem>>) target(%dma_start3A_497 : memref<8x16xf32, #tpu.memory_space<vmem_shared>>) target_semaphore(%run_scoped3A : memref<!tpu.dma_semaphore, #tpu.memory_space<semaphore_mem>>)
      %dma_wait3A = arith.constant 0 : i32
      %dma_wait3A_498 = tpu.memref_slice %arg7[%mul3A_17, %dma_wait3A] : memref<10112x16xf32, #tpu.memory_space<vmem_shared>> -> memref<8x16xf32, #tpu.memory_space<vmem_shared>>
      %dma_wait3A_499 = arith.constant 0 : i32
      %dma_wait3A_500 = tpu.memref_slice %arg7[%mul3A_17, %dma_wait3A_499] : memref<10112x16xf32, #tpu.memory_space<vmem_shared>> -> memref<8x16xf32, #tpu.memory_space<vmem_shared>>
      tpu.wait_dma2 semaphore(%run_scoped3A : memref<!tpu.dma_semaphore, #tpu.memory_space<semaphore_mem>>) src(%arg6 : memref<8x16xf32, #tpu.memory_space<vmem>>) dst(%dma_wait3A_500 : memref<8x16xf32, #tpu.memory_space<vmem_shared>>)
      tpu.yield
    }) : () -> ()
    %mul3A_18 = arith.constant 79 : i32
    %mul3A_19 = arith.muli %arg1, %mul3A_18 : i32
    %add3A_20 = arith.constant 1 : i32
    %add3A_21 = arith.addi %mul3A_19, %add3A_20 : i32
    %mul3A_22 = arith.constant 8 : i32
    %mul3A_23 = arith.muli %add3A_21, %mul3A_22 : i32
    "tpu.region"() ({
      %run_scoped3A = tpu.sem_alloc : memref<!tpu.dma_semaphore, #tpu.memory_space<semaphore_mem>>
      %dma_start3A = arith.constant 0 : i32
      %dma_start3A_495 = tpu.memref_slice %arg7[%mul3A_23, %dma_start3A] : memref<10112x16xf32, #tpu.memory_space<vmem_shared>> -> memref<8x16xf32, #tpu.memory_space<vmem_shared>>
      %dma_start3A_496 = arith.constant 0 : i32
      %dma_start3A_497 = tpu.memref_slice %arg7[%mul3A_23, %dma_start3A_496] : memref<10112x16xf32, #tpu.memory_space<vmem_shared>> -> memref<8x16xf32, #tpu.memory_space<vmem_shared>>
      tpu.enqueue_dma source(%arg6 : memref<8x16xf32, #tpu.memory_space<vmem>>) target(%dma_start3A_497 : memref<8x16xf32, #tpu.memory_space<vmem_shared>>) target_semaphore(%run_scoped3A : memref<!tpu.dma_semaphore, #tpu.memory_space<semaphore_mem>>)
      %dma_wait3A = arith.constant 0 : i32
      %dma_wait3A_498 = tpu.memref_slice %arg7[%mul3A_23, %dma_wait3A] : memref<10112x16xf32, #tpu.memory_space<vmem_shared>> -> memref<8x16xf32, #tpu.memory_space<vmem_shared>>
      %dma_wait3A_499 = arith.constant 0 : i32
      %dma_wait3A_500 = tpu.memref_slice %arg7[%mul3A_23, %dma_wait3A_499] : memref<10112x16xf32, #tpu.memory_space<vmem_shared>> -> memref<8x16xf32, #tpu.memory_space<vmem_shared>>
      tpu.wait_dma2 semaphore(%run_scoped3A : memref<!tpu.dma_semaphore, #tpu.memory_space<semaphore_mem>>) src(%arg6 : memref<8x16xf32, #tpu.memory_space<vmem>>) dst(%dma_wait3A_500 : memref<8x16xf32, #tpu.memory_space<vmem_shared>>)
      tpu.yield
    }) : () -> ()
    %mul3A_24 = arith.constant 79 : i32
    %mul3A_25 = arith.muli %arg1, %mul3A_24 : i32
    %add3A_26 = arith.constant 2 : i32
    %add3A_27 = arith.addi %mul3A_25, %add3A_26 : i32
    %mul3A_28 = arith.constant 8 : i32
    %mul3A_29 = arith.muli %add3A_27, %mul3A_28 : i32
    "tpu.region"() ({
      %run_scoped3A = tpu.sem_alloc : memref<!tpu.dma_semaphore, #tpu.memory_space<semaphore_mem>>
      %dma_start3A = arith.constant 0 : i32
      %dma_start3A_495 = tpu.memref_slice %arg7[%mul3A_29, %dma_start3A] : memref<10112x16xf32, #tpu.memory_space<vmem_shared>> -> memref<8x16xf32, #tpu.memory_space<vmem_shared>>
      %dma_start3A_496 = arith.constant 0 : i32
      %dma_start3A_497 = tpu.memref_slice %arg7[%mul3A_29, %dma_start3A_496] : memref<10112x16xf32, #tpu.memory_space<vmem_shared>> -> memref<8x16xf32, #tpu.memory_space<vmem_shared>>
      tpu.enqueue_dma source(%arg6 : memref<8x16xf32, #tpu.memory_space<vmem>>) target(%dma_start3A_497 : memref<8x16xf32, #tpu.memory_space<vmem_shared>>) target_semaphore(%run_scoped3A : memref<!tpu.dma_semaphore, #tpu.memory_space<semaphore_mem>>)
      %dma_wait3A = arith.constant 0 : i32
      %dma_wait3A_498 = tpu.memref_slice %arg7[%mul3A_29, %dma_wait3A] : memref<10112x16xf32, #tpu.memory_space<vmem_shared>> -> memref<8x16xf32, #tpu.memory_space<vmem_shared>>
      %dma_wait3A_499 = arith.constant 0 : i32
      %dma_wait3A_500 = tpu.memref_slice %arg7[%mul3A_29, %dma_wait3A_499] : memref<10112x16xf32, #tpu.memory_space<vmem_shared>> -> memref<8x16xf32, #tpu.memory_space<vmem_shared>>
      tpu.wait_dma2 semaphore(%run_scoped3A : memref<!tpu.dma_semaphore, #tpu.memory_space<semaphore_mem>>) src(%arg6 : memref<8x16xf32, #tpu.memory_space<vmem>>) dst(%dma_wait3A_500 : memref<8x16xf32, #tpu.memory_space<vmem_shared>>)
      tpu.yield
    }) : () -> ()
    %mul3A_30 = arith.constant 79 : i32
    %mul3A_31 = arith.muli %arg1, %mul3A_30 : i32
    %add3A_32 = arith.constant 3 : i32
    %add3A_33 = arith.addi %mul3A_31, %add3A_32 : i32
    %mul3A_34 = arith.constant 8 : i32
    %mul3A_35 = arith.muli %add3A_33, %mul3A_34 : i32
    "tpu.region"() ({
      %run_scoped3A = tpu.sem_alloc : memref<!tpu.dma_semaphore, #tpu.memory_space<semaphore_mem>>
      %dma_start3A = arith.constant 0 : i32
      %dma_start3A_495 = tpu.memref_slice %arg7[%mul3A_35, %dma_start3A] : memref<10112x16xf32, #tpu.memory_space<vmem_shared>> -> memref<8x16xf32, #tpu.memory_space<vmem_shared>>
      %dma_start3A_496 = arith.constant 0 : i32
      %dma_start3A_497 = tpu.memref_slice %arg7[%mul3A_35, %dma_start3A_496] : memref<10112x16xf32, #tpu.memory_space<vmem_shared>> -> memref<8x16xf32, #tpu.memory_space<vmem_shared>>
      tpu.enqueue_dma source(%arg6 : memref<8x16xf32, #tpu.memory_space<vmem>>) target(%dma_start3A_497 : memref<8x16xf32, #tpu.memory_space<vmem_shared>>) target_semaphore(%run_scoped3A : memref<!tpu.dma_semaphore, #tpu.memory_space<semaphore_mem>>)
      %dma_wait3A = arith.constant 0 : i32
      %dma_wait3A_498 = tpu.memref_slice %arg7[%mul3A_35, %dma_wait3A] : memref<10112x16xf32, #tpu.memory_space<vmem_shared>> -> memref<8x16xf32, #tpu.memory_space<vmem_shared>>
      %dma_wait3A_499 = arith.constant 0 : i32
      %dma_wait3A_500 = tpu.memref_slice %arg7[%mul3A_35, %dma_wait3A_499] : memref<10112x16xf32, #tpu.memory_space<vmem_shared>> -> memref<8x16xf32, #tpu.memory_space<vmem_shared>>
      tpu.wait_dma2 semaphore(%run_scoped3A : memref<!tpu.dma_semaphore, #tpu.memory_space<semaphore_mem>>) src(%arg6 : memref<8x16xf32, #tpu.memory_space<vmem>>) dst(%dma_wait3A_500 : memref<8x16xf32, #tpu.memory_space<vmem_shared>>)
      tpu.yield
    }) : () -> ()
    %mul3A_36 = arith.constant 79 : i32
    %mul3A_37 = arith.muli %arg1, %mul3A_36 : i32
    %add3A_38 = arith.constant 4 : i32
    %add3A_39 = arith.addi %mul3A_37, %add3A_38 : i32
    %mul3A_40 = arith.constant 8 : i32
    %mul3A_41 = arith.muli %add3A_39, %mul3A_40 : i32
    "tpu.region"() ({
      %run_scoped3A = tpu.sem_alloc : memref<!tpu.dma_semaphore, #tpu.memory_space<semaphore_mem>>
      %dma_start3A = arith.constant 0 : i32
      %dma_start3A_495 = tpu.memref_slice %arg7[%mul3A_41, %dma_start3A] : memref<10112x16xf32, #tpu.memory_space<vmem_shared>> -> memref<8x16xf32, #tpu.memory_space<vmem_shared>>
      %dma_start3A_496 = arith.constant 0 : i32
      %dma_start3A_497 = tpu.memref_slice %arg7[%mul3A_41, %dma_start3A_496] : memref<10112x16xf32, #tpu.memory_space<vmem_shared>> -> memref<8x16xf32, #tpu.memory_space<vmem_shared>>
      tpu.enqueue_dma source(%arg6 : memref<8x16xf32, #tpu.memory_space<vmem>>) target(%dma_start3A_497 : memref<8x16xf32, #tpu.memory_space<vmem_shared>>) target_semaphore(%run_scoped3A : memref<!tpu.dma_semaphore, #tpu.memory_space<semaphore_mem>>)
      %dma_wait3A = arith.constant 0 : i32
      %dma_wait3A_498 = tpu.memref_slice %arg7[%mul3A_41, %dma_wait3A] : memref<10112x16xf32, #tpu.memory_space<vmem_shared>> -> memref<8x16xf32, #tpu.memory_space<vmem_shared>>
      %dma_wait3A_499 = arith.constant 0 : i32
      %dma_wait3A_500 = tpu.memref_slice %arg7[%mul3A_41, %dma_wait3A_499] : memref<10112x16xf32, #tpu.memory_space<vmem_shared>> -> memref<8x16xf32, #tpu.memory_space<vmem_shared>>
      tpu.wait_dma2 semaphore(%run_scoped3A : memref<!tpu.dma_semaphore, #tpu.memory_space<semaphore_mem>>) src(%arg6 : memref<8x16xf32, #tpu.memory_space<vmem>>) dst(%dma_wait3A_500 : memref<8x16xf32, #tpu.memory_space<vmem_shared>>)
      tpu.yield
    }) : () -> ()
    %mul3A_42 = arith.constant 79 : i32
    %mul3A_43 = arith.muli %arg1, %mul3A_42 : i32
    %add3A_44 = arith.constant 5 : i32
    %add3A_45 = arith.addi %mul3A_43, %add3A_44 : i32
    %mul3A_46 = arith.constant 8 : i32
    %mul3A_47 = arith.muli %add3A_45, %mul3A_46 : i32
    "tpu.region"() ({
      %run_scoped3A = tpu.sem_alloc : memref<!tpu.dma_semaphore, #tpu.memory_space<semaphore_mem>>
      %dma_start3A = arith.constant 0 : i32
      %dma_start3A_495 = tpu.memref_slice %arg7[%mul3A_47, %dma_start3A] : memref<10112x16xf32, #tpu.memory_space<vmem_shared>> -> memref<8x16xf32, #tpu.memory_space<vmem_shared>>
      %dma_start3A_496 = arith.constant 0 : i32
      %dma_start3A_497 = tpu.memref_slice %arg7[%mul3A_47, %dma_start3A_496] : memref<10112x16xf32, #tpu.memory_space<vmem_shared>> -> memref<8x16xf32, #tpu.memory_space<vmem_shared>>
      tpu.enqueue_dma source(%arg6 : memref<8x16xf32, #tpu.memory_space<vmem>>) target(%dma_start3A_497 : memref<8x16xf32, #tpu.memory_space<vmem_shared>>) target_semaphore(%run_scoped3A : memref<!tpu.dma_semaphore, #tpu.memory_space<semaphore_mem>>)
      %dma_wait3A = arith.constant 0 : i32
      %dma_wait3A_498 = tpu.memref_slice %arg7[%mul3A_47, %dma_wait3A] : memref<10112x16xf32, #tpu.memory_space<vmem_shared>> -> memref<8x16xf32, #tpu.memory_space<vmem_shared>>
      %dma_wait3A_499 = arith.constant 0 : i32
      %dma_wait3A_500 = tpu.memref_slice %arg7[%mul3A_47, %dma_wait3A_499] : memref<10112x16xf32, #tpu.memory_space<vmem_shared>> -> memref<8x16xf32, #tpu.memory_space<vmem_shared>>
      tpu.wait_dma2 semaphore(%run_scoped3A : memref<!tpu.dma_semaphore, #tpu.memory_space<semaphore_mem>>) src(%arg6 : memref<8x16xf32, #tpu.memory_space<vmem>>) dst(%dma_wait3A_500 : memref<8x16xf32, #tpu.memory_space<vmem_shared>>)
      tpu.yield
    }) : () -> ()
    %mul3A_48 = arith.constant 79 : i32
    %mul3A_49 = arith.muli %arg1, %mul3A_48 : i32
    %add3A_50 = arith.constant 6 : i32
    %add3A_51 = arith.addi %mul3A_49, %add3A_50 : i32
    %mul3A_52 = arith.constant 8 : i32
    %mul3A_53 = arith.muli %add3A_51, %mul3A_52 : i32
    "tpu.region"() ({
      %run_scoped3A = tpu.sem_alloc : memref<!tpu.dma_semaphore, #tpu.memory_space<semaphore_mem>>
      %dma_start3A = arith.constant 0 : i32
      %dma_start3A_495 = tpu.memref_slice %arg7[%mul3A_53, %dma_start3A] : memref<10112x16xf32, #tpu.memory_space<vmem_shared>> -> memref<8x16xf32, #tpu.memory_space<vmem_shared>>
      %dma_start3A_496 = arith.constant 0 : i32
      %dma_start3A_497 = tpu.memref_slice %arg7[%mul3A_53, %dma_start3A_496] : memref<10112x16xf32, #tpu.memory_space<vmem_shared>> -> memref<8x16xf32, #tpu.memory_space<vmem_shared>>
      tpu.enqueue_dma source(%arg6 : memref<8x16xf32, #tpu.memory_space<vmem>>) target(%dma_start3A_497 : memref<8x16xf32, #tpu.memory_space<vmem_shared>>) target_semaphore(%run_scoped3A : memref<!tpu.dma_semaphore, #tpu.memory_space<semaphore_mem>>)
      %dma_wait3A = arith.constant 0 : i32
      %dma_wait3A_498 = tpu.memref_slice %arg7[%mul3A_53, %dma_wait3A] : memref<10112x16xf32, #tpu.memory_space<vmem_shared>> -> memref<8x16xf32, #tpu.memory_space<vmem_shared>>
      %dma_wait3A_499 = arith.constant 0 : i32
      %dma_wait3A_500 = tpu.memref_slice %arg7[%mul3A_53, %dma_wait3A_499] : memref<10112x16xf32, #tpu.memory_space<vmem_shared>> -> memref<8x16xf32, #tpu.memory_space<vmem_shared>>
      tpu.wait_dma2 semaphore(%run_scoped3A : memref<!tpu.dma_semaphore, #tpu.memory_space<semaphore_mem>>) src(%arg6 : memref<8x16xf32, #tpu.memory_space<vmem>>) dst(%dma_wait3A_500 : memref<8x16xf32, #tpu.memory_space<vmem_shared>>)
      tpu.yield
    }) : () -> ()
    %mul3A_54 = arith.constant 79 : i32
    %mul3A_55 = arith.muli %arg1, %mul3A_54 : i32
    %add3A_56 = arith.constant 7 : i32
    %add3A_57 = arith.addi %mul3A_55, %add3A_56 : i32
    %mul3A_58 = arith.constant 8 : i32
    %mul3A_59 = arith.muli %add3A_57, %mul3A_58 : i32
    "tpu.region"() ({
      %run_scoped3A = tpu.sem_alloc : memref<!tpu.dma_semaphore, #tpu.memory_space<semaphore_mem>>
      %dma_start3A = arith.constant 0 : i32
      %dma_start3A_495 = tpu.memref_slice %arg7[%mul3A_59, %dma_start3A] : memref<10112x16xf32, #tpu.memory_space<vmem_shared>> -> memref<8x16xf32, #tpu.memory_space<vmem_shared>>
      %dma_start3A_496 = arith.constant 0 : i32
      %dma_start3A_497 = tpu.memref_slice %arg7[%mul3A_59, %dma_start3A_496] : memref<10112x16xf32, #tpu.memory_space<vmem_shared>> -> memref<8x16xf32, #tpu.memory_space<vmem_shared>>
      tpu.enqueue_dma source(%arg6 : memref<8x16xf32, #tpu.memory_space<vmem>>) target(%dma_start3A_497 : memref<8x16xf32, #tpu.memory_space<vmem_shared>>) target_semaphore(%run_scoped3A : memref<!tpu.dma_semaphore, #tpu.memory_space<semaphore_mem>>)
      %dma_wait3A = arith.constant 0 : i32
      %dma_wait3A_498 = tpu.memref_slice %arg7[%mul3A_59, %dma_wait3A] : memref<10112x16xf32, #tpu.memory_space<vmem_shared>> -> memref<8x16xf32, #tpu.memory_space<vmem_shared>>
      %dma_wait3A_499 = arith.constant 0 : i32
      %dma_wait3A_500 = tpu.memref_slice %arg7[%mul3A_59, %dma_wait3A_499] : memref<10112x16xf32, #tpu.memory_space<vmem_shared>> -> memref<8x16xf32, #tpu.memory_space<vmem_shared>>
      tpu.wait_dma2 semaphore(%run_scoped3A : memref<!tpu.dma_semaphore, #tpu.memory_space<semaphore_mem>>) src(%arg6 : memref<8x16xf32, #tpu.memory_space<vmem>>) dst(%dma_wait3A_500 : memref<8x16xf32, #tpu.memory_space<vmem_shared>>)
      tpu.yield
    }) : () -> ()
    %mul3A_60 = arith.constant 79 : i32
    %mul3A_61 = arith.muli %arg1, %mul3A_60 : i32
    %add3A_62 = arith.constant 8 : i32
    %add3A_63 = arith.addi %mul3A_61, %add3A_62 : i32
    %mul3A_64 = arith.constant 8 : i32
    %mul3A_65 = arith.muli %add3A_63, %mul3A_64 : i32
    "tpu.region"() ({
      %run_scoped3A = tpu.sem_alloc : memref<!tpu.dma_semaphore, #tpu.memory_space<semaphore_mem>>
      %dma_start3A = arith.constant 0 : i32
      %dma_start3A_495 = tpu.memref_slice %arg7[%mul3A_65, %dma_start3A] : memref<10112x16xf32, #tpu.memory_space<vmem_shared>> -> memref<8x16xf32, #tpu.memory_space<vmem_shared>>
      %dma_start3A_496 = arith.constant 0 : i32
      %dma_start3A_497 = tpu.memref_slice %arg7[%mul3A_65, %dma_start3A_496] : memref<10112x16xf32, #tpu.memory_space<vmem_shared>> -> memref<8x16xf32, #tpu.memory_space<vmem_shared>>
      tpu.enqueue_dma source(%arg6 : memref<8x16xf32, #tpu.memory_space<vmem>>) target(%dma_start3A_497 : memref<8x16xf32, #tpu.memory_space<vmem_shared>>) target_semaphore(%run_scoped3A : memref<!tpu.dma_semaphore, #tpu.memory_space<semaphore_mem>>)
      %dma_wait3A = arith.constant 0 : i32
      %dma_wait3A_498 = tpu.memref_slice %arg7[%mul3A_65, %dma_wait3A] : memref<10112x16xf32, #tpu.memory_space<vmem_shared>> -> memref<8x16xf32, #tpu.memory_space<vmem_shared>>
      %dma_wait3A_499 = arith.constant 0 : i32
      %dma_wait3A_500 = tpu.memref_slice %arg7[%mul3A_65, %dma_wait3A_499] : memref<10112x16xf32, #tpu.memory_space<vmem_shared>> -> memref<8x16xf32, #tpu.memory_space<vmem_shared>>
      tpu.wait_dma2 semaphore(%run_scoped3A : memref<!tpu.dma_semaphore, #tpu.memory_space<semaphore_mem>>) src(%arg6 : memref<8x16xf32, #tpu.memory_space<vmem>>) dst(%dma_wait3A_500 : memref<8x16xf32, #tpu.memory_space<vmem_shared>>)
      tpu.yield
    }) : () -> ()
    %mul3A_66 = arith.constant 79 : i32
    %mul3A_67 = arith.muli %arg1, %mul3A_66 : i32
    %add3A_68 = arith.constant 9 : i32
    %add3A_69 = arith.addi %mul3A_67, %add3A_68 : i32
    %mul3A_70 = arith.constant 8 : i32
    %mul3A_71 = arith.muli %add3A_69, %mul3A_70 : i32
    "tpu.region"() ({
      %run_scoped3A = tpu.sem_alloc : memref<!tpu.dma_semaphore, #tpu.memory_space<semaphore_mem>>
      %dma_start3A = arith.constant 0 : i32
      %dma_start3A_495 = tpu.memref_slice %arg7[%mul3A_71, %dma_start3A] : memref<10112x16xf32, #tpu.memory_space<vmem_shared>> -> memref<8x16xf32, #tpu.memory_space<vmem_shared>>
      %dma_start3A_496 = arith.constant 0 : i32
      %dma_start3A_497 = tpu.memref_slice %arg7[%mul3A_71, %dma_start3A_496] : memref<10112x16xf32, #tpu.memory_space<vmem_shared>> -> memref<8x16xf32, #tpu.memory_space<vmem_shared>>
      tpu.enqueue_dma source(%arg6 : memref<8x16xf32, #tpu.memory_space<vmem>>) target(%dma_start3A_497 : memref<8x16xf32, #tpu.memory_space<vmem_shared>>) target_semaphore(%run_scoped3A : memref<!tpu.dma_semaphore, #tpu.memory_space<semaphore_mem>>)
      %dma_wait3A = arith.constant 0 : i32
      %dma_wait3A_498 = tpu.memref_slice %arg7[%mul3A_71, %dma_wait3A] : memref<10112x16xf32, #tpu.memory_space<vmem_shared>> -> memref<8x16xf32, #tpu.memory_space<vmem_shared>>
      %dma_wait3A_499 = arith.constant 0 : i32
      %dma_wait3A_500 = tpu.memref_slice %arg7[%mul3A_71, %dma_wait3A_499] : memref<10112x16xf32, #tpu.memory_space<vmem_shared>> -> memref<8x16xf32, #tpu.memory_space<vmem_shared>>
      tpu.wait_dma2 semaphore(%run_scoped3A : memref<!tpu.dma_semaphore, #tpu.memory_space<semaphore_mem>>) src(%arg6 : memref<8x16xf32, #tpu.memory_space<vmem>>) dst(%dma_wait3A_500 : memref<8x16xf32, #tpu.memory_space<vmem_shared>>)
      tpu.yield
    }) : () -> ()
    %mul3A_72 = arith.constant 79 : i32
    %mul3A_73 = arith.muli %arg1, %mul3A_72 : i32
    %add3A_74 = arith.constant 10 : i32
    %add3A_75 = arith.addi %mul3A_73, %add3A_74 : i32
    %mul3A_76 = arith.constant 8 : i32
    %mul3A_77 = arith.muli %add3A_75, %mul3A_76 : i32
    "tpu.region"() ({
      %run_scoped3A = tpu.sem_alloc : memref<!tpu.dma_semaphore, #tpu.memory_space<semaphore_mem>>
      %dma_start3A = arith.constant 0 : i32
      %dma_start3A_495 = tpu.memref_slice %arg7[%mul3A_77, %dma_start3A] : memref<10112x16xf32, #tpu.memory_space<vmem_shared>> -> memref<8x16xf32, #tpu.memory_space<vmem_shared>>
      %dma_start3A_496 = arith.constant 0 : i32
      %dma_start3A_497 = tpu.memref_slice %arg7[%mul3A_77, %dma_start3A_496] : memref<10112x16xf32, #tpu.memory_space<vmem_shared>> -> memref<8x16xf32, #tpu.memory_space<vmem_shared>>
      tpu.enqueue_dma source(%arg6 : memref<8x16xf32, #tpu.memory_space<vmem>>) target(%dma_start3A_497 : memref<8x16xf32, #tpu.memory_space<vmem_shared>>) target_semaphore(%run_scoped3A : memref<!tpu.dma_semaphore, #tpu.memory_space<semaphore_mem>>)
      %dma_wait3A = arith.constant 0 : i32
      %dma_wait3A_498 = tpu.memref_slice %arg7[%mul3A_77, %dma_wait3A] : memref<10112x16xf32, #tpu.memory_space<vmem_shared>> -> memref<8x16xf32, #tpu.memory_space<vmem_shared>>
      %dma_wait3A_499 = arith.constant 0 : i32
      %dma_wait3A_500 = tpu.memref_slice %arg7[%mul3A_77, %dma_wait3A_499] : memref<10112x16xf32, #tpu.memory_space<vmem_shared>> -> memref<8x16xf32, #tpu.memory_space<vmem_shared>>
      tpu.wait_dma2 semaphore(%run_scoped3A : memref<!tpu.dma_semaphore, #tpu.memory_space<semaphore_mem>>) src(%arg6 : memref<8x16xf32, #tpu.memory_space<vmem>>) dst(%dma_wait3A_500 : memref<8x16xf32, #tpu.memory_space<vmem_shared>>)
      tpu.yield
    }) : () -> ()
    %mul3A_78 = arith.constant 79 : i32
    %mul3A_79 = arith.muli %arg1, %mul3A_78 : i32
    %add3A_80 = arith.constant 11 : i32
    %add3A_81 = arith.addi %mul3A_79, %add3A_80 : i32
    %mul3A_82 = arith.constant 8 : i32
    %mul3A_83 = arith.muli %add3A_81, %mul3A_82 : i32
    "tpu.region"() ({
      %run_scoped3A = tpu.sem_alloc : memref<!tpu.dma_semaphore, #tpu.memory_space<semaphore_mem>>
      %dma_start3A = arith.constant 0 : i32
      %dma_start3A_495 = tpu.memref_slice %arg7[%mul3A_83, %dma_start3A] : memref<10112x16xf32, #tpu.memory_space<vmem_shared>> -> memref<8x16xf32, #tpu.memory_space<vmem_shared>>
      %dma_start3A_496 = arith.constant 0 : i32
      %dma_start3A_497 = tpu.memref_slice %arg7[%mul3A_83, %dma_start3A_496] : memref<10112x16xf32, #tpu.memory_space<vmem_shared>> -> memref<8x16xf32, #tpu.memory_space<vmem_shared>>
      tpu.enqueue_dma source(%arg6 : memref<8x16xf32, #tpu.memory_space<vmem>>) target(%dma_start3A_497 : memref<8x16xf32, #tpu.memory_space<vmem_shared>>) target_semaphore(%run_scoped3A : memref<!tpu.dma_semaphore, #tpu.memory_space<semaphore_mem>>)
      %dma_wait3A = arith.constant 0 : i32
      %dma_wait3A_498 = tpu.memref_slice %arg7[%mul3A_83, %dma_wait3A] : memref<10112x16xf32, #tpu.memory_space<vmem_shared>> -> memref<8x16xf32, #tpu.memory_space<vmem_shared>>
      %dma_wait3A_499 = arith.constant 0 : i32
      %dma_wait3A_500 = tpu.memref_slice %arg7[%mul3A_83, %dma_wait3A_499] : memref<10112x16xf32, #tpu.memory_space<vmem_shared>> -> memref<8x16xf32, #tpu.memory_space<vmem_shared>>
      tpu.wait_dma2 semaphore(%run_scoped3A : memref<!tpu.dma_semaphore, #tpu.memory_space<semaphore_mem>>) src(%arg6 : memref<8x16xf32, #tpu.memory_space<vmem>>) dst(%dma_wait3A_500 : memref<8x16xf32, #tpu.memory_space<vmem_shared>>)
      tpu.yield
    }) : () -> ()
    %mul3A_84 = arith.constant 79 : i32
    %mul3A_85 = arith.muli %arg1, %mul3A_84 : i32
    %add3A_86 = arith.constant 12 : i32
    %add3A_87 = arith.addi %mul3A_85, %add3A_86 : i32
    %mul3A_88 = arith.constant 8 : i32
    %mul3A_89 = arith.muli %add3A_87, %mul3A_88 : i32
    "tpu.region"() ({
      %run_scoped3A = tpu.sem_alloc : memref<!tpu.dma_semaphore, #tpu.memory_space<semaphore_mem>>
      %dma_start3A = arith.constant 0 : i32
      %dma_start3A_495 = tpu.memref_slice %arg7[%mul3A_89, %dma_start3A] : memref<10112x16xf32, #tpu.memory_space<vmem_shared>> -> memref<8x16xf32, #tpu.memory_space<vmem_shared>>
      %dma_start3A_496 = arith.constant 0 : i32
      %dma_start3A_497 = tpu.memref_slice %arg7[%mul3A_89, %dma_start3A_496] : memref<10112x16xf32, #tpu.memory_space<vmem_shared>> -> memref<8x16xf32, #tpu.memory_space<vmem_shared>>
      tpu.enqueue_dma source(%arg6 : memref<8x16xf32, #tpu.memory_space<vmem>>) target(%dma_start3A_497 : memref<8x16xf32, #tpu.memory_space<vmem_shared>>) target_semaphore(%run_scoped3A : memref<!tpu.dma_semaphore, #tpu.memory_space<semaphore_mem>>)
      %dma_wait3A = arith.constant 0 : i32
      %dma_wait3A_498 = tpu.memref_slice %arg7[%mul3A_89, %dma_wait3A] : memref<10112x16xf32, #tpu.memory_space<vmem_shared>> -> memref<8x16xf32, #tpu.memory_space<vmem_shared>>
      %dma_wait3A_499 = arith.constant 0 : i32
      %dma_wait3A_500 = tpu.memref_slice %arg7[%mul3A_89, %dma_wait3A_499] : memref<10112x16xf32, #tpu.memory_space<vmem_shared>> -> memref<8x16xf32, #tpu.memory_space<vmem_shared>>
      tpu.wait_dma2 semaphore(%run_scoped3A : memref<!tpu.dma_semaphore, #tpu.memory_space<semaphore_mem>>) src(%arg6 : memref<8x16xf32, #tpu.memory_space<vmem>>) dst(%dma_wait3A_500 : memref<8x16xf32, #tpu.memory_space<vmem_shared>>)
      tpu.yield
    }) : () -> ()
    %mul3A_90 = arith.constant 79 : i32
    %mul3A_91 = arith.muli %arg1, %mul3A_90 : i32
    %add3A_92 = arith.constant 13 : i32
    %add3A_93 = arith.addi %mul3A_91, %add3A_92 : i32
    %mul3A_94 = arith.constant 8 : i32
    %mul3A_95 = arith.muli %add3A_93, %mul3A_94 : i32
    "tpu.region"() ({
      %run_scoped3A = tpu.sem_alloc : memref<!tpu.dma_semaphore, #tpu.memory_space<semaphore_mem>>
      %dma_start3A = arith.constant 0 : i32
      %dma_start3A_495 = tpu.memref_slice %arg7[%mul3A_95, %dma_start3A] : memref<10112x16xf32, #tpu.memory_space<vmem_shared>> -> memref<8x16xf32, #tpu.memory_space<vmem_shared>>
      %dma_start3A_496 = arith.constant 0 : i32
      %dma_start3A_497 = tpu.memref_slice %arg7[%mul3A_95, %dma_start3A_496] : memref<10112x16xf32, #tpu.memory_space<vmem_shared>> -> memref<8x16xf32, #tpu.memory_space<vmem_shared>>
      tpu.enqueue_dma source(%arg6 : memref<8x16xf32, #tpu.memory_space<vmem>>) target(%dma_start3A_497 : memref<8x16xf32, #tpu.memory_space<vmem_shared>>) target_semaphore(%run_scoped3A : memref<!tpu.dma_semaphore, #tpu.memory_space<semaphore_mem>>)
      %dma_wait3A = arith.constant 0 : i32
      %dma_wait3A_498 = tpu.memref_slice %arg7[%mul3A_95, %dma_wait3A] : memref<10112x16xf32, #tpu.memory_space<vmem_shared>> -> memref<8x16xf32, #tpu.memory_space<vmem_shared>>
      %dma_wait3A_499 = arith.constant 0 : i32
      %dma_wait3A_500 = tpu.memref_slice %arg7[%mul3A_95, %dma_wait3A_499] : memref<10112x16xf32, #tpu.memory_space<vmem_shared>> -> memref<8x16xf32, #tpu.memory_space<vmem_shared>>
      tpu.wait_dma2 semaphore(%run_scoped3A : memref<!tpu.dma_semaphore, #tpu.memory_space<semaphore_mem>>) src(%arg6 : memref<8x16xf32, #tpu.memory_space<vmem>>) dst(%dma_wait3A_500 : memref<8x16xf32, #tpu.memory_space<vmem_shared>>)
      tpu.yield
    }) : () -> ()
    %mul3A_96 = arith.constant 79 : i32
    %mul3A_97 = arith.muli %arg1, %mul3A_96 : i32
    %add3A_98 = arith.constant 14 : i32
    %add3A_99 = arith.addi %mul3A_97, %add3A_98 : i32
    %mul3A_100 = arith.constant 8 : i32
    %mul3A_101 = arith.muli %add3A_99, %mul3A_100 : i32
    "tpu.region"() ({
      %run_scoped3A = tpu.sem_alloc : memref<!tpu.dma_semaphore, #tpu.memory_space<semaphore_mem>>
      %dma_start3A = arith.constant 0 : i32
      %dma_start3A_495 = tpu.memref_slice %arg7[%mul3A_101, %dma_start3A] : memref<10112x16xf32, #tpu.memory_space<vmem_shared>> -> memref<8x16xf32, #tpu.memory_space<vmem_shared>>
      %dma_start3A_496 = arith.constant 0 : i32
      %dma_start3A_497 = tpu.memref_slice %arg7[%mul3A_101, %dma_start3A_496] : memref<10112x16xf32, #tpu.memory_space<vmem_shared>> -> memref<8x16xf32, #tpu.memory_space<vmem_shared>>
      tpu.enqueue_dma source(%arg6 : memref<8x16xf32, #tpu.memory_space<vmem>>) target(%dma_start3A_497 : memref<8x16xf32, #tpu.memory_space<vmem_shared>>) target_semaphore(%run_scoped3A : memref<!tpu.dma_semaphore, #tpu.memory_space<semaphore_mem>>)
      %dma_wait3A = arith.constant 0 : i32
      %dma_wait3A_498 = tpu.memref_slice %arg7[%mul3A_101, %dma_wait3A] : memref<10112x16xf32, #tpu.memory_space<vmem_shared>> -> memref<8x16xf32, #tpu.memory_space<vmem_shared>>
      %dma_wait3A_499 = arith.constant 0 : i32
      %dma_wait3A_500 = tpu.memref_slice %arg7[%mul3A_101, %dma_wait3A_499] : memref<10112x16xf32, #tpu.memory_space<vmem_shared>> -> memref<8x16xf32, #tpu.memory_space<vmem_shared>>
      tpu.wait_dma2 semaphore(%run_scoped3A : memref<!tpu.dma_semaphore, #tpu.memory_space<semaphore_mem>>) src(%arg6 : memref<8x16xf32, #tpu.memory_space<vmem>>) dst(%dma_wait3A_500 : memref<8x16xf32, #tpu.memory_space<vmem_shared>>)
      tpu.yield
    }) : () -> ()
    %mul3A_102 = arith.constant 79 : i32
    %mul3A_103 = arith.muli %arg1, %mul3A_102 : i32
    %add3A_104 = arith.constant 15 : i32
    %add3A_105 = arith.addi %mul3A_103, %add3A_104 : i32
    %mul3A_106 = arith.constant 8 : i32
    %mul3A_107 = arith.muli %add3A_105, %mul3A_106 : i32
    "tpu.region"() ({
      %run_scoped3A = tpu.sem_alloc : memref<!tpu.dma_semaphore, #tpu.memory_space<semaphore_mem>>
      %dma_start3A = arith.constant 0 : i32
      %dma_start3A_495 = tpu.memref_slice %arg7[%mul3A_107, %dma_start3A] : memref<10112x16xf32, #tpu.memory_space<vmem_shared>> -> memref<8x16xf32, #tpu.memory_space<vmem_shared>>
      %dma_start3A_496 = arith.constant 0 : i32
      %dma_start3A_497 = tpu.memref_slice %arg7[%mul3A_107, %dma_start3A_496] : memref<10112x16xf32, #tpu.memory_space<vmem_shared>> -> memref<8x16xf32, #tpu.memory_space<vmem_shared>>
      tpu.enqueue_dma source(%arg6 : memref<8x16xf32, #tpu.memory_space<vmem>>) target(%dma_start3A_497 : memref<8x16xf32, #tpu.memory_space<vmem_shared>>) target_semaphore(%run_scoped3A : memref<!tpu.dma_semaphore, #tpu.memory_space<semaphore_mem>>)
      %dma_wait3A = arith.constant 0 : i32
      %dma_wait3A_498 = tpu.memref_slice %arg7[%mul3A_107, %dma_wait3A] : memref<10112x16xf32, #tpu.memory_space<vmem_shared>> -> memref<8x16xf32, #tpu.memory_space<vmem_shared>>
      %dma_wait3A_499 = arith.constant 0 : i32
      %dma_wait3A_500 = tpu.memref_slice %arg7[%mul3A_107, %dma_wait3A_499] : memref<10112x16xf32, #tpu.memory_space<vmem_shared>> -> memref<8x16xf32, #tpu.memory_space<vmem_shared>>
      tpu.wait_dma2 semaphore(%run_scoped3A : memref<!tpu.dma_semaphore, #tpu.memory_space<semaphore_mem>>) src(%arg6 : memref<8x16xf32, #tpu.memory_space<vmem>>) dst(%dma_wait3A_500 : memref<8x16xf32, #tpu.memory_space<vmem_shared>>)
      tpu.yield
    }) : () -> ()
    %mul3A_108 = arith.constant 79 : i32
    %mul3A_109 = arith.muli %arg1, %mul3A_108 : i32
    %add3A_110 = arith.constant 16 : i32
    %add3A_111 = arith.addi %mul3A_109, %add3A_110 : i32
    %mul3A_112 = arith.constant 8 : i32
    %mul3A_113 = arith.muli %add3A_111, %mul3A_112 : i32
    "tpu.region"() ({
      %run_scoped3A = tpu.sem_alloc : memref<!tpu.dma_semaphore, #tpu.memory_space<semaphore_mem>>
      %dma_start3A = arith.constant 0 : i32
      %dma_start3A_495 = tpu.memref_slice %arg7[%mul3A_113, %dma_start3A] : memref<10112x16xf32, #tpu.memory_space<vmem_shared>> -> memref<8x16xf32, #tpu.memory_space<vmem_shared>>
      %dma_start3A_496 = arith.constant 0 : i32
      %dma_start3A_497 = tpu.memref_slice %arg7[%mul3A_113, %dma_start3A_496] : memref<10112x16xf32, #tpu.memory_space<vmem_shared>> -> memref<8x16xf32, #tpu.memory_space<vmem_shared>>
      tpu.enqueue_dma source(%arg6 : memref<8x16xf32, #tpu.memory_space<vmem>>) target(%dma_start3A_497 : memref<8x16xf32, #tpu.memory_space<vmem_shared>>) target_semaphore(%run_scoped3A : memref<!tpu.dma_semaphore, #tpu.memory_space<semaphore_mem>>)
      %dma_wait3A = arith.constant 0 : i32
      %dma_wait3A_498 = tpu.memref_slice %arg7[%mul3A_113, %dma_wait3A] : memref<10112x16xf32, #tpu.memory_space<vmem_shared>> -> memref<8x16xf32, #tpu.memory_space<vmem_shared>>
      %dma_wait3A_499 = arith.constant 0 : i32
      %dma_wait3A_500 = tpu.memref_slice %arg7[%mul3A_113, %dma_wait3A_499] : memref<10112x16xf32, #tpu.memory_space<vmem_shared>> -> memref<8x16xf32, #tpu.memory_space<vmem_shared>>
      tpu.wait_dma2 semaphore(%run_scoped3A : memref<!tpu.dma_semaphore, #tpu.memory_space<semaphore_mem>>) src(%arg6 : memref<8x16xf32, #tpu.memory_space<vmem>>) dst(%dma_wait3A_500 : memref<8x16xf32, #tpu.memory_space<vmem_shared>>)
      tpu.yield
    }) : () -> ()
    %mul3A_114 = arith.constant 79 : i32
    %mul3A_115 = arith.muli %arg1, %mul3A_114 : i32
    %add3A_116 = arith.constant 17 : i32
    %add3A_117 = arith.addi %mul3A_115, %add3A_116 : i32
    %mul3A_118 = arith.constant 8 : i32
    %mul3A_119 = arith.muli %add3A_117, %mul3A_118 : i32
    "tpu.region"() ({
      %run_scoped3A = tpu.sem_alloc : memref<!tpu.dma_semaphore, #tpu.memory_space<semaphore_mem>>
      %dma_start3A = arith.constant 0 : i32
      %dma_start3A_495 = tpu.memref_slice %arg7[%mul3A_119, %dma_start3A] : memref<10112x16xf32, #tpu.memory_space<vmem_shared>> -> memref<8x16xf32, #tpu.memory_space<vmem_shared>>
      %dma_start3A_496 = arith.constant 0 : i32
      %dma_start3A_497 = tpu.memref_slice %arg7[%mul3A_119, %dma_start3A_496] : memref<10112x16xf32, #tpu.memory_space<vmem_shared>> -> memref<8x16xf32, #tpu.memory_space<vmem_shared>>
      tpu.enqueue_dma source(%arg6 : memref<8x16xf32, #tpu.memory_space<vmem>>) target(%dma_start3A_497 : memref<8x16xf32, #tpu.memory_space<vmem_shared>>) target_semaphore(%run_scoped3A : memref<!tpu.dma_semaphore, #tpu.memory_space<semaphore_mem>>)
      %dma_wait3A = arith.constant 0 : i32
      %dma_wait3A_498 = tpu.memref_slice %arg7[%mul3A_119, %dma_wait3A] : memref<10112x16xf32, #tpu.memory_space<vmem_shared>> -> memref<8x16xf32, #tpu.memory_space<vmem_shared>>
      %dma_wait3A_499 = arith.constant 0 : i32
      %dma_wait3A_500 = tpu.memref_slice %arg7[%mul3A_119, %dma_wait3A_499] : memref<10112x16xf32, #tpu.memory_space<vmem_shared>> -> memref<8x16xf32, #tpu.memory_space<vmem_shared>>
      tpu.wait_dma2 semaphore(%run_scoped3A : memref<!tpu.dma_semaphore, #tpu.memory_space<semaphore_mem>>) src(%arg6 : memref<8x16xf32, #tpu.memory_space<vmem>>) dst(%dma_wait3A_500 : memref<8x16xf32, #tpu.memory_space<vmem_shared>>)
      tpu.yield
    }) : () -> ()
    %mul3A_120 = arith.constant 79 : i32
    %mul3A_121 = arith.muli %arg1, %mul3A_120 : i32
    %add3A_122 = arith.constant 18 : i32
    %add3A_123 = arith.addi %mul3A_121, %add3A_122 : i32
    %mul3A_124 = arith.constant 8 : i32
    %mul3A_125 = arith.muli %add3A_123, %mul3A_124 : i32
    "tpu.region"() ({
      %run_scoped3A = tpu.sem_alloc : memref<!tpu.dma_semaphore, #tpu.memory_space<semaphore_mem>>
      %dma_start3A = arith.constant 0 : i32
      %dma_start3A_495 = tpu.memref_slice %arg7[%mul3A_125, %dma_start3A] : memref<10112x16xf32, #tpu.memory_space<vmem_shared>> -> memref<8x16xf32, #tpu.memory_space<vmem_shared>>
      %dma_start3A_496 = arith.constant 0 : i32
      %dma_start3A_497 = tpu.memref_slice %arg7[%mul3A_125, %dma_start3A_496] : memref<10112x16xf32, #tpu.memory_space<vmem_shared>> -> memref<8x16xf32, #tpu.memory_space<vmem_shared>>
      tpu.enqueue_dma source(%arg6 : memref<8x16xf32, #tpu.memory_space<vmem>>) target(%dma_start3A_497 : memref<8x16xf32, #tpu.memory_space<vmem_shared>>) target_semaphore(%run_scoped3A : memref<!tpu.dma_semaphore, #tpu.memory_space<semaphore_mem>>)
      %dma_wait3A = arith.constant 0 : i32
      %dma_wait3A_498 = tpu.memref_slice %arg7[%mul3A_125, %dma_wait3A] : memref<10112x16xf32, #tpu.memory_space<vmem_shared>> -> memref<8x16xf32, #tpu.memory_space<vmem_shared>>
      %dma_wait3A_499 = arith.constant 0 : i32
      %dma_wait3A_500 = tpu.memref_slice %arg7[%mul3A_125, %dma_wait3A_499] : memref<10112x16xf32, #tpu.memory_space<vmem_shared>> -> memref<8x16xf32, #tpu.memory_space<vmem_shared>>
      tpu.wait_dma2 semaphore(%run_scoped3A : memref<!tpu.dma_semaphore, #tpu.memory_space<semaphore_mem>>) src(%arg6 : memref<8x16xf32, #tpu.memory_space<vmem>>) dst(%dma_wait3A_500 : memref<8x16xf32, #tpu.memory_space<vmem_shared>>)
      tpu.yield
    }) : () -> ()
    %mul3A_126 = arith.constant 79 : i32
    %mul3A_127 = arith.muli %arg1, %mul3A_126 : i32
    %add3A_128 = arith.constant 19 : i32
    %add3A_129 = arith.addi %mul3A_127, %add3A_128 : i32
    %mul3A_130 = arith.constant 8 : i32
    %mul3A_131 = arith.muli %add3A_129, %mul3A_130 : i32
    "tpu.region"() ({
      %run_scoped3A = tpu.sem_alloc : memref<!tpu.dma_semaphore, #tpu.memory_space<semaphore_mem>>
      %dma_start3A = arith.constant 0 : i32
      %dma_start3A_495 = tpu.memref_slice %arg7[%mul3A_131, %dma_start3A] : memref<10112x16xf32, #tpu.memory_space<vmem_shared>> -> memref<8x16xf32, #tpu.memory_space<vmem_shared>>
      %dma_start3A_496 = arith.constant 0 : i32
      %dma_start3A_497 = tpu.memref_slice %arg7[%mul3A_131, %dma_start3A_496] : memref<10112x16xf32, #tpu.memory_space<vmem_shared>> -> memref<8x16xf32, #tpu.memory_space<vmem_shared>>
      tpu.enqueue_dma source(%arg6 : memref<8x16xf32, #tpu.memory_space<vmem>>) target(%dma_start3A_497 : memref<8x16xf32, #tpu.memory_space<vmem_shared>>) target_semaphore(%run_scoped3A : memref<!tpu.dma_semaphore, #tpu.memory_space<semaphore_mem>>)
      %dma_wait3A = arith.constant 0 : i32
      %dma_wait3A_498 = tpu.memref_slice %arg7[%mul3A_131, %dma_wait3A] : memref<10112x16xf32, #tpu.memory_space<vmem_shared>> -> memref<8x16xf32, #tpu.memory_space<vmem_shared>>
      %dma_wait3A_499 = arith.constant 0 : i32
      %dma_wait3A_500 = tpu.memref_slice %arg7[%mul3A_131, %dma_wait3A_499] : memref<10112x16xf32, #tpu.memory_space<vmem_shared>> -> memref<8x16xf32, #tpu.memory_space<vmem_shared>>
      tpu.wait_dma2 semaphore(%run_scoped3A : memref<!tpu.dma_semaphore, #tpu.memory_space<semaphore_mem>>) src(%arg6 : memref<8x16xf32, #tpu.memory_space<vmem>>) dst(%dma_wait3A_500 : memref<8x16xf32, #tpu.memory_space<vmem_shared>>)
      tpu.yield
    }) : () -> ()
    %mul3A_132 = arith.constant 79 : i32
    %mul3A_133 = arith.muli %arg1, %mul3A_132 : i32
    %add3A_134 = arith.constant 20 : i32
    %add3A_135 = arith.addi %mul3A_133, %add3A_134 : i32
    %mul3A_136 = arith.constant 8 : i32
    %mul3A_137 = arith.muli %add3A_135, %mul3A_136 : i32
    "tpu.region"() ({
      %run_scoped3A = tpu.sem_alloc : memref<!tpu.dma_semaphore, #tpu.memory_space<semaphore_mem>>
      %dma_start3A = arith.constant 0 : i32
      %dma_start3A_495 = tpu.memref_slice %arg7[%mul3A_137, %dma_start3A] : memref<10112x16xf32, #tpu.memory_space<vmem_shared>> -> memref<8x16xf32, #tpu.memory_space<vmem_shared>>
      %dma_start3A_496 = arith.constant 0 : i32
      %dma_start3A_497 = tpu.memref_slice %arg7[%mul3A_137, %dma_start3A_496] : memref<10112x16xf32, #tpu.memory_space<vmem_shared>> -> memref<8x16xf32, #tpu.memory_space<vmem_shared>>
      tpu.enqueue_dma source(%arg6 : memref<8x16xf32, #tpu.memory_space<vmem>>) target(%dma_start3A_497 : memref<8x16xf32, #tpu.memory_space<vmem_shared>>) target_semaphore(%run_scoped3A : memref<!tpu.dma_semaphore, #tpu.memory_space<semaphore_mem>>)
      %dma_wait3A = arith.constant 0 : i32
      %dma_wait3A_498 = tpu.memref_slice %arg7[%mul3A_137, %dma_wait3A] : memref<10112x16xf32, #tpu.memory_space<vmem_shared>> -> memref<8x16xf32, #tpu.memory_space<vmem_shared>>
      %dma_wait3A_499 = arith.constant 0 : i32
      %dma_wait3A_500 = tpu.memref_slice %arg7[%mul3A_137, %dma_wait3A_499] : memref<10112x16xf32, #tpu.memory_space<vmem_shared>> -> memref<8x16xf32, #tpu.memory_space<vmem_shared>>
      tpu.wait_dma2 semaphore(%run_scoped3A : memref<!tpu.dma_semaphore, #tpu.memory_space<semaphore_mem>>) src(%arg6 : memref<8x16xf32, #tpu.memory_space<vmem>>) dst(%dma_wait3A_500 : memref<8x16xf32, #tpu.memory_space<vmem_shared>>)
      tpu.yield
    }) : () -> ()
    %mul3A_138 = arith.constant 79 : i32
    %mul3A_139 = arith.muli %arg1, %mul3A_138 : i32
    %add3A_140 = arith.constant 21 : i32
    %add3A_141 = arith.addi %mul3A_139, %add3A_140 : i32
    %mul3A_142 = arith.constant 8 : i32
    %mul3A_143 = arith.muli %add3A_141, %mul3A_142 : i32
    "tpu.region"() ({
      %run_scoped3A = tpu.sem_alloc : memref<!tpu.dma_semaphore, #tpu.memory_space<semaphore_mem>>
      %dma_start3A = arith.constant 0 : i32
      %dma_start3A_495 = tpu.memref_slice %arg7[%mul3A_143, %dma_start3A] : memref<10112x16xf32, #tpu.memory_space<vmem_shared>> -> memref<8x16xf32, #tpu.memory_space<vmem_shared>>
      %dma_start3A_496 = arith.constant 0 : i32
      %dma_start3A_497 = tpu.memref_slice %arg7[%mul3A_143, %dma_start3A_496] : memref<10112x16xf32, #tpu.memory_space<vmem_shared>> -> memref<8x16xf32, #tpu.memory_space<vmem_shared>>
      tpu.enqueue_dma source(%arg6 : memref<8x16xf32, #tpu.memory_space<vmem>>) target(%dma_start3A_497 : memref<8x16xf32, #tpu.memory_space<vmem_shared>>) target_semaphore(%run_scoped3A : memref<!tpu.dma_semaphore, #tpu.memory_space<semaphore_mem>>)
      %dma_wait3A = arith.constant 0 : i32
      %dma_wait3A_498 = tpu.memref_slice %arg7[%mul3A_143, %dma_wait3A] : memref<10112x16xf32, #tpu.memory_space<vmem_shared>> -> memref<8x16xf32, #tpu.memory_space<vmem_shared>>
      %dma_wait3A_499 = arith.constant 0 : i32
      %dma_wait3A_500 = tpu.memref_slice %arg7[%mul3A_143, %dma_wait3A_499] : memref<10112x16xf32, #tpu.memory_space<vmem_shared>> -> memref<8x16xf32, #tpu.memory_space<vmem_shared>>
      tpu.wait_dma2 semaphore(%run_scoped3A : memref<!tpu.dma_semaphore, #tpu.memory_space<semaphore_mem>>) src(%arg6 : memref<8x16xf32, #tpu.memory_space<vmem>>) dst(%dma_wait3A_500 : memref<8x16xf32, #tpu.memory_space<vmem_shared>>)
      tpu.yield
    }) : () -> ()
    %mul3A_144 = arith.constant 79 : i32
    %mul3A_145 = arith.muli %arg1, %mul3A_144 : i32
    %add3A_146 = arith.constant 22 : i32
    %add3A_147 = arith.addi %mul3A_145, %add3A_146 : i32
    %mul3A_148 = arith.constant 8 : i32
    %mul3A_149 = arith.muli %add3A_147, %mul3A_148 : i32
    "tpu.region"() ({
      %run_scoped3A = tpu.sem_alloc : memref<!tpu.dma_semaphore, #tpu.memory_space<semaphore_mem>>
      %dma_start3A = arith.constant 0 : i32
      %dma_start3A_495 = tpu.memref_slice %arg7[%mul3A_149, %dma_start3A] : memref<10112x16xf32, #tpu.memory_space<vmem_shared>> -> memref<8x16xf32, #tpu.memory_space<vmem_shared>>
      %dma_start3A_496 = arith.constant 0 : i32
      %dma_start3A_497 = tpu.memref_slice %arg7[%mul3A_149, %dma_start3A_496] : memref<10112x16xf32, #tpu.memory_space<vmem_shared>> -> memref<8x16xf32, #tpu.memory_space<vmem_shared>>
      tpu.enqueue_dma source(%arg6 : memref<8x16xf32, #tpu.memory_space<vmem>>) target(%dma_start3A_497 : memref<8x16xf32, #tpu.memory_space<vmem_shared>>) target_semaphore(%run_scoped3A : memref<!tpu.dma_semaphore, #tpu.memory_space<semaphore_mem>>)
      %dma_wait3A = arith.constant 0 : i32
      %dma_wait3A_498 = tpu.memref_slice %arg7[%mul3A_149, %dma_wait3A] : memref<10112x16xf32, #tpu.memory_space<vmem_shared>> -> memref<8x16xf32, #tpu.memory_space<vmem_shared>>
      %dma_wait3A_499 = arith.constant 0 : i32
      %dma_wait3A_500 = tpu.memref_slice %arg7[%mul3A_149, %dma_wait3A_499] : memref<10112x16xf32, #tpu.memory_space<vmem_shared>> -> memref<8x16xf32, #tpu.memory_space<vmem_shared>>
      tpu.wait_dma2 semaphore(%run_scoped3A : memref<!tpu.dma_semaphore, #tpu.memory_space<semaphore_mem>>) src(%arg6 : memref<8x16xf32, #tpu.memory_space<vmem>>) dst(%dma_wait3A_500 : memref<8x16xf32, #tpu.memory_space<vmem_shared>>)
      tpu.yield
    }) : () -> ()
    %mul3A_150 = arith.constant 79 : i32
    %mul3A_151 = arith.muli %arg1, %mul3A_150 : i32
    %add3A_152 = arith.constant 23 : i32
    %add3A_153 = arith.addi %mul3A_151, %add3A_152 : i32
    %mul3A_154 = arith.constant 8 : i32
    %mul3A_155 = arith.muli %add3A_153, %mul3A_154 : i32
    "tpu.region"() ({
      %run_scoped3A = tpu.sem_alloc : memref<!tpu.dma_semaphore, #tpu.memory_space<semaphore_mem>>
      %dma_start3A = arith.constant 0 : i32
      %dma_start3A_495 = tpu.memref_slice %arg7[%mul3A_155, %dma_start3A] : memref<10112x16xf32, #tpu.memory_space<vmem_shared>> -> memref<8x16xf32, #tpu.memory_space<vmem_shared>>
      %dma_start3A_496 = arith.constant 0 : i32
      %dma_start3A_497 = tpu.memref_slice %arg7[%mul3A_155, %dma_start3A_496] : memref<10112x16xf32, #tpu.memory_space<vmem_shared>> -> memref<8x16xf32, #tpu.memory_space<vmem_shared>>
      tpu.enqueue_dma source(%arg6 : memref<8x16xf32, #tpu.memory_space<vmem>>) target(%dma_start3A_497 : memref<8x16xf32, #tpu.memory_space<vmem_shared>>) target_semaphore(%run_scoped3A : memref<!tpu.dma_semaphore, #tpu.memory_space<semaphore_mem>>)
      %dma_wait3A = arith.constant 0 : i32
      %dma_wait3A_498 = tpu.memref_slice %arg7[%mul3A_155, %dma_wait3A] : memref<10112x16xf32, #tpu.memory_space<vmem_shared>> -> memref<8x16xf32, #tpu.memory_space<vmem_shared>>
      %dma_wait3A_499 = arith.constant 0 : i32
      %dma_wait3A_500 = tpu.memref_slice %arg7[%mul3A_155, %dma_wait3A_499] : memref<10112x16xf32, #tpu.memory_space<vmem_shared>> -> memref<8x16xf32, #tpu.memory_space<vmem_shared>>
      tpu.wait_dma2 semaphore(%run_scoped3A : memref<!tpu.dma_semaphore, #tpu.memory_space<semaphore_mem>>) src(%arg6 : memref<8x16xf32, #tpu.memory_space<vmem>>) dst(%dma_wait3A_500 : memref<8x16xf32, #tpu.memory_space<vmem_shared>>)
      tpu.yield
    }) : () -> ()
    %mul3A_156 = arith.constant 79 : i32
    %mul3A_157 = arith.muli %arg1, %mul3A_156 : i32
    %add3A_158 = arith.constant 24 : i32
    %add3A_159 = arith.addi %mul3A_157, %add3A_158 : i32
    %mul3A_160 = arith.constant 8 : i32
    %mul3A_161 = arith.muli %add3A_159, %mul3A_160 : i32
    "tpu.region"() ({
      %run_scoped3A = tpu.sem_alloc : memref<!tpu.dma_semaphore, #tpu.memory_space<semaphore_mem>>
      %dma_start3A = arith.constant 0 : i32
      %dma_start3A_495 = tpu.memref_slice %arg7[%mul3A_161, %dma_start3A] : memref<10112x16xf32, #tpu.memory_space<vmem_shared>> -> memref<8x16xf32, #tpu.memory_space<vmem_shared>>
      %dma_start3A_496 = arith.constant 0 : i32
      %dma_start3A_497 = tpu.memref_slice %arg7[%mul3A_161, %dma_start3A_496] : memref<10112x16xf32, #tpu.memory_space<vmem_shared>> -> memref<8x16xf32, #tpu.memory_space<vmem_shared>>
      tpu.enqueue_dma source(%arg6 : memref<8x16xf32, #tpu.memory_space<vmem>>) target(%dma_start3A_497 : memref<8x16xf32, #tpu.memory_space<vmem_shared>>) target_semaphore(%run_scoped3A : memref<!tpu.dma_semaphore, #tpu.memory_space<semaphore_mem>>)
      %dma_wait3A = arith.constant 0 : i32
      %dma_wait3A_498 = tpu.memref_slice %arg7[%mul3A_161, %dma_wait3A] : memref<10112x16xf32, #tpu.memory_space<vmem_shared>> -> memref<8x16xf32, #tpu.memory_space<vmem_shared>>
      %dma_wait3A_499 = arith.constant 0 : i32
      %dma_wait3A_500 = tpu.memref_slice %arg7[%mul3A_161, %dma_wait3A_499] : memref<10112x16xf32, #tpu.memory_space<vmem_shared>> -> memref<8x16xf32, #tpu.memory_space<vmem_shared>>
      tpu.wait_dma2 semaphore(%run_scoped3A : memref<!tpu.dma_semaphore, #tpu.memory_space<semaphore_mem>>) src(%arg6 : memref<8x16xf32, #tpu.memory_space<vmem>>) dst(%dma_wait3A_500 : memref<8x16xf32, #tpu.memory_space<vmem_shared>>)
      tpu.yield
    }) : () -> ()
    %mul3A_162 = arith.constant 79 : i32
    %mul3A_163 = arith.muli %arg1, %mul3A_162 : i32
    %add3A_164 = arith.constant 25 : i32
    %add3A_165 = arith.addi %mul3A_163, %add3A_164 : i32
    %mul3A_166 = arith.constant 8 : i32
    %mul3A_167 = arith.muli %add3A_165, %mul3A_166 : i32
    "tpu.region"() ({
      %run_scoped3A = tpu.sem_alloc : memref<!tpu.dma_semaphore, #tpu.memory_space<semaphore_mem>>
      %dma_start3A = arith.constant 0 : i32
      %dma_start3A_495 = tpu.memref_slice %arg7[%mul3A_167, %dma_start3A] : memref<10112x16xf32, #tpu.memory_space<vmem_shared>> -> memref<8x16xf32, #tpu.memory_space<vmem_shared>>
      %dma_start3A_496 = arith.constant 0 : i32
      %dma_start3A_497 = tpu.memref_slice %arg7[%mul3A_167, %dma_start3A_496] : memref<10112x16xf32, #tpu.memory_space<vmem_shared>> -> memref<8x16xf32, #tpu.memory_space<vmem_shared>>
      tpu.enqueue_dma source(%arg6 : memref<8x16xf32, #tpu.memory_space<vmem>>) target(%dma_start3A_497 : memref<8x16xf32, #tpu.memory_space<vmem_shared>>) target_semaphore(%run_scoped3A : memref<!tpu.dma_semaphore, #tpu.memory_space<semaphore_mem>>)
      %dma_wait3A = arith.constant 0 : i32
      %dma_wait3A_498 = tpu.memref_slice %arg7[%mul3A_167, %dma_wait3A] : memref<10112x16xf32, #tpu.memory_space<vmem_shared>> -> memref<8x16xf32, #tpu.memory_space<vmem_shared>>
      %dma_wait3A_499 = arith.constant 0 : i32
      %dma_wait3A_500 = tpu.memref_slice %arg7[%mul3A_167, %dma_wait3A_499] : memref<10112x16xf32, #tpu.memory_space<vmem_shared>> -> memref<8x16xf32, #tpu.memory_space<vmem_shared>>
      tpu.wait_dma2 semaphore(%run_scoped3A : memref<!tpu.dma_semaphore, #tpu.memory_space<semaphore_mem>>) src(%arg6 : memref<8x16xf32, #tpu.memory_space<vmem>>) dst(%dma_wait3A_500 : memref<8x16xf32, #tpu.memory_space<vmem_shared>>)
      tpu.yield
    }) : () -> ()
    %mul3A_168 = arith.constant 79 : i32
    %mul3A_169 = arith.muli %arg1, %mul3A_168 : i32
    %add3A_170 = arith.constant 26 : i32
    %add3A_171 = arith.addi %mul3A_169, %add3A_170 : i32
    %mul3A_172 = arith.constant 8 : i32
    %mul3A_173 = arith.muli %add3A_171, %mul3A_172 : i32
    "tpu.region"() ({
      %run_scoped3A = tpu.sem_alloc : memref<!tpu.dma_semaphore, #tpu.memory_space<semaphore_mem>>
      %dma_start3A = arith.constant 0 : i32
      %dma_start3A_495 = tpu.memref_slice %arg7[%mul3A_173, %dma_start3A] : memref<10112x16xf32, #tpu.memory_space<vmem_shared>> -> memref<8x16xf32, #tpu.memory_space<vmem_shared>>
      %dma_start3A_496 = arith.constant 0 : i32
      %dma_start3A_497 = tpu.memref_slice %arg7[%mul3A_173, %dma_start3A_496] : memref<10112x16xf32, #tpu.memory_space<vmem_shared>> -> memref<8x16xf32, #tpu.memory_space<vmem_shared>>
      tpu.enqueue_dma source(%arg6 : memref<8x16xf32, #tpu.memory_space<vmem>>) target(%dma_start3A_497 : memref<8x16xf32, #tpu.memory_space<vmem_shared>>) target_semaphore(%run_scoped3A : memref<!tpu.dma_semaphore, #tpu.memory_space<semaphore_mem>>)
      %dma_wait3A = arith.constant 0 : i32
      %dma_wait3A_498 = tpu.memref_slice %arg7[%mul3A_173, %dma_wait3A] : memref<10112x16xf32, #tpu.memory_space<vmem_shared>> -> memref<8x16xf32, #tpu.memory_space<vmem_shared>>
      %dma_wait3A_499 = arith.constant 0 : i32
      %dma_wait3A_500 = tpu.memref_slice %arg7[%mul3A_173, %dma_wait3A_499] : memref<10112x16xf32, #tpu.memory_space<vmem_shared>> -> memref<8x16xf32, #tpu.memory_space<vmem_shared>>
      tpu.wait_dma2 semaphore(%run_scoped3A : memref<!tpu.dma_semaphore, #tpu.memory_space<semaphore_mem>>) src(%arg6 : memref<8x16xf32, #tpu.memory_space<vmem>>) dst(%dma_wait3A_500 : memref<8x16xf32, #tpu.memory_space<vmem_shared>>)
      tpu.yield
    }) : () -> ()
    %mul3A_174 = arith.constant 79 : i32
    %mul3A_175 = arith.muli %arg1, %mul3A_174 : i32
    %add3A_176 = arith.constant 27 : i32
    %add3A_177 = arith.addi %mul3A_175, %add3A_176 : i32
    %mul3A_178 = arith.constant 8 : i32
    %mul3A_179 = arith.muli %add3A_177, %mul3A_178 : i32
    "tpu.region"() ({
      %run_scoped3A = tpu.sem_alloc : memref<!tpu.dma_semaphore, #tpu.memory_space<semaphore_mem>>
      %dma_start3A = arith.constant 0 : i32
      %dma_start3A_495 = tpu.memref_slice %arg7[%mul3A_179, %dma_start3A] : memref<10112x16xf32, #tpu.memory_space<vmem_shared>> -> memref<8x16xf32, #tpu.memory_space<vmem_shared>>
      %dma_start3A_496 = arith.constant 0 : i32
      %dma_start3A_497 = tpu.memref_slice %arg7[%mul3A_179, %dma_start3A_496] : memref<10112x16xf32, #tpu.memory_space<vmem_shared>> -> memref<8x16xf32, #tpu.memory_space<vmem_shared>>
      tpu.enqueue_dma source(%arg6 : memref<8x16xf32, #tpu.memory_space<vmem>>) target(%dma_start3A_497 : memref<8x16xf32, #tpu.memory_space<vmem_shared>>) target_semaphore(%run_scoped3A : memref<!tpu.dma_semaphore, #tpu.memory_space<semaphore_mem>>)
      %dma_wait3A = arith.constant 0 : i32
      %dma_wait3A_498 = tpu.memref_slice %arg7[%mul3A_179, %dma_wait3A] : memref<10112x16xf32, #tpu.memory_space<vmem_shared>> -> memref<8x16xf32, #tpu.memory_space<vmem_shared>>
      %dma_wait3A_499 = arith.constant 0 : i32
      %dma_wait3A_500 = tpu.memref_slice %arg7[%mul3A_179, %dma_wait3A_499] : memref<10112x16xf32, #tpu.memory_space<vmem_shared>> -> memref<8x16xf32, #tpu.memory_space<vmem_shared>>
      tpu.wait_dma2 semaphore(%run_scoped3A : memref<!tpu.dma_semaphore, #tpu.memory_space<semaphore_mem>>) src(%arg6 : memref<8x16xf32, #tpu.memory_space<vmem>>) dst(%dma_wait3A_500 : memref<8x16xf32, #tpu.memory_space<vmem_shared>>)
      tpu.yield
    }) : () -> ()
    %mul3A_180 = arith.constant 79 : i32
    %mul3A_181 = arith.muli %arg1, %mul3A_180 : i32
    %add3A_182 = arith.constant 28 : i32
    %add3A_183 = arith.addi %mul3A_181, %add3A_182 : i32
    %mul3A_184 = arith.constant 8 : i32
    %mul3A_185 = arith.muli %add3A_183, %mul3A_184 : i32
    "tpu.region"() ({
      %run_scoped3A = tpu.sem_alloc : memref<!tpu.dma_semaphore, #tpu.memory_space<semaphore_mem>>
      %dma_start3A = arith.constant 0 : i32
      %dma_start3A_495 = tpu.memref_slice %arg7[%mul3A_185, %dma_start3A] : memref<10112x16xf32, #tpu.memory_space<vmem_shared>> -> memref<8x16xf32, #tpu.memory_space<vmem_shared>>
      %dma_start3A_496 = arith.constant 0 : i32
      %dma_start3A_497 = tpu.memref_slice %arg7[%mul3A_185, %dma_start3A_496] : memref<10112x16xf32, #tpu.memory_space<vmem_shared>> -> memref<8x16xf32, #tpu.memory_space<vmem_shared>>
      tpu.enqueue_dma source(%arg6 : memref<8x16xf32, #tpu.memory_space<vmem>>) target(%dma_start3A_497 : memref<8x16xf32, #tpu.memory_space<vmem_shared>>) target_semaphore(%run_scoped3A : memref<!tpu.dma_semaphore, #tpu.memory_space<semaphore_mem>>)
      %dma_wait3A = arith.constant 0 : i32
      %dma_wait3A_498 = tpu.memref_slice %arg7[%mul3A_185, %dma_wait3A] : memref<10112x16xf32, #tpu.memory_space<vmem_shared>> -> memref<8x16xf32, #tpu.memory_space<vmem_shared>>
      %dma_wait3A_499 = arith.constant 0 : i32
      %dma_wait3A_500 = tpu.memref_slice %arg7[%mul3A_185, %dma_wait3A_499] : memref<10112x16xf32, #tpu.memory_space<vmem_shared>> -> memref<8x16xf32, #tpu.memory_space<vmem_shared>>
      tpu.wait_dma2 semaphore(%run_scoped3A : memref<!tpu.dma_semaphore, #tpu.memory_space<semaphore_mem>>) src(%arg6 : memref<8x16xf32, #tpu.memory_space<vmem>>) dst(%dma_wait3A_500 : memref<8x16xf32, #tpu.memory_space<vmem_shared>>)
      tpu.yield
    }) : () -> ()
    %mul3A_186 = arith.constant 79 : i32
    %mul3A_187 = arith.muli %arg1, %mul3A_186 : i32
    %add3A_188 = arith.constant 29 : i32
    %add3A_189 = arith.addi %mul3A_187, %add3A_188 : i32
    %mul3A_190 = arith.constant 8 : i32
    %mul3A_191 = arith.muli %add3A_189, %mul3A_190 : i32
    "tpu.region"() ({
      %run_scoped3A = tpu.sem_alloc : memref<!tpu.dma_semaphore, #tpu.memory_space<semaphore_mem>>
      %dma_start3A = arith.constant 0 : i32
      %dma_start3A_495 = tpu.memref_slice %arg7[%mul3A_191, %dma_start3A] : memref<10112x16xf32, #tpu.memory_space<vmem_shared>> -> memref<8x16xf32, #tpu.memory_space<vmem_shared>>
      %dma_start3A_496 = arith.constant 0 : i32
      %dma_start3A_497 = tpu.memref_slice %arg7[%mul3A_191, %dma_start3A_496] : memref<10112x16xf32, #tpu.memory_space<vmem_shared>> -> memref<8x16xf32, #tpu.memory_space<vmem_shared>>
      tpu.enqueue_dma source(%arg6 : memref<8x16xf32, #tpu.memory_space<vmem>>) target(%dma_start3A_497 : memref<8x16xf32, #tpu.memory_space<vmem_shared>>) target_semaphore(%run_scoped3A : memref<!tpu.dma_semaphore, #tpu.memory_space<semaphore_mem>>)
      %dma_wait3A = arith.constant 0 : i32
      %dma_wait3A_498 = tpu.memref_slice %arg7[%mul3A_191, %dma_wait3A] : memref<10112x16xf32, #tpu.memory_space<vmem_shared>> -> memref<8x16xf32, #tpu.memory_space<vmem_shared>>
      %dma_wait3A_499 = arith.constant 0 : i32
      %dma_wait3A_500 = tpu.memref_slice %arg7[%mul3A_191, %dma_wait3A_499] : memref<10112x16xf32, #tpu.memory_space<vmem_shared>> -> memref<8x16xf32, #tpu.memory_space<vmem_shared>>
      tpu.wait_dma2 semaphore(%run_scoped3A : memref<!tpu.dma_semaphore, #tpu.memory_space<semaphore_mem>>) src(%arg6 : memref<8x16xf32, #tpu.memory_space<vmem>>) dst(%dma_wait3A_500 : memref<8x16xf32, #tpu.memory_space<vmem_shared>>)
      tpu.yield
    }) : () -> ()
    %mul3A_192 = arith.constant 79 : i32
    %mul3A_193 = arith.muli %arg1, %mul3A_192 : i32
    %add3A_194 = arith.constant 30 : i32
    %add3A_195 = arith.addi %mul3A_193, %add3A_194 : i32
    %mul3A_196 = arith.constant 8 : i32
    %mul3A_197 = arith.muli %add3A_195, %mul3A_196 : i32
    "tpu.region"() ({
      %run_scoped3A = tpu.sem_alloc : memref<!tpu.dma_semaphore, #tpu.memory_space<semaphore_mem>>
      %dma_start3A = arith.constant 0 : i32
      %dma_start3A_495 = tpu.memref_slice %arg7[%mul3A_197, %dma_start3A] : memref<10112x16xf32, #tpu.memory_space<vmem_shared>> -> memref<8x16xf32, #tpu.memory_space<vmem_shared>>
      %dma_start3A_496 = arith.constant 0 : i32
      %dma_start3A_497 = tpu.memref_slice %arg7[%mul3A_197, %dma_start3A_496] : memref<10112x16xf32, #tpu.memory_space<vmem_shared>> -> memref<8x16xf32, #tpu.memory_space<vmem_shared>>
      tpu.enqueue_dma source(%arg6 : memref<8x16xf32, #tpu.memory_space<vmem>>) target(%dma_start3A_497 : memref<8x16xf32, #tpu.memory_space<vmem_shared>>) target_semaphore(%run_scoped3A : memref<!tpu.dma_semaphore, #tpu.memory_space<semaphore_mem>>)
      %dma_wait3A = arith.constant 0 : i32
      %dma_wait3A_498 = tpu.memref_slice %arg7[%mul3A_197, %dma_wait3A] : memref<10112x16xf32, #tpu.memory_space<vmem_shared>> -> memref<8x16xf32, #tpu.memory_space<vmem_shared>>
      %dma_wait3A_499 = arith.constant 0 : i32
      %dma_wait3A_500 = tpu.memref_slice %arg7[%mul3A_197, %dma_wait3A_499] : memref<10112x16xf32, #tpu.memory_space<vmem_shared>> -> memref<8x16xf32, #tpu.memory_space<vmem_shared>>
      tpu.wait_dma2 semaphore(%run_scoped3A : memref<!tpu.dma_semaphore, #tpu.memory_space<semaphore_mem>>) src(%arg6 : memref<8x16xf32, #tpu.memory_space<vmem>>) dst(%dma_wait3A_500 : memref<8x16xf32, #tpu.memory_space<vmem_shared>>)
      tpu.yield
    }) : () -> ()
    %mul3A_198 = arith.constant 79 : i32
    %mul3A_199 = arith.muli %arg1, %mul3A_198 : i32
    %add3A_200 = arith.constant 31 : i32
    %add3A_201 = arith.addi %mul3A_199, %add3A_200 : i32
    %mul3A_202 = arith.constant 8 : i32
    %mul3A_203 = arith.muli %add3A_201, %mul3A_202 : i32
    "tpu.region"() ({
      %run_scoped3A = tpu.sem_alloc : memref<!tpu.dma_semaphore, #tpu.memory_space<semaphore_mem>>
      %dma_start3A = arith.constant 0 : i32
      %dma_start3A_495 = tpu.memref_slice %arg7[%mul3A_203, %dma_start3A] : memref<10112x16xf32, #tpu.memory_space<vmem_shared>> -> memref<8x16xf32, #tpu.memory_space<vmem_shared>>
      %dma_start3A_496 = arith.constant 0 : i32
      %dma_start3A_497 = tpu.memref_slice %arg7[%mul3A_203, %dma_start3A_496] : memref<10112x16xf32, #tpu.memory_space<vmem_shared>> -> memref<8x16xf32, #tpu.memory_space<vmem_shared>>
      tpu.enqueue_dma source(%arg6 : memref<8x16xf32, #tpu.memory_space<vmem>>) target(%dma_start3A_497 : memref<8x16xf32, #tpu.memory_space<vmem_shared>>) target_semaphore(%run_scoped3A : memref<!tpu.dma_semaphore, #tpu.memory_space<semaphore_mem>>)
      %dma_wait3A = arith.constant 0 : i32
      %dma_wait3A_498 = tpu.memref_slice %arg7[%mul3A_203, %dma_wait3A] : memref<10112x16xf32, #tpu.memory_space<vmem_shared>> -> memref<8x16xf32, #tpu.memory_space<vmem_shared>>
      %dma_wait3A_499 = arith.constant 0 : i32
      %dma_wait3A_500 = tpu.memref_slice %arg7[%mul3A_203, %dma_wait3A_499] : memref<10112x16xf32, #tpu.memory_space<vmem_shared>> -> memref<8x16xf32, #tpu.memory_space<vmem_shared>>
      tpu.wait_dma2 semaphore(%run_scoped3A : memref<!tpu.dma_semaphore, #tpu.memory_space<semaphore_mem>>) src(%arg6 : memref<8x16xf32, #tpu.memory_space<vmem>>) dst(%dma_wait3A_500 : memref<8x16xf32, #tpu.memory_space<vmem_shared>>)
      tpu.yield
    }) : () -> ()
    %mul3A_204 = arith.constant 79 : i32
    %mul3A_205 = arith.muli %arg1, %mul3A_204 : i32
    %add3A_206 = arith.constant 32 : i32
    %add3A_207 = arith.addi %mul3A_205, %add3A_206 : i32
    %mul3A_208 = arith.constant 8 : i32
    %mul3A_209 = arith.muli %add3A_207, %mul3A_208 : i32
    "tpu.region"() ({
      %run_scoped3A = tpu.sem_alloc : memref<!tpu.dma_semaphore, #tpu.memory_space<semaphore_mem>>
      %dma_start3A = arith.constant 0 : i32
      %dma_start3A_495 = tpu.memref_slice %arg7[%mul3A_209, %dma_start3A] : memref<10112x16xf32, #tpu.memory_space<vmem_shared>> -> memref<8x16xf32, #tpu.memory_space<vmem_shared>>
      %dma_start3A_496 = arith.constant 0 : i32
      %dma_start3A_497 = tpu.memref_slice %arg7[%mul3A_209, %dma_start3A_496] : memref<10112x16xf32, #tpu.memory_space<vmem_shared>> -> memref<8x16xf32, #tpu.memory_space<vmem_shared>>
      tpu.enqueue_dma source(%arg6 : memref<8x16xf32, #tpu.memory_space<vmem>>) target(%dma_start3A_497 : memref<8x16xf32, #tpu.memory_space<vmem_shared>>) target_semaphore(%run_scoped3A : memref<!tpu.dma_semaphore, #tpu.memory_space<semaphore_mem>>)
      %dma_wait3A = arith.constant 0 : i32
      %dma_wait3A_498 = tpu.memref_slice %arg7[%mul3A_209, %dma_wait3A] : memref<10112x16xf32, #tpu.memory_space<vmem_shared>> -> memref<8x16xf32, #tpu.memory_space<vmem_shared>>
      %dma_wait3A_499 = arith.constant 0 : i32
      %dma_wait3A_500 = tpu.memref_slice %arg7[%mul3A_209, %dma_wait3A_499] : memref<10112x16xf32, #tpu.memory_space<vmem_shared>> -> memref<8x16xf32, #tpu.memory_space<vmem_shared>>
      tpu.wait_dma2 semaphore(%run_scoped3A : memref<!tpu.dma_semaphore, #tpu.memory_space<semaphore_mem>>) src(%arg6 : memref<8x16xf32, #tpu.memory_space<vmem>>) dst(%dma_wait3A_500 : memref<8x16xf32, #tpu.memory_space<vmem_shared>>)
      tpu.yield
    }) : () -> ()
    %mul3A_210 = arith.constant 79 : i32
    %mul3A_211 = arith.muli %arg1, %mul3A_210 : i32
    %add3A_212 = arith.constant 33 : i32
    %add3A_213 = arith.addi %mul3A_211, %add3A_212 : i32
    %mul3A_214 = arith.constant 8 : i32
    %mul3A_215 = arith.muli %add3A_213, %mul3A_214 : i32
    "tpu.region"() ({
      %run_scoped3A = tpu.sem_alloc : memref<!tpu.dma_semaphore, #tpu.memory_space<semaphore_mem>>
      %dma_start3A = arith.constant 0 : i32
      %dma_start3A_495 = tpu.memref_slice %arg7[%mul3A_215, %dma_start3A] : memref<10112x16xf32, #tpu.memory_space<vmem_shared>> -> memref<8x16xf32, #tpu.memory_space<vmem_shared>>
      %dma_start3A_496 = arith.constant 0 : i32
      %dma_start3A_497 = tpu.memref_slice %arg7[%mul3A_215, %dma_start3A_496] : memref<10112x16xf32, #tpu.memory_space<vmem_shared>> -> memref<8x16xf32, #tpu.memory_space<vmem_shared>>
      tpu.enqueue_dma source(%arg6 : memref<8x16xf32, #tpu.memory_space<vmem>>) target(%dma_start3A_497 : memref<8x16xf32, #tpu.memory_space<vmem_shared>>) target_semaphore(%run_scoped3A : memref<!tpu.dma_semaphore, #tpu.memory_space<semaphore_mem>>)
      %dma_wait3A = arith.constant 0 : i32
      %dma_wait3A_498 = tpu.memref_slice %arg7[%mul3A_215, %dma_wait3A] : memref<10112x16xf32, #tpu.memory_space<vmem_shared>> -> memref<8x16xf32, #tpu.memory_space<vmem_shared>>
      %dma_wait3A_499 = arith.constant 0 : i32
      %dma_wait3A_500 = tpu.memref_slice %arg7[%mul3A_215, %dma_wait3A_499] : memref<10112x16xf32, #tpu.memory_space<vmem_shared>> -> memref<8x16xf32, #tpu.memory_space<vmem_shared>>
      tpu.wait_dma2 semaphore(%run_scoped3A : memref<!tpu.dma_semaphore, #tpu.memory_space<semaphore_mem>>) src(%arg6 : memref<8x16xf32, #tpu.memory_space<vmem>>) dst(%dma_wait3A_500 : memref<8x16xf32, #tpu.memory_space<vmem_shared>>)
      tpu.yield
    }) : () -> ()
    %mul3A_216 = arith.constant 79 : i32
    %mul3A_217 = arith.muli %arg1, %mul3A_216 : i32
    %add3A_218 = arith.constant 34 : i32
    %add3A_219 = arith.addi %mul3A_217, %add3A_218 : i32
    %mul3A_220 = arith.constant 8 : i32
    %mul3A_221 = arith.muli %add3A_219, %mul3A_220 : i32
    "tpu.region"() ({
      %run_scoped3A = tpu.sem_alloc : memref<!tpu.dma_semaphore, #tpu.memory_space<semaphore_mem>>
      %dma_start3A = arith.constant 0 : i32
      %dma_start3A_495 = tpu.memref_slice %arg7[%mul3A_221, %dma_start3A] : memref<10112x16xf32, #tpu.memory_space<vmem_shared>> -> memref<8x16xf32, #tpu.memory_space<vmem_shared>>
      %dma_start3A_496 = arith.constant 0 : i32
      %dma_start3A_497 = tpu.memref_slice %arg7[%mul3A_221, %dma_start3A_496] : memref<10112x16xf32, #tpu.memory_space<vmem_shared>> -> memref<8x16xf32, #tpu.memory_space<vmem_shared>>
      tpu.enqueue_dma source(%arg6 : memref<8x16xf32, #tpu.memory_space<vmem>>) target(%dma_start3A_497 : memref<8x16xf32, #tpu.memory_space<vmem_shared>>) target_semaphore(%run_scoped3A : memref<!tpu.dma_semaphore, #tpu.memory_space<semaphore_mem>>)
      %dma_wait3A = arith.constant 0 : i32
      %dma_wait3A_498 = tpu.memref_slice %arg7[%mul3A_221, %dma_wait3A] : memref<10112x16xf32, #tpu.memory_space<vmem_shared>> -> memref<8x16xf32, #tpu.memory_space<vmem_shared>>
      %dma_wait3A_499 = arith.constant 0 : i32
      %dma_wait3A_500 = tpu.memref_slice %arg7[%mul3A_221, %dma_wait3A_499] : memref<10112x16xf32, #tpu.memory_space<vmem_shared>> -> memref<8x16xf32, #tpu.memory_space<vmem_shared>>
      tpu.wait_dma2 semaphore(%run_scoped3A : memref<!tpu.dma_semaphore, #tpu.memory_space<semaphore_mem>>) src(%arg6 : memref<8x16xf32, #tpu.memory_space<vmem>>) dst(%dma_wait3A_500 : memref<8x16xf32, #tpu.memory_space<vmem_shared>>)
      tpu.yield
    }) : () -> ()
    %mul3A_222 = arith.constant 79 : i32
    %mul3A_223 = arith.muli %arg1, %mul3A_222 : i32
    %add3A_224 = arith.constant 35 : i32
    %add3A_225 = arith.addi %mul3A_223, %add3A_224 : i32
    %mul3A_226 = arith.constant 8 : i32
    %mul3A_227 = arith.muli %add3A_225, %mul3A_226 : i32
    "tpu.region"() ({
      %run_scoped3A = tpu.sem_alloc : memref<!tpu.dma_semaphore, #tpu.memory_space<semaphore_mem>>
      %dma_start3A = arith.constant 0 : i32
      %dma_start3A_495 = tpu.memref_slice %arg7[%mul3A_227, %dma_start3A] : memref<10112x16xf32, #tpu.memory_space<vmem_shared>> -> memref<8x16xf32, #tpu.memory_space<vmem_shared>>
      %dma_start3A_496 = arith.constant 0 : i32
      %dma_start3A_497 = tpu.memref_slice %arg7[%mul3A_227, %dma_start3A_496] : memref<10112x16xf32, #tpu.memory_space<vmem_shared>> -> memref<8x16xf32, #tpu.memory_space<vmem_shared>>
      tpu.enqueue_dma source(%arg6 : memref<8x16xf32, #tpu.memory_space<vmem>>) target(%dma_start3A_497 : memref<8x16xf32, #tpu.memory_space<vmem_shared>>) target_semaphore(%run_scoped3A : memref<!tpu.dma_semaphore, #tpu.memory_space<semaphore_mem>>)
      %dma_wait3A = arith.constant 0 : i32
      %dma_wait3A_498 = tpu.memref_slice %arg7[%mul3A_227, %dma_wait3A] : memref<10112x16xf32, #tpu.memory_space<vmem_shared>> -> memref<8x16xf32, #tpu.memory_space<vmem_shared>>
      %dma_wait3A_499 = arith.constant 0 : i32
      %dma_wait3A_500 = tpu.memref_slice %arg7[%mul3A_227, %dma_wait3A_499] : memref<10112x16xf32, #tpu.memory_space<vmem_shared>> -> memref<8x16xf32, #tpu.memory_space<vmem_shared>>
      tpu.wait_dma2 semaphore(%run_scoped3A : memref<!tpu.dma_semaphore, #tpu.memory_space<semaphore_mem>>) src(%arg6 : memref<8x16xf32, #tpu.memory_space<vmem>>) dst(%dma_wait3A_500 : memref<8x16xf32, #tpu.memory_space<vmem_shared>>)
      tpu.yield
    }) : () -> ()
    %mul3A_228 = arith.constant 79 : i32
    %mul3A_229 = arith.muli %arg1, %mul3A_228 : i32
    %add3A_230 = arith.constant 36 : i32
    %add3A_231 = arith.addi %mul3A_229, %add3A_230 : i32
    %mul3A_232 = arith.constant 8 : i32
    %mul3A_233 = arith.muli %add3A_231, %mul3A_232 : i32
    "tpu.region"() ({
      %run_scoped3A = tpu.sem_alloc : memref<!tpu.dma_semaphore, #tpu.memory_space<semaphore_mem>>
      %dma_start3A = arith.constant 0 : i32
      %dma_start3A_495 = tpu.memref_slice %arg7[%mul3A_233, %dma_start3A] : memref<10112x16xf32, #tpu.memory_space<vmem_shared>> -> memref<8x16xf32, #tpu.memory_space<vmem_shared>>
      %dma_start3A_496 = arith.constant 0 : i32
      %dma_start3A_497 = tpu.memref_slice %arg7[%mul3A_233, %dma_start3A_496] : memref<10112x16xf32, #tpu.memory_space<vmem_shared>> -> memref<8x16xf32, #tpu.memory_space<vmem_shared>>
      tpu.enqueue_dma source(%arg6 : memref<8x16xf32, #tpu.memory_space<vmem>>) target(%dma_start3A_497 : memref<8x16xf32, #tpu.memory_space<vmem_shared>>) target_semaphore(%run_scoped3A : memref<!tpu.dma_semaphore, #tpu.memory_space<semaphore_mem>>)
      %dma_wait3A = arith.constant 0 : i32
      %dma_wait3A_498 = tpu.memref_slice %arg7[%mul3A_233, %dma_wait3A] : memref<10112x16xf32, #tpu.memory_space<vmem_shared>> -> memref<8x16xf32, #tpu.memory_space<vmem_shared>>
      %dma_wait3A_499 = arith.constant 0 : i32
      %dma_wait3A_500 = tpu.memref_slice %arg7[%mul3A_233, %dma_wait3A_499] : memref<10112x16xf32, #tpu.memory_space<vmem_shared>> -> memref<8x16xf32, #tpu.memory_space<vmem_shared>>
      tpu.wait_dma2 semaphore(%run_scoped3A : memref<!tpu.dma_semaphore, #tpu.memory_space<semaphore_mem>>) src(%arg6 : memref<8x16xf32, #tpu.memory_space<vmem>>) dst(%dma_wait3A_500 : memref<8x16xf32, #tpu.memory_space<vmem_shared>>)
      tpu.yield
    }) : () -> ()
    %mul3A_234 = arith.constant 79 : i32
    %mul3A_235 = arith.muli %arg1, %mul3A_234 : i32
    %add3A_236 = arith.constant 37 : i32
    %add3A_237 = arith.addi %mul3A_235, %add3A_236 : i32
    %mul3A_238 = arith.constant 8 : i32
    %mul3A_239 = arith.muli %add3A_237, %mul3A_238 : i32
    "tpu.region"() ({
      %run_scoped3A = tpu.sem_alloc : memref<!tpu.dma_semaphore, #tpu.memory_space<semaphore_mem>>
      %dma_start3A = arith.constant 0 : i32
      %dma_start3A_495 = tpu.memref_slice %arg7[%mul3A_239, %dma_start3A] : memref<10112x16xf32, #tpu.memory_space<vmem_shared>> -> memref<8x16xf32, #tpu.memory_space<vmem_shared>>
      %dma_start3A_496 = arith.constant 0 : i32
      %dma_start3A_497 = tpu.memref_slice %arg7[%mul3A_239, %dma_start3A_496] : memref<10112x16xf32, #tpu.memory_space<vmem_shared>> -> memref<8x16xf32, #tpu.memory_space<vmem_shared>>
      tpu.enqueue_dma source(%arg6 : memref<8x16xf32, #tpu.memory_space<vmem>>) target(%dma_start3A_497 : memref<8x16xf32, #tpu.memory_space<vmem_shared>>) target_semaphore(%run_scoped3A : memref<!tpu.dma_semaphore, #tpu.memory_space<semaphore_mem>>)
      %dma_wait3A = arith.constant 0 : i32
      %dma_wait3A_498 = tpu.memref_slice %arg7[%mul3A_239, %dma_wait3A] : memref<10112x16xf32, #tpu.memory_space<vmem_shared>> -> memref<8x16xf32, #tpu.memory_space<vmem_shared>>
      %dma_wait3A_499 = arith.constant 0 : i32
      %dma_wait3A_500 = tpu.memref_slice %arg7[%mul3A_239, %dma_wait3A_499] : memref<10112x16xf32, #tpu.memory_space<vmem_shared>> -> memref<8x16xf32, #tpu.memory_space<vmem_shared>>
      tpu.wait_dma2 semaphore(%run_scoped3A : memref<!tpu.dma_semaphore, #tpu.memory_space<semaphore_mem>>) src(%arg6 : memref<8x16xf32, #tpu.memory_space<vmem>>) dst(%dma_wait3A_500 : memref<8x16xf32, #tpu.memory_space<vmem_shared>>)
      tpu.yield
    }) : () -> ()
    %mul3A_240 = arith.constant 79 : i32
    %mul3A_241 = arith.muli %arg1, %mul3A_240 : i32
    %add3A_242 = arith.constant 38 : i32
    %add3A_243 = arith.addi %mul3A_241, %add3A_242 : i32
    %mul3A_244 = arith.constant 8 : i32
    %mul3A_245 = arith.muli %add3A_243, %mul3A_244 : i32
    "tpu.region"() ({
      %run_scoped3A = tpu.sem_alloc : memref<!tpu.dma_semaphore, #tpu.memory_space<semaphore_mem>>
      %dma_start3A = arith.constant 0 : i32
      %dma_start3A_495 = tpu.memref_slice %arg7[%mul3A_245, %dma_start3A] : memref<10112x16xf32, #tpu.memory_space<vmem_shared>> -> memref<8x16xf32, #tpu.memory_space<vmem_shared>>
      %dma_start3A_496 = arith.constant 0 : i32
      %dma_start3A_497 = tpu.memref_slice %arg7[%mul3A_245, %dma_start3A_496] : memref<10112x16xf32, #tpu.memory_space<vmem_shared>> -> memref<8x16xf32, #tpu.memory_space<vmem_shared>>
      tpu.enqueue_dma source(%arg6 : memref<8x16xf32, #tpu.memory_space<vmem>>) target(%dma_start3A_497 : memref<8x16xf32, #tpu.memory_space<vmem_shared>>) target_semaphore(%run_scoped3A : memref<!tpu.dma_semaphore, #tpu.memory_space<semaphore_mem>>)
      %dma_wait3A = arith.constant 0 : i32
      %dma_wait3A_498 = tpu.memref_slice %arg7[%mul3A_245, %dma_wait3A] : memref<10112x16xf32, #tpu.memory_space<vmem_shared>> -> memref<8x16xf32, #tpu.memory_space<vmem_shared>>
      %dma_wait3A_499 = arith.constant 0 : i32
      %dma_wait3A_500 = tpu.memref_slice %arg7[%mul3A_245, %dma_wait3A_499] : memref<10112x16xf32, #tpu.memory_space<vmem_shared>> -> memref<8x16xf32, #tpu.memory_space<vmem_shared>>
      tpu.wait_dma2 semaphore(%run_scoped3A : memref<!tpu.dma_semaphore, #tpu.memory_space<semaphore_mem>>) src(%arg6 : memref<8x16xf32, #tpu.memory_space<vmem>>) dst(%dma_wait3A_500 : memref<8x16xf32, #tpu.memory_space<vmem_shared>>)
      tpu.yield
    }) : () -> ()
    %mul3A_246 = arith.constant 79 : i32
    %mul3A_247 = arith.muli %arg1, %mul3A_246 : i32
    %add3A_248 = arith.constant 39 : i32
    %add3A_249 = arith.addi %mul3A_247, %add3A_248 : i32
    %mul3A_250 = arith.constant 8 : i32
    %mul3A_251 = arith.muli %add3A_249, %mul3A_250 : i32
    "tpu.region"() ({
      %run_scoped3A = tpu.sem_alloc : memref<!tpu.dma_semaphore, #tpu.memory_space<semaphore_mem>>
      %dma_start3A = arith.constant 0 : i32
      %dma_start3A_495 = tpu.memref_slice %arg7[%mul3A_251, %dma_start3A] : memref<10112x16xf32, #tpu.memory_space<vmem_shared>> -> memref<8x16xf32, #tpu.memory_space<vmem_shared>>
      %dma_start3A_496 = arith.constant 0 : i32
      %dma_start3A_497 = tpu.memref_slice %arg7[%mul3A_251, %dma_start3A_496] : memref<10112x16xf32, #tpu.memory_space<vmem_shared>> -> memref<8x16xf32, #tpu.memory_space<vmem_shared>>
      tpu.enqueue_dma source(%arg6 : memref<8x16xf32, #tpu.memory_space<vmem>>) target(%dma_start3A_497 : memref<8x16xf32, #tpu.memory_space<vmem_shared>>) target_semaphore(%run_scoped3A : memref<!tpu.dma_semaphore, #tpu.memory_space<semaphore_mem>>)
      %dma_wait3A = arith.constant 0 : i32
      %dma_wait3A_498 = tpu.memref_slice %arg7[%mul3A_251, %dma_wait3A] : memref<10112x16xf32, #tpu.memory_space<vmem_shared>> -> memref<8x16xf32, #tpu.memory_space<vmem_shared>>
      %dma_wait3A_499 = arith.constant 0 : i32
      %dma_wait3A_500 = tpu.memref_slice %arg7[%mul3A_251, %dma_wait3A_499] : memref<10112x16xf32, #tpu.memory_space<vmem_shared>> -> memref<8x16xf32, #tpu.memory_space<vmem_shared>>
      tpu.wait_dma2 semaphore(%run_scoped3A : memref<!tpu.dma_semaphore, #tpu.memory_space<semaphore_mem>>) src(%arg6 : memref<8x16xf32, #tpu.memory_space<vmem>>) dst(%dma_wait3A_500 : memref<8x16xf32, #tpu.memory_space<vmem_shared>>)
      tpu.yield
    }) : () -> ()
    %mul3A_252 = arith.constant 79 : i32
    %mul3A_253 = arith.muli %arg1, %mul3A_252 : i32
    %add3A_254 = arith.constant 40 : i32
    %add3A_255 = arith.addi %mul3A_253, %add3A_254 : i32
    %mul3A_256 = arith.constant 8 : i32
    %mul3A_257 = arith.muli %add3A_255, %mul3A_256 : i32
    "tpu.region"() ({
      %run_scoped3A = tpu.sem_alloc : memref<!tpu.dma_semaphore, #tpu.memory_space<semaphore_mem>>
      %dma_start3A = arith.constant 0 : i32
      %dma_start3A_495 = tpu.memref_slice %arg7[%mul3A_257, %dma_start3A] : memref<10112x16xf32, #tpu.memory_space<vmem_shared>> -> memref<8x16xf32, #tpu.memory_space<vmem_shared>>
      %dma_start3A_496 = arith.constant 0 : i32
      %dma_start3A_497 = tpu.memref_slice %arg7[%mul3A_257, %dma_start3A_496] : memref<10112x16xf32, #tpu.memory_space<vmem_shared>> -> memref<8x16xf32, #tpu.memory_space<vmem_shared>>
      tpu.enqueue_dma source(%arg6 : memref<8x16xf32, #tpu.memory_space<vmem>>) target(%dma_start3A_497 : memref<8x16xf32, #tpu.memory_space<vmem_shared>>) target_semaphore(%run_scoped3A : memref<!tpu.dma_semaphore, #tpu.memory_space<semaphore_mem>>)
      %dma_wait3A = arith.constant 0 : i32
      %dma_wait3A_498 = tpu.memref_slice %arg7[%mul3A_257, %dma_wait3A] : memref<10112x16xf32, #tpu.memory_space<vmem_shared>> -> memref<8x16xf32, #tpu.memory_space<vmem_shared>>
      %dma_wait3A_499 = arith.constant 0 : i32
      %dma_wait3A_500 = tpu.memref_slice %arg7[%mul3A_257, %dma_wait3A_499] : memref<10112x16xf32, #tpu.memory_space<vmem_shared>> -> memref<8x16xf32, #tpu.memory_space<vmem_shared>>
      tpu.wait_dma2 semaphore(%run_scoped3A : memref<!tpu.dma_semaphore, #tpu.memory_space<semaphore_mem>>) src(%arg6 : memref<8x16xf32, #tpu.memory_space<vmem>>) dst(%dma_wait3A_500 : memref<8x16xf32, #tpu.memory_space<vmem_shared>>)
      tpu.yield
    }) : () -> ()
    %mul3A_258 = arith.constant 79 : i32
    %mul3A_259 = arith.muli %arg1, %mul3A_258 : i32
    %add3A_260 = arith.constant 41 : i32
    %add3A_261 = arith.addi %mul3A_259, %add3A_260 : i32
    %mul3A_262 = arith.constant 8 : i32
    %mul3A_263 = arith.muli %add3A_261, %mul3A_262 : i32
    "tpu.region"() ({
      %run_scoped3A = tpu.sem_alloc : memref<!tpu.dma_semaphore, #tpu.memory_space<semaphore_mem>>
      %dma_start3A = arith.constant 0 : i32
      %dma_start3A_495 = tpu.memref_slice %arg7[%mul3A_263, %dma_start3A] : memref<10112x16xf32, #tpu.memory_space<vmem_shared>> -> memref<8x16xf32, #tpu.memory_space<vmem_shared>>
      %dma_start3A_496 = arith.constant 0 : i32
      %dma_start3A_497 = tpu.memref_slice %arg7[%mul3A_263, %dma_start3A_496] : memref<10112x16xf32, #tpu.memory_space<vmem_shared>> -> memref<8x16xf32, #tpu.memory_space<vmem_shared>>
      tpu.enqueue_dma source(%arg6 : memref<8x16xf32, #tpu.memory_space<vmem>>) target(%dma_start3A_497 : memref<8x16xf32, #tpu.memory_space<vmem_shared>>) target_semaphore(%run_scoped3A : memref<!tpu.dma_semaphore, #tpu.memory_space<semaphore_mem>>)
      %dma_wait3A = arith.constant 0 : i32
      %dma_wait3A_498 = tpu.memref_slice %arg7[%mul3A_263, %dma_wait3A] : memref<10112x16xf32, #tpu.memory_space<vmem_shared>> -> memref<8x16xf32, #tpu.memory_space<vmem_shared>>
      %dma_wait3A_499 = arith.constant 0 : i32
      %dma_wait3A_500 = tpu.memref_slice %arg7[%mul3A_263, %dma_wait3A_499] : memref<10112x16xf32, #tpu.memory_space<vmem_shared>> -> memref<8x16xf32, #tpu.memory_space<vmem_shared>>
      tpu.wait_dma2 semaphore(%run_scoped3A : memref<!tpu.dma_semaphore, #tpu.memory_space<semaphore_mem>>) src(%arg6 : memref<8x16xf32, #tpu.memory_space<vmem>>) dst(%dma_wait3A_500 : memref<8x16xf32, #tpu.memory_space<vmem_shared>>)
      tpu.yield
    }) : () -> ()
    %mul3A_264 = arith.constant 79 : i32
    %mul3A_265 = arith.muli %arg1, %mul3A_264 : i32
    %add3A_266 = arith.constant 42 : i32
    %add3A_267 = arith.addi %mul3A_265, %add3A_266 : i32
    %mul3A_268 = arith.constant 8 : i32
    %mul3A_269 = arith.muli %add3A_267, %mul3A_268 : i32
    "tpu.region"() ({
      %run_scoped3A = tpu.sem_alloc : memref<!tpu.dma_semaphore, #tpu.memory_space<semaphore_mem>>
      %dma_start3A = arith.constant 0 : i32
      %dma_start3A_495 = tpu.memref_slice %arg7[%mul3A_269, %dma_start3A] : memref<10112x16xf32, #tpu.memory_space<vmem_shared>> -> memref<8x16xf32, #tpu.memory_space<vmem_shared>>
      %dma_start3A_496 = arith.constant 0 : i32
      %dma_start3A_497 = tpu.memref_slice %arg7[%mul3A_269, %dma_start3A_496] : memref<10112x16xf32, #tpu.memory_space<vmem_shared>> -> memref<8x16xf32, #tpu.memory_space<vmem_shared>>
      tpu.enqueue_dma source(%arg6 : memref<8x16xf32, #tpu.memory_space<vmem>>) target(%dma_start3A_497 : memref<8x16xf32, #tpu.memory_space<vmem_shared>>) target_semaphore(%run_scoped3A : memref<!tpu.dma_semaphore, #tpu.memory_space<semaphore_mem>>)
      %dma_wait3A = arith.constant 0 : i32
      %dma_wait3A_498 = tpu.memref_slice %arg7[%mul3A_269, %dma_wait3A] : memref<10112x16xf32, #tpu.memory_space<vmem_shared>> -> memref<8x16xf32, #tpu.memory_space<vmem_shared>>
      %dma_wait3A_499 = arith.constant 0 : i32
      %dma_wait3A_500 = tpu.memref_slice %arg7[%mul3A_269, %dma_wait3A_499] : memref<10112x16xf32, #tpu.memory_space<vmem_shared>> -> memref<8x16xf32, #tpu.memory_space<vmem_shared>>
      tpu.wait_dma2 semaphore(%run_scoped3A : memref<!tpu.dma_semaphore, #tpu.memory_space<semaphore_mem>>) src(%arg6 : memref<8x16xf32, #tpu.memory_space<vmem>>) dst(%dma_wait3A_500 : memref<8x16xf32, #tpu.memory_space<vmem_shared>>)
      tpu.yield
    }) : () -> ()
    %mul3A_270 = arith.constant 79 : i32
    %mul3A_271 = arith.muli %arg1, %mul3A_270 : i32
    %add3A_272 = arith.constant 43 : i32
    %add3A_273 = arith.addi %mul3A_271, %add3A_272 : i32
    %mul3A_274 = arith.constant 8 : i32
    %mul3A_275 = arith.muli %add3A_273, %mul3A_274 : i32
    "tpu.region"() ({
      %run_scoped3A = tpu.sem_alloc : memref<!tpu.dma_semaphore, #tpu.memory_space<semaphore_mem>>
      %dma_start3A = arith.constant 0 : i32
      %dma_start3A_495 = tpu.memref_slice %arg7[%mul3A_275, %dma_start3A] : memref<10112x16xf32, #tpu.memory_space<vmem_shared>> -> memref<8x16xf32, #tpu.memory_space<vmem_shared>>
      %dma_start3A_496 = arith.constant 0 : i32
      %dma_start3A_497 = tpu.memref_slice %arg7[%mul3A_275, %dma_start3A_496] : memref<10112x16xf32, #tpu.memory_space<vmem_shared>> -> memref<8x16xf32, #tpu.memory_space<vmem_shared>>
      tpu.enqueue_dma source(%arg6 : memref<8x16xf32, #tpu.memory_space<vmem>>) target(%dma_start3A_497 : memref<8x16xf32, #tpu.memory_space<vmem_shared>>) target_semaphore(%run_scoped3A : memref<!tpu.dma_semaphore, #tpu.memory_space<semaphore_mem>>)
      %dma_wait3A = arith.constant 0 : i32
      %dma_wait3A_498 = tpu.memref_slice %arg7[%mul3A_275, %dma_wait3A] : memref<10112x16xf32, #tpu.memory_space<vmem_shared>> -> memref<8x16xf32, #tpu.memory_space<vmem_shared>>
      %dma_wait3A_499 = arith.constant 0 : i32
      %dma_wait3A_500 = tpu.memref_slice %arg7[%mul3A_275, %dma_wait3A_499] : memref<10112x16xf32, #tpu.memory_space<vmem_shared>> -> memref<8x16xf32, #tpu.memory_space<vmem_shared>>
      tpu.wait_dma2 semaphore(%run_scoped3A : memref<!tpu.dma_semaphore, #tpu.memory_space<semaphore_mem>>) src(%arg6 : memref<8x16xf32, #tpu.memory_space<vmem>>) dst(%dma_wait3A_500 : memref<8x16xf32, #tpu.memory_space<vmem_shared>>)
      tpu.yield
    }) : () -> ()
    %mul3A_276 = arith.constant 79 : i32
    %mul3A_277 = arith.muli %arg1, %mul3A_276 : i32
    %add3A_278 = arith.constant 44 : i32
    %add3A_279 = arith.addi %mul3A_277, %add3A_278 : i32
    %mul3A_280 = arith.constant 8 : i32
    %mul3A_281 = arith.muli %add3A_279, %mul3A_280 : i32
    "tpu.region"() ({
      %run_scoped3A = tpu.sem_alloc : memref<!tpu.dma_semaphore, #tpu.memory_space<semaphore_mem>>
      %dma_start3A = arith.constant 0 : i32
      %dma_start3A_495 = tpu.memref_slice %arg7[%mul3A_281, %dma_start3A] : memref<10112x16xf32, #tpu.memory_space<vmem_shared>> -> memref<8x16xf32, #tpu.memory_space<vmem_shared>>
      %dma_start3A_496 = arith.constant 0 : i32
      %dma_start3A_497 = tpu.memref_slice %arg7[%mul3A_281, %dma_start3A_496] : memref<10112x16xf32, #tpu.memory_space<vmem_shared>> -> memref<8x16xf32, #tpu.memory_space<vmem_shared>>
      tpu.enqueue_dma source(%arg6 : memref<8x16xf32, #tpu.memory_space<vmem>>) target(%dma_start3A_497 : memref<8x16xf32, #tpu.memory_space<vmem_shared>>) target_semaphore(%run_scoped3A : memref<!tpu.dma_semaphore, #tpu.memory_space<semaphore_mem>>)
      %dma_wait3A = arith.constant 0 : i32
      %dma_wait3A_498 = tpu.memref_slice %arg7[%mul3A_281, %dma_wait3A] : memref<10112x16xf32, #tpu.memory_space<vmem_shared>> -> memref<8x16xf32, #tpu.memory_space<vmem_shared>>
      %dma_wait3A_499 = arith.constant 0 : i32
      %dma_wait3A_500 = tpu.memref_slice %arg7[%mul3A_281, %dma_wait3A_499] : memref<10112x16xf32, #tpu.memory_space<vmem_shared>> -> memref<8x16xf32, #tpu.memory_space<vmem_shared>>
      tpu.wait_dma2 semaphore(%run_scoped3A : memref<!tpu.dma_semaphore, #tpu.memory_space<semaphore_mem>>) src(%arg6 : memref<8x16xf32, #tpu.memory_space<vmem>>) dst(%dma_wait3A_500 : memref<8x16xf32, #tpu.memory_space<vmem_shared>>)
      tpu.yield
    }) : () -> ()
    %mul3A_282 = arith.constant 79 : i32
    %mul3A_283 = arith.muli %arg1, %mul3A_282 : i32
    %add3A_284 = arith.constant 45 : i32
    %add3A_285 = arith.addi %mul3A_283, %add3A_284 : i32
    %mul3A_286 = arith.constant 8 : i32
    %mul3A_287 = arith.muli %add3A_285, %mul3A_286 : i32
    "tpu.region"() ({
      %run_scoped3A = tpu.sem_alloc : memref<!tpu.dma_semaphore, #tpu.memory_space<semaphore_mem>>
      %dma_start3A = arith.constant 0 : i32
      %dma_start3A_495 = tpu.memref_slice %arg7[%mul3A_287, %dma_start3A] : memref<10112x16xf32, #tpu.memory_space<vmem_shared>> -> memref<8x16xf32, #tpu.memory_space<vmem_shared>>
      %dma_start3A_496 = arith.constant 0 : i32
      %dma_start3A_497 = tpu.memref_slice %arg7[%mul3A_287, %dma_start3A_496] : memref<10112x16xf32, #tpu.memory_space<vmem_shared>> -> memref<8x16xf32, #tpu.memory_space<vmem_shared>>
      tpu.enqueue_dma source(%arg6 : memref<8x16xf32, #tpu.memory_space<vmem>>) target(%dma_start3A_497 : memref<8x16xf32, #tpu.memory_space<vmem_shared>>) target_semaphore(%run_scoped3A : memref<!tpu.dma_semaphore, #tpu.memory_space<semaphore_mem>>)
      %dma_wait3A = arith.constant 0 : i32
      %dma_wait3A_498 = tpu.memref_slice %arg7[%mul3A_287, %dma_wait3A] : memref<10112x16xf32, #tpu.memory_space<vmem_shared>> -> memref<8x16xf32, #tpu.memory_space<vmem_shared>>
      %dma_wait3A_499 = arith.constant 0 : i32
      %dma_wait3A_500 = tpu.memref_slice %arg7[%mul3A_287, %dma_wait3A_499] : memref<10112x16xf32, #tpu.memory_space<vmem_shared>> -> memref<8x16xf32, #tpu.memory_space<vmem_shared>>
      tpu.wait_dma2 semaphore(%run_scoped3A : memref<!tpu.dma_semaphore, #tpu.memory_space<semaphore_mem>>) src(%arg6 : memref<8x16xf32, #tpu.memory_space<vmem>>) dst(%dma_wait3A_500 : memref<8x16xf32, #tpu.memory_space<vmem_shared>>)
      tpu.yield
    }) : () -> ()
    %mul3A_288 = arith.constant 79 : i32
    %mul3A_289 = arith.muli %arg1, %mul3A_288 : i32
    %add3A_290 = arith.constant 46 : i32
    %add3A_291 = arith.addi %mul3A_289, %add3A_290 : i32
    %mul3A_292 = arith.constant 8 : i32
    %mul3A_293 = arith.muli %add3A_291, %mul3A_292 : i32
    "tpu.region"() ({
      %run_scoped3A = tpu.sem_alloc : memref<!tpu.dma_semaphore, #tpu.memory_space<semaphore_mem>>
      %dma_start3A = arith.constant 0 : i32
      %dma_start3A_495 = tpu.memref_slice %arg7[%mul3A_293, %dma_start3A] : memref<10112x16xf32, #tpu.memory_space<vmem_shared>> -> memref<8x16xf32, #tpu.memory_space<vmem_shared>>
      %dma_start3A_496 = arith.constant 0 : i32
      %dma_start3A_497 = tpu.memref_slice %arg7[%mul3A_293, %dma_start3A_496] : memref<10112x16xf32, #tpu.memory_space<vmem_shared>> -> memref<8x16xf32, #tpu.memory_space<vmem_shared>>
      tpu.enqueue_dma source(%arg6 : memref<8x16xf32, #tpu.memory_space<vmem>>) target(%dma_start3A_497 : memref<8x16xf32, #tpu.memory_space<vmem_shared>>) target_semaphore(%run_scoped3A : memref<!tpu.dma_semaphore, #tpu.memory_space<semaphore_mem>>)
      %dma_wait3A = arith.constant 0 : i32
      %dma_wait3A_498 = tpu.memref_slice %arg7[%mul3A_293, %dma_wait3A] : memref<10112x16xf32, #tpu.memory_space<vmem_shared>> -> memref<8x16xf32, #tpu.memory_space<vmem_shared>>
      %dma_wait3A_499 = arith.constant 0 : i32
      %dma_wait3A_500 = tpu.memref_slice %arg7[%mul3A_293, %dma_wait3A_499] : memref<10112x16xf32, #tpu.memory_space<vmem_shared>> -> memref<8x16xf32, #tpu.memory_space<vmem_shared>>
      tpu.wait_dma2 semaphore(%run_scoped3A : memref<!tpu.dma_semaphore, #tpu.memory_space<semaphore_mem>>) src(%arg6 : memref<8x16xf32, #tpu.memory_space<vmem>>) dst(%dma_wait3A_500 : memref<8x16xf32, #tpu.memory_space<vmem_shared>>)
      tpu.yield
    }) : () -> ()
    %mul3A_294 = arith.constant 79 : i32
    %mul3A_295 = arith.muli %arg1, %mul3A_294 : i32
    %add3A_296 = arith.constant 47 : i32
    %add3A_297 = arith.addi %mul3A_295, %add3A_296 : i32
    %mul3A_298 = arith.constant 8 : i32
    %mul3A_299 = arith.muli %add3A_297, %mul3A_298 : i32
    "tpu.region"() ({
      %run_scoped3A = tpu.sem_alloc : memref<!tpu.dma_semaphore, #tpu.memory_space<semaphore_mem>>
      %dma_start3A = arith.constant 0 : i32
      %dma_start3A_495 = tpu.memref_slice %arg7[%mul3A_299, %dma_start3A] : memref<10112x16xf32, #tpu.memory_space<vmem_shared>> -> memref<8x16xf32, #tpu.memory_space<vmem_shared>>
      %dma_start3A_496 = arith.constant 0 : i32
      %dma_start3A_497 = tpu.memref_slice %arg7[%mul3A_299, %dma_start3A_496] : memref<10112x16xf32, #tpu.memory_space<vmem_shared>> -> memref<8x16xf32, #tpu.memory_space<vmem_shared>>
      tpu.enqueue_dma source(%arg6 : memref<8x16xf32, #tpu.memory_space<vmem>>) target(%dma_start3A_497 : memref<8x16xf32, #tpu.memory_space<vmem_shared>>) target_semaphore(%run_scoped3A : memref<!tpu.dma_semaphore, #tpu.memory_space<semaphore_mem>>)
      %dma_wait3A = arith.constant 0 : i32
      %dma_wait3A_498 = tpu.memref_slice %arg7[%mul3A_299, %dma_wait3A] : memref<10112x16xf32, #tpu.memory_space<vmem_shared>> -> memref<8x16xf32, #tpu.memory_space<vmem_shared>>
      %dma_wait3A_499 = arith.constant 0 : i32
      %dma_wait3A_500 = tpu.memref_slice %arg7[%mul3A_299, %dma_wait3A_499] : memref<10112x16xf32, #tpu.memory_space<vmem_shared>> -> memref<8x16xf32, #tpu.memory_space<vmem_shared>>
      tpu.wait_dma2 semaphore(%run_scoped3A : memref<!tpu.dma_semaphore, #tpu.memory_space<semaphore_mem>>) src(%arg6 : memref<8x16xf32, #tpu.memory_space<vmem>>) dst(%dma_wait3A_500 : memref<8x16xf32, #tpu.memory_space<vmem_shared>>)
      tpu.yield
    }) : () -> ()
    %mul3A_300 = arith.constant 79 : i32
    %mul3A_301 = arith.muli %arg1, %mul3A_300 : i32
    %add3A_302 = arith.constant 48 : i32
    %add3A_303 = arith.addi %mul3A_301, %add3A_302 : i32
    %mul3A_304 = arith.constant 8 : i32
    %mul3A_305 = arith.muli %add3A_303, %mul3A_304 : i32
    "tpu.region"() ({
      %run_scoped3A = tpu.sem_alloc : memref<!tpu.dma_semaphore, #tpu.memory_space<semaphore_mem>>
      %dma_start3A = arith.constant 0 : i32
      %dma_start3A_495 = tpu.memref_slice %arg7[%mul3A_305, %dma_start3A] : memref<10112x16xf32, #tpu.memory_space<vmem_shared>> -> memref<8x16xf32, #tpu.memory_space<vmem_shared>>
      %dma_start3A_496 = arith.constant 0 : i32
      %dma_start3A_497 = tpu.memref_slice %arg7[%mul3A_305, %dma_start3A_496] : memref<10112x16xf32, #tpu.memory_space<vmem_shared>> -> memref<8x16xf32, #tpu.memory_space<vmem_shared>>
      tpu.enqueue_dma source(%arg6 : memref<8x16xf32, #tpu.memory_space<vmem>>) target(%dma_start3A_497 : memref<8x16xf32, #tpu.memory_space<vmem_shared>>) target_semaphore(%run_scoped3A : memref<!tpu.dma_semaphore, #tpu.memory_space<semaphore_mem>>)
      %dma_wait3A = arith.constant 0 : i32
      %dma_wait3A_498 = tpu.memref_slice %arg7[%mul3A_305, %dma_wait3A] : memref<10112x16xf32, #tpu.memory_space<vmem_shared>> -> memref<8x16xf32, #tpu.memory_space<vmem_shared>>
      %dma_wait3A_499 = arith.constant 0 : i32
      %dma_wait3A_500 = tpu.memref_slice %arg7[%mul3A_305, %dma_wait3A_499] : memref<10112x16xf32, #tpu.memory_space<vmem_shared>> -> memref<8x16xf32, #tpu.memory_space<vmem_shared>>
      tpu.wait_dma2 semaphore(%run_scoped3A : memref<!tpu.dma_semaphore, #tpu.memory_space<semaphore_mem>>) src(%arg6 : memref<8x16xf32, #tpu.memory_space<vmem>>) dst(%dma_wait3A_500 : memref<8x16xf32, #tpu.memory_space<vmem_shared>>)
      tpu.yield
    }) : () -> ()
    %mul3A_306 = arith.constant 79 : i32
    %mul3A_307 = arith.muli %arg1, %mul3A_306 : i32
    %add3A_308 = arith.constant 49 : i32
    %add3A_309 = arith.addi %mul3A_307, %add3A_308 : i32
    %mul3A_310 = arith.constant 8 : i32
    %mul3A_311 = arith.muli %add3A_309, %mul3A_310 : i32
    "tpu.region"() ({
      %run_scoped3A = tpu.sem_alloc : memref<!tpu.dma_semaphore, #tpu.memory_space<semaphore_mem>>
      %dma_start3A = arith.constant 0 : i32
      %dma_start3A_495 = tpu.memref_slice %arg7[%mul3A_311, %dma_start3A] : memref<10112x16xf32, #tpu.memory_space<vmem_shared>> -> memref<8x16xf32, #tpu.memory_space<vmem_shared>>
      %dma_start3A_496 = arith.constant 0 : i32
      %dma_start3A_497 = tpu.memref_slice %arg7[%mul3A_311, %dma_start3A_496] : memref<10112x16xf32, #tpu.memory_space<vmem_shared>> -> memref<8x16xf32, #tpu.memory_space<vmem_shared>>
      tpu.enqueue_dma source(%arg6 : memref<8x16xf32, #tpu.memory_space<vmem>>) target(%dma_start3A_497 : memref<8x16xf32, #tpu.memory_space<vmem_shared>>) target_semaphore(%run_scoped3A : memref<!tpu.dma_semaphore, #tpu.memory_space<semaphore_mem>>)
      %dma_wait3A = arith.constant 0 : i32
      %dma_wait3A_498 = tpu.memref_slice %arg7[%mul3A_311, %dma_wait3A] : memref<10112x16xf32, #tpu.memory_space<vmem_shared>> -> memref<8x16xf32, #tpu.memory_space<vmem_shared>>
      %dma_wait3A_499 = arith.constant 0 : i32
      %dma_wait3A_500 = tpu.memref_slice %arg7[%mul3A_311, %dma_wait3A_499] : memref<10112x16xf32, #tpu.memory_space<vmem_shared>> -> memref<8x16xf32, #tpu.memory_space<vmem_shared>>
      tpu.wait_dma2 semaphore(%run_scoped3A : memref<!tpu.dma_semaphore, #tpu.memory_space<semaphore_mem>>) src(%arg6 : memref<8x16xf32, #tpu.memory_space<vmem>>) dst(%dma_wait3A_500 : memref<8x16xf32, #tpu.memory_space<vmem_shared>>)
      tpu.yield
    }) : () -> ()
    %mul3A_312 = arith.constant 79 : i32
    %mul3A_313 = arith.muli %arg1, %mul3A_312 : i32
    %add3A_314 = arith.constant 50 : i32
    %add3A_315 = arith.addi %mul3A_313, %add3A_314 : i32
    %mul3A_316 = arith.constant 8 : i32
    %mul3A_317 = arith.muli %add3A_315, %mul3A_316 : i32
    "tpu.region"() ({
      %run_scoped3A = tpu.sem_alloc : memref<!tpu.dma_semaphore, #tpu.memory_space<semaphore_mem>>
      %dma_start3A = arith.constant 0 : i32
      %dma_start3A_495 = tpu.memref_slice %arg7[%mul3A_317, %dma_start3A] : memref<10112x16xf32, #tpu.memory_space<vmem_shared>> -> memref<8x16xf32, #tpu.memory_space<vmem_shared>>
      %dma_start3A_496 = arith.constant 0 : i32
      %dma_start3A_497 = tpu.memref_slice %arg7[%mul3A_317, %dma_start3A_496] : memref<10112x16xf32, #tpu.memory_space<vmem_shared>> -> memref<8x16xf32, #tpu.memory_space<vmem_shared>>
      tpu.enqueue_dma source(%arg6 : memref<8x16xf32, #tpu.memory_space<vmem>>) target(%dma_start3A_497 : memref<8x16xf32, #tpu.memory_space<vmem_shared>>) target_semaphore(%run_scoped3A : memref<!tpu.dma_semaphore, #tpu.memory_space<semaphore_mem>>)
      %dma_wait3A = arith.constant 0 : i32
      %dma_wait3A_498 = tpu.memref_slice %arg7[%mul3A_317, %dma_wait3A] : memref<10112x16xf32, #tpu.memory_space<vmem_shared>> -> memref<8x16xf32, #tpu.memory_space<vmem_shared>>
      %dma_wait3A_499 = arith.constant 0 : i32
      %dma_wait3A_500 = tpu.memref_slice %arg7[%mul3A_317, %dma_wait3A_499] : memref<10112x16xf32, #tpu.memory_space<vmem_shared>> -> memref<8x16xf32, #tpu.memory_space<vmem_shared>>
      tpu.wait_dma2 semaphore(%run_scoped3A : memref<!tpu.dma_semaphore, #tpu.memory_space<semaphore_mem>>) src(%arg6 : memref<8x16xf32, #tpu.memory_space<vmem>>) dst(%dma_wait3A_500 : memref<8x16xf32, #tpu.memory_space<vmem_shared>>)
      tpu.yield
    }) : () -> ()
    %mul3A_318 = arith.constant 79 : i32
    %mul3A_319 = arith.muli %arg1, %mul3A_318 : i32
    %add3A_320 = arith.constant 51 : i32
    %add3A_321 = arith.addi %mul3A_319, %add3A_320 : i32
    %mul3A_322 = arith.constant 8 : i32
    %mul3A_323 = arith.muli %add3A_321, %mul3A_322 : i32
    "tpu.region"() ({
      %run_scoped3A = tpu.sem_alloc : memref<!tpu.dma_semaphore, #tpu.memory_space<semaphore_mem>>
      %dma_start3A = arith.constant 0 : i32
      %dma_start3A_495 = tpu.memref_slice %arg7[%mul3A_323, %dma_start3A] : memref<10112x16xf32, #tpu.memory_space<vmem_shared>> -> memref<8x16xf32, #tpu.memory_space<vmem_shared>>
      %dma_start3A_496 = arith.constant 0 : i32
      %dma_start3A_497 = tpu.memref_slice %arg7[%mul3A_323, %dma_start3A_496] : memref<10112x16xf32, #tpu.memory_space<vmem_shared>> -> memref<8x16xf32, #tpu.memory_space<vmem_shared>>
      tpu.enqueue_dma source(%arg6 : memref<8x16xf32, #tpu.memory_space<vmem>>) target(%dma_start3A_497 : memref<8x16xf32, #tpu.memory_space<vmem_shared>>) target_semaphore(%run_scoped3A : memref<!tpu.dma_semaphore, #tpu.memory_space<semaphore_mem>>)
      %dma_wait3A = arith.constant 0 : i32
      %dma_wait3A_498 = tpu.memref_slice %arg7[%mul3A_323, %dma_wait3A] : memref<10112x16xf32, #tpu.memory_space<vmem_shared>> -> memref<8x16xf32, #tpu.memory_space<vmem_shared>>
      %dma_wait3A_499 = arith.constant 0 : i32
      %dma_wait3A_500 = tpu.memref_slice %arg7[%mul3A_323, %dma_wait3A_499] : memref<10112x16xf32, #tpu.memory_space<vmem_shared>> -> memref<8x16xf32, #tpu.memory_space<vmem_shared>>
      tpu.wait_dma2 semaphore(%run_scoped3A : memref<!tpu.dma_semaphore, #tpu.memory_space<semaphore_mem>>) src(%arg6 : memref<8x16xf32, #tpu.memory_space<vmem>>) dst(%dma_wait3A_500 : memref<8x16xf32, #tpu.memory_space<vmem_shared>>)
      tpu.yield
    }) : () -> ()
    %mul3A_324 = arith.constant 79 : i32
    %mul3A_325 = arith.muli %arg1, %mul3A_324 : i32
    %add3A_326 = arith.constant 52 : i32
    %add3A_327 = arith.addi %mul3A_325, %add3A_326 : i32
    %mul3A_328 = arith.constant 8 : i32
    %mul3A_329 = arith.muli %add3A_327, %mul3A_328 : i32
    "tpu.region"() ({
      %run_scoped3A = tpu.sem_alloc : memref<!tpu.dma_semaphore, #tpu.memory_space<semaphore_mem>>
      %dma_start3A = arith.constant 0 : i32
      %dma_start3A_495 = tpu.memref_slice %arg7[%mul3A_329, %dma_start3A] : memref<10112x16xf32, #tpu.memory_space<vmem_shared>> -> memref<8x16xf32, #tpu.memory_space<vmem_shared>>
      %dma_start3A_496 = arith.constant 0 : i32
      %dma_start3A_497 = tpu.memref_slice %arg7[%mul3A_329, %dma_start3A_496] : memref<10112x16xf32, #tpu.memory_space<vmem_shared>> -> memref<8x16xf32, #tpu.memory_space<vmem_shared>>
      tpu.enqueue_dma source(%arg6 : memref<8x16xf32, #tpu.memory_space<vmem>>) target(%dma_start3A_497 : memref<8x16xf32, #tpu.memory_space<vmem_shared>>) target_semaphore(%run_scoped3A : memref<!tpu.dma_semaphore, #tpu.memory_space<semaphore_mem>>)
      %dma_wait3A = arith.constant 0 : i32
      %dma_wait3A_498 = tpu.memref_slice %arg7[%mul3A_329, %dma_wait3A] : memref<10112x16xf32, #tpu.memory_space<vmem_shared>> -> memref<8x16xf32, #tpu.memory_space<vmem_shared>>
      %dma_wait3A_499 = arith.constant 0 : i32
      %dma_wait3A_500 = tpu.memref_slice %arg7[%mul3A_329, %dma_wait3A_499] : memref<10112x16xf32, #tpu.memory_space<vmem_shared>> -> memref<8x16xf32, #tpu.memory_space<vmem_shared>>
      tpu.wait_dma2 semaphore(%run_scoped3A : memref<!tpu.dma_semaphore, #tpu.memory_space<semaphore_mem>>) src(%arg6 : memref<8x16xf32, #tpu.memory_space<vmem>>) dst(%dma_wait3A_500 : memref<8x16xf32, #tpu.memory_space<vmem_shared>>)
      tpu.yield
    }) : () -> ()
    %mul3A_330 = arith.constant 79 : i32
    %mul3A_331 = arith.muli %arg1, %mul3A_330 : i32
    %add3A_332 = arith.constant 53 : i32
    %add3A_333 = arith.addi %mul3A_331, %add3A_332 : i32
    %mul3A_334 = arith.constant 8 : i32
    %mul3A_335 = arith.muli %add3A_333, %mul3A_334 : i32
    "tpu.region"() ({
      %run_scoped3A = tpu.sem_alloc : memref<!tpu.dma_semaphore, #tpu.memory_space<semaphore_mem>>
      %dma_start3A = arith.constant 0 : i32
      %dma_start3A_495 = tpu.memref_slice %arg7[%mul3A_335, %dma_start3A] : memref<10112x16xf32, #tpu.memory_space<vmem_shared>> -> memref<8x16xf32, #tpu.memory_space<vmem_shared>>
      %dma_start3A_496 = arith.constant 0 : i32
      %dma_start3A_497 = tpu.memref_slice %arg7[%mul3A_335, %dma_start3A_496] : memref<10112x16xf32, #tpu.memory_space<vmem_shared>> -> memref<8x16xf32, #tpu.memory_space<vmem_shared>>
      tpu.enqueue_dma source(%arg6 : memref<8x16xf32, #tpu.memory_space<vmem>>) target(%dma_start3A_497 : memref<8x16xf32, #tpu.memory_space<vmem_shared>>) target_semaphore(%run_scoped3A : memref<!tpu.dma_semaphore, #tpu.memory_space<semaphore_mem>>)
      %dma_wait3A = arith.constant 0 : i32
      %dma_wait3A_498 = tpu.memref_slice %arg7[%mul3A_335, %dma_wait3A] : memref<10112x16xf32, #tpu.memory_space<vmem_shared>> -> memref<8x16xf32, #tpu.memory_space<vmem_shared>>
      %dma_wait3A_499 = arith.constant 0 : i32
      %dma_wait3A_500 = tpu.memref_slice %arg7[%mul3A_335, %dma_wait3A_499] : memref<10112x16xf32, #tpu.memory_space<vmem_shared>> -> memref<8x16xf32, #tpu.memory_space<vmem_shared>>
      tpu.wait_dma2 semaphore(%run_scoped3A : memref<!tpu.dma_semaphore, #tpu.memory_space<semaphore_mem>>) src(%arg6 : memref<8x16xf32, #tpu.memory_space<vmem>>) dst(%dma_wait3A_500 : memref<8x16xf32, #tpu.memory_space<vmem_shared>>)
      tpu.yield
    }) : () -> ()
    %mul3A_336 = arith.constant 79 : i32
    %mul3A_337 = arith.muli %arg1, %mul3A_336 : i32
    %add3A_338 = arith.constant 54 : i32
    %add3A_339 = arith.addi %mul3A_337, %add3A_338 : i32
    %mul3A_340 = arith.constant 8 : i32
    %mul3A_341 = arith.muli %add3A_339, %mul3A_340 : i32
    "tpu.region"() ({
      %run_scoped3A = tpu.sem_alloc : memref<!tpu.dma_semaphore, #tpu.memory_space<semaphore_mem>>
      %dma_start3A = arith.constant 0 : i32
      %dma_start3A_495 = tpu.memref_slice %arg7[%mul3A_341, %dma_start3A] : memref<10112x16xf32, #tpu.memory_space<vmem_shared>> -> memref<8x16xf32, #tpu.memory_space<vmem_shared>>
      %dma_start3A_496 = arith.constant 0 : i32
      %dma_start3A_497 = tpu.memref_slice %arg7[%mul3A_341, %dma_start3A_496] : memref<10112x16xf32, #tpu.memory_space<vmem_shared>> -> memref<8x16xf32, #tpu.memory_space<vmem_shared>>
      tpu.enqueue_dma source(%arg6 : memref<8x16xf32, #tpu.memory_space<vmem>>) target(%dma_start3A_497 : memref<8x16xf32, #tpu.memory_space<vmem_shared>>) target_semaphore(%run_scoped3A : memref<!tpu.dma_semaphore, #tpu.memory_space<semaphore_mem>>)
      %dma_wait3A = arith.constant 0 : i32
      %dma_wait3A_498 = tpu.memref_slice %arg7[%mul3A_341, %dma_wait3A] : memref<10112x16xf32, #tpu.memory_space<vmem_shared>> -> memref<8x16xf32, #tpu.memory_space<vmem_shared>>
      %dma_wait3A_499 = arith.constant 0 : i32
      %dma_wait3A_500 = tpu.memref_slice %arg7[%mul3A_341, %dma_wait3A_499] : memref<10112x16xf32, #tpu.memory_space<vmem_shared>> -> memref<8x16xf32, #tpu.memory_space<vmem_shared>>
      tpu.wait_dma2 semaphore(%run_scoped3A : memref<!tpu.dma_semaphore, #tpu.memory_space<semaphore_mem>>) src(%arg6 : memref<8x16xf32, #tpu.memory_space<vmem>>) dst(%dma_wait3A_500 : memref<8x16xf32, #tpu.memory_space<vmem_shared>>)
      tpu.yield
    }) : () -> ()
    %mul3A_342 = arith.constant 79 : i32
    %mul3A_343 = arith.muli %arg1, %mul3A_342 : i32
    %add3A_344 = arith.constant 55 : i32
    %add3A_345 = arith.addi %mul3A_343, %add3A_344 : i32
    %mul3A_346 = arith.constant 8 : i32
    %mul3A_347 = arith.muli %add3A_345, %mul3A_346 : i32
    "tpu.region"() ({
      %run_scoped3A = tpu.sem_alloc : memref<!tpu.dma_semaphore, #tpu.memory_space<semaphore_mem>>
      %dma_start3A = arith.constant 0 : i32
      %dma_start3A_495 = tpu.memref_slice %arg7[%mul3A_347, %dma_start3A] : memref<10112x16xf32, #tpu.memory_space<vmem_shared>> -> memref<8x16xf32, #tpu.memory_space<vmem_shared>>
      %dma_start3A_496 = arith.constant 0 : i32
      %dma_start3A_497 = tpu.memref_slice %arg7[%mul3A_347, %dma_start3A_496] : memref<10112x16xf32, #tpu.memory_space<vmem_shared>> -> memref<8x16xf32, #tpu.memory_space<vmem_shared>>
      tpu.enqueue_dma source(%arg6 : memref<8x16xf32, #tpu.memory_space<vmem>>) target(%dma_start3A_497 : memref<8x16xf32, #tpu.memory_space<vmem_shared>>) target_semaphore(%run_scoped3A : memref<!tpu.dma_semaphore, #tpu.memory_space<semaphore_mem>>)
      %dma_wait3A = arith.constant 0 : i32
      %dma_wait3A_498 = tpu.memref_slice %arg7[%mul3A_347, %dma_wait3A] : memref<10112x16xf32, #tpu.memory_space<vmem_shared>> -> memref<8x16xf32, #tpu.memory_space<vmem_shared>>
      %dma_wait3A_499 = arith.constant 0 : i32
      %dma_wait3A_500 = tpu.memref_slice %arg7[%mul3A_347, %dma_wait3A_499] : memref<10112x16xf32, #tpu.memory_space<vmem_shared>> -> memref<8x16xf32, #tpu.memory_space<vmem_shared>>
      tpu.wait_dma2 semaphore(%run_scoped3A : memref<!tpu.dma_semaphore, #tpu.memory_space<semaphore_mem>>) src(%arg6 : memref<8x16xf32, #tpu.memory_space<vmem>>) dst(%dma_wait3A_500 : memref<8x16xf32, #tpu.memory_space<vmem_shared>>)
      tpu.yield
    }) : () -> ()
    %mul3A_348 = arith.constant 79 : i32
    %mul3A_349 = arith.muli %arg1, %mul3A_348 : i32
    %add3A_350 = arith.constant 56 : i32
    %add3A_351 = arith.addi %mul3A_349, %add3A_350 : i32
    %mul3A_352 = arith.constant 8 : i32
    %mul3A_353 = arith.muli %add3A_351, %mul3A_352 : i32
    "tpu.region"() ({
      %run_scoped3A = tpu.sem_alloc : memref<!tpu.dma_semaphore, #tpu.memory_space<semaphore_mem>>
      %dma_start3A = arith.constant 0 : i32
      %dma_start3A_495 = tpu.memref_slice %arg7[%mul3A_353, %dma_start3A] : memref<10112x16xf32, #tpu.memory_space<vmem_shared>> -> memref<8x16xf32, #tpu.memory_space<vmem_shared>>
      %dma_start3A_496 = arith.constant 0 : i32
      %dma_start3A_497 = tpu.memref_slice %arg7[%mul3A_353, %dma_start3A_496] : memref<10112x16xf32, #tpu.memory_space<vmem_shared>> -> memref<8x16xf32, #tpu.memory_space<vmem_shared>>
      tpu.enqueue_dma source(%arg6 : memref<8x16xf32, #tpu.memory_space<vmem>>) target(%dma_start3A_497 : memref<8x16xf32, #tpu.memory_space<vmem_shared>>) target_semaphore(%run_scoped3A : memref<!tpu.dma_semaphore, #tpu.memory_space<semaphore_mem>>)
      %dma_wait3A = arith.constant 0 : i32
      %dma_wait3A_498 = tpu.memref_slice %arg7[%mul3A_353, %dma_wait3A] : memref<10112x16xf32, #tpu.memory_space<vmem_shared>> -> memref<8x16xf32, #tpu.memory_space<vmem_shared>>
      %dma_wait3A_499 = arith.constant 0 : i32
      %dma_wait3A_500 = tpu.memref_slice %arg7[%mul3A_353, %dma_wait3A_499] : memref<10112x16xf32, #tpu.memory_space<vmem_shared>> -> memref<8x16xf32, #tpu.memory_space<vmem_shared>>
      tpu.wait_dma2 semaphore(%run_scoped3A : memref<!tpu.dma_semaphore, #tpu.memory_space<semaphore_mem>>) src(%arg6 : memref<8x16xf32, #tpu.memory_space<vmem>>) dst(%dma_wait3A_500 : memref<8x16xf32, #tpu.memory_space<vmem_shared>>)
      tpu.yield
    }) : () -> ()
    %mul3A_354 = arith.constant 79 : i32
    %mul3A_355 = arith.muli %arg1, %mul3A_354 : i32
    %add3A_356 = arith.constant 57 : i32
    %add3A_357 = arith.addi %mul3A_355, %add3A_356 : i32
    %mul3A_358 = arith.constant 8 : i32
    %mul3A_359 = arith.muli %add3A_357, %mul3A_358 : i32
    "tpu.region"() ({
      %run_scoped3A = tpu.sem_alloc : memref<!tpu.dma_semaphore, #tpu.memory_space<semaphore_mem>>
      %dma_start3A = arith.constant 0 : i32
      %dma_start3A_495 = tpu.memref_slice %arg7[%mul3A_359, %dma_start3A] : memref<10112x16xf32, #tpu.memory_space<vmem_shared>> -> memref<8x16xf32, #tpu.memory_space<vmem_shared>>
      %dma_start3A_496 = arith.constant 0 : i32
      %dma_start3A_497 = tpu.memref_slice %arg7[%mul3A_359, %dma_start3A_496] : memref<10112x16xf32, #tpu.memory_space<vmem_shared>> -> memref<8x16xf32, #tpu.memory_space<vmem_shared>>
      tpu.enqueue_dma source(%arg6 : memref<8x16xf32, #tpu.memory_space<vmem>>) target(%dma_start3A_497 : memref<8x16xf32, #tpu.memory_space<vmem_shared>>) target_semaphore(%run_scoped3A : memref<!tpu.dma_semaphore, #tpu.memory_space<semaphore_mem>>)
      %dma_wait3A = arith.constant 0 : i32
      %dma_wait3A_498 = tpu.memref_slice %arg7[%mul3A_359, %dma_wait3A] : memref<10112x16xf32, #tpu.memory_space<vmem_shared>> -> memref<8x16xf32, #tpu.memory_space<vmem_shared>>
      %dma_wait3A_499 = arith.constant 0 : i32
      %dma_wait3A_500 = tpu.memref_slice %arg7[%mul3A_359, %dma_wait3A_499] : memref<10112x16xf32, #tpu.memory_space<vmem_shared>> -> memref<8x16xf32, #tpu.memory_space<vmem_shared>>
      tpu.wait_dma2 semaphore(%run_scoped3A : memref<!tpu.dma_semaphore, #tpu.memory_space<semaphore_mem>>) src(%arg6 : memref<8x16xf32, #tpu.memory_space<vmem>>) dst(%dma_wait3A_500 : memref<8x16xf32, #tpu.memory_space<vmem_shared>>)
      tpu.yield
    }) : () -> ()
    %mul3A_360 = arith.constant 79 : i32
    %mul3A_361 = arith.muli %arg1, %mul3A_360 : i32
    %add3A_362 = arith.constant 58 : i32
    %add3A_363 = arith.addi %mul3A_361, %add3A_362 : i32
    %mul3A_364 = arith.constant 8 : i32
    %mul3A_365 = arith.muli %add3A_363, %mul3A_364 : i32
    "tpu.region"() ({
      %run_scoped3A = tpu.sem_alloc : memref<!tpu.dma_semaphore, #tpu.memory_space<semaphore_mem>>
      %dma_start3A = arith.constant 0 : i32
      %dma_start3A_495 = tpu.memref_slice %arg7[%mul3A_365, %dma_start3A] : memref<10112x16xf32, #tpu.memory_space<vmem_shared>> -> memref<8x16xf32, #tpu.memory_space<vmem_shared>>
      %dma_start3A_496 = arith.constant 0 : i32
      %dma_start3A_497 = tpu.memref_slice %arg7[%mul3A_365, %dma_start3A_496] : memref<10112x16xf32, #tpu.memory_space<vmem_shared>> -> memref<8x16xf32, #tpu.memory_space<vmem_shared>>
      tpu.enqueue_dma source(%arg6 : memref<8x16xf32, #tpu.memory_space<vmem>>) target(%dma_start3A_497 : memref<8x16xf32, #tpu.memory_space<vmem_shared>>) target_semaphore(%run_scoped3A : memref<!tpu.dma_semaphore, #tpu.memory_space<semaphore_mem>>)
      %dma_wait3A = arith.constant 0 : i32
      %dma_wait3A_498 = tpu.memref_slice %arg7[%mul3A_365, %dma_wait3A] : memref<10112x16xf32, #tpu.memory_space<vmem_shared>> -> memref<8x16xf32, #tpu.memory_space<vmem_shared>>
      %dma_wait3A_499 = arith.constant 0 : i32
      %dma_wait3A_500 = tpu.memref_slice %arg7[%mul3A_365, %dma_wait3A_499] : memref<10112x16xf32, #tpu.memory_space<vmem_shared>> -> memref<8x16xf32, #tpu.memory_space<vmem_shared>>
      tpu.wait_dma2 semaphore(%run_scoped3A : memref<!tpu.dma_semaphore, #tpu.memory_space<semaphore_mem>>) src(%arg6 : memref<8x16xf32, #tpu.memory_space<vmem>>) dst(%dma_wait3A_500 : memref<8x16xf32, #tpu.memory_space<vmem_shared>>)
      tpu.yield
    }) : () -> ()
    %mul3A_366 = arith.constant 79 : i32
    %mul3A_367 = arith.muli %arg1, %mul3A_366 : i32
    %add3A_368 = arith.constant 59 : i32
    %add3A_369 = arith.addi %mul3A_367, %add3A_368 : i32
    %mul3A_370 = arith.constant 8 : i32
    %mul3A_371 = arith.muli %add3A_369, %mul3A_370 : i32
    "tpu.region"() ({
      %run_scoped3A = tpu.sem_alloc : memref<!tpu.dma_semaphore, #tpu.memory_space<semaphore_mem>>
      %dma_start3A = arith.constant 0 : i32
      %dma_start3A_495 = tpu.memref_slice %arg7[%mul3A_371, %dma_start3A] : memref<10112x16xf32, #tpu.memory_space<vmem_shared>> -> memref<8x16xf32, #tpu.memory_space<vmem_shared>>
      %dma_start3A_496 = arith.constant 0 : i32
      %dma_start3A_497 = tpu.memref_slice %arg7[%mul3A_371, %dma_start3A_496] : memref<10112x16xf32, #tpu.memory_space<vmem_shared>> -> memref<8x16xf32, #tpu.memory_space<vmem_shared>>
      tpu.enqueue_dma source(%arg6 : memref<8x16xf32, #tpu.memory_space<vmem>>) target(%dma_start3A_497 : memref<8x16xf32, #tpu.memory_space<vmem_shared>>) target_semaphore(%run_scoped3A : memref<!tpu.dma_semaphore, #tpu.memory_space<semaphore_mem>>)
      %dma_wait3A = arith.constant 0 : i32
      %dma_wait3A_498 = tpu.memref_slice %arg7[%mul3A_371, %dma_wait3A] : memref<10112x16xf32, #tpu.memory_space<vmem_shared>> -> memref<8x16xf32, #tpu.memory_space<vmem_shared>>
      %dma_wait3A_499 = arith.constant 0 : i32
      %dma_wait3A_500 = tpu.memref_slice %arg7[%mul3A_371, %dma_wait3A_499] : memref<10112x16xf32, #tpu.memory_space<vmem_shared>> -> memref<8x16xf32, #tpu.memory_space<vmem_shared>>
      tpu.wait_dma2 semaphore(%run_scoped3A : memref<!tpu.dma_semaphore, #tpu.memory_space<semaphore_mem>>) src(%arg6 : memref<8x16xf32, #tpu.memory_space<vmem>>) dst(%dma_wait3A_500 : memref<8x16xf32, #tpu.memory_space<vmem_shared>>)
      tpu.yield
    }) : () -> ()
    %mul3A_372 = arith.constant 79 : i32
    %mul3A_373 = arith.muli %arg1, %mul3A_372 : i32
    %add3A_374 = arith.constant 60 : i32
    %add3A_375 = arith.addi %mul3A_373, %add3A_374 : i32
    %mul3A_376 = arith.constant 8 : i32
    %mul3A_377 = arith.muli %add3A_375, %mul3A_376 : i32
    "tpu.region"() ({
      %run_scoped3A = tpu.sem_alloc : memref<!tpu.dma_semaphore, #tpu.memory_space<semaphore_mem>>
      %dma_start3A = arith.constant 0 : i32
      %dma_start3A_495 = tpu.memref_slice %arg7[%mul3A_377, %dma_start3A] : memref<10112x16xf32, #tpu.memory_space<vmem_shared>> -> memref<8x16xf32, #tpu.memory_space<vmem_shared>>
      %dma_start3A_496 = arith.constant 0 : i32
      %dma_start3A_497 = tpu.memref_slice %arg7[%mul3A_377, %dma_start3A_496] : memref<10112x16xf32, #tpu.memory_space<vmem_shared>> -> memref<8x16xf32, #tpu.memory_space<vmem_shared>>
      tpu.enqueue_dma source(%arg6 : memref<8x16xf32, #tpu.memory_space<vmem>>) target(%dma_start3A_497 : memref<8x16xf32, #tpu.memory_space<vmem_shared>>) target_semaphore(%run_scoped3A : memref<!tpu.dma_semaphore, #tpu.memory_space<semaphore_mem>>)
      %dma_wait3A = arith.constant 0 : i32
      %dma_wait3A_498 = tpu.memref_slice %arg7[%mul3A_377, %dma_wait3A] : memref<10112x16xf32, #tpu.memory_space<vmem_shared>> -> memref<8x16xf32, #tpu.memory_space<vmem_shared>>
      %dma_wait3A_499 = arith.constant 0 : i32
      %dma_wait3A_500 = tpu.memref_slice %arg7[%mul3A_377, %dma_wait3A_499] : memref<10112x16xf32, #tpu.memory_space<vmem_shared>> -> memref<8x16xf32, #tpu.memory_space<vmem_shared>>
      tpu.wait_dma2 semaphore(%run_scoped3A : memref<!tpu.dma_semaphore, #tpu.memory_space<semaphore_mem>>) src(%arg6 : memref<8x16xf32, #tpu.memory_space<vmem>>) dst(%dma_wait3A_500 : memref<8x16xf32, #tpu.memory_space<vmem_shared>>)
      tpu.yield
    }) : () -> ()
    %mul3A_378 = arith.constant 79 : i32
    %mul3A_379 = arith.muli %arg1, %mul3A_378 : i32
    %add3A_380 = arith.constant 61 : i32
    %add3A_381 = arith.addi %mul3A_379, %add3A_380 : i32
    %mul3A_382 = arith.constant 8 : i32
    %mul3A_383 = arith.muli %add3A_381, %mul3A_382 : i32
    "tpu.region"() ({
      %run_scoped3A = tpu.sem_alloc : memref<!tpu.dma_semaphore, #tpu.memory_space<semaphore_mem>>
      %dma_start3A = arith.constant 0 : i32
      %dma_start3A_495 = tpu.memref_slice %arg7[%mul3A_383, %dma_start3A] : memref<10112x16xf32, #tpu.memory_space<vmem_shared>> -> memref<8x16xf32, #tpu.memory_space<vmem_shared>>
      %dma_start3A_496 = arith.constant 0 : i32
      %dma_start3A_497 = tpu.memref_slice %arg7[%mul3A_383, %dma_start3A_496] : memref<10112x16xf32, #tpu.memory_space<vmem_shared>> -> memref<8x16xf32, #tpu.memory_space<vmem_shared>>
      tpu.enqueue_dma source(%arg6 : memref<8x16xf32, #tpu.memory_space<vmem>>) target(%dma_start3A_497 : memref<8x16xf32, #tpu.memory_space<vmem_shared>>) target_semaphore(%run_scoped3A : memref<!tpu.dma_semaphore, #tpu.memory_space<semaphore_mem>>)
      %dma_wait3A = arith.constant 0 : i32
      %dma_wait3A_498 = tpu.memref_slice %arg7[%mul3A_383, %dma_wait3A] : memref<10112x16xf32, #tpu.memory_space<vmem_shared>> -> memref<8x16xf32, #tpu.memory_space<vmem_shared>>
      %dma_wait3A_499 = arith.constant 0 : i32
      %dma_wait3A_500 = tpu.memref_slice %arg7[%mul3A_383, %dma_wait3A_499] : memref<10112x16xf32, #tpu.memory_space<vmem_shared>> -> memref<8x16xf32, #tpu.memory_space<vmem_shared>>
      tpu.wait_dma2 semaphore(%run_scoped3A : memref<!tpu.dma_semaphore, #tpu.memory_space<semaphore_mem>>) src(%arg6 : memref<8x16xf32, #tpu.memory_space<vmem>>) dst(%dma_wait3A_500 : memref<8x16xf32, #tpu.memory_space<vmem_shared>>)
      tpu.yield
    }) : () -> ()
    %mul3A_384 = arith.constant 79 : i32
    %mul3A_385 = arith.muli %arg1, %mul3A_384 : i32
    %add3A_386 = arith.constant 62 : i32
    %add3A_387 = arith.addi %mul3A_385, %add3A_386 : i32
    %mul3A_388 = arith.constant 8 : i32
    %mul3A_389 = arith.muli %add3A_387, %mul3A_388 : i32
    "tpu.region"() ({
      %run_scoped3A = tpu.sem_alloc : memref<!tpu.dma_semaphore, #tpu.memory_space<semaphore_mem>>
      %dma_start3A = arith.constant 0 : i32
      %dma_start3A_495 = tpu.memref_slice %arg7[%mul3A_389, %dma_start3A] : memref<10112x16xf32, #tpu.memory_space<vmem_shared>> -> memref<8x16xf32, #tpu.memory_space<vmem_shared>>
      %dma_start3A_496 = arith.constant 0 : i32
      %dma_start3A_497 = tpu.memref_slice %arg7[%mul3A_389, %dma_start3A_496] : memref<10112x16xf32, #tpu.memory_space<vmem_shared>> -> memref<8x16xf32, #tpu.memory_space<vmem_shared>>
      tpu.enqueue_dma source(%arg6 : memref<8x16xf32, #tpu.memory_space<vmem>>) target(%dma_start3A_497 : memref<8x16xf32, #tpu.memory_space<vmem_shared>>) target_semaphore(%run_scoped3A : memref<!tpu.dma_semaphore, #tpu.memory_space<semaphore_mem>>)
      %dma_wait3A = arith.constant 0 : i32
      %dma_wait3A_498 = tpu.memref_slice %arg7[%mul3A_389, %dma_wait3A] : memref<10112x16xf32, #tpu.memory_space<vmem_shared>> -> memref<8x16xf32, #tpu.memory_space<vmem_shared>>
      %dma_wait3A_499 = arith.constant 0 : i32
      %dma_wait3A_500 = tpu.memref_slice %arg7[%mul3A_389, %dma_wait3A_499] : memref<10112x16xf32, #tpu.memory_space<vmem_shared>> -> memref<8x16xf32, #tpu.memory_space<vmem_shared>>
      tpu.wait_dma2 semaphore(%run_scoped3A : memref<!tpu.dma_semaphore, #tpu.memory_space<semaphore_mem>>) src(%arg6 : memref<8x16xf32, #tpu.memory_space<vmem>>) dst(%dma_wait3A_500 : memref<8x16xf32, #tpu.memory_space<vmem_shared>>)
      tpu.yield
    }) : () -> ()
    %mul3A_390 = arith.constant 79 : i32
    %mul3A_391 = arith.muli %arg1, %mul3A_390 : i32
    %add3A_392 = arith.constant 63 : i32
    %add3A_393 = arith.addi %mul3A_391, %add3A_392 : i32
    %mul3A_394 = arith.constant 8 : i32
    %mul3A_395 = arith.muli %add3A_393, %mul3A_394 : i32
    "tpu.region"() ({
      %run_scoped3A = tpu.sem_alloc : memref<!tpu.dma_semaphore, #tpu.memory_space<semaphore_mem>>
      %dma_start3A = arith.constant 0 : i32
      %dma_start3A_495 = tpu.memref_slice %arg7[%mul3A_395, %dma_start3A] : memref<10112x16xf32, #tpu.memory_space<vmem_shared>> -> memref<8x16xf32, #tpu.memory_space<vmem_shared>>
      %dma_start3A_496 = arith.constant 0 : i32
      %dma_start3A_497 = tpu.memref_slice %arg7[%mul3A_395, %dma_start3A_496] : memref<10112x16xf32, #tpu.memory_space<vmem_shared>> -> memref<8x16xf32, #tpu.memory_space<vmem_shared>>
      tpu.enqueue_dma source(%arg6 : memref<8x16xf32, #tpu.memory_space<vmem>>) target(%dma_start3A_497 : memref<8x16xf32, #tpu.memory_space<vmem_shared>>) target_semaphore(%run_scoped3A : memref<!tpu.dma_semaphore, #tpu.memory_space<semaphore_mem>>)
      %dma_wait3A = arith.constant 0 : i32
      %dma_wait3A_498 = tpu.memref_slice %arg7[%mul3A_395, %dma_wait3A] : memref<10112x16xf32, #tpu.memory_space<vmem_shared>> -> memref<8x16xf32, #tpu.memory_space<vmem_shared>>
      %dma_wait3A_499 = arith.constant 0 : i32
      %dma_wait3A_500 = tpu.memref_slice %arg7[%mul3A_395, %dma_wait3A_499] : memref<10112x16xf32, #tpu.memory_space<vmem_shared>> -> memref<8x16xf32, #tpu.memory_space<vmem_shared>>
      tpu.wait_dma2 semaphore(%run_scoped3A : memref<!tpu.dma_semaphore, #tpu.memory_space<semaphore_mem>>) src(%arg6 : memref<8x16xf32, #tpu.memory_space<vmem>>) dst(%dma_wait3A_500 : memref<8x16xf32, #tpu.memory_space<vmem_shared>>)
      tpu.yield
    }) : () -> ()
    %mul3A_396 = arith.constant 79 : i32
    %mul3A_397 = arith.muli %arg1, %mul3A_396 : i32
    %add3A_398 = arith.constant 64 : i32
    %add3A_399 = arith.addi %mul3A_397, %add3A_398 : i32
    %mul3A_400 = arith.constant 8 : i32
    %mul3A_401 = arith.muli %add3A_399, %mul3A_400 : i32
    "tpu.region"() ({
      %run_scoped3A = tpu.sem_alloc : memref<!tpu.dma_semaphore, #tpu.memory_space<semaphore_mem>>
      %dma_start3A = arith.constant 0 : i32
      %dma_start3A_495 = tpu.memref_slice %arg7[%mul3A_401, %dma_start3A] : memref<10112x16xf32, #tpu.memory_space<vmem_shared>> -> memref<8x16xf32, #tpu.memory_space<vmem_shared>>
      %dma_start3A_496 = arith.constant 0 : i32
      %dma_start3A_497 = tpu.memref_slice %arg7[%mul3A_401, %dma_start3A_496] : memref<10112x16xf32, #tpu.memory_space<vmem_shared>> -> memref<8x16xf32, #tpu.memory_space<vmem_shared>>
      tpu.enqueue_dma source(%arg6 : memref<8x16xf32, #tpu.memory_space<vmem>>) target(%dma_start3A_497 : memref<8x16xf32, #tpu.memory_space<vmem_shared>>) target_semaphore(%run_scoped3A : memref<!tpu.dma_semaphore, #tpu.memory_space<semaphore_mem>>)
      %dma_wait3A = arith.constant 0 : i32
      %dma_wait3A_498 = tpu.memref_slice %arg7[%mul3A_401, %dma_wait3A] : memref<10112x16xf32, #tpu.memory_space<vmem_shared>> -> memref<8x16xf32, #tpu.memory_space<vmem_shared>>
      %dma_wait3A_499 = arith.constant 0 : i32
      %dma_wait3A_500 = tpu.memref_slice %arg7[%mul3A_401, %dma_wait3A_499] : memref<10112x16xf32, #tpu.memory_space<vmem_shared>> -> memref<8x16xf32, #tpu.memory_space<vmem_shared>>
      tpu.wait_dma2 semaphore(%run_scoped3A : memref<!tpu.dma_semaphore, #tpu.memory_space<semaphore_mem>>) src(%arg6 : memref<8x16xf32, #tpu.memory_space<vmem>>) dst(%dma_wait3A_500 : memref<8x16xf32, #tpu.memory_space<vmem_shared>>)
      tpu.yield
    }) : () -> ()
    %mul3A_402 = arith.constant 79 : i32
    %mul3A_403 = arith.muli %arg1, %mul3A_402 : i32
    %add3A_404 = arith.constant 65 : i32
    %add3A_405 = arith.addi %mul3A_403, %add3A_404 : i32
    %mul3A_406 = arith.constant 8 : i32
    %mul3A_407 = arith.muli %add3A_405, %mul3A_406 : i32
    "tpu.region"() ({
      %run_scoped3A = tpu.sem_alloc : memref<!tpu.dma_semaphore, #tpu.memory_space<semaphore_mem>>
      %dma_start3A = arith.constant 0 : i32
      %dma_start3A_495 = tpu.memref_slice %arg7[%mul3A_407, %dma_start3A] : memref<10112x16xf32, #tpu.memory_space<vmem_shared>> -> memref<8x16xf32, #tpu.memory_space<vmem_shared>>
      %dma_start3A_496 = arith.constant 0 : i32
      %dma_start3A_497 = tpu.memref_slice %arg7[%mul3A_407, %dma_start3A_496] : memref<10112x16xf32, #tpu.memory_space<vmem_shared>> -> memref<8x16xf32, #tpu.memory_space<vmem_shared>>
      tpu.enqueue_dma source(%arg6 : memref<8x16xf32, #tpu.memory_space<vmem>>) target(%dma_start3A_497 : memref<8x16xf32, #tpu.memory_space<vmem_shared>>) target_semaphore(%run_scoped3A : memref<!tpu.dma_semaphore, #tpu.memory_space<semaphore_mem>>)
      %dma_wait3A = arith.constant 0 : i32
      %dma_wait3A_498 = tpu.memref_slice %arg7[%mul3A_407, %dma_wait3A] : memref<10112x16xf32, #tpu.memory_space<vmem_shared>> -> memref<8x16xf32, #tpu.memory_space<vmem_shared>>
      %dma_wait3A_499 = arith.constant 0 : i32
      %dma_wait3A_500 = tpu.memref_slice %arg7[%mul3A_407, %dma_wait3A_499] : memref<10112x16xf32, #tpu.memory_space<vmem_shared>> -> memref<8x16xf32, #tpu.memory_space<vmem_shared>>
      tpu.wait_dma2 semaphore(%run_scoped3A : memref<!tpu.dma_semaphore, #tpu.memory_space<semaphore_mem>>) src(%arg6 : memref<8x16xf32, #tpu.memory_space<vmem>>) dst(%dma_wait3A_500 : memref<8x16xf32, #tpu.memory_space<vmem_shared>>)
      tpu.yield
    }) : () -> ()
    %mul3A_408 = arith.constant 79 : i32
    %mul3A_409 = arith.muli %arg1, %mul3A_408 : i32
    %add3A_410 = arith.constant 66 : i32
    %add3A_411 = arith.addi %mul3A_409, %add3A_410 : i32
    %mul3A_412 = arith.constant 8 : i32
    %mul3A_413 = arith.muli %add3A_411, %mul3A_412 : i32
    "tpu.region"() ({
      %run_scoped3A = tpu.sem_alloc : memref<!tpu.dma_semaphore, #tpu.memory_space<semaphore_mem>>
      %dma_start3A = arith.constant 0 : i32
      %dma_start3A_495 = tpu.memref_slice %arg7[%mul3A_413, %dma_start3A] : memref<10112x16xf32, #tpu.memory_space<vmem_shared>> -> memref<8x16xf32, #tpu.memory_space<vmem_shared>>
      %dma_start3A_496 = arith.constant 0 : i32
      %dma_start3A_497 = tpu.memref_slice %arg7[%mul3A_413, %dma_start3A_496] : memref<10112x16xf32, #tpu.memory_space<vmem_shared>> -> memref<8x16xf32, #tpu.memory_space<vmem_shared>>
      tpu.enqueue_dma source(%arg6 : memref<8x16xf32, #tpu.memory_space<vmem>>) target(%dma_start3A_497 : memref<8x16xf32, #tpu.memory_space<vmem_shared>>) target_semaphore(%run_scoped3A : memref<!tpu.dma_semaphore, #tpu.memory_space<semaphore_mem>>)
      %dma_wait3A = arith.constant 0 : i32
      %dma_wait3A_498 = tpu.memref_slice %arg7[%mul3A_413, %dma_wait3A] : memref<10112x16xf32, #tpu.memory_space<vmem_shared>> -> memref<8x16xf32, #tpu.memory_space<vmem_shared>>
      %dma_wait3A_499 = arith.constant 0 : i32
      %dma_wait3A_500 = tpu.memref_slice %arg7[%mul3A_413, %dma_wait3A_499] : memref<10112x16xf32, #tpu.memory_space<vmem_shared>> -> memref<8x16xf32, #tpu.memory_space<vmem_shared>>
      tpu.wait_dma2 semaphore(%run_scoped3A : memref<!tpu.dma_semaphore, #tpu.memory_space<semaphore_mem>>) src(%arg6 : memref<8x16xf32, #tpu.memory_space<vmem>>) dst(%dma_wait3A_500 : memref<8x16xf32, #tpu.memory_space<vmem_shared>>)
      tpu.yield
    }) : () -> ()
    %mul3A_414 = arith.constant 79 : i32
    %mul3A_415 = arith.muli %arg1, %mul3A_414 : i32
    %add3A_416 = arith.constant 67 : i32
    %add3A_417 = arith.addi %mul3A_415, %add3A_416 : i32
    %mul3A_418 = arith.constant 8 : i32
    %mul3A_419 = arith.muli %add3A_417, %mul3A_418 : i32
    "tpu.region"() ({
      %run_scoped3A = tpu.sem_alloc : memref<!tpu.dma_semaphore, #tpu.memory_space<semaphore_mem>>
      %dma_start3A = arith.constant 0 : i32
      %dma_start3A_495 = tpu.memref_slice %arg7[%mul3A_419, %dma_start3A] : memref<10112x16xf32, #tpu.memory_space<vmem_shared>> -> memref<8x16xf32, #tpu.memory_space<vmem_shared>>
      %dma_start3A_496 = arith.constant 0 : i32
      %dma_start3A_497 = tpu.memref_slice %arg7[%mul3A_419, %dma_start3A_496] : memref<10112x16xf32, #tpu.memory_space<vmem_shared>> -> memref<8x16xf32, #tpu.memory_space<vmem_shared>>
      tpu.enqueue_dma source(%arg6 : memref<8x16xf32, #tpu.memory_space<vmem>>) target(%dma_start3A_497 : memref<8x16xf32, #tpu.memory_space<vmem_shared>>) target_semaphore(%run_scoped3A : memref<!tpu.dma_semaphore, #tpu.memory_space<semaphore_mem>>)
      %dma_wait3A = arith.constant 0 : i32
      %dma_wait3A_498 = tpu.memref_slice %arg7[%mul3A_419, %dma_wait3A] : memref<10112x16xf32, #tpu.memory_space<vmem_shared>> -> memref<8x16xf32, #tpu.memory_space<vmem_shared>>
      %dma_wait3A_499 = arith.constant 0 : i32
      %dma_wait3A_500 = tpu.memref_slice %arg7[%mul3A_419, %dma_wait3A_499] : memref<10112x16xf32, #tpu.memory_space<vmem_shared>> -> memref<8x16xf32, #tpu.memory_space<vmem_shared>>
      tpu.wait_dma2 semaphore(%run_scoped3A : memref<!tpu.dma_semaphore, #tpu.memory_space<semaphore_mem>>) src(%arg6 : memref<8x16xf32, #tpu.memory_space<vmem>>) dst(%dma_wait3A_500 : memref<8x16xf32, #tpu.memory_space<vmem_shared>>)
      tpu.yield
    }) : () -> ()
    %mul3A_420 = arith.constant 79 : i32
    %mul3A_421 = arith.muli %arg1, %mul3A_420 : i32
    %add3A_422 = arith.constant 68 : i32
    %add3A_423 = arith.addi %mul3A_421, %add3A_422 : i32
    %mul3A_424 = arith.constant 8 : i32
    %mul3A_425 = arith.muli %add3A_423, %mul3A_424 : i32
    "tpu.region"() ({
      %run_scoped3A = tpu.sem_alloc : memref<!tpu.dma_semaphore, #tpu.memory_space<semaphore_mem>>
      %dma_start3A = arith.constant 0 : i32
      %dma_start3A_495 = tpu.memref_slice %arg7[%mul3A_425, %dma_start3A] : memref<10112x16xf32, #tpu.memory_space<vmem_shared>> -> memref<8x16xf32, #tpu.memory_space<vmem_shared>>
      %dma_start3A_496 = arith.constant 0 : i32
      %dma_start3A_497 = tpu.memref_slice %arg7[%mul3A_425, %dma_start3A_496] : memref<10112x16xf32, #tpu.memory_space<vmem_shared>> -> memref<8x16xf32, #tpu.memory_space<vmem_shared>>
      tpu.enqueue_dma source(%arg6 : memref<8x16xf32, #tpu.memory_space<vmem>>) target(%dma_start3A_497 : memref<8x16xf32, #tpu.memory_space<vmem_shared>>) target_semaphore(%run_scoped3A : memref<!tpu.dma_semaphore, #tpu.memory_space<semaphore_mem>>)
      %dma_wait3A = arith.constant 0 : i32
      %dma_wait3A_498 = tpu.memref_slice %arg7[%mul3A_425, %dma_wait3A] : memref<10112x16xf32, #tpu.memory_space<vmem_shared>> -> memref<8x16xf32, #tpu.memory_space<vmem_shared>>
      %dma_wait3A_499 = arith.constant 0 : i32
      %dma_wait3A_500 = tpu.memref_slice %arg7[%mul3A_425, %dma_wait3A_499] : memref<10112x16xf32, #tpu.memory_space<vmem_shared>> -> memref<8x16xf32, #tpu.memory_space<vmem_shared>>
      tpu.wait_dma2 semaphore(%run_scoped3A : memref<!tpu.dma_semaphore, #tpu.memory_space<semaphore_mem>>) src(%arg6 : memref<8x16xf32, #tpu.memory_space<vmem>>) dst(%dma_wait3A_500 : memref<8x16xf32, #tpu.memory_space<vmem_shared>>)
      tpu.yield
    }) : () -> ()
    %mul3A_426 = arith.constant 79 : i32
    %mul3A_427 = arith.muli %arg1, %mul3A_426 : i32
    %add3A_428 = arith.constant 69 : i32
    %add3A_429 = arith.addi %mul3A_427, %add3A_428 : i32
    %mul3A_430 = arith.constant 8 : i32
    %mul3A_431 = arith.muli %add3A_429, %mul3A_430 : i32
    "tpu.region"() ({
      %run_scoped3A = tpu.sem_alloc : memref<!tpu.dma_semaphore, #tpu.memory_space<semaphore_mem>>
      %dma_start3A = arith.constant 0 : i32
      %dma_start3A_495 = tpu.memref_slice %arg7[%mul3A_431, %dma_start3A] : memref<10112x16xf32, #tpu.memory_space<vmem_shared>> -> memref<8x16xf32, #tpu.memory_space<vmem_shared>>
      %dma_start3A_496 = arith.constant 0 : i32
      %dma_start3A_497 = tpu.memref_slice %arg7[%mul3A_431, %dma_start3A_496] : memref<10112x16xf32, #tpu.memory_space<vmem_shared>> -> memref<8x16xf32, #tpu.memory_space<vmem_shared>>
      tpu.enqueue_dma source(%arg6 : memref<8x16xf32, #tpu.memory_space<vmem>>) target(%dma_start3A_497 : memref<8x16xf32, #tpu.memory_space<vmem_shared>>) target_semaphore(%run_scoped3A : memref<!tpu.dma_semaphore, #tpu.memory_space<semaphore_mem>>)
      %dma_wait3A = arith.constant 0 : i32
      %dma_wait3A_498 = tpu.memref_slice %arg7[%mul3A_431, %dma_wait3A] : memref<10112x16xf32, #tpu.memory_space<vmem_shared>> -> memref<8x16xf32, #tpu.memory_space<vmem_shared>>
      %dma_wait3A_499 = arith.constant 0 : i32
      %dma_wait3A_500 = tpu.memref_slice %arg7[%mul3A_431, %dma_wait3A_499] : memref<10112x16xf32, #tpu.memory_space<vmem_shared>> -> memref<8x16xf32, #tpu.memory_space<vmem_shared>>
      tpu.wait_dma2 semaphore(%run_scoped3A : memref<!tpu.dma_semaphore, #tpu.memory_space<semaphore_mem>>) src(%arg6 : memref<8x16xf32, #tpu.memory_space<vmem>>) dst(%dma_wait3A_500 : memref<8x16xf32, #tpu.memory_space<vmem_shared>>)
      tpu.yield
    }) : () -> ()
    %mul3A_432 = arith.constant 79 : i32
    %mul3A_433 = arith.muli %arg1, %mul3A_432 : i32
    %add3A_434 = arith.constant 70 : i32
    %add3A_435 = arith.addi %mul3A_433, %add3A_434 : i32
    %mul3A_436 = arith.constant 8 : i32
    %mul3A_437 = arith.muli %add3A_435, %mul3A_436 : i32
    "tpu.region"() ({
      %run_scoped3A = tpu.sem_alloc : memref<!tpu.dma_semaphore, #tpu.memory_space<semaphore_mem>>
      %dma_start3A = arith.constant 0 : i32
      %dma_start3A_495 = tpu.memref_slice %arg7[%mul3A_437, %dma_start3A] : memref<10112x16xf32, #tpu.memory_space<vmem_shared>> -> memref<8x16xf32, #tpu.memory_space<vmem_shared>>
      %dma_start3A_496 = arith.constant 0 : i32
      %dma_start3A_497 = tpu.memref_slice %arg7[%mul3A_437, %dma_start3A_496] : memref<10112x16xf32, #tpu.memory_space<vmem_shared>> -> memref<8x16xf32, #tpu.memory_space<vmem_shared>>
      tpu.enqueue_dma source(%arg6 : memref<8x16xf32, #tpu.memory_space<vmem>>) target(%dma_start3A_497 : memref<8x16xf32, #tpu.memory_space<vmem_shared>>) target_semaphore(%run_scoped3A : memref<!tpu.dma_semaphore, #tpu.memory_space<semaphore_mem>>)
      %dma_wait3A = arith.constant 0 : i32
      %dma_wait3A_498 = tpu.memref_slice %arg7[%mul3A_437, %dma_wait3A] : memref<10112x16xf32, #tpu.memory_space<vmem_shared>> -> memref<8x16xf32, #tpu.memory_space<vmem_shared>>
      %dma_wait3A_499 = arith.constant 0 : i32
      %dma_wait3A_500 = tpu.memref_slice %arg7[%mul3A_437, %dma_wait3A_499] : memref<10112x16xf32, #tpu.memory_space<vmem_shared>> -> memref<8x16xf32, #tpu.memory_space<vmem_shared>>
      tpu.wait_dma2 semaphore(%run_scoped3A : memref<!tpu.dma_semaphore, #tpu.memory_space<semaphore_mem>>) src(%arg6 : memref<8x16xf32, #tpu.memory_space<vmem>>) dst(%dma_wait3A_500 : memref<8x16xf32, #tpu.memory_space<vmem_shared>>)
      tpu.yield
    }) : () -> ()
    %mul3A_438 = arith.constant 79 : i32
    %mul3A_439 = arith.muli %arg1, %mul3A_438 : i32
    %add3A_440 = arith.constant 71 : i32
    %add3A_441 = arith.addi %mul3A_439, %add3A_440 : i32
    %mul3A_442 = arith.constant 8 : i32
    %mul3A_443 = arith.muli %add3A_441, %mul3A_442 : i32
    "tpu.region"() ({
      %run_scoped3A = tpu.sem_alloc : memref<!tpu.dma_semaphore, #tpu.memory_space<semaphore_mem>>
      %dma_start3A = arith.constant 0 : i32
      %dma_start3A_495 = tpu.memref_slice %arg7[%mul3A_443, %dma_start3A] : memref<10112x16xf32, #tpu.memory_space<vmem_shared>> -> memref<8x16xf32, #tpu.memory_space<vmem_shared>>
      %dma_start3A_496 = arith.constant 0 : i32
      %dma_start3A_497 = tpu.memref_slice %arg7[%mul3A_443, %dma_start3A_496] : memref<10112x16xf32, #tpu.memory_space<vmem_shared>> -> memref<8x16xf32, #tpu.memory_space<vmem_shared>>
      tpu.enqueue_dma source(%arg6 : memref<8x16xf32, #tpu.memory_space<vmem>>) target(%dma_start3A_497 : memref<8x16xf32, #tpu.memory_space<vmem_shared>>) target_semaphore(%run_scoped3A : memref<!tpu.dma_semaphore, #tpu.memory_space<semaphore_mem>>)
      %dma_wait3A = arith.constant 0 : i32
      %dma_wait3A_498 = tpu.memref_slice %arg7[%mul3A_443, %dma_wait3A] : memref<10112x16xf32, #tpu.memory_space<vmem_shared>> -> memref<8x16xf32, #tpu.memory_space<vmem_shared>>
      %dma_wait3A_499 = arith.constant 0 : i32
      %dma_wait3A_500 = tpu.memref_slice %arg7[%mul3A_443, %dma_wait3A_499] : memref<10112x16xf32, #tpu.memory_space<vmem_shared>> -> memref<8x16xf32, #tpu.memory_space<vmem_shared>>
      tpu.wait_dma2 semaphore(%run_scoped3A : memref<!tpu.dma_semaphore, #tpu.memory_space<semaphore_mem>>) src(%arg6 : memref<8x16xf32, #tpu.memory_space<vmem>>) dst(%dma_wait3A_500 : memref<8x16xf32, #tpu.memory_space<vmem_shared>>)
      tpu.yield
    }) : () -> ()
    %mul3A_444 = arith.constant 79 : i32
    %mul3A_445 = arith.muli %arg1, %mul3A_444 : i32
    %add3A_446 = arith.constant 72 : i32
    %add3A_447 = arith.addi %mul3A_445, %add3A_446 : i32
    %mul3A_448 = arith.constant 8 : i32
    %mul3A_449 = arith.muli %add3A_447, %mul3A_448 : i32
    "tpu.region"() ({
      %run_scoped3A = tpu.sem_alloc : memref<!tpu.dma_semaphore, #tpu.memory_space<semaphore_mem>>
      %dma_start3A = arith.constant 0 : i32
      %dma_start3A_495 = tpu.memref_slice %arg7[%mul3A_449, %dma_start3A] : memref<10112x16xf32, #tpu.memory_space<vmem_shared>> -> memref<8x16xf32, #tpu.memory_space<vmem_shared>>
      %dma_start3A_496 = arith.constant 0 : i32
      %dma_start3A_497 = tpu.memref_slice %arg7[%mul3A_449, %dma_start3A_496] : memref<10112x16xf32, #tpu.memory_space<vmem_shared>> -> memref<8x16xf32, #tpu.memory_space<vmem_shared>>
      tpu.enqueue_dma source(%arg6 : memref<8x16xf32, #tpu.memory_space<vmem>>) target(%dma_start3A_497 : memref<8x16xf32, #tpu.memory_space<vmem_shared>>) target_semaphore(%run_scoped3A : memref<!tpu.dma_semaphore, #tpu.memory_space<semaphore_mem>>)
      %dma_wait3A = arith.constant 0 : i32
      %dma_wait3A_498 = tpu.memref_slice %arg7[%mul3A_449, %dma_wait3A] : memref<10112x16xf32, #tpu.memory_space<vmem_shared>> -> memref<8x16xf32, #tpu.memory_space<vmem_shared>>
      %dma_wait3A_499 = arith.constant 0 : i32
      %dma_wait3A_500 = tpu.memref_slice %arg7[%mul3A_449, %dma_wait3A_499] : memref<10112x16xf32, #tpu.memory_space<vmem_shared>> -> memref<8x16xf32, #tpu.memory_space<vmem_shared>>
      tpu.wait_dma2 semaphore(%run_scoped3A : memref<!tpu.dma_semaphore, #tpu.memory_space<semaphore_mem>>) src(%arg6 : memref<8x16xf32, #tpu.memory_space<vmem>>) dst(%dma_wait3A_500 : memref<8x16xf32, #tpu.memory_space<vmem_shared>>)
      tpu.yield
    }) : () -> ()
    %mul3A_450 = arith.constant 79 : i32
    %mul3A_451 = arith.muli %arg1, %mul3A_450 : i32
    %add3A_452 = arith.constant 73 : i32
    %add3A_453 = arith.addi %mul3A_451, %add3A_452 : i32
    %mul3A_454 = arith.constant 8 : i32
    %mul3A_455 = arith.muli %add3A_453, %mul3A_454 : i32
    "tpu.region"() ({
      %run_scoped3A = tpu.sem_alloc : memref<!tpu.dma_semaphore, #tpu.memory_space<semaphore_mem>>
      %dma_start3A = arith.constant 0 : i32
      %dma_start3A_495 = tpu.memref_slice %arg7[%mul3A_455, %dma_start3A] : memref<10112x16xf32, #tpu.memory_space<vmem_shared>> -> memref<8x16xf32, #tpu.memory_space<vmem_shared>>
      %dma_start3A_496 = arith.constant 0 : i32
      %dma_start3A_497 = tpu.memref_slice %arg7[%mul3A_455, %dma_start3A_496] : memref<10112x16xf32, #tpu.memory_space<vmem_shared>> -> memref<8x16xf32, #tpu.memory_space<vmem_shared>>
      tpu.enqueue_dma source(%arg6 : memref<8x16xf32, #tpu.memory_space<vmem>>) target(%dma_start3A_497 : memref<8x16xf32, #tpu.memory_space<vmem_shared>>) target_semaphore(%run_scoped3A : memref<!tpu.dma_semaphore, #tpu.memory_space<semaphore_mem>>)
      %dma_wait3A = arith.constant 0 : i32
      %dma_wait3A_498 = tpu.memref_slice %arg7[%mul3A_455, %dma_wait3A] : memref<10112x16xf32, #tpu.memory_space<vmem_shared>> -> memref<8x16xf32, #tpu.memory_space<vmem_shared>>
      %dma_wait3A_499 = arith.constant 0 : i32
      %dma_wait3A_500 = tpu.memref_slice %arg7[%mul3A_455, %dma_wait3A_499] : memref<10112x16xf32, #tpu.memory_space<vmem_shared>> -> memref<8x16xf32, #tpu.memory_space<vmem_shared>>
      tpu.wait_dma2 semaphore(%run_scoped3A : memref<!tpu.dma_semaphore, #tpu.memory_space<semaphore_mem>>) src(%arg6 : memref<8x16xf32, #tpu.memory_space<vmem>>) dst(%dma_wait3A_500 : memref<8x16xf32, #tpu.memory_space<vmem_shared>>)
      tpu.yield
    }) : () -> ()
    %mul3A_456 = arith.constant 79 : i32
    %mul3A_457 = arith.muli %arg1, %mul3A_456 : i32
    %add3A_458 = arith.constant 74 : i32
    %add3A_459 = arith.addi %mul3A_457, %add3A_458 : i32
    %mul3A_460 = arith.constant 8 : i32
    %mul3A_461 = arith.muli %add3A_459, %mul3A_460 : i32
    "tpu.region"() ({
      %run_scoped3A = tpu.sem_alloc : memref<!tpu.dma_semaphore, #tpu.memory_space<semaphore_mem>>
      %dma_start3A = arith.constant 0 : i32
      %dma_start3A_495 = tpu.memref_slice %arg7[%mul3A_461, %dma_start3A] : memref<10112x16xf32, #tpu.memory_space<vmem_shared>> -> memref<8x16xf32, #tpu.memory_space<vmem_shared>>
      %dma_start3A_496 = arith.constant 0 : i32
      %dma_start3A_497 = tpu.memref_slice %arg7[%mul3A_461, %dma_start3A_496] : memref<10112x16xf32, #tpu.memory_space<vmem_shared>> -> memref<8x16xf32, #tpu.memory_space<vmem_shared>>
      tpu.enqueue_dma source(%arg6 : memref<8x16xf32, #tpu.memory_space<vmem>>) target(%dma_start3A_497 : memref<8x16xf32, #tpu.memory_space<vmem_shared>>) target_semaphore(%run_scoped3A : memref<!tpu.dma_semaphore, #tpu.memory_space<semaphore_mem>>)
      %dma_wait3A = arith.constant 0 : i32
      %dma_wait3A_498 = tpu.memref_slice %arg7[%mul3A_461, %dma_wait3A] : memref<10112x16xf32, #tpu.memory_space<vmem_shared>> -> memref<8x16xf32, #tpu.memory_space<vmem_shared>>
      %dma_wait3A_499 = arith.constant 0 : i32
      %dma_wait3A_500 = tpu.memref_slice %arg7[%mul3A_461, %dma_wait3A_499] : memref<10112x16xf32, #tpu.memory_space<vmem_shared>> -> memref<8x16xf32, #tpu.memory_space<vmem_shared>>
      tpu.wait_dma2 semaphore(%run_scoped3A : memref<!tpu.dma_semaphore, #tpu.memory_space<semaphore_mem>>) src(%arg6 : memref<8x16xf32, #tpu.memory_space<vmem>>) dst(%dma_wait3A_500 : memref<8x16xf32, #tpu.memory_space<vmem_shared>>)
      tpu.yield
    }) : () -> ()
    %mul3A_462 = arith.constant 79 : i32
    %mul3A_463 = arith.muli %arg1, %mul3A_462 : i32
    %add3A_464 = arith.constant 75 : i32
    %add3A_465 = arith.addi %mul3A_463, %add3A_464 : i32
    %mul3A_466 = arith.constant 8 : i32
    %mul3A_467 = arith.muli %add3A_465, %mul3A_466 : i32
    "tpu.region"() ({
      %run_scoped3A = tpu.sem_alloc : memref<!tpu.dma_semaphore, #tpu.memory_space<semaphore_mem>>
      %dma_start3A = arith.constant 0 : i32
      %dma_start3A_495 = tpu.memref_slice %arg7[%mul3A_467, %dma_start3A] : memref<10112x16xf32, #tpu.memory_space<vmem_shared>> -> memref<8x16xf32, #tpu.memory_space<vmem_shared>>
      %dma_start3A_496 = arith.constant 0 : i32
      %dma_start3A_497 = tpu.memref_slice %arg7[%mul3A_467, %dma_start3A_496] : memref<10112x16xf32, #tpu.memory_space<vmem_shared>> -> memref<8x16xf32, #tpu.memory_space<vmem_shared>>
      tpu.enqueue_dma source(%arg6 : memref<8x16xf32, #tpu.memory_space<vmem>>) target(%dma_start3A_497 : memref<8x16xf32, #tpu.memory_space<vmem_shared>>) target_semaphore(%run_scoped3A : memref<!tpu.dma_semaphore, #tpu.memory_space<semaphore_mem>>)
      %dma_wait3A = arith.constant 0 : i32
      %dma_wait3A_498 = tpu.memref_slice %arg7[%mul3A_467, %dma_wait3A] : memref<10112x16xf32, #tpu.memory_space<vmem_shared>> -> memref<8x16xf32, #tpu.memory_space<vmem_shared>>
      %dma_wait3A_499 = arith.constant 0 : i32
      %dma_wait3A_500 = tpu.memref_slice %arg7[%mul3A_467, %dma_wait3A_499] : memref<10112x16xf32, #tpu.memory_space<vmem_shared>> -> memref<8x16xf32, #tpu.memory_space<vmem_shared>>
      tpu.wait_dma2 semaphore(%run_scoped3A : memref<!tpu.dma_semaphore, #tpu.memory_space<semaphore_mem>>) src(%arg6 : memref<8x16xf32, #tpu.memory_space<vmem>>) dst(%dma_wait3A_500 : memref<8x16xf32, #tpu.memory_space<vmem_shared>>)
      tpu.yield
    }) : () -> ()
    %mul3A_468 = arith.constant 79 : i32
    %mul3A_469 = arith.muli %arg1, %mul3A_468 : i32
    %add3A_470 = arith.constant 76 : i32
    %add3A_471 = arith.addi %mul3A_469, %add3A_470 : i32
    %mul3A_472 = arith.constant 8 : i32
    %mul3A_473 = arith.muli %add3A_471, %mul3A_472 : i32
    "tpu.region"() ({
      %run_scoped3A = tpu.sem_alloc : memref<!tpu.dma_semaphore, #tpu.memory_space<semaphore_mem>>
      %dma_start3A = arith.constant 0 : i32
      %dma_start3A_495 = tpu.memref_slice %arg7[%mul3A_473, %dma_start3A] : memref<10112x16xf32, #tpu.memory_space<vmem_shared>> -> memref<8x16xf32, #tpu.memory_space<vmem_shared>>
      %dma_start3A_496 = arith.constant 0 : i32
      %dma_start3A_497 = tpu.memref_slice %arg7[%mul3A_473, %dma_start3A_496] : memref<10112x16xf32, #tpu.memory_space<vmem_shared>> -> memref<8x16xf32, #tpu.memory_space<vmem_shared>>
      tpu.enqueue_dma source(%arg6 : memref<8x16xf32, #tpu.memory_space<vmem>>) target(%dma_start3A_497 : memref<8x16xf32, #tpu.memory_space<vmem_shared>>) target_semaphore(%run_scoped3A : memref<!tpu.dma_semaphore, #tpu.memory_space<semaphore_mem>>)
      %dma_wait3A = arith.constant 0 : i32
      %dma_wait3A_498 = tpu.memref_slice %arg7[%mul3A_473, %dma_wait3A] : memref<10112x16xf32, #tpu.memory_space<vmem_shared>> -> memref<8x16xf32, #tpu.memory_space<vmem_shared>>
      %dma_wait3A_499 = arith.constant 0 : i32
      %dma_wait3A_500 = tpu.memref_slice %arg7[%mul3A_473, %dma_wait3A_499] : memref<10112x16xf32, #tpu.memory_space<vmem_shared>> -> memref<8x16xf32, #tpu.memory_space<vmem_shared>>
      tpu.wait_dma2 semaphore(%run_scoped3A : memref<!tpu.dma_semaphore, #tpu.memory_space<semaphore_mem>>) src(%arg6 : memref<8x16xf32, #tpu.memory_space<vmem>>) dst(%dma_wait3A_500 : memref<8x16xf32, #tpu.memory_space<vmem_shared>>)
      tpu.yield
    }) : () -> ()
    %mul3A_474 = arith.constant 79 : i32
    %mul3A_475 = arith.muli %arg1, %mul3A_474 : i32
    %add3A_476 = arith.constant 77 : i32
    %add3A_477 = arith.addi %mul3A_475, %add3A_476 : i32
    %mul3A_478 = arith.constant 8 : i32
    %mul3A_479 = arith.muli %add3A_477, %mul3A_478 : i32
    "tpu.region"() ({
      %run_scoped3A = tpu.sem_alloc : memref<!tpu.dma_semaphore, #tpu.memory_space<semaphore_mem>>
      %dma_start3A = arith.constant 0 : i32
      %dma_start3A_495 = tpu.memref_slice %arg7[%mul3A_479, %dma_start3A] : memref<10112x16xf32, #tpu.memory_space<vmem_shared>> -> memref<8x16xf32, #tpu.memory_space<vmem_shared>>
      %dma_start3A_496 = arith.constant 0 : i32
      %dma_start3A_497 = tpu.memref_slice %arg7[%mul3A_479, %dma_start3A_496] : memref<10112x16xf32, #tpu.memory_space<vmem_shared>> -> memref<8x16xf32, #tpu.memory_space<vmem_shared>>
      tpu.enqueue_dma source(%arg6 : memref<8x16xf32, #tpu.memory_space<vmem>>) target(%dma_start3A_497 : memref<8x16xf32, #tpu.memory_space<vmem_shared>>) target_semaphore(%run_scoped3A : memref<!tpu.dma_semaphore, #tpu.memory_space<semaphore_mem>>)
      %dma_wait3A = arith.constant 0 : i32
      %dma_wait3A_498 = tpu.memref_slice %arg7[%mul3A_479, %dma_wait3A] : memref<10112x16xf32, #tpu.memory_space<vmem_shared>> -> memref<8x16xf32, #tpu.memory_space<vmem_shared>>
      %dma_wait3A_499 = arith.constant 0 : i32
      %dma_wait3A_500 = tpu.memref_slice %arg7[%mul3A_479, %dma_wait3A_499] : memref<10112x16xf32, #tpu.memory_space<vmem_shared>> -> memref<8x16xf32, #tpu.memory_space<vmem_shared>>
      tpu.wait_dma2 semaphore(%run_scoped3A : memref<!tpu.dma_semaphore, #tpu.memory_space<semaphore_mem>>) src(%arg6 : memref<8x16xf32, #tpu.memory_space<vmem>>) dst(%dma_wait3A_500 : memref<8x16xf32, #tpu.memory_space<vmem_shared>>)
      tpu.yield
    }) : () -> ()
    %mul3A_480 = arith.constant 79 : i32
    %mul3A_481 = arith.muli %arg1, %mul3A_480 : i32
    %add3A_482 = arith.constant 78 : i32
    %add3A_483 = arith.addi %mul3A_481, %add3A_482 : i32
    %mul3A_484 = arith.constant 8 : i32
    %mul3A_485 = arith.muli %add3A_483, %mul3A_484 : i32
    "tpu.region"() ({
      %run_scoped3A = tpu.sem_alloc : memref<!tpu.dma_semaphore, #tpu.memory_space<semaphore_mem>>
      %dma_start3A = arith.constant 0 : i32
      %dma_start3A_495 = tpu.memref_slice %arg7[%mul3A_485, %dma_start3A] : memref<10112x16xf32, #tpu.memory_space<vmem_shared>> -> memref<8x16xf32, #tpu.memory_space<vmem_shared>>
      %dma_start3A_496 = arith.constant 0 : i32
      %dma_start3A_497 = tpu.memref_slice %arg7[%mul3A_485, %dma_start3A_496] : memref<10112x16xf32, #tpu.memory_space<vmem_shared>> -> memref<8x16xf32, #tpu.memory_space<vmem_shared>>
      tpu.enqueue_dma source(%arg6 : memref<8x16xf32, #tpu.memory_space<vmem>>) target(%dma_start3A_497 : memref<8x16xf32, #tpu.memory_space<vmem_shared>>) target_semaphore(%run_scoped3A : memref<!tpu.dma_semaphore, #tpu.memory_space<semaphore_mem>>)
      %dma_wait3A = arith.constant 0 : i32
      %dma_wait3A_498 = tpu.memref_slice %arg7[%mul3A_485, %dma_wait3A] : memref<10112x16xf32, #tpu.memory_space<vmem_shared>> -> memref<8x16xf32, #tpu.memory_space<vmem_shared>>
      %dma_wait3A_499 = arith.constant 0 : i32
      %dma_wait3A_500 = tpu.memref_slice %arg7[%mul3A_485, %dma_wait3A_499] : memref<10112x16xf32, #tpu.memory_space<vmem_shared>> -> memref<8x16xf32, #tpu.memory_space<vmem_shared>>
      tpu.wait_dma2 semaphore(%run_scoped3A : memref<!tpu.dma_semaphore, #tpu.memory_space<semaphore_mem>>) src(%arg6 : memref<8x16xf32, #tpu.memory_space<vmem>>) dst(%dma_wait3A_500 : memref<8x16xf32, #tpu.memory_space<vmem_shared>>)
      tpu.yield
    }) : () -> ()
    %barrier3A = arith.constant 0 : index
    tpu.barrier barrier_id(%barrier3A)
    "tpu.region"() ({
      %run_scoped3A = tpu.sem_alloc : memref<!tpu.dma_semaphore, #tpu.memory_space<semaphore_mem>>
      %dma_start3A = arith.constant 0 : i32
      %dma_start3A_495 = arith.constant 0 : i32
      %dma_start3A_496 = tpu.memref_slice %arg2[%arg0, %arg1, %dma_start3A, %dma_start3A_495] : memref<2x16x126x80xi32, #tpu.memory_space<hbm>> -> memref<1x1x126x80xi32, #tpu.memory_space<hbm>>
      %dma_start3A_497 = tpu.memref_squeeze %dma_start3A_496 : memref<1x1x126x80xi32, #tpu.memory_space<hbm>> -> memref<126x80xi32, #tpu.memory_space<hbm>>
      %dma_start3A_498 = arith.constant 0 : i32
      %dma_start3A_499 = arith.constant 0 : i32
      %dma_start3A_500 = tpu.memref_slice %arg2[%arg0, %arg1, %dma_start3A_498, %dma_start3A_499] : memref<2x16x126x80xi32, #tpu.memory_space<hbm>> -> memref<1x1x126x80xi32, #tpu.memory_space<hbm>>
      %dma_start3A_501 = tpu.memref_squeeze %dma_start3A_500 : memref<1x1x126x80xi32, #tpu.memory_space<hbm>> -> memref<126x80xi32, #tpu.memory_space<hbm>>
      tpu.enqueue_dma source(%dma_start3A_501 : memref<126x80xi32, #tpu.memory_space<hbm>>) target(%arg4 : memref<126x80xi32, #tpu.memory_space<vmem>>) target_semaphore(%run_scoped3A : memref<!tpu.dma_semaphore, #tpu.memory_space<semaphore_mem>>)
      %dma_wait3A = arith.constant 0 : i32
      %dma_wait3A_502 = arith.constant 0 : i32
      %dma_wait3A_503 = tpu.memref_slice %arg2[%arg0, %arg1, %dma_wait3A, %dma_wait3A_502] : memref<2x16x126x80xi32, #tpu.memory_space<hbm>> -> memref<1x1x126x80xi32, #tpu.memory_space<hbm>>
      %dma_wait3A_504 = tpu.memref_squeeze %dma_wait3A_503 : memref<1x1x126x80xi32, #tpu.memory_space<hbm>> -> memref<126x80xi32, #tpu.memory_space<hbm>>
      %dma_wait3A_505 = arith.constant 0 : i32
      %dma_wait3A_506 = arith.constant 0 : i32
      %dma_wait3A_507 = tpu.memref_slice %arg2[%arg0, %arg1, %dma_wait3A_505, %dma_wait3A_506] : memref<2x16x126x80xi32, #tpu.memory_space<hbm>> -> memref<1x1x126x80xi32, #tpu.memory_space<hbm>>
      %dma_wait3A_508 = tpu.memref_squeeze %dma_wait3A_507 : memref<1x1x126x80xi32, #tpu.memory_space<hbm>> -> memref<126x80xi32, #tpu.memory_space<hbm>>
      tpu.wait_dma2 semaphore(%run_scoped3A : memref<!tpu.dma_semaphore, #tpu.memory_space<semaphore_mem>>) src(%dma_wait3A_508 : memref<126x80xi32, #tpu.memory_space<hbm>>) dst(%arg4 : memref<126x80xi32, #tpu.memory_space<vmem>>)
      tpu.yield
    }) : () -> ()
    %scan3A_486 = arith.constant 0 : i32
    %scan3A_487 = arith.constant 0 : i32
    %scan3A_488 = arith.constant 126 : i32
    %scan3A_489 = arith.addi %scan3A_487, %scan3A_488 : i32
    %scan3A_490 = arith.constant 1 : i32
    scf.for %scan3A_495 = %scan3A_487 to %scan3A_489 step %scan3A_490  : i32 {
      "tpu.region"() ({
        %run_scoped3A = tpu.sem_alloc : memref<!tpu.dma_semaphore, #tpu.memory_space<semaphore_mem>>
        %dma_start3A = arith.constant 0 : i32
        %dma_start3A_496 = tpu.memref_slice %arg4[%scan3A_495, %dma_start3A] : memref<126x80xi32, #tpu.memory_space<vmem>> -> memref<1x80xi32, #tpu.memory_space<vmem>>
        %dma_start3A_497 = tpu.memref_squeeze %dma_start3A_496 : memref<1x80xi32, #tpu.memory_space<vmem>> -> memref<80xi32, #tpu.memory_space<vmem>>
        %dma_start3A_498 = arith.constant 0 : i32
        %dma_start3A_499 = arith.constant 0 : i32
        %dma_start3A_500 = tpu.memref_slice %arg7[%dma_start3A_498, %dma_start3A_499] : memref<10112x16xf32, #tpu.memory_space<vmem_shared>> -> memref<10112x16xf32, #tpu.memory_space<vmem_shared>>
        tpu.enqueue_indirect_dma source(%arg5 : memref<80x16xf32, #tpu.memory_space<vmem>>) target(%dma_start3A_500 : memref<10112x16xf32, #tpu.memory_space<vmem_shared>>) offsets(%dma_start3A_497 : memref<80xi32, #tpu.memory_space<vmem>>) semaphore(%run_scoped3A : memref<!tpu.dma_semaphore, #tpu.memory_space<semaphore_mem>>) {add = true}
        %dma_wait3A = arith.constant 0 : i32
        %dma_wait3A_501 = tpu.memref_slice %arg4[%scan3A_495, %dma_wait3A] : memref<126x80xi32, #tpu.memory_space<vmem>> -> memref<1x80xi32, #tpu.memory_space<vmem>>
        %dma_wait3A_502 = tpu.memref_squeeze %dma_wait3A_501 : memref<1x80xi32, #tpu.memory_space<vmem>> -> memref<80xi32, #tpu.memory_space<vmem>>
        %dma_wait3A_503 = arith.constant 0 : i32
        %dma_wait3A_504 = arith.constant 0 : i32
        %dma_wait3A_505 = tpu.memref_slice %arg7[%dma_wait3A_503, %dma_wait3A_504] : memref<10112x16xf32, #tpu.memory_space<vmem_shared>> -> memref<10112x16xf32, #tpu.memory_space<vmem_shared>>
        tpu.wait_indirect_dma semaphore(%run_scoped3A : memref<!tpu.dma_semaphore, #tpu.memory_space<semaphore_mem>>) src(%arg5 : memref<80x16xf32, #tpu.memory_space<vmem>>) dst(%dma_wait3A_505 : memref<10112x16xf32, #tpu.memory_space<vmem_shared>>)
        tpu.yield
      }) : () -> ()
    }
    %scan3A_491 = arith.constant 126 : i32
    %barrier3A_492 = arith.constant 0 : index
    tpu.barrier barrier_id(%barrier3A_492)
    %mul3A_493 = arith.constant 632 : i32
    %mul3A_494 = arith.muli %arg1, %mul3A_493 : i32
    "tpu.region"() ({
      %run_scoped3A = tpu.sem_alloc : memref<!tpu.dma_semaphore, #tpu.memory_space<semaphore_mem>>
      %dma_start3A = arith.constant 0 : i32
      %dma_start3A_495 = tpu.memref_slice %arg3[%arg0, %mul3A_494, %dma_start3A] : memref<2x10112x16xf32, #tpu.memory_space<hbm>> -> memref<1x632x16xf32, #tpu.memory_space<hbm>>
      %dma_start3A_496 = tpu.memref_squeeze %dma_start3A_495 : memref<1x632x16xf32, #tpu.memory_space<hbm>> -> memref<632x16xf32, #tpu.memory_space<hbm>>
      %dma_start3A_497 = arith.constant 0 : i32
      %dma_start3A_498 = tpu.memref_slice %arg7[%mul3A_494, %dma_start3A_497] : memref<10112x16xf32, #tpu.memory_space<vmem_shared>> -> memref<632x16xf32, #tpu.memory_space<vmem_shared>>
      tpu.enqueue_dma source(%dma_start3A_498 : memref<632x16xf32, #tpu.memory_space<vmem_shared>>) target(%dma_start3A_496 : memref<632x16xf32, #tpu.memory_space<hbm>>) target_semaphore(%run_scoped3A : memref<!tpu.dma_semaphore, #tpu.memory_space<semaphore_mem>>)
      %dma_wait3A = arith.constant 0 : i32
      %dma_wait3A_499 = tpu.memref_slice %arg3[%arg0, %mul3A_494, %dma_wait3A] : memref<2x10112x16xf32, #tpu.memory_space<hbm>> -> memref<1x632x16xf32, #tpu.memory_space<hbm>>
      %dma_wait3A_500 = tpu.memref_squeeze %dma_wait3A_499 : memref<1x632x16xf32, #tpu.memory_space<hbm>> -> memref<632x16xf32, #tpu.memory_space<hbm>>
      %dma_wait3A_501 = arith.constant 0 : i32
      %dma_wait3A_502 = tpu.memref_slice %arg7[%mul3A_494, %dma_wait3A_501] : memref<10112x16xf32, #tpu.memory_space<vmem_shared>> -> memref<632x16xf32, #tpu.memory_space<vmem_shared>>
      tpu.wait_dma2 semaphore(%run_scoped3A : memref<!tpu.dma_semaphore, #tpu.memory_space<semaphore_mem>>) src(%dma_wait3A_502 : memref<632x16xf32, #tpu.memory_space<vmem_shared>>) dst(%dma_wait3A_500 : memref<632x16xf32, #tpu.memory_space<hbm>>)
      tpu.yield
    }) : () -> ()
    return
  }
}

#map = affine_map<(d0, d1) -> (0, 0)>
#map1 = affine_map<(d0, d1) -> (0, 0, 0, 0)>
module attributes {stable_mosaic.version = 14 : i64} {
  func.func @body(%arg0: i32, %arg1: i32, %arg2: memref<40000x128xf32, #tpu.memory_space<hbm>>, %arg3: memref<2x2x16x10080xi32, #tpu.memory_space<hbm>>, %arg4: memref<2x16x126x80xi32, #tpu.memory_space<hbm>>, %arg5: memref<10112x128xf32, #tpu.memory_space<hbm>>, %arg6: memref<40448x128xf32, #tpu.memory_space<hbm>>, %arg7: memref<10080xi32, #tpu.memory_space<vmem>>, %arg8: memref<126x80xi32, #tpu.memory_space<vmem>>, %arg9: memref<80x128xf32, #tpu.memory_space<vmem>>, %arg10: memref<80x128xf32, #tpu.memory_space<vmem>>, %arg11: memref<10112x128xf32, #tpu.memory_space<vmem_shared>>, %arg12: memref<!tpu.dma_semaphore, #tpu.memory_space<semaphore_mem>>, %arg13: memref<!tpu.dma_semaphore, #tpu.memory_space<semaphore_mem>>) attributes {dimension_semantics = [#tpu.dimension_semantics<core_parallel>, #tpu.dimension_semantics<subcore_parallel>], iteration_bounds = array<i64: 2, 16>, scalar_prefetch = 0 : i64, scratch_operands = 7 : i64, tpu.core_type = #tpu.core_type<sc_vector_subcore>, window_params = [{transform_indices = #map}, {transform_indices = #map1}, {transform_indices = #map1}, {transform_indices = #map}, {transform_indices = #map}]} {
    %mul3A = arith.constant 632 : i32
    %mul3A_0 = arith.muli %arg1, %mul3A : i32
    %mul3A_1 = arith.constant 632 : i32
    %mul3A_2 = arith.muli %arg1, %mul3A_1 : i32
    "tpu.region"() ({
      %run_scoped3A_43 = tpu.sem_alloc : memref<!tpu.dma_semaphore, #tpu.memory_space<semaphore_mem>>
      %dma_start3A = arith.constant 0 : i32
      %dma_start3A_44 = tpu.memref_slice %arg11[%mul3A_2, %dma_start3A] : memref<10112x128xf32, #tpu.memory_space<vmem_shared>> -> memref<632x128xf32, #tpu.memory_space<vmem_shared>>
      %dma_start3A_45 = arith.constant 0 : i32
      %dma_start3A_46 = tpu.memref_slice %arg5[%mul3A_0, %dma_start3A_45] : memref<10112x128xf32, #tpu.memory_space<hbm>> -> memref<632x128xf32, #tpu.memory_space<hbm>>
      tpu.enqueue_dma source(%dma_start3A_46 : memref<632x128xf32, #tpu.memory_space<hbm>>) target(%dma_start3A_44 : memref<632x128xf32, #tpu.memory_space<vmem_shared>>) target_semaphore(%run_scoped3A_43 : memref<!tpu.dma_semaphore, #tpu.memory_space<semaphore_mem>>)
      %dma_wait3A = arith.constant 0 : i32
      %dma_wait3A_47 = tpu.memref_slice %arg11[%mul3A_2, %dma_wait3A] : memref<10112x128xf32, #tpu.memory_space<vmem_shared>> -> memref<632x128xf32, #tpu.memory_space<vmem_shared>>
      %dma_wait3A_48 = arith.constant 0 : i32
      %dma_wait3A_49 = tpu.memref_slice %arg5[%mul3A_0, %dma_wait3A_48] : memref<10112x128xf32, #tpu.memory_space<hbm>> -> memref<632x128xf32, #tpu.memory_space<hbm>>
      tpu.wait_dma2 semaphore(%run_scoped3A_43 : memref<!tpu.dma_semaphore, #tpu.memory_space<semaphore_mem>>) src(%dma_wait3A_49 : memref<632x128xf32, #tpu.memory_space<hbm>>) dst(%dma_wait3A_47 : memref<632x128xf32, #tpu.memory_space<vmem_shared>>)
      tpu.yield
    }) : () -> ()
    %barrier3A = arith.constant 0 : index
    tpu.barrier barrier_id(%barrier3A)
    %run_scoped3A = arith.constant 0 : i32
    "tpu.region"() ({
      %run_scoped3A_43 = tpu.sem_alloc : memref<!tpu.dma_semaphore, #tpu.memory_space<semaphore_mem>>
      %dma_start3A = arith.constant 0 : i32
      %dma_start3A_44 = tpu.memref_slice %arg3[%arg0, %run_scoped3A, %arg1, %dma_start3A] : memref<2x2x16x10080xi32, #tpu.memory_space<hbm>> -> memref<1x1x1x10080xi32, #tpu.memory_space<hbm>>
      %dma_start3A_45 = tpu.memref_squeeze %dma_start3A_44 : memref<1x1x1x10080xi32, #tpu.memory_space<hbm>> -> memref<10080xi32, #tpu.memory_space<hbm>>
      %dma_start3A_46 = arith.constant 0 : i32
      %dma_start3A_47 = tpu.memref_slice %arg3[%arg0, %run_scoped3A, %arg1, %dma_start3A_46] : memref<2x2x16x10080xi32, #tpu.memory_space<hbm>> -> memref<1x1x1x10080xi32, #tpu.memory_space<hbm>>
      %dma_start3A_48 = tpu.memref_squeeze %dma_start3A_47 : memref<1x1x1x10080xi32, #tpu.memory_space<hbm>> -> memref<10080xi32, #tpu.memory_space<hbm>>
      tpu.enqueue_dma source(%dma_start3A_48 : memref<10080xi32, #tpu.memory_space<hbm>>) target(%arg7 : memref<10080xi32, #tpu.memory_space<vmem>>) target_semaphore(%run_scoped3A_43 : memref<!tpu.dma_semaphore, #tpu.memory_space<semaphore_mem>>)
      %dma_wait3A = arith.constant 0 : i32
      %dma_wait3A_49 = tpu.memref_slice %arg3[%arg0, %run_scoped3A, %arg1, %dma_wait3A] : memref<2x2x16x10080xi32, #tpu.memory_space<hbm>> -> memref<1x1x1x10080xi32, #tpu.memory_space<hbm>>
      %dma_wait3A_50 = tpu.memref_squeeze %dma_wait3A_49 : memref<1x1x1x10080xi32, #tpu.memory_space<hbm>> -> memref<10080xi32, #tpu.memory_space<hbm>>
      %dma_wait3A_51 = arith.constant 0 : i32
      %dma_wait3A_52 = tpu.memref_slice %arg3[%arg0, %run_scoped3A, %arg1, %dma_wait3A_51] : memref<2x2x16x10080xi32, #tpu.memory_space<hbm>> -> memref<1x1x1x10080xi32, #tpu.memory_space<hbm>>
      %dma_wait3A_53 = tpu.memref_squeeze %dma_wait3A_52 : memref<1x1x1x10080xi32, #tpu.memory_space<hbm>> -> memref<10080xi32, #tpu.memory_space<hbm>>
      tpu.wait_dma2 semaphore(%run_scoped3A_43 : memref<!tpu.dma_semaphore, #tpu.memory_space<semaphore_mem>>) src(%dma_wait3A_53 : memref<10080xi32, #tpu.memory_space<hbm>>) dst(%arg7 : memref<10080xi32, #tpu.memory_space<vmem>>)
      tpu.yield
    }) : () -> ()
    %run_scoped3A_3 = arith.constant 0 : i32
    "tpu.region"() ({
      %run_scoped3A_43 = tpu.sem_alloc : memref<!tpu.dma_semaphore, #tpu.memory_space<semaphore_mem>>
      %dma_start3A = arith.constant 0 : i32
      %dma_start3A_44 = arith.constant 0 : i32
      %dma_start3A_45 = tpu.memref_slice %arg4[%run_scoped3A_3, %arg1, %dma_start3A, %dma_start3A_44] : memref<2x16x126x80xi32, #tpu.memory_space<hbm>> -> memref<1x1x126x80xi32, #tpu.memory_space<hbm>>
      %dma_start3A_46 = tpu.memref_squeeze %dma_start3A_45 : memref<1x1x126x80xi32, #tpu.memory_space<hbm>> -> memref<126x80xi32, #tpu.memory_space<hbm>>
      %dma_start3A_47 = arith.constant 0 : i32
      %dma_start3A_48 = arith.constant 0 : i32
      %dma_start3A_49 = tpu.memref_slice %arg4[%run_scoped3A_3, %arg1, %dma_start3A_47, %dma_start3A_48] : memref<2x16x126x80xi32, #tpu.memory_space<hbm>> -> memref<1x1x126x80xi32, #tpu.memory_space<hbm>>
      %dma_start3A_50 = tpu.memref_squeeze %dma_start3A_49 : memref<1x1x126x80xi32, #tpu.memory_space<hbm>> -> memref<126x80xi32, #tpu.memory_space<hbm>>
      tpu.enqueue_dma source(%dma_start3A_50 : memref<126x80xi32, #tpu.memory_space<hbm>>) target(%arg8 : memref<126x80xi32, #tpu.memory_space<vmem>>) target_semaphore(%run_scoped3A_43 : memref<!tpu.dma_semaphore, #tpu.memory_space<semaphore_mem>>)
      %dma_wait3A = arith.constant 0 : i32
      %dma_wait3A_51 = arith.constant 0 : i32
      %dma_wait3A_52 = tpu.memref_slice %arg4[%run_scoped3A_3, %arg1, %dma_wait3A, %dma_wait3A_51] : memref<2x16x126x80xi32, #tpu.memory_space<hbm>> -> memref<1x1x126x80xi32, #tpu.memory_space<hbm>>
      %dma_wait3A_53 = tpu.memref_squeeze %dma_wait3A_52 : memref<1x1x126x80xi32, #tpu.memory_space<hbm>> -> memref<126x80xi32, #tpu.memory_space<hbm>>
      %dma_wait3A_54 = arith.constant 0 : i32
      %dma_wait3A_55 = arith.constant 0 : i32
      %dma_wait3A_56 = tpu.memref_slice %arg4[%run_scoped3A_3, %arg1, %dma_wait3A_54, %dma_wait3A_55] : memref<2x16x126x80xi32, #tpu.memory_space<hbm>> -> memref<1x1x126x80xi32, #tpu.memory_space<hbm>>
      %dma_wait3A_57 = tpu.memref_squeeze %dma_wait3A_56 : memref<1x1x126x80xi32, #tpu.memory_space<hbm>> -> memref<126x80xi32, #tpu.memory_space<hbm>>
      tpu.wait_dma2 semaphore(%run_scoped3A_43 : memref<!tpu.dma_semaphore, #tpu.memory_space<semaphore_mem>>) src(%dma_wait3A_57 : memref<126x80xi32, #tpu.memory_space<hbm>>) dst(%arg8 : memref<126x80xi32, #tpu.memory_space<vmem>>)
      tpu.yield
    }) : () -> ()
    %scan3A = arith.constant 0 : i32
    %scan3A_4 = arith.constant 0 : i32
    %scan3A_5 = arith.constant 63 : i32
    %scan3A_6 = arith.addi %scan3A_4, %scan3A_5 : i32
    %scan3A_7 = arith.constant 1 : i32
    scf.for %scan3A_43 = %scan3A_4 to %scan3A_6 step %scan3A_7  : i32 {
      %mul3A_44 = arith.constant 2 : i32
      %mul3A_45 = arith.muli %scan3A_43, %mul3A_44 : i32
      %mul3A_46 = arith.constant 80 : i32
      %mul3A_47 = arith.muli %mul3A_45, %mul3A_46 : i32
      %dma_start3A = tpu.memref_slice %arg7[%mul3A_47] : memref<10080xi32, #tpu.memory_space<vmem>> -> memref<80xi32, #tpu.memory_space<vmem>>
      %dma_start3A_48 = arith.constant 0 : i32
      %dma_start3A_49 = arith.constant 0 : i32
      %dma_start3A_50 = tpu.memref_slice %arg2[%dma_start3A_48, %dma_start3A_49] : memref<40000x128xf32, #tpu.memory_space<hbm>> -> memref<40000x128xf32, #tpu.memory_space<hbm>>
      tpu.enqueue_indirect_dma source(%dma_start3A_50 : memref<40000x128xf32, #tpu.memory_space<hbm>>) target(%arg9 : memref<80x128xf32, #tpu.memory_space<vmem>>) offsets(%dma_start3A : memref<80xi32, #tpu.memory_space<vmem>>) semaphore(%arg12 : memref<!tpu.dma_semaphore, #tpu.memory_space<semaphore_mem>>)
      %add3A_51 = arith.constant 1 : i32
      %add3A_52 = arith.addi %mul3A_45, %add3A_51 : i32
      %mul3A_53 = arith.constant 80 : i32
      %mul3A_54 = arith.muli %add3A_52, %mul3A_53 : i32
      %dma_start3A_55 = tpu.memref_slice %arg7[%mul3A_54] : memref<10080xi32, #tpu.memory_space<vmem>> -> memref<80xi32, #tpu.memory_space<vmem>>
      %dma_start3A_56 = arith.constant 0 : i32
      %dma_start3A_57 = arith.constant 0 : i32
      %dma_start3A_58 = tpu.memref_slice %arg2[%dma_start3A_56, %dma_start3A_57] : memref<40000x128xf32, #tpu.memory_space<hbm>> -> memref<40000x128xf32, #tpu.memory_space<hbm>>
      tpu.enqueue_indirect_dma source(%dma_start3A_58 : memref<40000x128xf32, #tpu.memory_space<hbm>>) target(%arg10 : memref<80x128xf32, #tpu.memory_space<vmem>>) offsets(%dma_start3A_55 : memref<80xi32, #tpu.memory_space<vmem>>) semaphore(%arg13 : memref<!tpu.dma_semaphore, #tpu.memory_space<semaphore_mem>>)
      %dma_wait3A = tpu.memref_slice %arg7[%mul3A_47] : memref<10080xi32, #tpu.memory_space<vmem>> -> memref<80xi32, #tpu.memory_space<vmem>>
      %dma_wait3A_59 = arith.constant 0 : i32
      %dma_wait3A_60 = arith.constant 0 : i32
      %dma_wait3A_61 = tpu.memref_slice %arg2[%dma_wait3A_59, %dma_wait3A_60] : memref<40000x128xf32, #tpu.memory_space<hbm>> -> memref<40000x128xf32, #tpu.memory_space<hbm>>
      tpu.wait_indirect_dma semaphore(%arg12 : memref<!tpu.dma_semaphore, #tpu.memory_space<semaphore_mem>>) src(%dma_wait3A_61 : memref<40000x128xf32, #tpu.memory_space<hbm>>) dst(%arg9 : memref<80x128xf32, #tpu.memory_space<vmem>>)
      "tpu.region"() ({
        %run_scoped3A_68 = tpu.sem_alloc : memref<!tpu.dma_semaphore, #tpu.memory_space<semaphore_mem>>
        %dma_start3A_69 = arith.constant 0 : i32
        %dma_start3A_70 = tpu.memref_slice %arg8[%mul3A_45, %dma_start3A_69] : memref<126x80xi32, #tpu.memory_space<vmem>> -> memref<1x80xi32, #tpu.memory_space<vmem>>
        %dma_start3A_71 = tpu.memref_squeeze %dma_start3A_70 : memref<1x80xi32, #tpu.memory_space<vmem>> -> memref<80xi32, #tpu.memory_space<vmem>>
        %dma_start3A_72 = arith.constant 0 : i32
        %dma_start3A_73 = arith.constant 0 : i32
        %dma_start3A_74 = tpu.memref_slice %arg11[%dma_start3A_72, %dma_start3A_73] : memref<10112x128xf32, #tpu.memory_space<vmem_shared>> -> memref<10112x128xf32, #tpu.memory_space<vmem_shared>>
        tpu.enqueue_indirect_dma source(%arg9 : memref<80x128xf32, #tpu.memory_space<vmem>>) target(%dma_start3A_74 : memref<10112x128xf32, #tpu.memory_space<vmem_shared>>) offsets(%dma_start3A_71 : memref<80xi32, #tpu.memory_space<vmem>>) semaphore(%run_scoped3A_68 : memref<!tpu.dma_semaphore, #tpu.memory_space<semaphore_mem>>) {add = true}
        %dma_wait3A_75 = arith.constant 0 : i32
        %dma_wait3A_76 = tpu.memref_slice %arg8[%mul3A_45, %dma_wait3A_75] : memref<126x80xi32, #tpu.memory_space<vmem>> -> memref<1x80xi32, #tpu.memory_space<vmem>>
        %dma_wait3A_77 = tpu.memref_squeeze %dma_wait3A_76 : memref<1x80xi32, #tpu.memory_space<vmem>> -> memref<80xi32, #tpu.memory_space<vmem>>
        %dma_wait3A_78 = arith.constant 0 : i32
        %dma_wait3A_79 = arith.constant 0 : i32
        %dma_wait3A_80 = tpu.memref_slice %arg11[%dma_wait3A_78, %dma_wait3A_79] : memref<10112x128xf32, #tpu.memory_space<vmem_shared>> -> memref<10112x128xf32, #tpu.memory_space<vmem_shared>>
        tpu.wait_indirect_dma semaphore(%run_scoped3A_68 : memref<!tpu.dma_semaphore, #tpu.memory_space<semaphore_mem>>) src(%arg9 : memref<80x128xf32, #tpu.memory_space<vmem>>) dst(%dma_wait3A_80 : memref<10112x128xf32, #tpu.memory_space<vmem_shared>>)
        tpu.yield
      }) : () -> ()
      %dma_wait3A_62 = tpu.memref_slice %arg7[%mul3A_54] : memref<10080xi32, #tpu.memory_space<vmem>> -> memref<80xi32, #tpu.memory_space<vmem>>
      %dma_wait3A_63 = arith.constant 0 : i32
      %dma_wait3A_64 = arith.constant 0 : i32
      %dma_wait3A_65 = tpu.memref_slice %arg2[%dma_wait3A_63, %dma_wait3A_64] : memref<40000x128xf32, #tpu.memory_space<hbm>> -> memref<40000x128xf32, #tpu.memory_space<hbm>>
      tpu.wait_indirect_dma semaphore(%arg13 : memref<!tpu.dma_semaphore, #tpu.memory_space<semaphore_mem>>) src(%dma_wait3A_65 : memref<40000x128xf32, #tpu.memory_space<hbm>>) dst(%arg10 : memref<80x128xf32, #tpu.memory_space<vmem>>)
      %add3A_66 = arith.constant 1 : i32
      %add3A_67 = arith.addi %mul3A_45, %add3A_66 : i32
      "tpu.region"() ({
        %run_scoped3A_68 = tpu.sem_alloc : memref<!tpu.dma_semaphore, #tpu.memory_space<semaphore_mem>>
        %dma_start3A_69 = arith.constant 0 : i32
        %dma_start3A_70 = tpu.memref_slice %arg8[%add3A_67, %dma_start3A_69] : memref<126x80xi32, #tpu.memory_space<vmem>> -> memref<1x80xi32, #tpu.memory_space<vmem>>
        %dma_start3A_71 = tpu.memref_squeeze %dma_start3A_70 : memref<1x80xi32, #tpu.memory_space<vmem>> -> memref<80xi32, #tpu.memory_space<vmem>>
        %dma_start3A_72 = arith.constant 0 : i32
        %dma_start3A_73 = arith.constant 0 : i32
        %dma_start3A_74 = tpu.memref_slice %arg11[%dma_start3A_72, %dma_start3A_73] : memref<10112x128xf32, #tpu.memory_space<vmem_shared>> -> memref<10112x128xf32, #tpu.memory_space<vmem_shared>>
        tpu.enqueue_indirect_dma source(%arg10 : memref<80x128xf32, #tpu.memory_space<vmem>>) target(%dma_start3A_74 : memref<10112x128xf32, #tpu.memory_space<vmem_shared>>) offsets(%dma_start3A_71 : memref<80xi32, #tpu.memory_space<vmem>>) semaphore(%run_scoped3A_68 : memref<!tpu.dma_semaphore, #tpu.memory_space<semaphore_mem>>) {add = true}
        %dma_wait3A_75 = arith.constant 0 : i32
        %dma_wait3A_76 = tpu.memref_slice %arg8[%add3A_67, %dma_wait3A_75] : memref<126x80xi32, #tpu.memory_space<vmem>> -> memref<1x80xi32, #tpu.memory_space<vmem>>
        %dma_wait3A_77 = tpu.memref_squeeze %dma_wait3A_76 : memref<1x80xi32, #tpu.memory_space<vmem>> -> memref<80xi32, #tpu.memory_space<vmem>>
        %dma_wait3A_78 = arith.constant 0 : i32
        %dma_wait3A_79 = arith.constant 0 : i32
        %dma_wait3A_80 = tpu.memref_slice %arg11[%dma_wait3A_78, %dma_wait3A_79] : memref<10112x128xf32, #tpu.memory_space<vmem_shared>> -> memref<10112x128xf32, #tpu.memory_space<vmem_shared>>
        tpu.wait_indirect_dma semaphore(%run_scoped3A_68 : memref<!tpu.dma_semaphore, #tpu.memory_space<semaphore_mem>>) src(%arg10 : memref<80x128xf32, #tpu.memory_space<vmem>>) dst(%dma_wait3A_80 : memref<10112x128xf32, #tpu.memory_space<vmem_shared>>)
        tpu.yield
      }) : () -> ()
    }
    %scan3A_8 = arith.constant 63 : i32
    %barrier3A_9 = arith.constant 0 : index
    tpu.barrier barrier_id(%barrier3A_9)
    %add3A = arith.constant 0 : i32
    %add3A_10 = arith.addi %add3A, %arg0 : i32
    %mul3A_11 = arith.constant 10112 : i32
    %mul3A_12 = arith.muli %add3A_10, %mul3A_11 : i32
    %mul3A_13 = arith.constant 632 : i32
    %mul3A_14 = arith.muli %arg1, %mul3A_13 : i32
    %add3A_15 = arith.addi %mul3A_12, %mul3A_14 : i32
    %mul3A_16 = arith.constant 632 : i32
    %mul3A_17 = arith.muli %arg1, %mul3A_16 : i32
    "tpu.region"() ({
      %run_scoped3A_43 = tpu.sem_alloc : memref<!tpu.dma_semaphore, #tpu.memory_space<semaphore_mem>>
      %dma_start3A = arith.constant 0 : i32
      %dma_start3A_44 = tpu.memref_slice %arg6[%add3A_15, %dma_start3A] : memref<40448x128xf32, #tpu.memory_space<hbm>> -> memref<632x128xf32, #tpu.memory_space<hbm>>
      %dma_start3A_45 = arith.constant 0 : i32
      %dma_start3A_46 = tpu.memref_slice %arg11[%mul3A_17, %dma_start3A_45] : memref<10112x128xf32, #tpu.memory_space<vmem_shared>> -> memref<632x128xf32, #tpu.memory_space<vmem_shared>>
      tpu.enqueue_dma source(%dma_start3A_46 : memref<632x128xf32, #tpu.memory_space<vmem_shared>>) target(%dma_start3A_44 : memref<632x128xf32, #tpu.memory_space<hbm>>) target_semaphore(%run_scoped3A_43 : memref<!tpu.dma_semaphore, #tpu.memory_space<semaphore_mem>>)
      %dma_wait3A = arith.constant 0 : i32
      %dma_wait3A_47 = tpu.memref_slice %arg6[%add3A_15, %dma_wait3A] : memref<40448x128xf32, #tpu.memory_space<hbm>> -> memref<632x128xf32, #tpu.memory_space<hbm>>
      %dma_wait3A_48 = arith.constant 0 : i32
      %dma_wait3A_49 = tpu.memref_slice %arg11[%mul3A_17, %dma_wait3A_48] : memref<10112x128xf32, #tpu.memory_space<vmem_shared>> -> memref<632x128xf32, #tpu.memory_space<vmem_shared>>
      tpu.wait_dma2 semaphore(%run_scoped3A_43 : memref<!tpu.dma_semaphore, #tpu.memory_space<semaphore_mem>>) src(%dma_wait3A_49 : memref<632x128xf32, #tpu.memory_space<vmem_shared>>) dst(%dma_wait3A_47 : memref<632x128xf32, #tpu.memory_space<hbm>>)
      tpu.yield
    }) : () -> ()
    %barrier3A_18 = arith.constant 0 : index
    tpu.barrier barrier_id(%barrier3A_18)
    %mul3A_19 = arith.constant 632 : i32
    %mul3A_20 = arith.muli %arg1, %mul3A_19 : i32
    %mul3A_21 = arith.constant 632 : i32
    %mul3A_22 = arith.muli %arg1, %mul3A_21 : i32
    "tpu.region"() ({
      %run_scoped3A_43 = tpu.sem_alloc : memref<!tpu.dma_semaphore, #tpu.memory_space<semaphore_mem>>
      %dma_start3A = arith.constant 0 : i32
      %dma_start3A_44 = tpu.memref_slice %arg11[%mul3A_22, %dma_start3A] : memref<10112x128xf32, #tpu.memory_space<vmem_shared>> -> memref<632x128xf32, #tpu.memory_space<vmem_shared>>
      %dma_start3A_45 = arith.constant 0 : i32
      %dma_start3A_46 = tpu.memref_slice %arg5[%mul3A_20, %dma_start3A_45] : memref<10112x128xf32, #tpu.memory_space<hbm>> -> memref<632x128xf32, #tpu.memory_space<hbm>>
      tpu.enqueue_dma source(%dma_start3A_46 : memref<632x128xf32, #tpu.memory_space<hbm>>) target(%dma_start3A_44 : memref<632x128xf32, #tpu.memory_space<vmem_shared>>) target_semaphore(%run_scoped3A_43 : memref<!tpu.dma_semaphore, #tpu.memory_space<semaphore_mem>>)
      %dma_wait3A = arith.constant 0 : i32
      %dma_wait3A_47 = tpu.memref_slice %arg11[%mul3A_22, %dma_wait3A] : memref<10112x128xf32, #tpu.memory_space<vmem_shared>> -> memref<632x128xf32, #tpu.memory_space<vmem_shared>>
      %dma_wait3A_48 = arith.constant 0 : i32
      %dma_wait3A_49 = tpu.memref_slice %arg5[%mul3A_20, %dma_wait3A_48] : memref<10112x128xf32, #tpu.memory_space<hbm>> -> memref<632x128xf32, #tpu.memory_space<hbm>>
      tpu.wait_dma2 semaphore(%run_scoped3A_43 : memref<!tpu.dma_semaphore, #tpu.memory_space<semaphore_mem>>) src(%dma_wait3A_49 : memref<632x128xf32, #tpu.memory_space<hbm>>) dst(%dma_wait3A_47 : memref<632x128xf32, #tpu.memory_space<vmem_shared>>)
      tpu.yield
    }) : () -> ()
    %barrier3A_23 = arith.constant 0 : index
    tpu.barrier barrier_id(%barrier3A_23)
    %run_scoped3A_24 = arith.constant 1 : i32
    "tpu.region"() ({
      %run_scoped3A_43 = tpu.sem_alloc : memref<!tpu.dma_semaphore, #tpu.memory_space<semaphore_mem>>
      %dma_start3A = arith.constant 0 : i32
      %dma_start3A_44 = tpu.memref_slice %arg3[%arg0, %run_scoped3A_24, %arg1, %dma_start3A] : memref<2x2x16x10080xi32, #tpu.memory_space<hbm>> -> memref<1x1x1x10080xi32, #tpu.memory_space<hbm>>
      %dma_start3A_45 = tpu.memref_squeeze %dma_start3A_44 : memref<1x1x1x10080xi32, #tpu.memory_space<hbm>> -> memref<10080xi32, #tpu.memory_space<hbm>>
      %dma_start3A_46 = arith.constant 0 : i32
      %dma_start3A_47 = tpu.memref_slice %arg3[%arg0, %run_scoped3A_24, %arg1, %dma_start3A_46] : memref<2x2x16x10080xi32, #tpu.memory_space<hbm>> -> memref<1x1x1x10080xi32, #tpu.memory_space<hbm>>
      %dma_start3A_48 = tpu.memref_squeeze %dma_start3A_47 : memref<1x1x1x10080xi32, #tpu.memory_space<hbm>> -> memref<10080xi32, #tpu.memory_space<hbm>>
      tpu.enqueue_dma source(%dma_start3A_48 : memref<10080xi32, #tpu.memory_space<hbm>>) target(%arg7 : memref<10080xi32, #tpu.memory_space<vmem>>) target_semaphore(%run_scoped3A_43 : memref<!tpu.dma_semaphore, #tpu.memory_space<semaphore_mem>>)
      %dma_wait3A = arith.constant 0 : i32
      %dma_wait3A_49 = tpu.memref_slice %arg3[%arg0, %run_scoped3A_24, %arg1, %dma_wait3A] : memref<2x2x16x10080xi32, #tpu.memory_space<hbm>> -> memref<1x1x1x10080xi32, #tpu.memory_space<hbm>>
      %dma_wait3A_50 = tpu.memref_squeeze %dma_wait3A_49 : memref<1x1x1x10080xi32, #tpu.memory_space<hbm>> -> memref<10080xi32, #tpu.memory_space<hbm>>
      %dma_wait3A_51 = arith.constant 0 : i32
      %dma_wait3A_52 = tpu.memref_slice %arg3[%arg0, %run_scoped3A_24, %arg1, %dma_wait3A_51] : memref<2x2x16x10080xi32, #tpu.memory_space<hbm>> -> memref<1x1x1x10080xi32, #tpu.memory_space<hbm>>
      %dma_wait3A_53 = tpu.memref_squeeze %dma_wait3A_52 : memref<1x1x1x10080xi32, #tpu.memory_space<hbm>> -> memref<10080xi32, #tpu.memory_space<hbm>>
      tpu.wait_dma2 semaphore(%run_scoped3A_43 : memref<!tpu.dma_semaphore, #tpu.memory_space<semaphore_mem>>) src(%dma_wait3A_53 : memref<10080xi32, #tpu.memory_space<hbm>>) dst(%arg7 : memref<10080xi32, #tpu.memory_space<vmem>>)
      tpu.yield
    }) : () -> ()
    %run_scoped3A_25 = arith.constant 1 : i32
    "tpu.region"() ({
      %run_scoped3A_43 = tpu.sem_alloc : memref<!tpu.dma_semaphore, #tpu.memory_space<semaphore_mem>>
      %dma_start3A = arith.constant 0 : i32
      %dma_start3A_44 = arith.constant 0 : i32
      %dma_start3A_45 = tpu.memref_slice %arg4[%run_scoped3A_25, %arg1, %dma_start3A, %dma_start3A_44] : memref<2x16x126x80xi32, #tpu.memory_space<hbm>> -> memref<1x1x126x80xi32, #tpu.memory_space<hbm>>
      %dma_start3A_46 = tpu.memref_squeeze %dma_start3A_45 : memref<1x1x126x80xi32, #tpu.memory_space<hbm>> -> memref<126x80xi32, #tpu.memory_space<hbm>>
      %dma_start3A_47 = arith.constant 0 : i32
      %dma_start3A_48 = arith.constant 0 : i32
      %dma_start3A_49 = tpu.memref_slice %arg4[%run_scoped3A_25, %arg1, %dma_start3A_47, %dma_start3A_48] : memref<2x16x126x80xi32, #tpu.memory_space<hbm>> -> memref<1x1x126x80xi32, #tpu.memory_space<hbm>>
      %dma_start3A_50 = tpu.memref_squeeze %dma_start3A_49 : memref<1x1x126x80xi32, #tpu.memory_space<hbm>> -> memref<126x80xi32, #tpu.memory_space<hbm>>
      tpu.enqueue_dma source(%dma_start3A_50 : memref<126x80xi32, #tpu.memory_space<hbm>>) target(%arg8 : memref<126x80xi32, #tpu.memory_space<vmem>>) target_semaphore(%run_scoped3A_43 : memref<!tpu.dma_semaphore, #tpu.memory_space<semaphore_mem>>)
      %dma_wait3A = arith.constant 0 : i32
      %dma_wait3A_51 = arith.constant 0 : i32
      %dma_wait3A_52 = tpu.memref_slice %arg4[%run_scoped3A_25, %arg1, %dma_wait3A, %dma_wait3A_51] : memref<2x16x126x80xi32, #tpu.memory_space<hbm>> -> memref<1x1x126x80xi32, #tpu.memory_space<hbm>>
      %dma_wait3A_53 = tpu.memref_squeeze %dma_wait3A_52 : memref<1x1x126x80xi32, #tpu.memory_space<hbm>> -> memref<126x80xi32, #tpu.memory_space<hbm>>
      %dma_wait3A_54 = arith.constant 0 : i32
      %dma_wait3A_55 = arith.constant 0 : i32
      %dma_wait3A_56 = tpu.memref_slice %arg4[%run_scoped3A_25, %arg1, %dma_wait3A_54, %dma_wait3A_55] : memref<2x16x126x80xi32, #tpu.memory_space<hbm>> -> memref<1x1x126x80xi32, #tpu.memory_space<hbm>>
      %dma_wait3A_57 = tpu.memref_squeeze %dma_wait3A_56 : memref<1x1x126x80xi32, #tpu.memory_space<hbm>> -> memref<126x80xi32, #tpu.memory_space<hbm>>
      tpu.wait_dma2 semaphore(%run_scoped3A_43 : memref<!tpu.dma_semaphore, #tpu.memory_space<semaphore_mem>>) src(%dma_wait3A_57 : memref<126x80xi32, #tpu.memory_space<hbm>>) dst(%arg8 : memref<126x80xi32, #tpu.memory_space<vmem>>)
      tpu.yield
    }) : () -> ()
    %scan3A_26 = arith.constant 0 : i32
    %scan3A_27 = arith.constant 0 : i32
    %scan3A_28 = arith.constant 63 : i32
    %scan3A_29 = arith.addi %scan3A_27, %scan3A_28 : i32
    %scan3A_30 = arith.constant 1 : i32
    scf.for %scan3A_43 = %scan3A_27 to %scan3A_29 step %scan3A_30  : i32 {
      %mul3A_44 = arith.constant 2 : i32
      %mul3A_45 = arith.muli %scan3A_43, %mul3A_44 : i32
      %mul3A_46 = arith.constant 80 : i32
      %mul3A_47 = arith.muli %mul3A_45, %mul3A_46 : i32
      %dma_start3A = tpu.memref_slice %arg7[%mul3A_47] : memref<10080xi32, #tpu.memory_space<vmem>> -> memref<80xi32, #tpu.memory_space<vmem>>
      %dma_start3A_48 = arith.constant 0 : i32
      %dma_start3A_49 = arith.constant 0 : i32
      %dma_start3A_50 = tpu.memref_slice %arg2[%dma_start3A_48, %dma_start3A_49] : memref<40000x128xf32, #tpu.memory_space<hbm>> -> memref<40000x128xf32, #tpu.memory_space<hbm>>
      tpu.enqueue_indirect_dma source(%dma_start3A_50 : memref<40000x128xf32, #tpu.memory_space<hbm>>) target(%arg9 : memref<80x128xf32, #tpu.memory_space<vmem>>) offsets(%dma_start3A : memref<80xi32, #tpu.memory_space<vmem>>) semaphore(%arg12 : memref<!tpu.dma_semaphore, #tpu.memory_space<semaphore_mem>>)
      %add3A_51 = arith.constant 1 : i32
      %add3A_52 = arith.addi %mul3A_45, %add3A_51 : i32
      %mul3A_53 = arith.constant 80 : i32
      %mul3A_54 = arith.muli %add3A_52, %mul3A_53 : i32
      %dma_start3A_55 = tpu.memref_slice %arg7[%mul3A_54] : memref<10080xi32, #tpu.memory_space<vmem>> -> memref<80xi32, #tpu.memory_space<vmem>>
      %dma_start3A_56 = arith.constant 0 : i32
      %dma_start3A_57 = arith.constant 0 : i32
      %dma_start3A_58 = tpu.memref_slice %arg2[%dma_start3A_56, %dma_start3A_57] : memref<40000x128xf32, #tpu.memory_space<hbm>> -> memref<40000x128xf32, #tpu.memory_space<hbm>>
      tpu.enqueue_indirect_dma source(%dma_start3A_58 : memref<40000x128xf32, #tpu.memory_space<hbm>>) target(%arg10 : memref<80x128xf32, #tpu.memory_space<vmem>>) offsets(%dma_start3A_55 : memref<80xi32, #tpu.memory_space<vmem>>) semaphore(%arg13 : memref<!tpu.dma_semaphore, #tpu.memory_space<semaphore_mem>>)
      %dma_wait3A = tpu.memref_slice %arg7[%mul3A_47] : memref<10080xi32, #tpu.memory_space<vmem>> -> memref<80xi32, #tpu.memory_space<vmem>>
      %dma_wait3A_59 = arith.constant 0 : i32
      %dma_wait3A_60 = arith.constant 0 : i32
      %dma_wait3A_61 = tpu.memref_slice %arg2[%dma_wait3A_59, %dma_wait3A_60] : memref<40000x128xf32, #tpu.memory_space<hbm>> -> memref<40000x128xf32, #tpu.memory_space<hbm>>
      tpu.wait_indirect_dma semaphore(%arg12 : memref<!tpu.dma_semaphore, #tpu.memory_space<semaphore_mem>>) src(%dma_wait3A_61 : memref<40000x128xf32, #tpu.memory_space<hbm>>) dst(%arg9 : memref<80x128xf32, #tpu.memory_space<vmem>>)
      "tpu.region"() ({
        %run_scoped3A_68 = tpu.sem_alloc : memref<!tpu.dma_semaphore, #tpu.memory_space<semaphore_mem>>
        %dma_start3A_69 = arith.constant 0 : i32
        %dma_start3A_70 = tpu.memref_slice %arg8[%mul3A_45, %dma_start3A_69] : memref<126x80xi32, #tpu.memory_space<vmem>> -> memref<1x80xi32, #tpu.memory_space<vmem>>
        %dma_start3A_71 = tpu.memref_squeeze %dma_start3A_70 : memref<1x80xi32, #tpu.memory_space<vmem>> -> memref<80xi32, #tpu.memory_space<vmem>>
        %dma_start3A_72 = arith.constant 0 : i32
        %dma_start3A_73 = arith.constant 0 : i32
        %dma_start3A_74 = tpu.memref_slice %arg11[%dma_start3A_72, %dma_start3A_73] : memref<10112x128xf32, #tpu.memory_space<vmem_shared>> -> memref<10112x128xf32, #tpu.memory_space<vmem_shared>>
        tpu.enqueue_indirect_dma source(%arg9 : memref<80x128xf32, #tpu.memory_space<vmem>>) target(%dma_start3A_74 : memref<10112x128xf32, #tpu.memory_space<vmem_shared>>) offsets(%dma_start3A_71 : memref<80xi32, #tpu.memory_space<vmem>>) semaphore(%run_scoped3A_68 : memref<!tpu.dma_semaphore, #tpu.memory_space<semaphore_mem>>) {add = true}
        %dma_wait3A_75 = arith.constant 0 : i32
        %dma_wait3A_76 = tpu.memref_slice %arg8[%mul3A_45, %dma_wait3A_75] : memref<126x80xi32, #tpu.memory_space<vmem>> -> memref<1x80xi32, #tpu.memory_space<vmem>>
        %dma_wait3A_77 = tpu.memref_squeeze %dma_wait3A_76 : memref<1x80xi32, #tpu.memory_space<vmem>> -> memref<80xi32, #tpu.memory_space<vmem>>
        %dma_wait3A_78 = arith.constant 0 : i32
        %dma_wait3A_79 = arith.constant 0 : i32
        %dma_wait3A_80 = tpu.memref_slice %arg11[%dma_wait3A_78, %dma_wait3A_79] : memref<10112x128xf32, #tpu.memory_space<vmem_shared>> -> memref<10112x128xf32, #tpu.memory_space<vmem_shared>>
        tpu.wait_indirect_dma semaphore(%run_scoped3A_68 : memref<!tpu.dma_semaphore, #tpu.memory_space<semaphore_mem>>) src(%arg9 : memref<80x128xf32, #tpu.memory_space<vmem>>) dst(%dma_wait3A_80 : memref<10112x128xf32, #tpu.memory_space<vmem_shared>>)
        tpu.yield
      }) : () -> ()
      %dma_wait3A_62 = tpu.memref_slice %arg7[%mul3A_54] : memref<10080xi32, #tpu.memory_space<vmem>> -> memref<80xi32, #tpu.memory_space<vmem>>
      %dma_wait3A_63 = arith.constant 0 : i32
      %dma_wait3A_64 = arith.constant 0 : i32
      %dma_wait3A_65 = tpu.memref_slice %arg2[%dma_wait3A_63, %dma_wait3A_64] : memref<40000x128xf32, #tpu.memory_space<hbm>> -> memref<40000x128xf32, #tpu.memory_space<hbm>>
      tpu.wait_indirect_dma semaphore(%arg13 : memref<!tpu.dma_semaphore, #tpu.memory_space<semaphore_mem>>) src(%dma_wait3A_65 : memref<40000x128xf32, #tpu.memory_space<hbm>>) dst(%arg10 : memref<80x128xf32, #tpu.memory_space<vmem>>)
      %add3A_66 = arith.constant 1 : i32
      %add3A_67 = arith.addi %mul3A_45, %add3A_66 : i32
      "tpu.region"() ({
        %run_scoped3A_68 = tpu.sem_alloc : memref<!tpu.dma_semaphore, #tpu.memory_space<semaphore_mem>>
        %dma_start3A_69 = arith.constant 0 : i32
        %dma_start3A_70 = tpu.memref_slice %arg8[%add3A_67, %dma_start3A_69] : memref<126x80xi32, #tpu.memory_space<vmem>> -> memref<1x80xi32, #tpu.memory_space<vmem>>
        %dma_start3A_71 = tpu.memref_squeeze %dma_start3A_70 : memref<1x80xi32, #tpu.memory_space<vmem>> -> memref<80xi32, #tpu.memory_space<vmem>>
        %dma_start3A_72 = arith.constant 0 : i32
        %dma_start3A_73 = arith.constant 0 : i32
        %dma_start3A_74 = tpu.memref_slice %arg11[%dma_start3A_72, %dma_start3A_73] : memref<10112x128xf32, #tpu.memory_space<vmem_shared>> -> memref<10112x128xf32, #tpu.memory_space<vmem_shared>>
        tpu.enqueue_indirect_dma source(%arg10 : memref<80x128xf32, #tpu.memory_space<vmem>>) target(%dma_start3A_74 : memref<10112x128xf32, #tpu.memory_space<vmem_shared>>) offsets(%dma_start3A_71 : memref<80xi32, #tpu.memory_space<vmem>>) semaphore(%run_scoped3A_68 : memref<!tpu.dma_semaphore, #tpu.memory_space<semaphore_mem>>) {add = true}
        %dma_wait3A_75 = arith.constant 0 : i32
        %dma_wait3A_76 = tpu.memref_slice %arg8[%add3A_67, %dma_wait3A_75] : memref<126x80xi32, #tpu.memory_space<vmem>> -> memref<1x80xi32, #tpu.memory_space<vmem>>
        %dma_wait3A_77 = tpu.memref_squeeze %dma_wait3A_76 : memref<1x80xi32, #tpu.memory_space<vmem>> -> memref<80xi32, #tpu.memory_space<vmem>>
        %dma_wait3A_78 = arith.constant 0 : i32
        %dma_wait3A_79 = arith.constant 0 : i32
        %dma_wait3A_80 = tpu.memref_slice %arg11[%dma_wait3A_78, %dma_wait3A_79] : memref<10112x128xf32, #tpu.memory_space<vmem_shared>> -> memref<10112x128xf32, #tpu.memory_space<vmem_shared>>
        tpu.wait_indirect_dma semaphore(%run_scoped3A_68 : memref<!tpu.dma_semaphore, #tpu.memory_space<semaphore_mem>>) src(%arg10 : memref<80x128xf32, #tpu.memory_space<vmem>>) dst(%dma_wait3A_80 : memref<10112x128xf32, #tpu.memory_space<vmem_shared>>)
        tpu.yield
      }) : () -> ()
    }
    %scan3A_31 = arith.constant 63 : i32
    %barrier3A_32 = arith.constant 0 : index
    tpu.barrier barrier_id(%barrier3A_32)
    %add3A_33 = arith.constant 2 : i32
    %add3A_34 = arith.addi %add3A_33, %arg0 : i32
    %mul3A_35 = arith.constant 10112 : i32
    %mul3A_36 = arith.muli %add3A_34, %mul3A_35 : i32
    %mul3A_37 = arith.constant 632 : i32
    %mul3A_38 = arith.muli %arg1, %mul3A_37 : i32
    %add3A_39 = arith.addi %mul3A_36, %mul3A_38 : i32
    %mul3A_40 = arith.constant 632 : i32
    %mul3A_41 = arith.muli %arg1, %mul3A_40 : i32
    "tpu.region"() ({
      %run_scoped3A_43 = tpu.sem_alloc : memref<!tpu.dma_semaphore, #tpu.memory_space<semaphore_mem>>
      %dma_start3A = arith.constant 0 : i32
      %dma_start3A_44 = tpu.memref_slice %arg6[%add3A_39, %dma_start3A] : memref<40448x128xf32, #tpu.memory_space<hbm>> -> memref<632x128xf32, #tpu.memory_space<hbm>>
      %dma_start3A_45 = arith.constant 0 : i32
      %dma_start3A_46 = tpu.memref_slice %arg11[%mul3A_41, %dma_start3A_45] : memref<10112x128xf32, #tpu.memory_space<vmem_shared>> -> memref<632x128xf32, #tpu.memory_space<vmem_shared>>
      tpu.enqueue_dma source(%dma_start3A_46 : memref<632x128xf32, #tpu.memory_space<vmem_shared>>) target(%dma_start3A_44 : memref<632x128xf32, #tpu.memory_space<hbm>>) target_semaphore(%run_scoped3A_43 : memref<!tpu.dma_semaphore, #tpu.memory_space<semaphore_mem>>)
      %dma_wait3A = arith.constant 0 : i32
      %dma_wait3A_47 = tpu.memref_slice %arg6[%add3A_39, %dma_wait3A] : memref<40448x128xf32, #tpu.memory_space<hbm>> -> memref<632x128xf32, #tpu.memory_space<hbm>>
      %dma_wait3A_48 = arith.constant 0 : i32
      %dma_wait3A_49 = tpu.memref_slice %arg11[%mul3A_41, %dma_wait3A_48] : memref<10112x128xf32, #tpu.memory_space<vmem_shared>> -> memref<632x128xf32, #tpu.memory_space<vmem_shared>>
      tpu.wait_dma2 semaphore(%run_scoped3A_43 : memref<!tpu.dma_semaphore, #tpu.memory_space<semaphore_mem>>) src(%dma_wait3A_49 : memref<632x128xf32, #tpu.memory_space<vmem_shared>>) dst(%dma_wait3A_47 : memref<632x128xf32, #tpu.memory_space<hbm>>)
      tpu.yield
    }) : () -> ()
    %barrier3A_42 = arith.constant 0 : index
    tpu.barrier barrier_id(%barrier3A_42)
    return
  }
}

#map = affine_map<(d0, d1) -> (0, 0)>
#map1 = affine_map<(d0, d1) -> (0, 0, 0, 0)>
module attributes {stable_mosaic.version = 14 : i64} {
  func.func @body(%arg0: i32, %arg1: i32, %arg2: memref<40000x128xf32, #tpu.memory_space<hbm>>, %arg3: memref<2x2x16x10080xi32, #tpu.memory_space<hbm>>, %arg4: memref<2x16x126x80xi32, #tpu.memory_space<hbm>>, %arg5: memref<10112x128xf32, #tpu.memory_space<hbm>>, %arg6: memref<40448x128xf32, #tpu.memory_space<hbm>>, %arg7: memref<10080xi32, #tpu.memory_space<vmem>>, %arg8: memref<126x80xi32, #tpu.memory_space<vmem>>, %arg9: memref<80x128xf32, #tpu.memory_space<vmem>>, %arg10: memref<80x128xf32, #tpu.memory_space<vmem>>, %arg11: memref<10112x128xf32, #tpu.memory_space<vmem_shared>>, %arg12: memref<!tpu.dma_semaphore, #tpu.memory_space<semaphore_mem>>, %arg13: memref<!tpu.dma_semaphore, #tpu.memory_space<semaphore_mem>>) attributes {dimension_semantics = [#tpu.dimension_semantics<core_parallel>, #tpu.dimension_semantics<subcore_parallel>], iteration_bounds = array<i64: 2, 16>, scalar_prefetch = 0 : i64, scratch_operands = 7 : i64, tpu.core_type = #tpu.core_type<sc_vector_subcore>, window_params = [{transform_indices = #map}, {transform_indices = #map1}, {transform_indices = #map1}, {transform_indices = #map}, {transform_indices = #map}]} {
    %mul3A = arith.constant 632 : i32
    %mul3A_0 = arith.muli %arg1, %mul3A : i32
    %mul3A_1 = arith.constant 632 : i32
    %mul3A_2 = arith.muli %arg1, %mul3A_1 : i32
    "tpu.region"() ({
      %run_scoped3A_43 = tpu.sem_alloc : memref<!tpu.dma_semaphore, #tpu.memory_space<semaphore_mem>>
      %dma_start3A = arith.constant 0 : i32
      %dma_start3A_44 = tpu.memref_slice %arg11[%mul3A_2, %dma_start3A] : memref<10112x128xf32, #tpu.memory_space<vmem_shared>> -> memref<632x128xf32, #tpu.memory_space<vmem_shared>>
      %dma_start3A_45 = arith.constant 0 : i32
      %dma_start3A_46 = tpu.memref_slice %arg5[%mul3A_0, %dma_start3A_45] : memref<10112x128xf32, #tpu.memory_space<hbm>> -> memref<632x128xf32, #tpu.memory_space<hbm>>
      tpu.enqueue_dma source(%dma_start3A_46 : memref<632x128xf32, #tpu.memory_space<hbm>>) target(%dma_start3A_44 : memref<632x128xf32, #tpu.memory_space<vmem_shared>>) target_semaphore(%run_scoped3A_43 : memref<!tpu.dma_semaphore, #tpu.memory_space<semaphore_mem>>)
      %dma_wait3A = arith.constant 0 : i32
      %dma_wait3A_47 = tpu.memref_slice %arg11[%mul3A_2, %dma_wait3A] : memref<10112x128xf32, #tpu.memory_space<vmem_shared>> -> memref<632x128xf32, #tpu.memory_space<vmem_shared>>
      %dma_wait3A_48 = arith.constant 0 : i32
      %dma_wait3A_49 = tpu.memref_slice %arg5[%mul3A_0, %dma_wait3A_48] : memref<10112x128xf32, #tpu.memory_space<hbm>> -> memref<632x128xf32, #tpu.memory_space<hbm>>
      tpu.wait_dma2 semaphore(%run_scoped3A_43 : memref<!tpu.dma_semaphore, #tpu.memory_space<semaphore_mem>>) src(%dma_wait3A_49 : memref<632x128xf32, #tpu.memory_space<hbm>>) dst(%dma_wait3A_47 : memref<632x128xf32, #tpu.memory_space<vmem_shared>>)
      tpu.yield
    }) : () -> ()
    %barrier3A = arith.constant 0 : index
    tpu.barrier barrier_id(%barrier3A)
    %run_scoped3A = arith.constant 0 : i32
    "tpu.region"() ({
      %run_scoped3A_43 = tpu.sem_alloc : memref<!tpu.dma_semaphore, #tpu.memory_space<semaphore_mem>>
      %dma_start3A = arith.constant 0 : i32
      %dma_start3A_44 = tpu.memref_slice %arg3[%arg0, %run_scoped3A, %arg1, %dma_start3A] : memref<2x2x16x10080xi32, #tpu.memory_space<hbm>> -> memref<1x1x1x10080xi32, #tpu.memory_space<hbm>>
      %dma_start3A_45 = tpu.memref_squeeze %dma_start3A_44 : memref<1x1x1x10080xi32, #tpu.memory_space<hbm>> -> memref<10080xi32, #tpu.memory_space<hbm>>
      %dma_start3A_46 = arith.constant 0 : i32
      %dma_start3A_47 = tpu.memref_slice %arg3[%arg0, %run_scoped3A, %arg1, %dma_start3A_46] : memref<2x2x16x10080xi32, #tpu.memory_space<hbm>> -> memref<1x1x1x10080xi32, #tpu.memory_space<hbm>>
      %dma_start3A_48 = tpu.memref_squeeze %dma_start3A_47 : memref<1x1x1x10080xi32, #tpu.memory_space<hbm>> -> memref<10080xi32, #tpu.memory_space<hbm>>
      tpu.enqueue_dma source(%dma_start3A_48 : memref<10080xi32, #tpu.memory_space<hbm>>) target(%arg7 : memref<10080xi32, #tpu.memory_space<vmem>>) target_semaphore(%run_scoped3A_43 : memref<!tpu.dma_semaphore, #tpu.memory_space<semaphore_mem>>)
      %dma_wait3A = arith.constant 0 : i32
      %dma_wait3A_49 = tpu.memref_slice %arg3[%arg0, %run_scoped3A, %arg1, %dma_wait3A] : memref<2x2x16x10080xi32, #tpu.memory_space<hbm>> -> memref<1x1x1x10080xi32, #tpu.memory_space<hbm>>
      %dma_wait3A_50 = tpu.memref_squeeze %dma_wait3A_49 : memref<1x1x1x10080xi32, #tpu.memory_space<hbm>> -> memref<10080xi32, #tpu.memory_space<hbm>>
      %dma_wait3A_51 = arith.constant 0 : i32
      %dma_wait3A_52 = tpu.memref_slice %arg3[%arg0, %run_scoped3A, %arg1, %dma_wait3A_51] : memref<2x2x16x10080xi32, #tpu.memory_space<hbm>> -> memref<1x1x1x10080xi32, #tpu.memory_space<hbm>>
      %dma_wait3A_53 = tpu.memref_squeeze %dma_wait3A_52 : memref<1x1x1x10080xi32, #tpu.memory_space<hbm>> -> memref<10080xi32, #tpu.memory_space<hbm>>
      tpu.wait_dma2 semaphore(%run_scoped3A_43 : memref<!tpu.dma_semaphore, #tpu.memory_space<semaphore_mem>>) src(%dma_wait3A_53 : memref<10080xi32, #tpu.memory_space<hbm>>) dst(%arg7 : memref<10080xi32, #tpu.memory_space<vmem>>)
      tpu.yield
    }) : () -> ()
    %run_scoped3A_3 = arith.constant 0 : i32
    "tpu.region"() ({
      %run_scoped3A_43 = tpu.sem_alloc : memref<!tpu.dma_semaphore, #tpu.memory_space<semaphore_mem>>
      %dma_start3A = arith.constant 0 : i32
      %dma_start3A_44 = arith.constant 0 : i32
      %dma_start3A_45 = tpu.memref_slice %arg4[%run_scoped3A_3, %arg1, %dma_start3A, %dma_start3A_44] : memref<2x16x126x80xi32, #tpu.memory_space<hbm>> -> memref<1x1x126x80xi32, #tpu.memory_space<hbm>>
      %dma_start3A_46 = tpu.memref_squeeze %dma_start3A_45 : memref<1x1x126x80xi32, #tpu.memory_space<hbm>> -> memref<126x80xi32, #tpu.memory_space<hbm>>
      %dma_start3A_47 = arith.constant 0 : i32
      %dma_start3A_48 = arith.constant 0 : i32
      %dma_start3A_49 = tpu.memref_slice %arg4[%run_scoped3A_3, %arg1, %dma_start3A_47, %dma_start3A_48] : memref<2x16x126x80xi32, #tpu.memory_space<hbm>> -> memref<1x1x126x80xi32, #tpu.memory_space<hbm>>
      %dma_start3A_50 = tpu.memref_squeeze %dma_start3A_49 : memref<1x1x126x80xi32, #tpu.memory_space<hbm>> -> memref<126x80xi32, #tpu.memory_space<hbm>>
      tpu.enqueue_dma source(%dma_start3A_50 : memref<126x80xi32, #tpu.memory_space<hbm>>) target(%arg8 : memref<126x80xi32, #tpu.memory_space<vmem>>) target_semaphore(%run_scoped3A_43 : memref<!tpu.dma_semaphore, #tpu.memory_space<semaphore_mem>>)
      %dma_wait3A = arith.constant 0 : i32
      %dma_wait3A_51 = arith.constant 0 : i32
      %dma_wait3A_52 = tpu.memref_slice %arg4[%run_scoped3A_3, %arg1, %dma_wait3A, %dma_wait3A_51] : memref<2x16x126x80xi32, #tpu.memory_space<hbm>> -> memref<1x1x126x80xi32, #tpu.memory_space<hbm>>
      %dma_wait3A_53 = tpu.memref_squeeze %dma_wait3A_52 : memref<1x1x126x80xi32, #tpu.memory_space<hbm>> -> memref<126x80xi32, #tpu.memory_space<hbm>>
      %dma_wait3A_54 = arith.constant 0 : i32
      %dma_wait3A_55 = arith.constant 0 : i32
      %dma_wait3A_56 = tpu.memref_slice %arg4[%run_scoped3A_3, %arg1, %dma_wait3A_54, %dma_wait3A_55] : memref<2x16x126x80xi32, #tpu.memory_space<hbm>> -> memref<1x1x126x80xi32, #tpu.memory_space<hbm>>
      %dma_wait3A_57 = tpu.memref_squeeze %dma_wait3A_56 : memref<1x1x126x80xi32, #tpu.memory_space<hbm>> -> memref<126x80xi32, #tpu.memory_space<hbm>>
      tpu.wait_dma2 semaphore(%run_scoped3A_43 : memref<!tpu.dma_semaphore, #tpu.memory_space<semaphore_mem>>) src(%dma_wait3A_57 : memref<126x80xi32, #tpu.memory_space<hbm>>) dst(%arg8 : memref<126x80xi32, #tpu.memory_space<vmem>>)
      tpu.yield
    }) : () -> ()
    %scan3A = arith.constant 0 : i32
    %scan3A_4 = arith.constant 0 : i32
    %scan3A_5 = arith.constant 63 : i32
    %scan3A_6 = arith.addi %scan3A_4, %scan3A_5 : i32
    %scan3A_7 = arith.constant 1 : i32
    scf.for %scan3A_43 = %scan3A_4 to %scan3A_6 step %scan3A_7  : i32 {
      %mul3A_44 = arith.constant 2 : i32
      %mul3A_45 = arith.muli %scan3A_43, %mul3A_44 : i32
      %mul3A_46 = arith.constant 80 : i32
      %mul3A_47 = arith.muli %mul3A_45, %mul3A_46 : i32
      %dma_start3A = tpu.memref_slice %arg7[%mul3A_47] : memref<10080xi32, #tpu.memory_space<vmem>> -> memref<80xi32, #tpu.memory_space<vmem>>
      %dma_start3A_48 = arith.constant 0 : i32
      %dma_start3A_49 = arith.constant 0 : i32
      %dma_start3A_50 = tpu.memref_slice %arg2[%dma_start3A_48, %dma_start3A_49] : memref<40000x128xf32, #tpu.memory_space<hbm>> -> memref<40000x128xf32, #tpu.memory_space<hbm>>
      tpu.enqueue_indirect_dma source(%dma_start3A_50 : memref<40000x128xf32, #tpu.memory_space<hbm>>) target(%arg9 : memref<80x128xf32, #tpu.memory_space<vmem>>) offsets(%dma_start3A : memref<80xi32, #tpu.memory_space<vmem>>) semaphore(%arg12 : memref<!tpu.dma_semaphore, #tpu.memory_space<semaphore_mem>>)
      %add3A_51 = arith.constant 1 : i32
      %add3A_52 = arith.addi %mul3A_45, %add3A_51 : i32
      %mul3A_53 = arith.constant 80 : i32
      %mul3A_54 = arith.muli %add3A_52, %mul3A_53 : i32
      %dma_start3A_55 = tpu.memref_slice %arg7[%mul3A_54] : memref<10080xi32, #tpu.memory_space<vmem>> -> memref<80xi32, #tpu.memory_space<vmem>>
      %dma_start3A_56 = arith.constant 0 : i32
      %dma_start3A_57 = arith.constant 0 : i32
      %dma_start3A_58 = tpu.memref_slice %arg2[%dma_start3A_56, %dma_start3A_57] : memref<40000x128xf32, #tpu.memory_space<hbm>> -> memref<40000x128xf32, #tpu.memory_space<hbm>>
      tpu.enqueue_indirect_dma source(%dma_start3A_58 : memref<40000x128xf32, #tpu.memory_space<hbm>>) target(%arg10 : memref<80x128xf32, #tpu.memory_space<vmem>>) offsets(%dma_start3A_55 : memref<80xi32, #tpu.memory_space<vmem>>) semaphore(%arg13 : memref<!tpu.dma_semaphore, #tpu.memory_space<semaphore_mem>>)
      %dma_wait3A = tpu.memref_slice %arg7[%mul3A_47] : memref<10080xi32, #tpu.memory_space<vmem>> -> memref<80xi32, #tpu.memory_space<vmem>>
      %dma_wait3A_59 = arith.constant 0 : i32
      %dma_wait3A_60 = arith.constant 0 : i32
      %dma_wait3A_61 = tpu.memref_slice %arg2[%dma_wait3A_59, %dma_wait3A_60] : memref<40000x128xf32, #tpu.memory_space<hbm>> -> memref<40000x128xf32, #tpu.memory_space<hbm>>
      tpu.wait_indirect_dma semaphore(%arg12 : memref<!tpu.dma_semaphore, #tpu.memory_space<semaphore_mem>>) src(%dma_wait3A_61 : memref<40000x128xf32, #tpu.memory_space<hbm>>) dst(%arg9 : memref<80x128xf32, #tpu.memory_space<vmem>>)
      "tpu.region"() ({
        %run_scoped3A_68 = tpu.sem_alloc : memref<!tpu.dma_semaphore, #tpu.memory_space<semaphore_mem>>
        %dma_start3A_69 = arith.constant 0 : i32
        %dma_start3A_70 = tpu.memref_slice %arg8[%mul3A_45, %dma_start3A_69] : memref<126x80xi32, #tpu.memory_space<vmem>> -> memref<1x80xi32, #tpu.memory_space<vmem>>
        %dma_start3A_71 = tpu.memref_squeeze %dma_start3A_70 : memref<1x80xi32, #tpu.memory_space<vmem>> -> memref<80xi32, #tpu.memory_space<vmem>>
        %dma_start3A_72 = arith.constant 0 : i32
        %dma_start3A_73 = arith.constant 0 : i32
        %dma_start3A_74 = tpu.memref_slice %arg11[%dma_start3A_72, %dma_start3A_73] : memref<10112x128xf32, #tpu.memory_space<vmem_shared>> -> memref<10112x128xf32, #tpu.memory_space<vmem_shared>>
        tpu.enqueue_indirect_dma source(%arg9 : memref<80x128xf32, #tpu.memory_space<vmem>>) target(%dma_start3A_74 : memref<10112x128xf32, #tpu.memory_space<vmem_shared>>) offsets(%dma_start3A_71 : memref<80xi32, #tpu.memory_space<vmem>>) semaphore(%run_scoped3A_68 : memref<!tpu.dma_semaphore, #tpu.memory_space<semaphore_mem>>) {add = true}
        %dma_wait3A_75 = arith.constant 0 : i32
        %dma_wait3A_76 = tpu.memref_slice %arg8[%mul3A_45, %dma_wait3A_75] : memref<126x80xi32, #tpu.memory_space<vmem>> -> memref<1x80xi32, #tpu.memory_space<vmem>>
        %dma_wait3A_77 = tpu.memref_squeeze %dma_wait3A_76 : memref<1x80xi32, #tpu.memory_space<vmem>> -> memref<80xi32, #tpu.memory_space<vmem>>
        %dma_wait3A_78 = arith.constant 0 : i32
        %dma_wait3A_79 = arith.constant 0 : i32
        %dma_wait3A_80 = tpu.memref_slice %arg11[%dma_wait3A_78, %dma_wait3A_79] : memref<10112x128xf32, #tpu.memory_space<vmem_shared>> -> memref<10112x128xf32, #tpu.memory_space<vmem_shared>>
        tpu.wait_indirect_dma semaphore(%run_scoped3A_68 : memref<!tpu.dma_semaphore, #tpu.memory_space<semaphore_mem>>) src(%arg9 : memref<80x128xf32, #tpu.memory_space<vmem>>) dst(%dma_wait3A_80 : memref<10112x128xf32, #tpu.memory_space<vmem_shared>>)
        tpu.yield
      }) : () -> ()
      %dma_wait3A_62 = tpu.memref_slice %arg7[%mul3A_54] : memref<10080xi32, #tpu.memory_space<vmem>> -> memref<80xi32, #tpu.memory_space<vmem>>
      %dma_wait3A_63 = arith.constant 0 : i32
      %dma_wait3A_64 = arith.constant 0 : i32
      %dma_wait3A_65 = tpu.memref_slice %arg2[%dma_wait3A_63, %dma_wait3A_64] : memref<40000x128xf32, #tpu.memory_space<hbm>> -> memref<40000x128xf32, #tpu.memory_space<hbm>>
      tpu.wait_indirect_dma semaphore(%arg13 : memref<!tpu.dma_semaphore, #tpu.memory_space<semaphore_mem>>) src(%dma_wait3A_65 : memref<40000x128xf32, #tpu.memory_space<hbm>>) dst(%arg10 : memref<80x128xf32, #tpu.memory_space<vmem>>)
      %add3A_66 = arith.constant 1 : i32
      %add3A_67 = arith.addi %mul3A_45, %add3A_66 : i32
      "tpu.region"() ({
        %run_scoped3A_68 = tpu.sem_alloc : memref<!tpu.dma_semaphore, #tpu.memory_space<semaphore_mem>>
        %dma_start3A_69 = arith.constant 0 : i32
        %dma_start3A_70 = tpu.memref_slice %arg8[%add3A_67, %dma_start3A_69] : memref<126x80xi32, #tpu.memory_space<vmem>> -> memref<1x80xi32, #tpu.memory_space<vmem>>
        %dma_start3A_71 = tpu.memref_squeeze %dma_start3A_70 : memref<1x80xi32, #tpu.memory_space<vmem>> -> memref<80xi32, #tpu.memory_space<vmem>>
        %dma_start3A_72 = arith.constant 0 : i32
        %dma_start3A_73 = arith.constant 0 : i32
        %dma_start3A_74 = tpu.memref_slice %arg11[%dma_start3A_72, %dma_start3A_73] : memref<10112x128xf32, #tpu.memory_space<vmem_shared>> -> memref<10112x128xf32, #tpu.memory_space<vmem_shared>>
        tpu.enqueue_indirect_dma source(%arg10 : memref<80x128xf32, #tpu.memory_space<vmem>>) target(%dma_start3A_74 : memref<10112x128xf32, #tpu.memory_space<vmem_shared>>) offsets(%dma_start3A_71 : memref<80xi32, #tpu.memory_space<vmem>>) semaphore(%run_scoped3A_68 : memref<!tpu.dma_semaphore, #tpu.memory_space<semaphore_mem>>) {add = true}
        %dma_wait3A_75 = arith.constant 0 : i32
        %dma_wait3A_76 = tpu.memref_slice %arg8[%add3A_67, %dma_wait3A_75] : memref<126x80xi32, #tpu.memory_space<vmem>> -> memref<1x80xi32, #tpu.memory_space<vmem>>
        %dma_wait3A_77 = tpu.memref_squeeze %dma_wait3A_76 : memref<1x80xi32, #tpu.memory_space<vmem>> -> memref<80xi32, #tpu.memory_space<vmem>>
        %dma_wait3A_78 = arith.constant 0 : i32
        %dma_wait3A_79 = arith.constant 0 : i32
        %dma_wait3A_80 = tpu.memref_slice %arg11[%dma_wait3A_78, %dma_wait3A_79] : memref<10112x128xf32, #tpu.memory_space<vmem_shared>> -> memref<10112x128xf32, #tpu.memory_space<vmem_shared>>
        tpu.wait_indirect_dma semaphore(%run_scoped3A_68 : memref<!tpu.dma_semaphore, #tpu.memory_space<semaphore_mem>>) src(%arg10 : memref<80x128xf32, #tpu.memory_space<vmem>>) dst(%dma_wait3A_80 : memref<10112x128xf32, #tpu.memory_space<vmem_shared>>)
        tpu.yield
      }) : () -> ()
    }
    %scan3A_8 = arith.constant 63 : i32
    %barrier3A_9 = arith.constant 0 : index
    tpu.barrier barrier_id(%barrier3A_9)
    %add3A = arith.constant 0 : i32
    %add3A_10 = arith.addi %add3A, %arg0 : i32
    %mul3A_11 = arith.constant 10112 : i32
    %mul3A_12 = arith.muli %add3A_10, %mul3A_11 : i32
    %mul3A_13 = arith.constant 632 : i32
    %mul3A_14 = arith.muli %arg1, %mul3A_13 : i32
    %add3A_15 = arith.addi %mul3A_12, %mul3A_14 : i32
    %mul3A_16 = arith.constant 632 : i32
    %mul3A_17 = arith.muli %arg1, %mul3A_16 : i32
    "tpu.region"() ({
      %run_scoped3A_43 = tpu.sem_alloc : memref<!tpu.dma_semaphore, #tpu.memory_space<semaphore_mem>>
      %dma_start3A = arith.constant 0 : i32
      %dma_start3A_44 = tpu.memref_slice %arg6[%add3A_15, %dma_start3A] : memref<40448x128xf32, #tpu.memory_space<hbm>> -> memref<632x128xf32, #tpu.memory_space<hbm>>
      %dma_start3A_45 = arith.constant 0 : i32
      %dma_start3A_46 = tpu.memref_slice %arg11[%mul3A_17, %dma_start3A_45] : memref<10112x128xf32, #tpu.memory_space<vmem_shared>> -> memref<632x128xf32, #tpu.memory_space<vmem_shared>>
      tpu.enqueue_dma source(%dma_start3A_46 : memref<632x128xf32, #tpu.memory_space<vmem_shared>>) target(%dma_start3A_44 : memref<632x128xf32, #tpu.memory_space<hbm>>) target_semaphore(%run_scoped3A_43 : memref<!tpu.dma_semaphore, #tpu.memory_space<semaphore_mem>>)
      %dma_wait3A = arith.constant 0 : i32
      %dma_wait3A_47 = tpu.memref_slice %arg6[%add3A_15, %dma_wait3A] : memref<40448x128xf32, #tpu.memory_space<hbm>> -> memref<632x128xf32, #tpu.memory_space<hbm>>
      %dma_wait3A_48 = arith.constant 0 : i32
      %dma_wait3A_49 = tpu.memref_slice %arg11[%mul3A_17, %dma_wait3A_48] : memref<10112x128xf32, #tpu.memory_space<vmem_shared>> -> memref<632x128xf32, #tpu.memory_space<vmem_shared>>
      tpu.wait_dma2 semaphore(%run_scoped3A_43 : memref<!tpu.dma_semaphore, #tpu.memory_space<semaphore_mem>>) src(%dma_wait3A_49 : memref<632x128xf32, #tpu.memory_space<vmem_shared>>) dst(%dma_wait3A_47 : memref<632x128xf32, #tpu.memory_space<hbm>>)
      tpu.yield
    }) : () -> ()
    %barrier3A_18 = arith.constant 0 : index
    tpu.barrier barrier_id(%barrier3A_18)
    %mul3A_19 = arith.constant 632 : i32
    %mul3A_20 = arith.muli %arg1, %mul3A_19 : i32
    %mul3A_21 = arith.constant 632 : i32
    %mul3A_22 = arith.muli %arg1, %mul3A_21 : i32
    "tpu.region"() ({
      %run_scoped3A_43 = tpu.sem_alloc : memref<!tpu.dma_semaphore, #tpu.memory_space<semaphore_mem>>
      %dma_start3A = arith.constant 0 : i32
      %dma_start3A_44 = tpu.memref_slice %arg11[%mul3A_22, %dma_start3A] : memref<10112x128xf32, #tpu.memory_space<vmem_shared>> -> memref<632x128xf32, #tpu.memory_space<vmem_shared>>
      %dma_start3A_45 = arith.constant 0 : i32
      %dma_start3A_46 = tpu.memref_slice %arg5[%mul3A_20, %dma_start3A_45] : memref<10112x128xf32, #tpu.memory_space<hbm>> -> memref<632x128xf32, #tpu.memory_space<hbm>>
      tpu.enqueue_dma source(%dma_start3A_46 : memref<632x128xf32, #tpu.memory_space<hbm>>) target(%dma_start3A_44 : memref<632x128xf32, #tpu.memory_space<vmem_shared>>) target_semaphore(%run_scoped3A_43 : memref<!tpu.dma_semaphore, #tpu.memory_space<semaphore_mem>>)
      %dma_wait3A = arith.constant 0 : i32
      %dma_wait3A_47 = tpu.memref_slice %arg11[%mul3A_22, %dma_wait3A] : memref<10112x128xf32, #tpu.memory_space<vmem_shared>> -> memref<632x128xf32, #tpu.memory_space<vmem_shared>>
      %dma_wait3A_48 = arith.constant 0 : i32
      %dma_wait3A_49 = tpu.memref_slice %arg5[%mul3A_20, %dma_wait3A_48] : memref<10112x128xf32, #tpu.memory_space<hbm>> -> memref<632x128xf32, #tpu.memory_space<hbm>>
      tpu.wait_dma2 semaphore(%run_scoped3A_43 : memref<!tpu.dma_semaphore, #tpu.memory_space<semaphore_mem>>) src(%dma_wait3A_49 : memref<632x128xf32, #tpu.memory_space<hbm>>) dst(%dma_wait3A_47 : memref<632x128xf32, #tpu.memory_space<vmem_shared>>)
      tpu.yield
    }) : () -> ()
    %barrier3A_23 = arith.constant 0 : index
    tpu.barrier barrier_id(%barrier3A_23)
    %run_scoped3A_24 = arith.constant 1 : i32
    "tpu.region"() ({
      %run_scoped3A_43 = tpu.sem_alloc : memref<!tpu.dma_semaphore, #tpu.memory_space<semaphore_mem>>
      %dma_start3A = arith.constant 0 : i32
      %dma_start3A_44 = tpu.memref_slice %arg3[%arg0, %run_scoped3A_24, %arg1, %dma_start3A] : memref<2x2x16x10080xi32, #tpu.memory_space<hbm>> -> memref<1x1x1x10080xi32, #tpu.memory_space<hbm>>
      %dma_start3A_45 = tpu.memref_squeeze %dma_start3A_44 : memref<1x1x1x10080xi32, #tpu.memory_space<hbm>> -> memref<10080xi32, #tpu.memory_space<hbm>>
      %dma_start3A_46 = arith.constant 0 : i32
      %dma_start3A_47 = tpu.memref_slice %arg3[%arg0, %run_scoped3A_24, %arg1, %dma_start3A_46] : memref<2x2x16x10080xi32, #tpu.memory_space<hbm>> -> memref<1x1x1x10080xi32, #tpu.memory_space<hbm>>
      %dma_start3A_48 = tpu.memref_squeeze %dma_start3A_47 : memref<1x1x1x10080xi32, #tpu.memory_space<hbm>> -> memref<10080xi32, #tpu.memory_space<hbm>>
      tpu.enqueue_dma source(%dma_start3A_48 : memref<10080xi32, #tpu.memory_space<hbm>>) target(%arg7 : memref<10080xi32, #tpu.memory_space<vmem>>) target_semaphore(%run_scoped3A_43 : memref<!tpu.dma_semaphore, #tpu.memory_space<semaphore_mem>>)
      %dma_wait3A = arith.constant 0 : i32
      %dma_wait3A_49 = tpu.memref_slice %arg3[%arg0, %run_scoped3A_24, %arg1, %dma_wait3A] : memref<2x2x16x10080xi32, #tpu.memory_space<hbm>> -> memref<1x1x1x10080xi32, #tpu.memory_space<hbm>>
      %dma_wait3A_50 = tpu.memref_squeeze %dma_wait3A_49 : memref<1x1x1x10080xi32, #tpu.memory_space<hbm>> -> memref<10080xi32, #tpu.memory_space<hbm>>
      %dma_wait3A_51 = arith.constant 0 : i32
      %dma_wait3A_52 = tpu.memref_slice %arg3[%arg0, %run_scoped3A_24, %arg1, %dma_wait3A_51] : memref<2x2x16x10080xi32, #tpu.memory_space<hbm>> -> memref<1x1x1x10080xi32, #tpu.memory_space<hbm>>
      %dma_wait3A_53 = tpu.memref_squeeze %dma_wait3A_52 : memref<1x1x1x10080xi32, #tpu.memory_space<hbm>> -> memref<10080xi32, #tpu.memory_space<hbm>>
      tpu.wait_dma2 semaphore(%run_scoped3A_43 : memref<!tpu.dma_semaphore, #tpu.memory_space<semaphore_mem>>) src(%dma_wait3A_53 : memref<10080xi32, #tpu.memory_space<hbm>>) dst(%arg7 : memref<10080xi32, #tpu.memory_space<vmem>>)
      tpu.yield
    }) : () -> ()
    %run_scoped3A_25 = arith.constant 1 : i32
    "tpu.region"() ({
      %run_scoped3A_43 = tpu.sem_alloc : memref<!tpu.dma_semaphore, #tpu.memory_space<semaphore_mem>>
      %dma_start3A = arith.constant 0 : i32
      %dma_start3A_44 = arith.constant 0 : i32
      %dma_start3A_45 = tpu.memref_slice %arg4[%run_scoped3A_25, %arg1, %dma_start3A, %dma_start3A_44] : memref<2x16x126x80xi32, #tpu.memory_space<hbm>> -> memref<1x1x126x80xi32, #tpu.memory_space<hbm>>
      %dma_start3A_46 = tpu.memref_squeeze %dma_start3A_45 : memref<1x1x126x80xi32, #tpu.memory_space<hbm>> -> memref<126x80xi32, #tpu.memory_space<hbm>>
      %dma_start3A_47 = arith.constant 0 : i32
      %dma_start3A_48 = arith.constant 0 : i32
      %dma_start3A_49 = tpu.memref_slice %arg4[%run_scoped3A_25, %arg1, %dma_start3A_47, %dma_start3A_48] : memref<2x16x126x80xi32, #tpu.memory_space<hbm>> -> memref<1x1x126x80xi32, #tpu.memory_space<hbm>>
      %dma_start3A_50 = tpu.memref_squeeze %dma_start3A_49 : memref<1x1x126x80xi32, #tpu.memory_space<hbm>> -> memref<126x80xi32, #tpu.memory_space<hbm>>
      tpu.enqueue_dma source(%dma_start3A_50 : memref<126x80xi32, #tpu.memory_space<hbm>>) target(%arg8 : memref<126x80xi32, #tpu.memory_space<vmem>>) target_semaphore(%run_scoped3A_43 : memref<!tpu.dma_semaphore, #tpu.memory_space<semaphore_mem>>)
      %dma_wait3A = arith.constant 0 : i32
      %dma_wait3A_51 = arith.constant 0 : i32
      %dma_wait3A_52 = tpu.memref_slice %arg4[%run_scoped3A_25, %arg1, %dma_wait3A, %dma_wait3A_51] : memref<2x16x126x80xi32, #tpu.memory_space<hbm>> -> memref<1x1x126x80xi32, #tpu.memory_space<hbm>>
      %dma_wait3A_53 = tpu.memref_squeeze %dma_wait3A_52 : memref<1x1x126x80xi32, #tpu.memory_space<hbm>> -> memref<126x80xi32, #tpu.memory_space<hbm>>
      %dma_wait3A_54 = arith.constant 0 : i32
      %dma_wait3A_55 = arith.constant 0 : i32
      %dma_wait3A_56 = tpu.memref_slice %arg4[%run_scoped3A_25, %arg1, %dma_wait3A_54, %dma_wait3A_55] : memref<2x16x126x80xi32, #tpu.memory_space<hbm>> -> memref<1x1x126x80xi32, #tpu.memory_space<hbm>>
      %dma_wait3A_57 = tpu.memref_squeeze %dma_wait3A_56 : memref<1x1x126x80xi32, #tpu.memory_space<hbm>> -> memref<126x80xi32, #tpu.memory_space<hbm>>
      tpu.wait_dma2 semaphore(%run_scoped3A_43 : memref<!tpu.dma_semaphore, #tpu.memory_space<semaphore_mem>>) src(%dma_wait3A_57 : memref<126x80xi32, #tpu.memory_space<hbm>>) dst(%arg8 : memref<126x80xi32, #tpu.memory_space<vmem>>)
      tpu.yield
    }) : () -> ()
    %scan3A_26 = arith.constant 0 : i32
    %scan3A_27 = arith.constant 0 : i32
    %scan3A_28 = arith.constant 63 : i32
    %scan3A_29 = arith.addi %scan3A_27, %scan3A_28 : i32
    %scan3A_30 = arith.constant 1 : i32
    scf.for %scan3A_43 = %scan3A_27 to %scan3A_29 step %scan3A_30  : i32 {
      %mul3A_44 = arith.constant 2 : i32
      %mul3A_45 = arith.muli %scan3A_43, %mul3A_44 : i32
      %mul3A_46 = arith.constant 80 : i32
      %mul3A_47 = arith.muli %mul3A_45, %mul3A_46 : i32
      %dma_start3A = tpu.memref_slice %arg7[%mul3A_47] : memref<10080xi32, #tpu.memory_space<vmem>> -> memref<80xi32, #tpu.memory_space<vmem>>
      %dma_start3A_48 = arith.constant 0 : i32
      %dma_start3A_49 = arith.constant 0 : i32
      %dma_start3A_50 = tpu.memref_slice %arg2[%dma_start3A_48, %dma_start3A_49] : memref<40000x128xf32, #tpu.memory_space<hbm>> -> memref<40000x128xf32, #tpu.memory_space<hbm>>
      tpu.enqueue_indirect_dma source(%dma_start3A_50 : memref<40000x128xf32, #tpu.memory_space<hbm>>) target(%arg9 : memref<80x128xf32, #tpu.memory_space<vmem>>) offsets(%dma_start3A : memref<80xi32, #tpu.memory_space<vmem>>) semaphore(%arg12 : memref<!tpu.dma_semaphore, #tpu.memory_space<semaphore_mem>>)
      %add3A_51 = arith.constant 1 : i32
      %add3A_52 = arith.addi %mul3A_45, %add3A_51 : i32
      %mul3A_53 = arith.constant 80 : i32
      %mul3A_54 = arith.muli %add3A_52, %mul3A_53 : i32
      %dma_start3A_55 = tpu.memref_slice %arg7[%mul3A_54] : memref<10080xi32, #tpu.memory_space<vmem>> -> memref<80xi32, #tpu.memory_space<vmem>>
      %dma_start3A_56 = arith.constant 0 : i32
      %dma_start3A_57 = arith.constant 0 : i32
      %dma_start3A_58 = tpu.memref_slice %arg2[%dma_start3A_56, %dma_start3A_57] : memref<40000x128xf32, #tpu.memory_space<hbm>> -> memref<40000x128xf32, #tpu.memory_space<hbm>>
      tpu.enqueue_indirect_dma source(%dma_start3A_58 : memref<40000x128xf32, #tpu.memory_space<hbm>>) target(%arg10 : memref<80x128xf32, #tpu.memory_space<vmem>>) offsets(%dma_start3A_55 : memref<80xi32, #tpu.memory_space<vmem>>) semaphore(%arg13 : memref<!tpu.dma_semaphore, #tpu.memory_space<semaphore_mem>>)
      %dma_wait3A = tpu.memref_slice %arg7[%mul3A_47] : memref<10080xi32, #tpu.memory_space<vmem>> -> memref<80xi32, #tpu.memory_space<vmem>>
      %dma_wait3A_59 = arith.constant 0 : i32
      %dma_wait3A_60 = arith.constant 0 : i32
      %dma_wait3A_61 = tpu.memref_slice %arg2[%dma_wait3A_59, %dma_wait3A_60] : memref<40000x128xf32, #tpu.memory_space<hbm>> -> memref<40000x128xf32, #tpu.memory_space<hbm>>
      tpu.wait_indirect_dma semaphore(%arg12 : memref<!tpu.dma_semaphore, #tpu.memory_space<semaphore_mem>>) src(%dma_wait3A_61 : memref<40000x128xf32, #tpu.memory_space<hbm>>) dst(%arg9 : memref<80x128xf32, #tpu.memory_space<vmem>>)
      "tpu.region"() ({
        %run_scoped3A_68 = tpu.sem_alloc : memref<!tpu.dma_semaphore, #tpu.memory_space<semaphore_mem>>
        %dma_start3A_69 = arith.constant 0 : i32
        %dma_start3A_70 = tpu.memref_slice %arg8[%mul3A_45, %dma_start3A_69] : memref<126x80xi32, #tpu.memory_space<vmem>> -> memref<1x80xi32, #tpu.memory_space<vmem>>
        %dma_start3A_71 = tpu.memref_squeeze %dma_start3A_70 : memref<1x80xi32, #tpu.memory_space<vmem>> -> memref<80xi32, #tpu.memory_space<vmem>>
        %dma_start3A_72 = arith.constant 0 : i32
        %dma_start3A_73 = arith.constant 0 : i32
        %dma_start3A_74 = tpu.memref_slice %arg11[%dma_start3A_72, %dma_start3A_73] : memref<10112x128xf32, #tpu.memory_space<vmem_shared>> -> memref<10112x128xf32, #tpu.memory_space<vmem_shared>>
        tpu.enqueue_indirect_dma source(%arg9 : memref<80x128xf32, #tpu.memory_space<vmem>>) target(%dma_start3A_74 : memref<10112x128xf32, #tpu.memory_space<vmem_shared>>) offsets(%dma_start3A_71 : memref<80xi32, #tpu.memory_space<vmem>>) semaphore(%run_scoped3A_68 : memref<!tpu.dma_semaphore, #tpu.memory_space<semaphore_mem>>) {add = true}
        %dma_wait3A_75 = arith.constant 0 : i32
        %dma_wait3A_76 = tpu.memref_slice %arg8[%mul3A_45, %dma_wait3A_75] : memref<126x80xi32, #tpu.memory_space<vmem>> -> memref<1x80xi32, #tpu.memory_space<vmem>>
        %dma_wait3A_77 = tpu.memref_squeeze %dma_wait3A_76 : memref<1x80xi32, #tpu.memory_space<vmem>> -> memref<80xi32, #tpu.memory_space<vmem>>
        %dma_wait3A_78 = arith.constant 0 : i32
        %dma_wait3A_79 = arith.constant 0 : i32
        %dma_wait3A_80 = tpu.memref_slice %arg11[%dma_wait3A_78, %dma_wait3A_79] : memref<10112x128xf32, #tpu.memory_space<vmem_shared>> -> memref<10112x128xf32, #tpu.memory_space<vmem_shared>>
        tpu.wait_indirect_dma semaphore(%run_scoped3A_68 : memref<!tpu.dma_semaphore, #tpu.memory_space<semaphore_mem>>) src(%arg9 : memref<80x128xf32, #tpu.memory_space<vmem>>) dst(%dma_wait3A_80 : memref<10112x128xf32, #tpu.memory_space<vmem_shared>>)
        tpu.yield
      }) : () -> ()
      %dma_wait3A_62 = tpu.memref_slice %arg7[%mul3A_54] : memref<10080xi32, #tpu.memory_space<vmem>> -> memref<80xi32, #tpu.memory_space<vmem>>
      %dma_wait3A_63 = arith.constant 0 : i32
      %dma_wait3A_64 = arith.constant 0 : i32
      %dma_wait3A_65 = tpu.memref_slice %arg2[%dma_wait3A_63, %dma_wait3A_64] : memref<40000x128xf32, #tpu.memory_space<hbm>> -> memref<40000x128xf32, #tpu.memory_space<hbm>>
      tpu.wait_indirect_dma semaphore(%arg13 : memref<!tpu.dma_semaphore, #tpu.memory_space<semaphore_mem>>) src(%dma_wait3A_65 : memref<40000x128xf32, #tpu.memory_space<hbm>>) dst(%arg10 : memref<80x128xf32, #tpu.memory_space<vmem>>)
      %add3A_66 = arith.constant 1 : i32
      %add3A_67 = arith.addi %mul3A_45, %add3A_66 : i32
      "tpu.region"() ({
        %run_scoped3A_68 = tpu.sem_alloc : memref<!tpu.dma_semaphore, #tpu.memory_space<semaphore_mem>>
        %dma_start3A_69 = arith.constant 0 : i32
        %dma_start3A_70 = tpu.memref_slice %arg8[%add3A_67, %dma_start3A_69] : memref<126x80xi32, #tpu.memory_space<vmem>> -> memref<1x80xi32, #tpu.memory_space<vmem>>
        %dma_start3A_71 = tpu.memref_squeeze %dma_start3A_70 : memref<1x80xi32, #tpu.memory_space<vmem>> -> memref<80xi32, #tpu.memory_space<vmem>>
        %dma_start3A_72 = arith.constant 0 : i32
        %dma_start3A_73 = arith.constant 0 : i32
        %dma_start3A_74 = tpu.memref_slice %arg11[%dma_start3A_72, %dma_start3A_73] : memref<10112x128xf32, #tpu.memory_space<vmem_shared>> -> memref<10112x128xf32, #tpu.memory_space<vmem_shared>>
        tpu.enqueue_indirect_dma source(%arg10 : memref<80x128xf32, #tpu.memory_space<vmem>>) target(%dma_start3A_74 : memref<10112x128xf32, #tpu.memory_space<vmem_shared>>) offsets(%dma_start3A_71 : memref<80xi32, #tpu.memory_space<vmem>>) semaphore(%run_scoped3A_68 : memref<!tpu.dma_semaphore, #tpu.memory_space<semaphore_mem>>) {add = true}
        %dma_wait3A_75 = arith.constant 0 : i32
        %dma_wait3A_76 = tpu.memref_slice %arg8[%add3A_67, %dma_wait3A_75] : memref<126x80xi32, #tpu.memory_space<vmem>> -> memref<1x80xi32, #tpu.memory_space<vmem>>
        %dma_wait3A_77 = tpu.memref_squeeze %dma_wait3A_76 : memref<1x80xi32, #tpu.memory_space<vmem>> -> memref<80xi32, #tpu.memory_space<vmem>>
        %dma_wait3A_78 = arith.constant 0 : i32
        %dma_wait3A_79 = arith.constant 0 : i32
        %dma_wait3A_80 = tpu.memref_slice %arg11[%dma_wait3A_78, %dma_wait3A_79] : memref<10112x128xf32, #tpu.memory_space<vmem_shared>> -> memref<10112x128xf32, #tpu.memory_space<vmem_shared>>
        tpu.wait_indirect_dma semaphore(%run_scoped3A_68 : memref<!tpu.dma_semaphore, #tpu.memory_space<semaphore_mem>>) src(%arg10 : memref<80x128xf32, #tpu.memory_space<vmem>>) dst(%dma_wait3A_80 : memref<10112x128xf32, #tpu.memory_space<vmem_shared>>)
        tpu.yield
      }) : () -> ()
    }
    %scan3A_31 = arith.constant 63 : i32
    %barrier3A_32 = arith.constant 0 : index
    tpu.barrier barrier_id(%barrier3A_32)
    %add3A_33 = arith.constant 2 : i32
    %add3A_34 = arith.addi %add3A_33, %arg0 : i32
    %mul3A_35 = arith.constant 10112 : i32
    %mul3A_36 = arith.muli %add3A_34, %mul3A_35 : i32
    %mul3A_37 = arith.constant 632 : i32
    %mul3A_38 = arith.muli %arg1, %mul3A_37 : i32
    %add3A_39 = arith.addi %mul3A_36, %mul3A_38 : i32
    %mul3A_40 = arith.constant 632 : i32
    %mul3A_41 = arith.muli %arg1, %mul3A_40 : i32
    "tpu.region"() ({
      %run_scoped3A_43 = tpu.sem_alloc : memref<!tpu.dma_semaphore, #tpu.memory_space<semaphore_mem>>
      %dma_start3A = arith.constant 0 : i32
      %dma_start3A_44 = tpu.memref_slice %arg6[%add3A_39, %dma_start3A] : memref<40448x128xf32, #tpu.memory_space<hbm>> -> memref<632x128xf32, #tpu.memory_space<hbm>>
      %dma_start3A_45 = arith.constant 0 : i32
      %dma_start3A_46 = tpu.memref_slice %arg11[%mul3A_41, %dma_start3A_45] : memref<10112x128xf32, #tpu.memory_space<vmem_shared>> -> memref<632x128xf32, #tpu.memory_space<vmem_shared>>
      tpu.enqueue_dma source(%dma_start3A_46 : memref<632x128xf32, #tpu.memory_space<vmem_shared>>) target(%dma_start3A_44 : memref<632x128xf32, #tpu.memory_space<hbm>>) target_semaphore(%run_scoped3A_43 : memref<!tpu.dma_semaphore, #tpu.memory_space<semaphore_mem>>)
      %dma_wait3A = arith.constant 0 : i32
      %dma_wait3A_47 = tpu.memref_slice %arg6[%add3A_39, %dma_wait3A] : memref<40448x128xf32, #tpu.memory_space<hbm>> -> memref<632x128xf32, #tpu.memory_space<hbm>>
      %dma_wait3A_48 = arith.constant 0 : i32
      %dma_wait3A_49 = tpu.memref_slice %arg11[%mul3A_41, %dma_wait3A_48] : memref<10112x128xf32, #tpu.memory_space<vmem_shared>> -> memref<632x128xf32, #tpu.memory_space<vmem_shared>>
      tpu.wait_dma2 semaphore(%run_scoped3A_43 : memref<!tpu.dma_semaphore, #tpu.memory_space<semaphore_mem>>) src(%dma_wait3A_49 : memref<632x128xf32, #tpu.memory_space<vmem_shared>>) dst(%dma_wait3A_47 : memref<632x128xf32, #tpu.memory_space<hbm>>)
      tpu.yield
    }) : () -> ()
    %barrier3A_42 = arith.constant 0 : index
    tpu.barrier barrier_id(%barrier3A_42)
    return
  }
}

#map = affine_map<(d0, d1) -> (0, 0)>
#map1 = affine_map<(d0, d1) -> (0, 0, 0, 0)>
module attributes {stable_mosaic.version = 14 : i64} {
  func.func @body(%arg0: i32, %arg1: i32, %arg2: memref<40000x128xf32, #tpu.memory_space<hbm>>, %arg3: memref<2x2x16x10080xi32, #tpu.memory_space<hbm>>, %arg4: memref<2x16x126x80xi32, #tpu.memory_space<hbm>>, %arg5: memref<10112x128xf32, #tpu.memory_space<hbm>>, %arg6: memref<40448x128xf32, #tpu.memory_space<hbm>>, %arg7: memref<10080xi32, #tpu.memory_space<vmem>>, %arg8: memref<126x80xi32, #tpu.memory_space<vmem>>, %arg9: memref<80x128xf32, #tpu.memory_space<vmem>>, %arg10: memref<80x128xf32, #tpu.memory_space<vmem>>, %arg11: memref<10112x128xf32, #tpu.memory_space<vmem_shared>>, %arg12: memref<!tpu.dma_semaphore, #tpu.memory_space<semaphore_mem>>, %arg13: memref<!tpu.dma_semaphore, #tpu.memory_space<semaphore_mem>>) attributes {dimension_semantics = [#tpu.dimension_semantics<core_parallel>, #tpu.dimension_semantics<subcore_parallel>], iteration_bounds = array<i64: 2, 16>, scalar_prefetch = 0 : i64, scratch_operands = 7 : i64, tpu.core_type = #tpu.core_type<sc_vector_subcore>, window_params = [{transform_indices = #map}, {transform_indices = #map1}, {transform_indices = #map1}, {transform_indices = #map}, {transform_indices = #map}]} {
    %mul3A = arith.constant 632 : i32
    %mul3A_0 = arith.muli %arg1, %mul3A : i32
    %mul3A_1 = arith.constant 632 : i32
    %mul3A_2 = arith.muli %arg1, %mul3A_1 : i32
    "tpu.region"() ({
      %run_scoped3A_43 = tpu.sem_alloc : memref<!tpu.dma_semaphore, #tpu.memory_space<semaphore_mem>>
      %dma_start3A = arith.constant 0 : i32
      %dma_start3A_44 = tpu.memref_slice %arg11[%mul3A_2, %dma_start3A] : memref<10112x128xf32, #tpu.memory_space<vmem_shared>> -> memref<632x128xf32, #tpu.memory_space<vmem_shared>>
      %dma_start3A_45 = arith.constant 0 : i32
      %dma_start3A_46 = tpu.memref_slice %arg5[%mul3A_0, %dma_start3A_45] : memref<10112x128xf32, #tpu.memory_space<hbm>> -> memref<632x128xf32, #tpu.memory_space<hbm>>
      tpu.enqueue_dma source(%dma_start3A_46 : memref<632x128xf32, #tpu.memory_space<hbm>>) target(%dma_start3A_44 : memref<632x128xf32, #tpu.memory_space<vmem_shared>>) target_semaphore(%run_scoped3A_43 : memref<!tpu.dma_semaphore, #tpu.memory_space<semaphore_mem>>)
      %dma_wait3A = arith.constant 0 : i32
      %dma_wait3A_47 = tpu.memref_slice %arg11[%mul3A_2, %dma_wait3A] : memref<10112x128xf32, #tpu.memory_space<vmem_shared>> -> memref<632x128xf32, #tpu.memory_space<vmem_shared>>
      %dma_wait3A_48 = arith.constant 0 : i32
      %dma_wait3A_49 = tpu.memref_slice %arg5[%mul3A_0, %dma_wait3A_48] : memref<10112x128xf32, #tpu.memory_space<hbm>> -> memref<632x128xf32, #tpu.memory_space<hbm>>
      tpu.wait_dma2 semaphore(%run_scoped3A_43 : memref<!tpu.dma_semaphore, #tpu.memory_space<semaphore_mem>>) src(%dma_wait3A_49 : memref<632x128xf32, #tpu.memory_space<hbm>>) dst(%dma_wait3A_47 : memref<632x128xf32, #tpu.memory_space<vmem_shared>>)
      tpu.yield
    }) : () -> ()
    %barrier3A = arith.constant 0 : index
    tpu.barrier barrier_id(%barrier3A)
    %run_scoped3A = arith.constant 0 : i32
    "tpu.region"() ({
      %run_scoped3A_43 = tpu.sem_alloc : memref<!tpu.dma_semaphore, #tpu.memory_space<semaphore_mem>>
      %dma_start3A = arith.constant 0 : i32
      %dma_start3A_44 = tpu.memref_slice %arg3[%arg0, %run_scoped3A, %arg1, %dma_start3A] : memref<2x2x16x10080xi32, #tpu.memory_space<hbm>> -> memref<1x1x1x10080xi32, #tpu.memory_space<hbm>>
      %dma_start3A_45 = tpu.memref_squeeze %dma_start3A_44 : memref<1x1x1x10080xi32, #tpu.memory_space<hbm>> -> memref<10080xi32, #tpu.memory_space<hbm>>
      %dma_start3A_46 = arith.constant 0 : i32
      %dma_start3A_47 = tpu.memref_slice %arg3[%arg0, %run_scoped3A, %arg1, %dma_start3A_46] : memref<2x2x16x10080xi32, #tpu.memory_space<hbm>> -> memref<1x1x1x10080xi32, #tpu.memory_space<hbm>>
      %dma_start3A_48 = tpu.memref_squeeze %dma_start3A_47 : memref<1x1x1x10080xi32, #tpu.memory_space<hbm>> -> memref<10080xi32, #tpu.memory_space<hbm>>
      tpu.enqueue_dma source(%dma_start3A_48 : memref<10080xi32, #tpu.memory_space<hbm>>) target(%arg7 : memref<10080xi32, #tpu.memory_space<vmem>>) target_semaphore(%run_scoped3A_43 : memref<!tpu.dma_semaphore, #tpu.memory_space<semaphore_mem>>)
      %dma_wait3A = arith.constant 0 : i32
      %dma_wait3A_49 = tpu.memref_slice %arg3[%arg0, %run_scoped3A, %arg1, %dma_wait3A] : memref<2x2x16x10080xi32, #tpu.memory_space<hbm>> -> memref<1x1x1x10080xi32, #tpu.memory_space<hbm>>
      %dma_wait3A_50 = tpu.memref_squeeze %dma_wait3A_49 : memref<1x1x1x10080xi32, #tpu.memory_space<hbm>> -> memref<10080xi32, #tpu.memory_space<hbm>>
      %dma_wait3A_51 = arith.constant 0 : i32
      %dma_wait3A_52 = tpu.memref_slice %arg3[%arg0, %run_scoped3A, %arg1, %dma_wait3A_51] : memref<2x2x16x10080xi32, #tpu.memory_space<hbm>> -> memref<1x1x1x10080xi32, #tpu.memory_space<hbm>>
      %dma_wait3A_53 = tpu.memref_squeeze %dma_wait3A_52 : memref<1x1x1x10080xi32, #tpu.memory_space<hbm>> -> memref<10080xi32, #tpu.memory_space<hbm>>
      tpu.wait_dma2 semaphore(%run_scoped3A_43 : memref<!tpu.dma_semaphore, #tpu.memory_space<semaphore_mem>>) src(%dma_wait3A_53 : memref<10080xi32, #tpu.memory_space<hbm>>) dst(%arg7 : memref<10080xi32, #tpu.memory_space<vmem>>)
      tpu.yield
    }) : () -> ()
    %run_scoped3A_3 = arith.constant 0 : i32
    "tpu.region"() ({
      %run_scoped3A_43 = tpu.sem_alloc : memref<!tpu.dma_semaphore, #tpu.memory_space<semaphore_mem>>
      %dma_start3A = arith.constant 0 : i32
      %dma_start3A_44 = arith.constant 0 : i32
      %dma_start3A_45 = tpu.memref_slice %arg4[%run_scoped3A_3, %arg1, %dma_start3A, %dma_start3A_44] : memref<2x16x126x80xi32, #tpu.memory_space<hbm>> -> memref<1x1x126x80xi32, #tpu.memory_space<hbm>>
      %dma_start3A_46 = tpu.memref_squeeze %dma_start3A_45 : memref<1x1x126x80xi32, #tpu.memory_space<hbm>> -> memref<126x80xi32, #tpu.memory_space<hbm>>
      %dma_start3A_47 = arith.constant 0 : i32
      %dma_start3A_48 = arith.constant 0 : i32
      %dma_start3A_49 = tpu.memref_slice %arg4[%run_scoped3A_3, %arg1, %dma_start3A_47, %dma_start3A_48] : memref<2x16x126x80xi32, #tpu.memory_space<hbm>> -> memref<1x1x126x80xi32, #tpu.memory_space<hbm>>
      %dma_start3A_50 = tpu.memref_squeeze %dma_start3A_49 : memref<1x1x126x80xi32, #tpu.memory_space<hbm>> -> memref<126x80xi32, #tpu.memory_space<hbm>>
      tpu.enqueue_dma source(%dma_start3A_50 : memref<126x80xi32, #tpu.memory_space<hbm>>) target(%arg8 : memref<126x80xi32, #tpu.memory_space<vmem>>) target_semaphore(%run_scoped3A_43 : memref<!tpu.dma_semaphore, #tpu.memory_space<semaphore_mem>>)
      %dma_wait3A = arith.constant 0 : i32
      %dma_wait3A_51 = arith.constant 0 : i32
      %dma_wait3A_52 = tpu.memref_slice %arg4[%run_scoped3A_3, %arg1, %dma_wait3A, %dma_wait3A_51] : memref<2x16x126x80xi32, #tpu.memory_space<hbm>> -> memref<1x1x126x80xi32, #tpu.memory_space<hbm>>
      %dma_wait3A_53 = tpu.memref_squeeze %dma_wait3A_52 : memref<1x1x126x80xi32, #tpu.memory_space<hbm>> -> memref<126x80xi32, #tpu.memory_space<hbm>>
      %dma_wait3A_54 = arith.constant 0 : i32
      %dma_wait3A_55 = arith.constant 0 : i32
      %dma_wait3A_56 = tpu.memref_slice %arg4[%run_scoped3A_3, %arg1, %dma_wait3A_54, %dma_wait3A_55] : memref<2x16x126x80xi32, #tpu.memory_space<hbm>> -> memref<1x1x126x80xi32, #tpu.memory_space<hbm>>
      %dma_wait3A_57 = tpu.memref_squeeze %dma_wait3A_56 : memref<1x1x126x80xi32, #tpu.memory_space<hbm>> -> memref<126x80xi32, #tpu.memory_space<hbm>>
      tpu.wait_dma2 semaphore(%run_scoped3A_43 : memref<!tpu.dma_semaphore, #tpu.memory_space<semaphore_mem>>) src(%dma_wait3A_57 : memref<126x80xi32, #tpu.memory_space<hbm>>) dst(%arg8 : memref<126x80xi32, #tpu.memory_space<vmem>>)
      tpu.yield
    }) : () -> ()
    %scan3A = arith.constant 0 : i32
    %scan3A_4 = arith.constant 0 : i32
    %scan3A_5 = arith.constant 63 : i32
    %scan3A_6 = arith.addi %scan3A_4, %scan3A_5 : i32
    %scan3A_7 = arith.constant 1 : i32
    scf.for %scan3A_43 = %scan3A_4 to %scan3A_6 step %scan3A_7  : i32 {
      %mul3A_44 = arith.constant 2 : i32
      %mul3A_45 = arith.muli %scan3A_43, %mul3A_44 : i32
      %mul3A_46 = arith.constant 80 : i32
      %mul3A_47 = arith.muli %mul3A_45, %mul3A_46 : i32
      %dma_start3A = tpu.memref_slice %arg7[%mul3A_47] : memref<10080xi32, #tpu.memory_space<vmem>> -> memref<80xi32, #tpu.memory_space<vmem>>
      %dma_start3A_48 = arith.constant 0 : i32
      %dma_start3A_49 = arith.constant 0 : i32
      %dma_start3A_50 = tpu.memref_slice %arg2[%dma_start3A_48, %dma_start3A_49] : memref<40000x128xf32, #tpu.memory_space<hbm>> -> memref<40000x128xf32, #tpu.memory_space<hbm>>
      tpu.enqueue_indirect_dma source(%dma_start3A_50 : memref<40000x128xf32, #tpu.memory_space<hbm>>) target(%arg9 : memref<80x128xf32, #tpu.memory_space<vmem>>) offsets(%dma_start3A : memref<80xi32, #tpu.memory_space<vmem>>) semaphore(%arg12 : memref<!tpu.dma_semaphore, #tpu.memory_space<semaphore_mem>>)
      %add3A_51 = arith.constant 1 : i32
      %add3A_52 = arith.addi %mul3A_45, %add3A_51 : i32
      %mul3A_53 = arith.constant 80 : i32
      %mul3A_54 = arith.muli %add3A_52, %mul3A_53 : i32
      %dma_start3A_55 = tpu.memref_slice %arg7[%mul3A_54] : memref<10080xi32, #tpu.memory_space<vmem>> -> memref<80xi32, #tpu.memory_space<vmem>>
      %dma_start3A_56 = arith.constant 0 : i32
      %dma_start3A_57 = arith.constant 0 : i32
      %dma_start3A_58 = tpu.memref_slice %arg2[%dma_start3A_56, %dma_start3A_57] : memref<40000x128xf32, #tpu.memory_space<hbm>> -> memref<40000x128xf32, #tpu.memory_space<hbm>>
      tpu.enqueue_indirect_dma source(%dma_start3A_58 : memref<40000x128xf32, #tpu.memory_space<hbm>>) target(%arg10 : memref<80x128xf32, #tpu.memory_space<vmem>>) offsets(%dma_start3A_55 : memref<80xi32, #tpu.memory_space<vmem>>) semaphore(%arg13 : memref<!tpu.dma_semaphore, #tpu.memory_space<semaphore_mem>>)
      %dma_wait3A = tpu.memref_slice %arg7[%mul3A_47] : memref<10080xi32, #tpu.memory_space<vmem>> -> memref<80xi32, #tpu.memory_space<vmem>>
      %dma_wait3A_59 = arith.constant 0 : i32
      %dma_wait3A_60 = arith.constant 0 : i32
      %dma_wait3A_61 = tpu.memref_slice %arg2[%dma_wait3A_59, %dma_wait3A_60] : memref<40000x128xf32, #tpu.memory_space<hbm>> -> memref<40000x128xf32, #tpu.memory_space<hbm>>
      tpu.wait_indirect_dma semaphore(%arg12 : memref<!tpu.dma_semaphore, #tpu.memory_space<semaphore_mem>>) src(%dma_wait3A_61 : memref<40000x128xf32, #tpu.memory_space<hbm>>) dst(%arg9 : memref<80x128xf32, #tpu.memory_space<vmem>>)
      "tpu.region"() ({
        %run_scoped3A_68 = tpu.sem_alloc : memref<!tpu.dma_semaphore, #tpu.memory_space<semaphore_mem>>
        %dma_start3A_69 = arith.constant 0 : i32
        %dma_start3A_70 = tpu.memref_slice %arg8[%mul3A_45, %dma_start3A_69] : memref<126x80xi32, #tpu.memory_space<vmem>> -> memref<1x80xi32, #tpu.memory_space<vmem>>
        %dma_start3A_71 = tpu.memref_squeeze %dma_start3A_70 : memref<1x80xi32, #tpu.memory_space<vmem>> -> memref<80xi32, #tpu.memory_space<vmem>>
        %dma_start3A_72 = arith.constant 0 : i32
        %dma_start3A_73 = arith.constant 0 : i32
        %dma_start3A_74 = tpu.memref_slice %arg11[%dma_start3A_72, %dma_start3A_73] : memref<10112x128xf32, #tpu.memory_space<vmem_shared>> -> memref<10112x128xf32, #tpu.memory_space<vmem_shared>>
        tpu.enqueue_indirect_dma source(%arg9 : memref<80x128xf32, #tpu.memory_space<vmem>>) target(%dma_start3A_74 : memref<10112x128xf32, #tpu.memory_space<vmem_shared>>) offsets(%dma_start3A_71 : memref<80xi32, #tpu.memory_space<vmem>>) semaphore(%run_scoped3A_68 : memref<!tpu.dma_semaphore, #tpu.memory_space<semaphore_mem>>) {add = true}
        %dma_wait3A_75 = arith.constant 0 : i32
        %dma_wait3A_76 = tpu.memref_slice %arg8[%mul3A_45, %dma_wait3A_75] : memref<126x80xi32, #tpu.memory_space<vmem>> -> memref<1x80xi32, #tpu.memory_space<vmem>>
        %dma_wait3A_77 = tpu.memref_squeeze %dma_wait3A_76 : memref<1x80xi32, #tpu.memory_space<vmem>> -> memref<80xi32, #tpu.memory_space<vmem>>
        %dma_wait3A_78 = arith.constant 0 : i32
        %dma_wait3A_79 = arith.constant 0 : i32
        %dma_wait3A_80 = tpu.memref_slice %arg11[%dma_wait3A_78, %dma_wait3A_79] : memref<10112x128xf32, #tpu.memory_space<vmem_shared>> -> memref<10112x128xf32, #tpu.memory_space<vmem_shared>>
        tpu.wait_indirect_dma semaphore(%run_scoped3A_68 : memref<!tpu.dma_semaphore, #tpu.memory_space<semaphore_mem>>) src(%arg9 : memref<80x128xf32, #tpu.memory_space<vmem>>) dst(%dma_wait3A_80 : memref<10112x128xf32, #tpu.memory_space<vmem_shared>>)
        tpu.yield
      }) : () -> ()
      %dma_wait3A_62 = tpu.memref_slice %arg7[%mul3A_54] : memref<10080xi32, #tpu.memory_space<vmem>> -> memref<80xi32, #tpu.memory_space<vmem>>
      %dma_wait3A_63 = arith.constant 0 : i32
      %dma_wait3A_64 = arith.constant 0 : i32
      %dma_wait3A_65 = tpu.memref_slice %arg2[%dma_wait3A_63, %dma_wait3A_64] : memref<40000x128xf32, #tpu.memory_space<hbm>> -> memref<40000x128xf32, #tpu.memory_space<hbm>>
      tpu.wait_indirect_dma semaphore(%arg13 : memref<!tpu.dma_semaphore, #tpu.memory_space<semaphore_mem>>) src(%dma_wait3A_65 : memref<40000x128xf32, #tpu.memory_space<hbm>>) dst(%arg10 : memref<80x128xf32, #tpu.memory_space<vmem>>)
      %add3A_66 = arith.constant 1 : i32
      %add3A_67 = arith.addi %mul3A_45, %add3A_66 : i32
      "tpu.region"() ({
        %run_scoped3A_68 = tpu.sem_alloc : memref<!tpu.dma_semaphore, #tpu.memory_space<semaphore_mem>>
        %dma_start3A_69 = arith.constant 0 : i32
        %dma_start3A_70 = tpu.memref_slice %arg8[%add3A_67, %dma_start3A_69] : memref<126x80xi32, #tpu.memory_space<vmem>> -> memref<1x80xi32, #tpu.memory_space<vmem>>
        %dma_start3A_71 = tpu.memref_squeeze %dma_start3A_70 : memref<1x80xi32, #tpu.memory_space<vmem>> -> memref<80xi32, #tpu.memory_space<vmem>>
        %dma_start3A_72 = arith.constant 0 : i32
        %dma_start3A_73 = arith.constant 0 : i32
        %dma_start3A_74 = tpu.memref_slice %arg11[%dma_start3A_72, %dma_start3A_73] : memref<10112x128xf32, #tpu.memory_space<vmem_shared>> -> memref<10112x128xf32, #tpu.memory_space<vmem_shared>>
        tpu.enqueue_indirect_dma source(%arg10 : memref<80x128xf32, #tpu.memory_space<vmem>>) target(%dma_start3A_74 : memref<10112x128xf32, #tpu.memory_space<vmem_shared>>) offsets(%dma_start3A_71 : memref<80xi32, #tpu.memory_space<vmem>>) semaphore(%run_scoped3A_68 : memref<!tpu.dma_semaphore, #tpu.memory_space<semaphore_mem>>) {add = true}
        %dma_wait3A_75 = arith.constant 0 : i32
        %dma_wait3A_76 = tpu.memref_slice %arg8[%add3A_67, %dma_wait3A_75] : memref<126x80xi32, #tpu.memory_space<vmem>> -> memref<1x80xi32, #tpu.memory_space<vmem>>
        %dma_wait3A_77 = tpu.memref_squeeze %dma_wait3A_76 : memref<1x80xi32, #tpu.memory_space<vmem>> -> memref<80xi32, #tpu.memory_space<vmem>>
        %dma_wait3A_78 = arith.constant 0 : i32
        %dma_wait3A_79 = arith.constant 0 : i32
        %dma_wait3A_80 = tpu.memref_slice %arg11[%dma_wait3A_78, %dma_wait3A_79] : memref<10112x128xf32, #tpu.memory_space<vmem_shared>> -> memref<10112x128xf32, #tpu.memory_space<vmem_shared>>
        tpu.wait_indirect_dma semaphore(%run_scoped3A_68 : memref<!tpu.dma_semaphore, #tpu.memory_space<semaphore_mem>>) src(%arg10 : memref<80x128xf32, #tpu.memory_space<vmem>>) dst(%dma_wait3A_80 : memref<10112x128xf32, #tpu.memory_space<vmem_shared>>)
        tpu.yield
      }) : () -> ()
    }
    %scan3A_8 = arith.constant 63 : i32
    %barrier3A_9 = arith.constant 0 : index
    tpu.barrier barrier_id(%barrier3A_9)
    %add3A = arith.constant 0 : i32
    %add3A_10 = arith.addi %add3A, %arg0 : i32
    %mul3A_11 = arith.constant 10112 : i32
    %mul3A_12 = arith.muli %add3A_10, %mul3A_11 : i32
    %mul3A_13 = arith.constant 632 : i32
    %mul3A_14 = arith.muli %arg1, %mul3A_13 : i32
    %add3A_15 = arith.addi %mul3A_12, %mul3A_14 : i32
    %mul3A_16 = arith.constant 632 : i32
    %mul3A_17 = arith.muli %arg1, %mul3A_16 : i32
    "tpu.region"() ({
      %run_scoped3A_43 = tpu.sem_alloc : memref<!tpu.dma_semaphore, #tpu.memory_space<semaphore_mem>>
      %dma_start3A = arith.constant 0 : i32
      %dma_start3A_44 = tpu.memref_slice %arg6[%add3A_15, %dma_start3A] : memref<40448x128xf32, #tpu.memory_space<hbm>> -> memref<632x128xf32, #tpu.memory_space<hbm>>
      %dma_start3A_45 = arith.constant 0 : i32
      %dma_start3A_46 = tpu.memref_slice %arg11[%mul3A_17, %dma_start3A_45] : memref<10112x128xf32, #tpu.memory_space<vmem_shared>> -> memref<632x128xf32, #tpu.memory_space<vmem_shared>>
      tpu.enqueue_dma source(%dma_start3A_46 : memref<632x128xf32, #tpu.memory_space<vmem_shared>>) target(%dma_start3A_44 : memref<632x128xf32, #tpu.memory_space<hbm>>) target_semaphore(%run_scoped3A_43 : memref<!tpu.dma_semaphore, #tpu.memory_space<semaphore_mem>>)
      %dma_wait3A = arith.constant 0 : i32
      %dma_wait3A_47 = tpu.memref_slice %arg6[%add3A_15, %dma_wait3A] : memref<40448x128xf32, #tpu.memory_space<hbm>> -> memref<632x128xf32, #tpu.memory_space<hbm>>
      %dma_wait3A_48 = arith.constant 0 : i32
      %dma_wait3A_49 = tpu.memref_slice %arg11[%mul3A_17, %dma_wait3A_48] : memref<10112x128xf32, #tpu.memory_space<vmem_shared>> -> memref<632x128xf32, #tpu.memory_space<vmem_shared>>
      tpu.wait_dma2 semaphore(%run_scoped3A_43 : memref<!tpu.dma_semaphore, #tpu.memory_space<semaphore_mem>>) src(%dma_wait3A_49 : memref<632x128xf32, #tpu.memory_space<vmem_shared>>) dst(%dma_wait3A_47 : memref<632x128xf32, #tpu.memory_space<hbm>>)
      tpu.yield
    }) : () -> ()
    %barrier3A_18 = arith.constant 0 : index
    tpu.barrier barrier_id(%barrier3A_18)
    %mul3A_19 = arith.constant 632 : i32
    %mul3A_20 = arith.muli %arg1, %mul3A_19 : i32
    %mul3A_21 = arith.constant 632 : i32
    %mul3A_22 = arith.muli %arg1, %mul3A_21 : i32
    "tpu.region"() ({
      %run_scoped3A_43 = tpu.sem_alloc : memref<!tpu.dma_semaphore, #tpu.memory_space<semaphore_mem>>
      %dma_start3A = arith.constant 0 : i32
      %dma_start3A_44 = tpu.memref_slice %arg11[%mul3A_22, %dma_start3A] : memref<10112x128xf32, #tpu.memory_space<vmem_shared>> -> memref<632x128xf32, #tpu.memory_space<vmem_shared>>
      %dma_start3A_45 = arith.constant 0 : i32
      %dma_start3A_46 = tpu.memref_slice %arg5[%mul3A_20, %dma_start3A_45] : memref<10112x128xf32, #tpu.memory_space<hbm>> -> memref<632x128xf32, #tpu.memory_space<hbm>>
      tpu.enqueue_dma source(%dma_start3A_46 : memref<632x128xf32, #tpu.memory_space<hbm>>) target(%dma_start3A_44 : memref<632x128xf32, #tpu.memory_space<vmem_shared>>) target_semaphore(%run_scoped3A_43 : memref<!tpu.dma_semaphore, #tpu.memory_space<semaphore_mem>>)
      %dma_wait3A = arith.constant 0 : i32
      %dma_wait3A_47 = tpu.memref_slice %arg11[%mul3A_22, %dma_wait3A] : memref<10112x128xf32, #tpu.memory_space<vmem_shared>> -> memref<632x128xf32, #tpu.memory_space<vmem_shared>>
      %dma_wait3A_48 = arith.constant 0 : i32
      %dma_wait3A_49 = tpu.memref_slice %arg5[%mul3A_20, %dma_wait3A_48] : memref<10112x128xf32, #tpu.memory_space<hbm>> -> memref<632x128xf32, #tpu.memory_space<hbm>>
      tpu.wait_dma2 semaphore(%run_scoped3A_43 : memref<!tpu.dma_semaphore, #tpu.memory_space<semaphore_mem>>) src(%dma_wait3A_49 : memref<632x128xf32, #tpu.memory_space<hbm>>) dst(%dma_wait3A_47 : memref<632x128xf32, #tpu.memory_space<vmem_shared>>)
      tpu.yield
    }) : () -> ()
    %barrier3A_23 = arith.constant 0 : index
    tpu.barrier barrier_id(%barrier3A_23)
    %run_scoped3A_24 = arith.constant 1 : i32
    "tpu.region"() ({
      %run_scoped3A_43 = tpu.sem_alloc : memref<!tpu.dma_semaphore, #tpu.memory_space<semaphore_mem>>
      %dma_start3A = arith.constant 0 : i32
      %dma_start3A_44 = tpu.memref_slice %arg3[%arg0, %run_scoped3A_24, %arg1, %dma_start3A] : memref<2x2x16x10080xi32, #tpu.memory_space<hbm>> -> memref<1x1x1x10080xi32, #tpu.memory_space<hbm>>
      %dma_start3A_45 = tpu.memref_squeeze %dma_start3A_44 : memref<1x1x1x10080xi32, #tpu.memory_space<hbm>> -> memref<10080xi32, #tpu.memory_space<hbm>>
      %dma_start3A_46 = arith.constant 0 : i32
      %dma_start3A_47 = tpu.memref_slice %arg3[%arg0, %run_scoped3A_24, %arg1, %dma_start3A_46] : memref<2x2x16x10080xi32, #tpu.memory_space<hbm>> -> memref<1x1x1x10080xi32, #tpu.memory_space<hbm>>
      %dma_start3A_48 = tpu.memref_squeeze %dma_start3A_47 : memref<1x1x1x10080xi32, #tpu.memory_space<hbm>> -> memref<10080xi32, #tpu.memory_space<hbm>>
      tpu.enqueue_dma source(%dma_start3A_48 : memref<10080xi32, #tpu.memory_space<hbm>>) target(%arg7 : memref<10080xi32, #tpu.memory_space<vmem>>) target_semaphore(%run_scoped3A_43 : memref<!tpu.dma_semaphore, #tpu.memory_space<semaphore_mem>>)
      %dma_wait3A = arith.constant 0 : i32
      %dma_wait3A_49 = tpu.memref_slice %arg3[%arg0, %run_scoped3A_24, %arg1, %dma_wait3A] : memref<2x2x16x10080xi32, #tpu.memory_space<hbm>> -> memref<1x1x1x10080xi32, #tpu.memory_space<hbm>>
      %dma_wait3A_50 = tpu.memref_squeeze %dma_wait3A_49 : memref<1x1x1x10080xi32, #tpu.memory_space<hbm>> -> memref<10080xi32, #tpu.memory_space<hbm>>
      %dma_wait3A_51 = arith.constant 0 : i32
      %dma_wait3A_52 = tpu.memref_slice %arg3[%arg0, %run_scoped3A_24, %arg1, %dma_wait3A_51] : memref<2x2x16x10080xi32, #tpu.memory_space<hbm>> -> memref<1x1x1x10080xi32, #tpu.memory_space<hbm>>
      %dma_wait3A_53 = tpu.memref_squeeze %dma_wait3A_52 : memref<1x1x1x10080xi32, #tpu.memory_space<hbm>> -> memref<10080xi32, #tpu.memory_space<hbm>>
      tpu.wait_dma2 semaphore(%run_scoped3A_43 : memref<!tpu.dma_semaphore, #tpu.memory_space<semaphore_mem>>) src(%dma_wait3A_53 : memref<10080xi32, #tpu.memory_space<hbm>>) dst(%arg7 : memref<10080xi32, #tpu.memory_space<vmem>>)
      tpu.yield
    }) : () -> ()
    %run_scoped3A_25 = arith.constant 1 : i32
    "tpu.region"() ({
      %run_scoped3A_43 = tpu.sem_alloc : memref<!tpu.dma_semaphore, #tpu.memory_space<semaphore_mem>>
      %dma_start3A = arith.constant 0 : i32
      %dma_start3A_44 = arith.constant 0 : i32
      %dma_start3A_45 = tpu.memref_slice %arg4[%run_scoped3A_25, %arg1, %dma_start3A, %dma_start3A_44] : memref<2x16x126x80xi32, #tpu.memory_space<hbm>> -> memref<1x1x126x80xi32, #tpu.memory_space<hbm>>
      %dma_start3A_46 = tpu.memref_squeeze %dma_start3A_45 : memref<1x1x126x80xi32, #tpu.memory_space<hbm>> -> memref<126x80xi32, #tpu.memory_space<hbm>>
      %dma_start3A_47 = arith.constant 0 : i32
      %dma_start3A_48 = arith.constant 0 : i32
      %dma_start3A_49 = tpu.memref_slice %arg4[%run_scoped3A_25, %arg1, %dma_start3A_47, %dma_start3A_48] : memref<2x16x126x80xi32, #tpu.memory_space<hbm>> -> memref<1x1x126x80xi32, #tpu.memory_space<hbm>>
      %dma_start3A_50 = tpu.memref_squeeze %dma_start3A_49 : memref<1x1x126x80xi32, #tpu.memory_space<hbm>> -> memref<126x80xi32, #tpu.memory_space<hbm>>
      tpu.enqueue_dma source(%dma_start3A_50 : memref<126x80xi32, #tpu.memory_space<hbm>>) target(%arg8 : memref<126x80xi32, #tpu.memory_space<vmem>>) target_semaphore(%run_scoped3A_43 : memref<!tpu.dma_semaphore, #tpu.memory_space<semaphore_mem>>)
      %dma_wait3A = arith.constant 0 : i32
      %dma_wait3A_51 = arith.constant 0 : i32
      %dma_wait3A_52 = tpu.memref_slice %arg4[%run_scoped3A_25, %arg1, %dma_wait3A, %dma_wait3A_51] : memref<2x16x126x80xi32, #tpu.memory_space<hbm>> -> memref<1x1x126x80xi32, #tpu.memory_space<hbm>>
      %dma_wait3A_53 = tpu.memref_squeeze %dma_wait3A_52 : memref<1x1x126x80xi32, #tpu.memory_space<hbm>> -> memref<126x80xi32, #tpu.memory_space<hbm>>
      %dma_wait3A_54 = arith.constant 0 : i32
      %dma_wait3A_55 = arith.constant 0 : i32
      %dma_wait3A_56 = tpu.memref_slice %arg4[%run_scoped3A_25, %arg1, %dma_wait3A_54, %dma_wait3A_55] : memref<2x16x126x80xi32, #tpu.memory_space<hbm>> -> memref<1x1x126x80xi32, #tpu.memory_space<hbm>>
      %dma_wait3A_57 = tpu.memref_squeeze %dma_wait3A_56 : memref<1x1x126x80xi32, #tpu.memory_space<hbm>> -> memref<126x80xi32, #tpu.memory_space<hbm>>
      tpu.wait_dma2 semaphore(%run_scoped3A_43 : memref<!tpu.dma_semaphore, #tpu.memory_space<semaphore_mem>>) src(%dma_wait3A_57 : memref<126x80xi32, #tpu.memory_space<hbm>>) dst(%arg8 : memref<126x80xi32, #tpu.memory_space<vmem>>)
      tpu.yield
    }) : () -> ()
    %scan3A_26 = arith.constant 0 : i32
    %scan3A_27 = arith.constant 0 : i32
    %scan3A_28 = arith.constant 63 : i32
    %scan3A_29 = arith.addi %scan3A_27, %scan3A_28 : i32
    %scan3A_30 = arith.constant 1 : i32
    scf.for %scan3A_43 = %scan3A_27 to %scan3A_29 step %scan3A_30  : i32 {
      %mul3A_44 = arith.constant 2 : i32
      %mul3A_45 = arith.muli %scan3A_43, %mul3A_44 : i32
      %mul3A_46 = arith.constant 80 : i32
      %mul3A_47 = arith.muli %mul3A_45, %mul3A_46 : i32
      %dma_start3A = tpu.memref_slice %arg7[%mul3A_47] : memref<10080xi32, #tpu.memory_space<vmem>> -> memref<80xi32, #tpu.memory_space<vmem>>
      %dma_start3A_48 = arith.constant 0 : i32
      %dma_start3A_49 = arith.constant 0 : i32
      %dma_start3A_50 = tpu.memref_slice %arg2[%dma_start3A_48, %dma_start3A_49] : memref<40000x128xf32, #tpu.memory_space<hbm>> -> memref<40000x128xf32, #tpu.memory_space<hbm>>
      tpu.enqueue_indirect_dma source(%dma_start3A_50 : memref<40000x128xf32, #tpu.memory_space<hbm>>) target(%arg9 : memref<80x128xf32, #tpu.memory_space<vmem>>) offsets(%dma_start3A : memref<80xi32, #tpu.memory_space<vmem>>) semaphore(%arg12 : memref<!tpu.dma_semaphore, #tpu.memory_space<semaphore_mem>>)
      %add3A_51 = arith.constant 1 : i32
      %add3A_52 = arith.addi %mul3A_45, %add3A_51 : i32
      %mul3A_53 = arith.constant 80 : i32
      %mul3A_54 = arith.muli %add3A_52, %mul3A_53 : i32
      %dma_start3A_55 = tpu.memref_slice %arg7[%mul3A_54] : memref<10080xi32, #tpu.memory_space<vmem>> -> memref<80xi32, #tpu.memory_space<vmem>>
      %dma_start3A_56 = arith.constant 0 : i32
      %dma_start3A_57 = arith.constant 0 : i32
      %dma_start3A_58 = tpu.memref_slice %arg2[%dma_start3A_56, %dma_start3A_57] : memref<40000x128xf32, #tpu.memory_space<hbm>> -> memref<40000x128xf32, #tpu.memory_space<hbm>>
      tpu.enqueue_indirect_dma source(%dma_start3A_58 : memref<40000x128xf32, #tpu.memory_space<hbm>>) target(%arg10 : memref<80x128xf32, #tpu.memory_space<vmem>>) offsets(%dma_start3A_55 : memref<80xi32, #tpu.memory_space<vmem>>) semaphore(%arg13 : memref<!tpu.dma_semaphore, #tpu.memory_space<semaphore_mem>>)
      %dma_wait3A = tpu.memref_slice %arg7[%mul3A_47] : memref<10080xi32, #tpu.memory_space<vmem>> -> memref<80xi32, #tpu.memory_space<vmem>>
      %dma_wait3A_59 = arith.constant 0 : i32
      %dma_wait3A_60 = arith.constant 0 : i32
      %dma_wait3A_61 = tpu.memref_slice %arg2[%dma_wait3A_59, %dma_wait3A_60] : memref<40000x128xf32, #tpu.memory_space<hbm>> -> memref<40000x128xf32, #tpu.memory_space<hbm>>
      tpu.wait_indirect_dma semaphore(%arg12 : memref<!tpu.dma_semaphore, #tpu.memory_space<semaphore_mem>>) src(%dma_wait3A_61 : memref<40000x128xf32, #tpu.memory_space<hbm>>) dst(%arg9 : memref<80x128xf32, #tpu.memory_space<vmem>>)
      "tpu.region"() ({
        %run_scoped3A_68 = tpu.sem_alloc : memref<!tpu.dma_semaphore, #tpu.memory_space<semaphore_mem>>
        %dma_start3A_69 = arith.constant 0 : i32
        %dma_start3A_70 = tpu.memref_slice %arg8[%mul3A_45, %dma_start3A_69] : memref<126x80xi32, #tpu.memory_space<vmem>> -> memref<1x80xi32, #tpu.memory_space<vmem>>
        %dma_start3A_71 = tpu.memref_squeeze %dma_start3A_70 : memref<1x80xi32, #tpu.memory_space<vmem>> -> memref<80xi32, #tpu.memory_space<vmem>>
        %dma_start3A_72 = arith.constant 0 : i32
        %dma_start3A_73 = arith.constant 0 : i32
        %dma_start3A_74 = tpu.memref_slice %arg11[%dma_start3A_72, %dma_start3A_73] : memref<10112x128xf32, #tpu.memory_space<vmem_shared>> -> memref<10112x128xf32, #tpu.memory_space<vmem_shared>>
        tpu.enqueue_indirect_dma source(%arg9 : memref<80x128xf32, #tpu.memory_space<vmem>>) target(%dma_start3A_74 : memref<10112x128xf32, #tpu.memory_space<vmem_shared>>) offsets(%dma_start3A_71 : memref<80xi32, #tpu.memory_space<vmem>>) semaphore(%run_scoped3A_68 : memref<!tpu.dma_semaphore, #tpu.memory_space<semaphore_mem>>) {add = true}
        %dma_wait3A_75 = arith.constant 0 : i32
        %dma_wait3A_76 = tpu.memref_slice %arg8[%mul3A_45, %dma_wait3A_75] : memref<126x80xi32, #tpu.memory_space<vmem>> -> memref<1x80xi32, #tpu.memory_space<vmem>>
        %dma_wait3A_77 = tpu.memref_squeeze %dma_wait3A_76 : memref<1x80xi32, #tpu.memory_space<vmem>> -> memref<80xi32, #tpu.memory_space<vmem>>
        %dma_wait3A_78 = arith.constant 0 : i32
        %dma_wait3A_79 = arith.constant 0 : i32
        %dma_wait3A_80 = tpu.memref_slice %arg11[%dma_wait3A_78, %dma_wait3A_79] : memref<10112x128xf32, #tpu.memory_space<vmem_shared>> -> memref<10112x128xf32, #tpu.memory_space<vmem_shared>>
        tpu.wait_indirect_dma semaphore(%run_scoped3A_68 : memref<!tpu.dma_semaphore, #tpu.memory_space<semaphore_mem>>) src(%arg9 : memref<80x128xf32, #tpu.memory_space<vmem>>) dst(%dma_wait3A_80 : memref<10112x128xf32, #tpu.memory_space<vmem_shared>>)
        tpu.yield
      }) : () -> ()
      %dma_wait3A_62 = tpu.memref_slice %arg7[%mul3A_54] : memref<10080xi32, #tpu.memory_space<vmem>> -> memref<80xi32, #tpu.memory_space<vmem>>
      %dma_wait3A_63 = arith.constant 0 : i32
      %dma_wait3A_64 = arith.constant 0 : i32
      %dma_wait3A_65 = tpu.memref_slice %arg2[%dma_wait3A_63, %dma_wait3A_64] : memref<40000x128xf32, #tpu.memory_space<hbm>> -> memref<40000x128xf32, #tpu.memory_space<hbm>>
      tpu.wait_indirect_dma semaphore(%arg13 : memref<!tpu.dma_semaphore, #tpu.memory_space<semaphore_mem>>) src(%dma_wait3A_65 : memref<40000x128xf32, #tpu.memory_space<hbm>>) dst(%arg10 : memref<80x128xf32, #tpu.memory_space<vmem>>)
      %add3A_66 = arith.constant 1 : i32
      %add3A_67 = arith.addi %mul3A_45, %add3A_66 : i32
      "tpu.region"() ({
        %run_scoped3A_68 = tpu.sem_alloc : memref<!tpu.dma_semaphore, #tpu.memory_space<semaphore_mem>>
        %dma_start3A_69 = arith.constant 0 : i32
        %dma_start3A_70 = tpu.memref_slice %arg8[%add3A_67, %dma_start3A_69] : memref<126x80xi32, #tpu.memory_space<vmem>> -> memref<1x80xi32, #tpu.memory_space<vmem>>
        %dma_start3A_71 = tpu.memref_squeeze %dma_start3A_70 : memref<1x80xi32, #tpu.memory_space<vmem>> -> memref<80xi32, #tpu.memory_space<vmem>>
        %dma_start3A_72 = arith.constant 0 : i32
        %dma_start3A_73 = arith.constant 0 : i32
        %dma_start3A_74 = tpu.memref_slice %arg11[%dma_start3A_72, %dma_start3A_73] : memref<10112x128xf32, #tpu.memory_space<vmem_shared>> -> memref<10112x128xf32, #tpu.memory_space<vmem_shared>>
        tpu.enqueue_indirect_dma source(%arg10 : memref<80x128xf32, #tpu.memory_space<vmem>>) target(%dma_start3A_74 : memref<10112x128xf32, #tpu.memory_space<vmem_shared>>) offsets(%dma_start3A_71 : memref<80xi32, #tpu.memory_space<vmem>>) semaphore(%run_scoped3A_68 : memref<!tpu.dma_semaphore, #tpu.memory_space<semaphore_mem>>) {add = true}
        %dma_wait3A_75 = arith.constant 0 : i32
        %dma_wait3A_76 = tpu.memref_slice %arg8[%add3A_67, %dma_wait3A_75] : memref<126x80xi32, #tpu.memory_space<vmem>> -> memref<1x80xi32, #tpu.memory_space<vmem>>
        %dma_wait3A_77 = tpu.memref_squeeze %dma_wait3A_76 : memref<1x80xi32, #tpu.memory_space<vmem>> -> memref<80xi32, #tpu.memory_space<vmem>>
        %dma_wait3A_78 = arith.constant 0 : i32
        %dma_wait3A_79 = arith.constant 0 : i32
        %dma_wait3A_80 = tpu.memref_slice %arg11[%dma_wait3A_78, %dma_wait3A_79] : memref<10112x128xf32, #tpu.memory_space<vmem_shared>> -> memref<10112x128xf32, #tpu.memory_space<vmem_shared>>
        tpu.wait_indirect_dma semaphore(%run_scoped3A_68 : memref<!tpu.dma_semaphore, #tpu.memory_space<semaphore_mem>>) src(%arg10 : memref<80x128xf32, #tpu.memory_space<vmem>>) dst(%dma_wait3A_80 : memref<10112x128xf32, #tpu.memory_space<vmem_shared>>)
        tpu.yield
      }) : () -> ()
    }
    %scan3A_31 = arith.constant 63 : i32
    %barrier3A_32 = arith.constant 0 : index
    tpu.barrier barrier_id(%barrier3A_32)
    %add3A_33 = arith.constant 2 : i32
    %add3A_34 = arith.addi %add3A_33, %arg0 : i32
    %mul3A_35 = arith.constant 10112 : i32
    %mul3A_36 = arith.muli %add3A_34, %mul3A_35 : i32
    %mul3A_37 = arith.constant 632 : i32
    %mul3A_38 = arith.muli %arg1, %mul3A_37 : i32
    %add3A_39 = arith.addi %mul3A_36, %mul3A_38 : i32
    %mul3A_40 = arith.constant 632 : i32
    %mul3A_41 = arith.muli %arg1, %mul3A_40 : i32
    "tpu.region"() ({
      %run_scoped3A_43 = tpu.sem_alloc : memref<!tpu.dma_semaphore, #tpu.memory_space<semaphore_mem>>
      %dma_start3A = arith.constant 0 : i32
      %dma_start3A_44 = tpu.memref_slice %arg6[%add3A_39, %dma_start3A] : memref<40448x128xf32, #tpu.memory_space<hbm>> -> memref<632x128xf32, #tpu.memory_space<hbm>>
      %dma_start3A_45 = arith.constant 0 : i32
      %dma_start3A_46 = tpu.memref_slice %arg11[%mul3A_41, %dma_start3A_45] : memref<10112x128xf32, #tpu.memory_space<vmem_shared>> -> memref<632x128xf32, #tpu.memory_space<vmem_shared>>
      tpu.enqueue_dma source(%dma_start3A_46 : memref<632x128xf32, #tpu.memory_space<vmem_shared>>) target(%dma_start3A_44 : memref<632x128xf32, #tpu.memory_space<hbm>>) target_semaphore(%run_scoped3A_43 : memref<!tpu.dma_semaphore, #tpu.memory_space<semaphore_mem>>)
      %dma_wait3A = arith.constant 0 : i32
      %dma_wait3A_47 = tpu.memref_slice %arg6[%add3A_39, %dma_wait3A] : memref<40448x128xf32, #tpu.memory_space<hbm>> -> memref<632x128xf32, #tpu.memory_space<hbm>>
      %dma_wait3A_48 = arith.constant 0 : i32
      %dma_wait3A_49 = tpu.memref_slice %arg11[%mul3A_41, %dma_wait3A_48] : memref<10112x128xf32, #tpu.memory_space<vmem_shared>> -> memref<632x128xf32, #tpu.memory_space<vmem_shared>>
      tpu.wait_dma2 semaphore(%run_scoped3A_43 : memref<!tpu.dma_semaphore, #tpu.memory_space<semaphore_mem>>) src(%dma_wait3A_49 : memref<632x128xf32, #tpu.memory_space<vmem_shared>>) dst(%dma_wait3A_47 : memref<632x128xf32, #tpu.memory_space<hbm>>)
      tpu.yield
    }) : () -> ()
    %barrier3A_42 = arith.constant 0 : index
    tpu.barrier barrier_id(%barrier3A_42)
    return
  }
}

#map = affine_map<(d0, d1) -> (0, 0)>
#map1 = affine_map<(d0, d1) -> (0, 0, 0, 0)>
module attributes {stable_mosaic.version = 14 : i64} {
  func.func @body(%arg0: i32, %arg1: i32, %arg2: memref<40000x128xf32, #tpu.memory_space<hbm>>, %arg3: memref<2x2x16x10080xi32, #tpu.memory_space<hbm>>, %arg4: memref<2x16x126x80xi32, #tpu.memory_space<hbm>>, %arg5: memref<10112x128xf32, #tpu.memory_space<hbm>>, %arg6: memref<40448x128xf32, #tpu.memory_space<hbm>>, %arg7: memref<10080xi32, #tpu.memory_space<vmem>>, %arg8: memref<126x80xi32, #tpu.memory_space<vmem>>, %arg9: memref<80x128xf32, #tpu.memory_space<vmem>>, %arg10: memref<80x128xf32, #tpu.memory_space<vmem>>, %arg11: memref<10112x128xf32, #tpu.memory_space<vmem_shared>>, %arg12: memref<!tpu.dma_semaphore, #tpu.memory_space<semaphore_mem>>, %arg13: memref<!tpu.dma_semaphore, #tpu.memory_space<semaphore_mem>>) attributes {dimension_semantics = [#tpu.dimension_semantics<core_parallel>, #tpu.dimension_semantics<subcore_parallel>], iteration_bounds = array<i64: 2, 16>, scalar_prefetch = 0 : i64, scratch_operands = 7 : i64, tpu.core_type = #tpu.core_type<sc_vector_subcore>, window_params = [{transform_indices = #map}, {transform_indices = #map1}, {transform_indices = #map1}, {transform_indices = #map}, {transform_indices = #map}]} {
    %mul3A = arith.constant 632 : i32
    %mul3A_0 = arith.muli %arg1, %mul3A : i32
    %mul3A_1 = arith.constant 632 : i32
    %mul3A_2 = arith.muli %arg1, %mul3A_1 : i32
    "tpu.region"() ({
      %run_scoped3A_43 = tpu.sem_alloc : memref<!tpu.dma_semaphore, #tpu.memory_space<semaphore_mem>>
      %dma_start3A = arith.constant 0 : i32
      %dma_start3A_44 = tpu.memref_slice %arg11[%mul3A_2, %dma_start3A] : memref<10112x128xf32, #tpu.memory_space<vmem_shared>> -> memref<632x128xf32, #tpu.memory_space<vmem_shared>>
      %dma_start3A_45 = arith.constant 0 : i32
      %dma_start3A_46 = tpu.memref_slice %arg5[%mul3A_0, %dma_start3A_45] : memref<10112x128xf32, #tpu.memory_space<hbm>> -> memref<632x128xf32, #tpu.memory_space<hbm>>
      tpu.enqueue_dma source(%dma_start3A_46 : memref<632x128xf32, #tpu.memory_space<hbm>>) target(%dma_start3A_44 : memref<632x128xf32, #tpu.memory_space<vmem_shared>>) target_semaphore(%run_scoped3A_43 : memref<!tpu.dma_semaphore, #tpu.memory_space<semaphore_mem>>)
      %dma_wait3A = arith.constant 0 : i32
      %dma_wait3A_47 = tpu.memref_slice %arg11[%mul3A_2, %dma_wait3A] : memref<10112x128xf32, #tpu.memory_space<vmem_shared>> -> memref<632x128xf32, #tpu.memory_space<vmem_shared>>
      %dma_wait3A_48 = arith.constant 0 : i32
      %dma_wait3A_49 = tpu.memref_slice %arg5[%mul3A_0, %dma_wait3A_48] : memref<10112x128xf32, #tpu.memory_space<hbm>> -> memref<632x128xf32, #tpu.memory_space<hbm>>
      tpu.wait_dma2 semaphore(%run_scoped3A_43 : memref<!tpu.dma_semaphore, #tpu.memory_space<semaphore_mem>>) src(%dma_wait3A_49 : memref<632x128xf32, #tpu.memory_space<hbm>>) dst(%dma_wait3A_47 : memref<632x128xf32, #tpu.memory_space<vmem_shared>>)
      tpu.yield
    }) : () -> ()
    %barrier3A = arith.constant 0 : index
    tpu.barrier barrier_id(%barrier3A)
    %run_scoped3A = arith.constant 0 : i32
    "tpu.region"() ({
      %run_scoped3A_43 = tpu.sem_alloc : memref<!tpu.dma_semaphore, #tpu.memory_space<semaphore_mem>>
      %dma_start3A = arith.constant 0 : i32
      %dma_start3A_44 = tpu.memref_slice %arg3[%arg0, %run_scoped3A, %arg1, %dma_start3A] : memref<2x2x16x10080xi32, #tpu.memory_space<hbm>> -> memref<1x1x1x10080xi32, #tpu.memory_space<hbm>>
      %dma_start3A_45 = tpu.memref_squeeze %dma_start3A_44 : memref<1x1x1x10080xi32, #tpu.memory_space<hbm>> -> memref<10080xi32, #tpu.memory_space<hbm>>
      %dma_start3A_46 = arith.constant 0 : i32
      %dma_start3A_47 = tpu.memref_slice %arg3[%arg0, %run_scoped3A, %arg1, %dma_start3A_46] : memref<2x2x16x10080xi32, #tpu.memory_space<hbm>> -> memref<1x1x1x10080xi32, #tpu.memory_space<hbm>>
      %dma_start3A_48 = tpu.memref_squeeze %dma_start3A_47 : memref<1x1x1x10080xi32, #tpu.memory_space<hbm>> -> memref<10080xi32, #tpu.memory_space<hbm>>
      tpu.enqueue_dma source(%dma_start3A_48 : memref<10080xi32, #tpu.memory_space<hbm>>) target(%arg7 : memref<10080xi32, #tpu.memory_space<vmem>>) target_semaphore(%run_scoped3A_43 : memref<!tpu.dma_semaphore, #tpu.memory_space<semaphore_mem>>)
      %dma_wait3A = arith.constant 0 : i32
      %dma_wait3A_49 = tpu.memref_slice %arg3[%arg0, %run_scoped3A, %arg1, %dma_wait3A] : memref<2x2x16x10080xi32, #tpu.memory_space<hbm>> -> memref<1x1x1x10080xi32, #tpu.memory_space<hbm>>
      %dma_wait3A_50 = tpu.memref_squeeze %dma_wait3A_49 : memref<1x1x1x10080xi32, #tpu.memory_space<hbm>> -> memref<10080xi32, #tpu.memory_space<hbm>>
      %dma_wait3A_51 = arith.constant 0 : i32
      %dma_wait3A_52 = tpu.memref_slice %arg3[%arg0, %run_scoped3A, %arg1, %dma_wait3A_51] : memref<2x2x16x10080xi32, #tpu.memory_space<hbm>> -> memref<1x1x1x10080xi32, #tpu.memory_space<hbm>>
      %dma_wait3A_53 = tpu.memref_squeeze %dma_wait3A_52 : memref<1x1x1x10080xi32, #tpu.memory_space<hbm>> -> memref<10080xi32, #tpu.memory_space<hbm>>
      tpu.wait_dma2 semaphore(%run_scoped3A_43 : memref<!tpu.dma_semaphore, #tpu.memory_space<semaphore_mem>>) src(%dma_wait3A_53 : memref<10080xi32, #tpu.memory_space<hbm>>) dst(%arg7 : memref<10080xi32, #tpu.memory_space<vmem>>)
      tpu.yield
    }) : () -> ()
    %run_scoped3A_3 = arith.constant 0 : i32
    "tpu.region"() ({
      %run_scoped3A_43 = tpu.sem_alloc : memref<!tpu.dma_semaphore, #tpu.memory_space<semaphore_mem>>
      %dma_start3A = arith.constant 0 : i32
      %dma_start3A_44 = arith.constant 0 : i32
      %dma_start3A_45 = tpu.memref_slice %arg4[%run_scoped3A_3, %arg1, %dma_start3A, %dma_start3A_44] : memref<2x16x126x80xi32, #tpu.memory_space<hbm>> -> memref<1x1x126x80xi32, #tpu.memory_space<hbm>>
      %dma_start3A_46 = tpu.memref_squeeze %dma_start3A_45 : memref<1x1x126x80xi32, #tpu.memory_space<hbm>> -> memref<126x80xi32, #tpu.memory_space<hbm>>
      %dma_start3A_47 = arith.constant 0 : i32
      %dma_start3A_48 = arith.constant 0 : i32
      %dma_start3A_49 = tpu.memref_slice %arg4[%run_scoped3A_3, %arg1, %dma_start3A_47, %dma_start3A_48] : memref<2x16x126x80xi32, #tpu.memory_space<hbm>> -> memref<1x1x126x80xi32, #tpu.memory_space<hbm>>
      %dma_start3A_50 = tpu.memref_squeeze %dma_start3A_49 : memref<1x1x126x80xi32, #tpu.memory_space<hbm>> -> memref<126x80xi32, #tpu.memory_space<hbm>>
      tpu.enqueue_dma source(%dma_start3A_50 : memref<126x80xi32, #tpu.memory_space<hbm>>) target(%arg8 : memref<126x80xi32, #tpu.memory_space<vmem>>) target_semaphore(%run_scoped3A_43 : memref<!tpu.dma_semaphore, #tpu.memory_space<semaphore_mem>>)
      %dma_wait3A = arith.constant 0 : i32
      %dma_wait3A_51 = arith.constant 0 : i32
      %dma_wait3A_52 = tpu.memref_slice %arg4[%run_scoped3A_3, %arg1, %dma_wait3A, %dma_wait3A_51] : memref<2x16x126x80xi32, #tpu.memory_space<hbm>> -> memref<1x1x126x80xi32, #tpu.memory_space<hbm>>
      %dma_wait3A_53 = tpu.memref_squeeze %dma_wait3A_52 : memref<1x1x126x80xi32, #tpu.memory_space<hbm>> -> memref<126x80xi32, #tpu.memory_space<hbm>>
      %dma_wait3A_54 = arith.constant 0 : i32
      %dma_wait3A_55 = arith.constant 0 : i32
      %dma_wait3A_56 = tpu.memref_slice %arg4[%run_scoped3A_3, %arg1, %dma_wait3A_54, %dma_wait3A_55] : memref<2x16x126x80xi32, #tpu.memory_space<hbm>> -> memref<1x1x126x80xi32, #tpu.memory_space<hbm>>
      %dma_wait3A_57 = tpu.memref_squeeze %dma_wait3A_56 : memref<1x1x126x80xi32, #tpu.memory_space<hbm>> -> memref<126x80xi32, #tpu.memory_space<hbm>>
      tpu.wait_dma2 semaphore(%run_scoped3A_43 : memref<!tpu.dma_semaphore, #tpu.memory_space<semaphore_mem>>) src(%dma_wait3A_57 : memref<126x80xi32, #tpu.memory_space<hbm>>) dst(%arg8 : memref<126x80xi32, #tpu.memory_space<vmem>>)
      tpu.yield
    }) : () -> ()
    %scan3A = arith.constant 0 : i32
    %scan3A_4 = arith.constant 0 : i32
    %scan3A_5 = arith.constant 63 : i32
    %scan3A_6 = arith.addi %scan3A_4, %scan3A_5 : i32
    %scan3A_7 = arith.constant 1 : i32
    scf.for %scan3A_43 = %scan3A_4 to %scan3A_6 step %scan3A_7  : i32 {
      %mul3A_44 = arith.constant 2 : i32
      %mul3A_45 = arith.muli %scan3A_43, %mul3A_44 : i32
      %mul3A_46 = arith.constant 80 : i32
      %mul3A_47 = arith.muli %mul3A_45, %mul3A_46 : i32
      %dma_start3A = tpu.memref_slice %arg7[%mul3A_47] : memref<10080xi32, #tpu.memory_space<vmem>> -> memref<80xi32, #tpu.memory_space<vmem>>
      %dma_start3A_48 = arith.constant 0 : i32
      %dma_start3A_49 = arith.constant 0 : i32
      %dma_start3A_50 = tpu.memref_slice %arg2[%dma_start3A_48, %dma_start3A_49] : memref<40000x128xf32, #tpu.memory_space<hbm>> -> memref<40000x128xf32, #tpu.memory_space<hbm>>
      tpu.enqueue_indirect_dma source(%dma_start3A_50 : memref<40000x128xf32, #tpu.memory_space<hbm>>) target(%arg9 : memref<80x128xf32, #tpu.memory_space<vmem>>) offsets(%dma_start3A : memref<80xi32, #tpu.memory_space<vmem>>) semaphore(%arg12 : memref<!tpu.dma_semaphore, #tpu.memory_space<semaphore_mem>>)
      %add3A_51 = arith.constant 1 : i32
      %add3A_52 = arith.addi %mul3A_45, %add3A_51 : i32
      %mul3A_53 = arith.constant 80 : i32
      %mul3A_54 = arith.muli %add3A_52, %mul3A_53 : i32
      %dma_start3A_55 = tpu.memref_slice %arg7[%mul3A_54] : memref<10080xi32, #tpu.memory_space<vmem>> -> memref<80xi32, #tpu.memory_space<vmem>>
      %dma_start3A_56 = arith.constant 0 : i32
      %dma_start3A_57 = arith.constant 0 : i32
      %dma_start3A_58 = tpu.memref_slice %arg2[%dma_start3A_56, %dma_start3A_57] : memref<40000x128xf32, #tpu.memory_space<hbm>> -> memref<40000x128xf32, #tpu.memory_space<hbm>>
      tpu.enqueue_indirect_dma source(%dma_start3A_58 : memref<40000x128xf32, #tpu.memory_space<hbm>>) target(%arg10 : memref<80x128xf32, #tpu.memory_space<vmem>>) offsets(%dma_start3A_55 : memref<80xi32, #tpu.memory_space<vmem>>) semaphore(%arg13 : memref<!tpu.dma_semaphore, #tpu.memory_space<semaphore_mem>>)
      %dma_wait3A = tpu.memref_slice %arg7[%mul3A_47] : memref<10080xi32, #tpu.memory_space<vmem>> -> memref<80xi32, #tpu.memory_space<vmem>>
      %dma_wait3A_59 = arith.constant 0 : i32
      %dma_wait3A_60 = arith.constant 0 : i32
      %dma_wait3A_61 = tpu.memref_slice %arg2[%dma_wait3A_59, %dma_wait3A_60] : memref<40000x128xf32, #tpu.memory_space<hbm>> -> memref<40000x128xf32, #tpu.memory_space<hbm>>
      tpu.wait_indirect_dma semaphore(%arg12 : memref<!tpu.dma_semaphore, #tpu.memory_space<semaphore_mem>>) src(%dma_wait3A_61 : memref<40000x128xf32, #tpu.memory_space<hbm>>) dst(%arg9 : memref<80x128xf32, #tpu.memory_space<vmem>>)
      "tpu.region"() ({
        %run_scoped3A_68 = tpu.sem_alloc : memref<!tpu.dma_semaphore, #tpu.memory_space<semaphore_mem>>
        %dma_start3A_69 = arith.constant 0 : i32
        %dma_start3A_70 = tpu.memref_slice %arg8[%mul3A_45, %dma_start3A_69] : memref<126x80xi32, #tpu.memory_space<vmem>> -> memref<1x80xi32, #tpu.memory_space<vmem>>
        %dma_start3A_71 = tpu.memref_squeeze %dma_start3A_70 : memref<1x80xi32, #tpu.memory_space<vmem>> -> memref<80xi32, #tpu.memory_space<vmem>>
        %dma_start3A_72 = arith.constant 0 : i32
        %dma_start3A_73 = arith.constant 0 : i32
        %dma_start3A_74 = tpu.memref_slice %arg11[%dma_start3A_72, %dma_start3A_73] : memref<10112x128xf32, #tpu.memory_space<vmem_shared>> -> memref<10112x128xf32, #tpu.memory_space<vmem_shared>>
        tpu.enqueue_indirect_dma source(%arg9 : memref<80x128xf32, #tpu.memory_space<vmem>>) target(%dma_start3A_74 : memref<10112x128xf32, #tpu.memory_space<vmem_shared>>) offsets(%dma_start3A_71 : memref<80xi32, #tpu.memory_space<vmem>>) semaphore(%run_scoped3A_68 : memref<!tpu.dma_semaphore, #tpu.memory_space<semaphore_mem>>) {add = true}
        %dma_wait3A_75 = arith.constant 0 : i32
        %dma_wait3A_76 = tpu.memref_slice %arg8[%mul3A_45, %dma_wait3A_75] : memref<126x80xi32, #tpu.memory_space<vmem>> -> memref<1x80xi32, #tpu.memory_space<vmem>>
        %dma_wait3A_77 = tpu.memref_squeeze %dma_wait3A_76 : memref<1x80xi32, #tpu.memory_space<vmem>> -> memref<80xi32, #tpu.memory_space<vmem>>
        %dma_wait3A_78 = arith.constant 0 : i32
        %dma_wait3A_79 = arith.constant 0 : i32
        %dma_wait3A_80 = tpu.memref_slice %arg11[%dma_wait3A_78, %dma_wait3A_79] : memref<10112x128xf32, #tpu.memory_space<vmem_shared>> -> memref<10112x128xf32, #tpu.memory_space<vmem_shared>>
        tpu.wait_indirect_dma semaphore(%run_scoped3A_68 : memref<!tpu.dma_semaphore, #tpu.memory_space<semaphore_mem>>) src(%arg9 : memref<80x128xf32, #tpu.memory_space<vmem>>) dst(%dma_wait3A_80 : memref<10112x128xf32, #tpu.memory_space<vmem_shared>>)
        tpu.yield
      }) : () -> ()
      %dma_wait3A_62 = tpu.memref_slice %arg7[%mul3A_54] : memref<10080xi32, #tpu.memory_space<vmem>> -> memref<80xi32, #tpu.memory_space<vmem>>
      %dma_wait3A_63 = arith.constant 0 : i32
      %dma_wait3A_64 = arith.constant 0 : i32
      %dma_wait3A_65 = tpu.memref_slice %arg2[%dma_wait3A_63, %dma_wait3A_64] : memref<40000x128xf32, #tpu.memory_space<hbm>> -> memref<40000x128xf32, #tpu.memory_space<hbm>>
      tpu.wait_indirect_dma semaphore(%arg13 : memref<!tpu.dma_semaphore, #tpu.memory_space<semaphore_mem>>) src(%dma_wait3A_65 : memref<40000x128xf32, #tpu.memory_space<hbm>>) dst(%arg10 : memref<80x128xf32, #tpu.memory_space<vmem>>)
      %add3A_66 = arith.constant 1 : i32
      %add3A_67 = arith.addi %mul3A_45, %add3A_66 : i32
      "tpu.region"() ({
        %run_scoped3A_68 = tpu.sem_alloc : memref<!tpu.dma_semaphore, #tpu.memory_space<semaphore_mem>>
        %dma_start3A_69 = arith.constant 0 : i32
        %dma_start3A_70 = tpu.memref_slice %arg8[%add3A_67, %dma_start3A_69] : memref<126x80xi32, #tpu.memory_space<vmem>> -> memref<1x80xi32, #tpu.memory_space<vmem>>
        %dma_start3A_71 = tpu.memref_squeeze %dma_start3A_70 : memref<1x80xi32, #tpu.memory_space<vmem>> -> memref<80xi32, #tpu.memory_space<vmem>>
        %dma_start3A_72 = arith.constant 0 : i32
        %dma_start3A_73 = arith.constant 0 : i32
        %dma_start3A_74 = tpu.memref_slice %arg11[%dma_start3A_72, %dma_start3A_73] : memref<10112x128xf32, #tpu.memory_space<vmem_shared>> -> memref<10112x128xf32, #tpu.memory_space<vmem_shared>>
        tpu.enqueue_indirect_dma source(%arg10 : memref<80x128xf32, #tpu.memory_space<vmem>>) target(%dma_start3A_74 : memref<10112x128xf32, #tpu.memory_space<vmem_shared>>) offsets(%dma_start3A_71 : memref<80xi32, #tpu.memory_space<vmem>>) semaphore(%run_scoped3A_68 : memref<!tpu.dma_semaphore, #tpu.memory_space<semaphore_mem>>) {add = true}
        %dma_wait3A_75 = arith.constant 0 : i32
        %dma_wait3A_76 = tpu.memref_slice %arg8[%add3A_67, %dma_wait3A_75] : memref<126x80xi32, #tpu.memory_space<vmem>> -> memref<1x80xi32, #tpu.memory_space<vmem>>
        %dma_wait3A_77 = tpu.memref_squeeze %dma_wait3A_76 : memref<1x80xi32, #tpu.memory_space<vmem>> -> memref<80xi32, #tpu.memory_space<vmem>>
        %dma_wait3A_78 = arith.constant 0 : i32
        %dma_wait3A_79 = arith.constant 0 : i32
        %dma_wait3A_80 = tpu.memref_slice %arg11[%dma_wait3A_78, %dma_wait3A_79] : memref<10112x128xf32, #tpu.memory_space<vmem_shared>> -> memref<10112x128xf32, #tpu.memory_space<vmem_shared>>
        tpu.wait_indirect_dma semaphore(%run_scoped3A_68 : memref<!tpu.dma_semaphore, #tpu.memory_space<semaphore_mem>>) src(%arg10 : memref<80x128xf32, #tpu.memory_space<vmem>>) dst(%dma_wait3A_80 : memref<10112x128xf32, #tpu.memory_space<vmem_shared>>)
        tpu.yield
      }) : () -> ()
    }
    %scan3A_8 = arith.constant 63 : i32
    %barrier3A_9 = arith.constant 0 : index
    tpu.barrier barrier_id(%barrier3A_9)
    %add3A = arith.constant 0 : i32
    %add3A_10 = arith.addi %add3A, %arg0 : i32
    %mul3A_11 = arith.constant 10112 : i32
    %mul3A_12 = arith.muli %add3A_10, %mul3A_11 : i32
    %mul3A_13 = arith.constant 632 : i32
    %mul3A_14 = arith.muli %arg1, %mul3A_13 : i32
    %add3A_15 = arith.addi %mul3A_12, %mul3A_14 : i32
    %mul3A_16 = arith.constant 632 : i32
    %mul3A_17 = arith.muli %arg1, %mul3A_16 : i32
    "tpu.region"() ({
      %run_scoped3A_43 = tpu.sem_alloc : memref<!tpu.dma_semaphore, #tpu.memory_space<semaphore_mem>>
      %dma_start3A = arith.constant 0 : i32
      %dma_start3A_44 = tpu.memref_slice %arg6[%add3A_15, %dma_start3A] : memref<40448x128xf32, #tpu.memory_space<hbm>> -> memref<632x128xf32, #tpu.memory_space<hbm>>
      %dma_start3A_45 = arith.constant 0 : i32
      %dma_start3A_46 = tpu.memref_slice %arg11[%mul3A_17, %dma_start3A_45] : memref<10112x128xf32, #tpu.memory_space<vmem_shared>> -> memref<632x128xf32, #tpu.memory_space<vmem_shared>>
      tpu.enqueue_dma source(%dma_start3A_46 : memref<632x128xf32, #tpu.memory_space<vmem_shared>>) target(%dma_start3A_44 : memref<632x128xf32, #tpu.memory_space<hbm>>) target_semaphore(%run_scoped3A_43 : memref<!tpu.dma_semaphore, #tpu.memory_space<semaphore_mem>>)
      %dma_wait3A = arith.constant 0 : i32
      %dma_wait3A_47 = tpu.memref_slice %arg6[%add3A_15, %dma_wait3A] : memref<40448x128xf32, #tpu.memory_space<hbm>> -> memref<632x128xf32, #tpu.memory_space<hbm>>
      %dma_wait3A_48 = arith.constant 0 : i32
      %dma_wait3A_49 = tpu.memref_slice %arg11[%mul3A_17, %dma_wait3A_48] : memref<10112x128xf32, #tpu.memory_space<vmem_shared>> -> memref<632x128xf32, #tpu.memory_space<vmem_shared>>
      tpu.wait_dma2 semaphore(%run_scoped3A_43 : memref<!tpu.dma_semaphore, #tpu.memory_space<semaphore_mem>>) src(%dma_wait3A_49 : memref<632x128xf32, #tpu.memory_space<vmem_shared>>) dst(%dma_wait3A_47 : memref<632x128xf32, #tpu.memory_space<hbm>>)
      tpu.yield
    }) : () -> ()
    %barrier3A_18 = arith.constant 0 : index
    tpu.barrier barrier_id(%barrier3A_18)
    %mul3A_19 = arith.constant 632 : i32
    %mul3A_20 = arith.muli %arg1, %mul3A_19 : i32
    %mul3A_21 = arith.constant 632 : i32
    %mul3A_22 = arith.muli %arg1, %mul3A_21 : i32
    "tpu.region"() ({
      %run_scoped3A_43 = tpu.sem_alloc : memref<!tpu.dma_semaphore, #tpu.memory_space<semaphore_mem>>
      %dma_start3A = arith.constant 0 : i32
      %dma_start3A_44 = tpu.memref_slice %arg11[%mul3A_22, %dma_start3A] : memref<10112x128xf32, #tpu.memory_space<vmem_shared>> -> memref<632x128xf32, #tpu.memory_space<vmem_shared>>
      %dma_start3A_45 = arith.constant 0 : i32
      %dma_start3A_46 = tpu.memref_slice %arg5[%mul3A_20, %dma_start3A_45] : memref<10112x128xf32, #tpu.memory_space<hbm>> -> memref<632x128xf32, #tpu.memory_space<hbm>>
      tpu.enqueue_dma source(%dma_start3A_46 : memref<632x128xf32, #tpu.memory_space<hbm>>) target(%dma_start3A_44 : memref<632x128xf32, #tpu.memory_space<vmem_shared>>) target_semaphore(%run_scoped3A_43 : memref<!tpu.dma_semaphore, #tpu.memory_space<semaphore_mem>>)
      %dma_wait3A = arith.constant 0 : i32
      %dma_wait3A_47 = tpu.memref_slice %arg11[%mul3A_22, %dma_wait3A] : memref<10112x128xf32, #tpu.memory_space<vmem_shared>> -> memref<632x128xf32, #tpu.memory_space<vmem_shared>>
      %dma_wait3A_48 = arith.constant 0 : i32
      %dma_wait3A_49 = tpu.memref_slice %arg5[%mul3A_20, %dma_wait3A_48] : memref<10112x128xf32, #tpu.memory_space<hbm>> -> memref<632x128xf32, #tpu.memory_space<hbm>>
      tpu.wait_dma2 semaphore(%run_scoped3A_43 : memref<!tpu.dma_semaphore, #tpu.memory_space<semaphore_mem>>) src(%dma_wait3A_49 : memref<632x128xf32, #tpu.memory_space<hbm>>) dst(%dma_wait3A_47 : memref<632x128xf32, #tpu.memory_space<vmem_shared>>)
      tpu.yield
    }) : () -> ()
    %barrier3A_23 = arith.constant 0 : index
    tpu.barrier barrier_id(%barrier3A_23)
    %run_scoped3A_24 = arith.constant 1 : i32
    "tpu.region"() ({
      %run_scoped3A_43 = tpu.sem_alloc : memref<!tpu.dma_semaphore, #tpu.memory_space<semaphore_mem>>
      %dma_start3A = arith.constant 0 : i32
      %dma_start3A_44 = tpu.memref_slice %arg3[%arg0, %run_scoped3A_24, %arg1, %dma_start3A] : memref<2x2x16x10080xi32, #tpu.memory_space<hbm>> -> memref<1x1x1x10080xi32, #tpu.memory_space<hbm>>
      %dma_start3A_45 = tpu.memref_squeeze %dma_start3A_44 : memref<1x1x1x10080xi32, #tpu.memory_space<hbm>> -> memref<10080xi32, #tpu.memory_space<hbm>>
      %dma_start3A_46 = arith.constant 0 : i32
      %dma_start3A_47 = tpu.memref_slice %arg3[%arg0, %run_scoped3A_24, %arg1, %dma_start3A_46] : memref<2x2x16x10080xi32, #tpu.memory_space<hbm>> -> memref<1x1x1x10080xi32, #tpu.memory_space<hbm>>
      %dma_start3A_48 = tpu.memref_squeeze %dma_start3A_47 : memref<1x1x1x10080xi32, #tpu.memory_space<hbm>> -> memref<10080xi32, #tpu.memory_space<hbm>>
      tpu.enqueue_dma source(%dma_start3A_48 : memref<10080xi32, #tpu.memory_space<hbm>>) target(%arg7 : memref<10080xi32, #tpu.memory_space<vmem>>) target_semaphore(%run_scoped3A_43 : memref<!tpu.dma_semaphore, #tpu.memory_space<semaphore_mem>>)
      %dma_wait3A = arith.constant 0 : i32
      %dma_wait3A_49 = tpu.memref_slice %arg3[%arg0, %run_scoped3A_24, %arg1, %dma_wait3A] : memref<2x2x16x10080xi32, #tpu.memory_space<hbm>> -> memref<1x1x1x10080xi32, #tpu.memory_space<hbm>>
      %dma_wait3A_50 = tpu.memref_squeeze %dma_wait3A_49 : memref<1x1x1x10080xi32, #tpu.memory_space<hbm>> -> memref<10080xi32, #tpu.memory_space<hbm>>
      %dma_wait3A_51 = arith.constant 0 : i32
      %dma_wait3A_52 = tpu.memref_slice %arg3[%arg0, %run_scoped3A_24, %arg1, %dma_wait3A_51] : memref<2x2x16x10080xi32, #tpu.memory_space<hbm>> -> memref<1x1x1x10080xi32, #tpu.memory_space<hbm>>
      %dma_wait3A_53 = tpu.memref_squeeze %dma_wait3A_52 : memref<1x1x1x10080xi32, #tpu.memory_space<hbm>> -> memref<10080xi32, #tpu.memory_space<hbm>>
      tpu.wait_dma2 semaphore(%run_scoped3A_43 : memref<!tpu.dma_semaphore, #tpu.memory_space<semaphore_mem>>) src(%dma_wait3A_53 : memref<10080xi32, #tpu.memory_space<hbm>>) dst(%arg7 : memref<10080xi32, #tpu.memory_space<vmem>>)
      tpu.yield
    }) : () -> ()
    %run_scoped3A_25 = arith.constant 1 : i32
    "tpu.region"() ({
      %run_scoped3A_43 = tpu.sem_alloc : memref<!tpu.dma_semaphore, #tpu.memory_space<semaphore_mem>>
      %dma_start3A = arith.constant 0 : i32
      %dma_start3A_44 = arith.constant 0 : i32
      %dma_start3A_45 = tpu.memref_slice %arg4[%run_scoped3A_25, %arg1, %dma_start3A, %dma_start3A_44] : memref<2x16x126x80xi32, #tpu.memory_space<hbm>> -> memref<1x1x126x80xi32, #tpu.memory_space<hbm>>
      %dma_start3A_46 = tpu.memref_squeeze %dma_start3A_45 : memref<1x1x126x80xi32, #tpu.memory_space<hbm>> -> memref<126x80xi32, #tpu.memory_space<hbm>>
      %dma_start3A_47 = arith.constant 0 : i32
      %dma_start3A_48 = arith.constant 0 : i32
      %dma_start3A_49 = tpu.memref_slice %arg4[%run_scoped3A_25, %arg1, %dma_start3A_47, %dma_start3A_48] : memref<2x16x126x80xi32, #tpu.memory_space<hbm>> -> memref<1x1x126x80xi32, #tpu.memory_space<hbm>>
      %dma_start3A_50 = tpu.memref_squeeze %dma_start3A_49 : memref<1x1x126x80xi32, #tpu.memory_space<hbm>> -> memref<126x80xi32, #tpu.memory_space<hbm>>
      tpu.enqueue_dma source(%dma_start3A_50 : memref<126x80xi32, #tpu.memory_space<hbm>>) target(%arg8 : memref<126x80xi32, #tpu.memory_space<vmem>>) target_semaphore(%run_scoped3A_43 : memref<!tpu.dma_semaphore, #tpu.memory_space<semaphore_mem>>)
      %dma_wait3A = arith.constant 0 : i32
      %dma_wait3A_51 = arith.constant 0 : i32
      %dma_wait3A_52 = tpu.memref_slice %arg4[%run_scoped3A_25, %arg1, %dma_wait3A, %dma_wait3A_51] : memref<2x16x126x80xi32, #tpu.memory_space<hbm>> -> memref<1x1x126x80xi32, #tpu.memory_space<hbm>>
      %dma_wait3A_53 = tpu.memref_squeeze %dma_wait3A_52 : memref<1x1x126x80xi32, #tpu.memory_space<hbm>> -> memref<126x80xi32, #tpu.memory_space<hbm>>
      %dma_wait3A_54 = arith.constant 0 : i32
      %dma_wait3A_55 = arith.constant 0 : i32
      %dma_wait3A_56 = tpu.memref_slice %arg4[%run_scoped3A_25, %arg1, %dma_wait3A_54, %dma_wait3A_55] : memref<2x16x126x80xi32, #tpu.memory_space<hbm>> -> memref<1x1x126x80xi32, #tpu.memory_space<hbm>>
      %dma_wait3A_57 = tpu.memref_squeeze %dma_wait3A_56 : memref<1x1x126x80xi32, #tpu.memory_space<hbm>> -> memref<126x80xi32, #tpu.memory_space<hbm>>
      tpu.wait_dma2 semaphore(%run_scoped3A_43 : memref<!tpu.dma_semaphore, #tpu.memory_space<semaphore_mem>>) src(%dma_wait3A_57 : memref<126x80xi32, #tpu.memory_space<hbm>>) dst(%arg8 : memref<126x80xi32, #tpu.memory_space<vmem>>)
      tpu.yield
    }) : () -> ()
    %scan3A_26 = arith.constant 0 : i32
    %scan3A_27 = arith.constant 0 : i32
    %scan3A_28 = arith.constant 63 : i32
    %scan3A_29 = arith.addi %scan3A_27, %scan3A_28 : i32
    %scan3A_30 = arith.constant 1 : i32
    scf.for %scan3A_43 = %scan3A_27 to %scan3A_29 step %scan3A_30  : i32 {
      %mul3A_44 = arith.constant 2 : i32
      %mul3A_45 = arith.muli %scan3A_43, %mul3A_44 : i32
      %mul3A_46 = arith.constant 80 : i32
      %mul3A_47 = arith.muli %mul3A_45, %mul3A_46 : i32
      %dma_start3A = tpu.memref_slice %arg7[%mul3A_47] : memref<10080xi32, #tpu.memory_space<vmem>> -> memref<80xi32, #tpu.memory_space<vmem>>
      %dma_start3A_48 = arith.constant 0 : i32
      %dma_start3A_49 = arith.constant 0 : i32
      %dma_start3A_50 = tpu.memref_slice %arg2[%dma_start3A_48, %dma_start3A_49] : memref<40000x128xf32, #tpu.memory_space<hbm>> -> memref<40000x128xf32, #tpu.memory_space<hbm>>
      tpu.enqueue_indirect_dma source(%dma_start3A_50 : memref<40000x128xf32, #tpu.memory_space<hbm>>) target(%arg9 : memref<80x128xf32, #tpu.memory_space<vmem>>) offsets(%dma_start3A : memref<80xi32, #tpu.memory_space<vmem>>) semaphore(%arg12 : memref<!tpu.dma_semaphore, #tpu.memory_space<semaphore_mem>>)
      %add3A_51 = arith.constant 1 : i32
      %add3A_52 = arith.addi %mul3A_45, %add3A_51 : i32
      %mul3A_53 = arith.constant 80 : i32
      %mul3A_54 = arith.muli %add3A_52, %mul3A_53 : i32
      %dma_start3A_55 = tpu.memref_slice %arg7[%mul3A_54] : memref<10080xi32, #tpu.memory_space<vmem>> -> memref<80xi32, #tpu.memory_space<vmem>>
      %dma_start3A_56 = arith.constant 0 : i32
      %dma_start3A_57 = arith.constant 0 : i32
      %dma_start3A_58 = tpu.memref_slice %arg2[%dma_start3A_56, %dma_start3A_57] : memref<40000x128xf32, #tpu.memory_space<hbm>> -> memref<40000x128xf32, #tpu.memory_space<hbm>>
      tpu.enqueue_indirect_dma source(%dma_start3A_58 : memref<40000x128xf32, #tpu.memory_space<hbm>>) target(%arg10 : memref<80x128xf32, #tpu.memory_space<vmem>>) offsets(%dma_start3A_55 : memref<80xi32, #tpu.memory_space<vmem>>) semaphore(%arg13 : memref<!tpu.dma_semaphore, #tpu.memory_space<semaphore_mem>>)
      %dma_wait3A = tpu.memref_slice %arg7[%mul3A_47] : memref<10080xi32, #tpu.memory_space<vmem>> -> memref<80xi32, #tpu.memory_space<vmem>>
      %dma_wait3A_59 = arith.constant 0 : i32
      %dma_wait3A_60 = arith.constant 0 : i32
      %dma_wait3A_61 = tpu.memref_slice %arg2[%dma_wait3A_59, %dma_wait3A_60] : memref<40000x128xf32, #tpu.memory_space<hbm>> -> memref<40000x128xf32, #tpu.memory_space<hbm>>
      tpu.wait_indirect_dma semaphore(%arg12 : memref<!tpu.dma_semaphore, #tpu.memory_space<semaphore_mem>>) src(%dma_wait3A_61 : memref<40000x128xf32, #tpu.memory_space<hbm>>) dst(%arg9 : memref<80x128xf32, #tpu.memory_space<vmem>>)
      "tpu.region"() ({
        %run_scoped3A_68 = tpu.sem_alloc : memref<!tpu.dma_semaphore, #tpu.memory_space<semaphore_mem>>
        %dma_start3A_69 = arith.constant 0 : i32
        %dma_start3A_70 = tpu.memref_slice %arg8[%mul3A_45, %dma_start3A_69] : memref<126x80xi32, #tpu.memory_space<vmem>> -> memref<1x80xi32, #tpu.memory_space<vmem>>
        %dma_start3A_71 = tpu.memref_squeeze %dma_start3A_70 : memref<1x80xi32, #tpu.memory_space<vmem>> -> memref<80xi32, #tpu.memory_space<vmem>>
        %dma_start3A_72 = arith.constant 0 : i32
        %dma_start3A_73 = arith.constant 0 : i32
        %dma_start3A_74 = tpu.memref_slice %arg11[%dma_start3A_72, %dma_start3A_73] : memref<10112x128xf32, #tpu.memory_space<vmem_shared>> -> memref<10112x128xf32, #tpu.memory_space<vmem_shared>>
        tpu.enqueue_indirect_dma source(%arg9 : memref<80x128xf32, #tpu.memory_space<vmem>>) target(%dma_start3A_74 : memref<10112x128xf32, #tpu.memory_space<vmem_shared>>) offsets(%dma_start3A_71 : memref<80xi32, #tpu.memory_space<vmem>>) semaphore(%run_scoped3A_68 : memref<!tpu.dma_semaphore, #tpu.memory_space<semaphore_mem>>) {add = true}
        %dma_wait3A_75 = arith.constant 0 : i32
        %dma_wait3A_76 = tpu.memref_slice %arg8[%mul3A_45, %dma_wait3A_75] : memref<126x80xi32, #tpu.memory_space<vmem>> -> memref<1x80xi32, #tpu.memory_space<vmem>>
        %dma_wait3A_77 = tpu.memref_squeeze %dma_wait3A_76 : memref<1x80xi32, #tpu.memory_space<vmem>> -> memref<80xi32, #tpu.memory_space<vmem>>
        %dma_wait3A_78 = arith.constant 0 : i32
        %dma_wait3A_79 = arith.constant 0 : i32
        %dma_wait3A_80 = tpu.memref_slice %arg11[%dma_wait3A_78, %dma_wait3A_79] : memref<10112x128xf32, #tpu.memory_space<vmem_shared>> -> memref<10112x128xf32, #tpu.memory_space<vmem_shared>>
        tpu.wait_indirect_dma semaphore(%run_scoped3A_68 : memref<!tpu.dma_semaphore, #tpu.memory_space<semaphore_mem>>) src(%arg9 : memref<80x128xf32, #tpu.memory_space<vmem>>) dst(%dma_wait3A_80 : memref<10112x128xf32, #tpu.memory_space<vmem_shared>>)
        tpu.yield
      }) : () -> ()
      %dma_wait3A_62 = tpu.memref_slice %arg7[%mul3A_54] : memref<10080xi32, #tpu.memory_space<vmem>> -> memref<80xi32, #tpu.memory_space<vmem>>
      %dma_wait3A_63 = arith.constant 0 : i32
      %dma_wait3A_64 = arith.constant 0 : i32
      %dma_wait3A_65 = tpu.memref_slice %arg2[%dma_wait3A_63, %dma_wait3A_64] : memref<40000x128xf32, #tpu.memory_space<hbm>> -> memref<40000x128xf32, #tpu.memory_space<hbm>>
      tpu.wait_indirect_dma semaphore(%arg13 : memref<!tpu.dma_semaphore, #tpu.memory_space<semaphore_mem>>) src(%dma_wait3A_65 : memref<40000x128xf32, #tpu.memory_space<hbm>>) dst(%arg10 : memref<80x128xf32, #tpu.memory_space<vmem>>)
      %add3A_66 = arith.constant 1 : i32
      %add3A_67 = arith.addi %mul3A_45, %add3A_66 : i32
      "tpu.region"() ({
        %run_scoped3A_68 = tpu.sem_alloc : memref<!tpu.dma_semaphore, #tpu.memory_space<semaphore_mem>>
        %dma_start3A_69 = arith.constant 0 : i32
        %dma_start3A_70 = tpu.memref_slice %arg8[%add3A_67, %dma_start3A_69] : memref<126x80xi32, #tpu.memory_space<vmem>> -> memref<1x80xi32, #tpu.memory_space<vmem>>
        %dma_start3A_71 = tpu.memref_squeeze %dma_start3A_70 : memref<1x80xi32, #tpu.memory_space<vmem>> -> memref<80xi32, #tpu.memory_space<vmem>>
        %dma_start3A_72 = arith.constant 0 : i32
        %dma_start3A_73 = arith.constant 0 : i32
        %dma_start3A_74 = tpu.memref_slice %arg11[%dma_start3A_72, %dma_start3A_73] : memref<10112x128xf32, #tpu.memory_space<vmem_shared>> -> memref<10112x128xf32, #tpu.memory_space<vmem_shared>>
        tpu.enqueue_indirect_dma source(%arg10 : memref<80x128xf32, #tpu.memory_space<vmem>>) target(%dma_start3A_74 : memref<10112x128xf32, #tpu.memory_space<vmem_shared>>) offsets(%dma_start3A_71 : memref<80xi32, #tpu.memory_space<vmem>>) semaphore(%run_scoped3A_68 : memref<!tpu.dma_semaphore, #tpu.memory_space<semaphore_mem>>) {add = true}
        %dma_wait3A_75 = arith.constant 0 : i32
        %dma_wait3A_76 = tpu.memref_slice %arg8[%add3A_67, %dma_wait3A_75] : memref<126x80xi32, #tpu.memory_space<vmem>> -> memref<1x80xi32, #tpu.memory_space<vmem>>
        %dma_wait3A_77 = tpu.memref_squeeze %dma_wait3A_76 : memref<1x80xi32, #tpu.memory_space<vmem>> -> memref<80xi32, #tpu.memory_space<vmem>>
        %dma_wait3A_78 = arith.constant 0 : i32
        %dma_wait3A_79 = arith.constant 0 : i32
        %dma_wait3A_80 = tpu.memref_slice %arg11[%dma_wait3A_78, %dma_wait3A_79] : memref<10112x128xf32, #tpu.memory_space<vmem_shared>> -> memref<10112x128xf32, #tpu.memory_space<vmem_shared>>
        tpu.wait_indirect_dma semaphore(%run_scoped3A_68 : memref<!tpu.dma_semaphore, #tpu.memory_space<semaphore_mem>>) src(%arg10 : memref<80x128xf32, #tpu.memory_space<vmem>>) dst(%dma_wait3A_80 : memref<10112x128xf32, #tpu.memory_space<vmem_shared>>)
        tpu.yield
      }) : () -> ()
    }
    %scan3A_31 = arith.constant 63 : i32
    %barrier3A_32 = arith.constant 0 : index
    tpu.barrier barrier_id(%barrier3A_32)
    %add3A_33 = arith.constant 2 : i32
    %add3A_34 = arith.addi %add3A_33, %arg0 : i32
    %mul3A_35 = arith.constant 10112 : i32
    %mul3A_36 = arith.muli %add3A_34, %mul3A_35 : i32
    %mul3A_37 = arith.constant 632 : i32
    %mul3A_38 = arith.muli %arg1, %mul3A_37 : i32
    %add3A_39 = arith.addi %mul3A_36, %mul3A_38 : i32
    %mul3A_40 = arith.constant 632 : i32
    %mul3A_41 = arith.muli %arg1, %mul3A_40 : i32
    "tpu.region"() ({
      %run_scoped3A_43 = tpu.sem_alloc : memref<!tpu.dma_semaphore, #tpu.memory_space<semaphore_mem>>
      %dma_start3A = arith.constant 0 : i32
      %dma_start3A_44 = tpu.memref_slice %arg6[%add3A_39, %dma_start3A] : memref<40448x128xf32, #tpu.memory_space<hbm>> -> memref<632x128xf32, #tpu.memory_space<hbm>>
      %dma_start3A_45 = arith.constant 0 : i32
      %dma_start3A_46 = tpu.memref_slice %arg11[%mul3A_41, %dma_start3A_45] : memref<10112x128xf32, #tpu.memory_space<vmem_shared>> -> memref<632x128xf32, #tpu.memory_space<vmem_shared>>
      tpu.enqueue_dma source(%dma_start3A_46 : memref<632x128xf32, #tpu.memory_space<vmem_shared>>) target(%dma_start3A_44 : memref<632x128xf32, #tpu.memory_space<hbm>>) target_semaphore(%run_scoped3A_43 : memref<!tpu.dma_semaphore, #tpu.memory_space<semaphore_mem>>)
      %dma_wait3A = arith.constant 0 : i32
      %dma_wait3A_47 = tpu.memref_slice %arg6[%add3A_39, %dma_wait3A] : memref<40448x128xf32, #tpu.memory_space<hbm>> -> memref<632x128xf32, #tpu.memory_space<hbm>>
      %dma_wait3A_48 = arith.constant 0 : i32
      %dma_wait3A_49 = tpu.memref_slice %arg11[%mul3A_41, %dma_wait3A_48] : memref<10112x128xf32, #tpu.memory_space<vmem_shared>> -> memref<632x128xf32, #tpu.memory_space<vmem_shared>>
      tpu.wait_dma2 semaphore(%run_scoped3A_43 : memref<!tpu.dma_semaphore, #tpu.memory_space<semaphore_mem>>) src(%dma_wait3A_49 : memref<632x128xf32, #tpu.memory_space<vmem_shared>>) dst(%dma_wait3A_47 : memref<632x128xf32, #tpu.memory_space<hbm>>)
      tpu.yield
    }) : () -> ()
    %barrier3A_42 = arith.constant 0 : index
    tpu.barrier barrier_id(%barrier3A_42)
    return
  }
}

module attributes {stable_mosaic.version = 14 : i64} {
  func.func @body(%arg0: i32, %arg1: i32, %arg2: memref<1x2000x256xf32, #tpu.memory_space<vmem>>, %arg3: memref<1x2000x1xf32, #tpu.memory_space<vmem>>, %arg4: memref<1x256x256xf32, #tpu.memory_space<vmem>>, %arg5: memref<1x1x256xf32, #tpu.memory_space<vmem>>, %arg6: memref<1x256x256xf32, #tpu.memory_space<vmem>>, %arg7: memref<1x2000x256xf32, #tpu.memory_space<vmem>>, %arg8: memref<1x2000x1xf32, #tpu.memory_space<vmem>>, %arg9: memref<2x1x2000x128xf32, #tpu.memory_space<vmem>>) attributes {dimension_semantics = [#tpu.dimension_semantics<arbitrary>, #tpu.dimension_semantics<arbitrary>], iteration_bounds = array<i64: 2, 5>, scalar_prefetch = 0 : i64, scratch_operands = 0 : i64, tpu.core_type = #tpu.core_type<tc>, window_params = [{transform_indices = @transform_0, window_bounds = array<i64: 1, 2000, 256>}, {transform_indices = @transform_1, window_bounds = array<i64: 1, 2000, 1>}, {transform_indices = @transform_2, window_bounds = array<i64: 1, 256, 256>}, {transform_indices = @transform_3, window_bounds = array<i64: 1, 1, 256>}, {transform_indices = @transform_4, window_bounds = array<i64: 1, 256, 256>}, {transform_indices = @transform_5, window_bounds = array<i64: 1, 2000, 256>}, {transform_indices = @transform_6, window_bounds = array<i64: 1, 2000, 1>}, {transform_indices = @transform_7, window_bounds = array<i64: 2, 1, 2000, 128>}]} {
    %get3A = arith.constant 0 : index
    %get3A_0 = arith.constant 0 : index
    %get3A_1 = arith.constant 0 : index
    %get3A_2 = vector.load %arg2[%get3A, %get3A_0, %get3A_1] : memref<1x2000x256xf32, #tpu.memory_space<vmem>>, vector<1x2000x256xf32>
    %get3A_3 = vector.shape_cast %get3A_2 : vector<1x2000x256xf32> to vector<2000x256xf32>
    %get3A_4 = arith.constant 0 : index
    %get3A_5 = arith.constant 0 : index
    %get3A_6 = arith.constant 0 : index
    %get3A_7 = vector.load %arg4[%get3A_4, %get3A_5, %get3A_6] : memref<1x256x256xf32, #tpu.memory_space<vmem>>, vector<1x256x256xf32>
    %get3A_8 = vector.shape_cast %get3A_7 : vector<1x256x256xf32> to vector<256x256xf32>
    %dot_general3A = arith.constant dense<0.000000e+00> : vector<2000x256xf32>
    %dot_general3A_9 = tpu.matmul %get3A_3, %get3A_8, %dot_general3A {dimension_numbers = #tpu.dot_dimension_numbers<[1], [0], [0], [1], [0, 0, 1, 1], [], []>, transpose_lhs_hint = false} : vector<2000x256xf32>, vector<256x256xf32>, vector<2000x256xf32> -> vector<2000x256xf32>
    %get3A_10 = arith.constant 0 : index
    %get3A_11 = arith.constant 0 : index
    %get3A_12 = arith.constant 0 : index
    %get3A_13 = vector.load %arg5[%get3A_10, %get3A_11, %get3A_12] : memref<1x1x256xf32, #tpu.memory_space<vmem>>, vector<1x1x256xf32>
    %get3A_14 = vector.shape_cast %get3A_13 : vector<1x1x256xf32> to vector<1x256xf32>
    %add3A = vector.broadcast %get3A_14 : vector<1x256xf32> to vector<2000x256xf32>
    %add3A_15 = arith.addf %dot_general3A_9, %add3A : vector<2000x256xf32>
    %get3A_16 = arith.constant 0 : index
    %get3A_17 = arith.constant 0 : index
    %get3A_18 = arith.constant 0 : index
    %get3A_19 = vector.load %arg3[%get3A_16, %get3A_17, %get3A_18] : memref<1x2000x1xf32, #tpu.memory_space<vmem>>, vector<1x2000x1xf32>
    %get3A_20 = vector.shape_cast %get3A_19 : vector<1x2000x1xf32> to vector<2000x1xf32>
    %add3A_21 = arith.constant 1.000000e+00 : f32
    %add3A_22 = vector.broadcast %add3A_21 : f32 to vector<2000x1xf32>
    %add3A_23 = arith.addf %get3A_20, %add3A_22 : vector<2000x1xf32>
    %rsqrt3A = math.rsqrt %add3A_23 : vector<2000x1xf32>
    %mul3A = vector.broadcast %rsqrt3A : vector<2000x1xf32> to vector<2000x256xf32>
    %mul3A_24 = arith.mulf %mul3A, %add3A_15 : vector<2000x256xf32>
    %get3A_25 = arith.constant 0 : index
    %get3A_26 = arith.constant 0 : index
    %get3A_27 = arith.constant 0 : index
    %get3A_28 = vector.load %arg6[%get3A_25, %get3A_26, %get3A_27] : memref<1x256x256xf32, #tpu.memory_space<vmem>>, vector<1x256x256xf32>
    %get3A_29 = vector.shape_cast %get3A_28 : vector<1x256x256xf32> to vector<256x256xf32>
    %dot_general3A_30 = arith.constant dense<0.000000e+00> : vector<2000x256xf32>
    %dot_general3A_31 = tpu.matmul %mul3A_24, %get3A_29, %dot_general3A_30 {dimension_numbers = #tpu.dot_dimension_numbers<[1], [0], [0], [1], [0, 0, 1, 1], [], []>, transpose_lhs_hint = false} : vector<2000x256xf32>, vector<256x256xf32>, vector<2000x256xf32> -> vector<2000x256xf32>
    %swap3A = arith.constant 0 : index
    %swap3A_32 = arith.constant 0 : index
    %swap3A_33 = arith.constant 0 : index
    %swap3A_34 = vector.load %arg7[%swap3A, %swap3A_32, %swap3A_33] : memref<1x2000x256xf32, #tpu.memory_space<vmem>>, vector<1x2000x256xf32>
    %swap3A_35 = vector.shape_cast %swap3A_34 : vector<1x2000x256xf32> to vector<2000x256xf32>
    %swap3A_36 = vector.shape_cast %add3A_15 : vector<2000x256xf32> to vector<1x2000x256xf32>
    tpu.vector_store %arg7[%swap3A, %swap3A_32, %swap3A_33], %swap3A_36 {strides = array<i32>} : memref<1x2000x256xf32, #tpu.memory_space<vmem>>, vector<1x2000x256xf32>,
    %swap3A_37 = arith.constant 0 : index
    %swap3A_38 = arith.constant 0 : index
    %swap3A_39 = arith.constant 0 : index
    %swap3A_40 = vector.load %arg8[%swap3A_37, %swap3A_38, %swap3A_39] : memref<1x2000x1xf32, #tpu.memory_space<vmem>>, vector<1x2000x1xf32>
    %swap3A_41 = vector.shape_cast %swap3A_40 : vector<1x2000x1xf32> to vector<2000x1xf32>
    %swap3A_42 = vector.shape_cast %rsqrt3A : vector<2000x1xf32> to vector<1x2000x1xf32>
    tpu.vector_store %arg8[%swap3A_37, %swap3A_38, %swap3A_39], %swap3A_42 {strides = array<i32>} : memref<1x2000x1xf32, #tpu.memory_space<vmem>>, vector<1x2000x1xf32>,
    %slice3A = vector.extract_strided_slice %dot_general3A_31 {offsets = [0, 0], sizes = [2000, 128], strides = [1, 1]} : vector<2000x256xf32> to vector<2000x128xf32>
    %swap3A_43 = arith.constant 0 : index
    %swap3A_44 = arith.constant 0 : index
    %swap3A_45 = arith.constant 0 : index
    %swap3A_46 = arith.constant 0 : index
    %swap3A_47 = vector.load %arg9[%swap3A_43, %swap3A_44, %swap3A_45, %swap3A_46] : memref<2x1x2000x128xf32, #tpu.memory_space<vmem>>, vector<1x1x2000x128xf32>
    %swap3A_48 = vector.shape_cast %swap3A_47 : vector<1x1x2000x128xf32> to vector<2000x128xf32>
    %swap3A_49 = vector.shape_cast %slice3A : vector<2000x128xf32> to vector<1x1x2000x128xf32>
    tpu.vector_store %arg9[%swap3A_43, %swap3A_44, %swap3A_45, %swap3A_46], %swap3A_49 {strides = array<i32>} : memref<2x1x2000x128xf32, #tpu.memory_space<vmem>>, vector<1x1x2000x128xf32>,
    %slice3A_50 = vector.extract_strided_slice %dot_general3A_31 {offsets = [0, 128], sizes = [2000, 128], strides = [1, 1]} : vector<2000x256xf32> to vector<2000x128xf32>
    %swap3A_51 = arith.constant 1 : index
    %swap3A_52 = arith.constant 0 : index
    %swap3A_53 = arith.constant 0 : index
    %swap3A_54 = arith.constant 0 : index
    %swap3A_55 = vector.load %arg9[%swap3A_51, %swap3A_52, %swap3A_53, %swap3A_54] : memref<2x1x2000x128xf32, #tpu.memory_space<vmem>>, vector<1x1x2000x128xf32>
    %swap3A_56 = vector.shape_cast %swap3A_55 : vector<1x1x2000x128xf32> to vector<2000x128xf32>
    %swap3A_57 = vector.shape_cast %slice3A_50 : vector<2000x128xf32> to vector<1x1x2000x128xf32>
    tpu.vector_store %arg9[%swap3A_51, %swap3A_52, %swap3A_53, %swap3A_54], %swap3A_57 {strides = array<i32>} : memref<2x1x2000x128xf32, #tpu.memory_space<vmem>>, vector<1x1x2000x128xf32>,
    return
  }
  func.func @transform_0(%arg0: i32, %arg1: i32) -> (i32, i32, i32) {
    %c0_i32 = arith.constant 0 : i32
    %c0_i32_0 = arith.constant 0 : i32
    return %arg0, %arg1, %c0_i32 : i32, i32, i32
  }
  func.func @transform_1(%arg0: i32, %arg1: i32) -> (i32, i32, i32) {
    %c0_i32 = arith.constant 0 : i32
    %c0_i32_0 = arith.constant 0 : i32
    return %arg0, %arg1, %c0_i32 : i32, i32, i32
  }
  func.func @transform_2(%arg0: i32, %arg1: i32) -> (i32, i32, i32) {
    %c0_i32 = arith.constant 0 : i32
    %c0_i32_0 = arith.constant 0 : i32
    %c0_i32_1 = arith.constant 0 : i32
    return %arg0, %c0_i32, %c0_i32_0 : i32, i32, i32
  }
  func.func @transform_3(%arg0: i32, %arg1: i32) -> (i32, i32, i32) {
    %c0_i32 = arith.constant 0 : i32
    %c0_i32_0 = arith.constant 0 : i32
    %c0_i32_1 = arith.constant 0 : i32
    return %arg0, %c0_i32, %c0_i32_0 : i32, i32, i32
  }
  func.func @transform_4(%arg0: i32, %arg1: i32) -> (i32, i32, i32) {
    %c0_i32 = arith.constant 0 : i32
    %c0_i32_0 = arith.constant 0 : i32
    %c0_i32_1 = arith.constant 0 : i32
    return %arg0, %c0_i32, %c0_i32_0 : i32, i32, i32
  }
  func.func @transform_5(%arg0: i32, %arg1: i32) -> (i32, i32, i32) {
    %c0_i32 = arith.constant 0 : i32
    %c0_i32_0 = arith.constant 0 : i32
    return %arg0, %arg1, %c0_i32 : i32, i32, i32
  }
  func.func @transform_6(%arg0: i32, %arg1: i32) -> (i32, i32, i32) {
    %c0_i32 = arith.constant 0 : i32
    %c0_i32_0 = arith.constant 0 : i32
    return %arg0, %arg1, %c0_i32 : i32, i32, i32
  }
  func.func @transform_7(%arg0: i32, %arg1: i32) -> (i32, i32, i32, i32) {
    %c0_i32 = arith.constant 0 : i32
    %c0_i32_0 = arith.constant 0 : i32
    %c0_i32_1 = arith.constant 0 : i32
    return %c0_i32, %arg0, %arg1, %c0_i32_0 : i32, i32, i32, i32
  }
}

module attributes {stable_mosaic.version = 14 : i64} {
  func.func @body(%arg0: i32, %arg1: i32, %arg2: memref<1x2000x256xf32, #tpu.memory_space<vmem>>, %arg3: memref<1x2x2000x128xf32, #tpu.memory_space<vmem>>, %arg4: memref<2x1x2000x128xf32, #tpu.memory_space<vmem>>, %arg5: memref<1x2000x1xf32, #tpu.memory_space<vmem>>, %arg6: memref<1x1x256xf32, #tpu.memory_space<vmem>>, %arg7: memref<1x1x256xf32, #tpu.memory_space<vmem>>, %arg8: memref<1x1x256xf32, #tpu.memory_space<vmem>>, %arg9: memref<1x256x256xf32, #tpu.memory_space<vmem>>, %arg10: memref<1x2000x256xf32, #tpu.memory_space<vmem>>, %arg11: memref<2x1x2000x128xf32, #tpu.memory_space<vmem>>) attributes {dimension_semantics = [#tpu.dimension_semantics<arbitrary>, #tpu.dimension_semantics<arbitrary>], iteration_bounds = array<i64: 2, 5>, scalar_prefetch = 0 : i64, scratch_operands = 0 : i64, tpu.core_type = #tpu.core_type<tc>, window_params = [{transform_indices = @transform_0, window_bounds = array<i64: 1, 2000, 256>}, {transform_indices = @transform_1, window_bounds = array<i64: 1, 2, 2000, 128>}, {transform_indices = @transform_2, window_bounds = array<i64: 2, 1, 2000, 128>}, {transform_indices = @transform_3, window_bounds = array<i64: 1, 2000, 1>}, {transform_indices = @transform_4, window_bounds = array<i64: 1, 1, 256>}, {transform_indices = @transform_5, window_bounds = array<i64: 1, 1, 256>}, {transform_indices = @transform_6, window_bounds = array<i64: 1, 1, 256>}, {transform_indices = @transform_7, window_bounds = array<i64: 1, 256, 256>}, {transform_indices = @transform_8, window_bounds = array<i64: 1, 2000, 256>}, {transform_indices = @transform_9, window_bounds = array<i64: 2, 1, 2000, 128>}]} {
    %get3A = arith.constant 0 : index
    %get3A_0 = arith.constant 0 : index
    %get3A_1 = arith.constant 0 : index
    %get3A_2 = arith.constant 0 : index
    %get3A_3 = vector.load %arg3[%get3A, %get3A_0, %get3A_1, %get3A_2] : memref<1x2x2000x128xf32, #tpu.memory_space<vmem>>, vector<1x1x2000x128xf32>
    %get3A_4 = vector.shape_cast %get3A_3 : vector<1x1x2000x128xf32> to vector<2000x128xf32>
    %get3A_5 = arith.constant 0 : index
    %get3A_6 = arith.constant 0 : index
    %get3A_7 = arith.constant 0 : index
    %get3A_8 = arith.constant 0 : index
    %get3A_9 = vector.load %arg4[%get3A_5, %get3A_6, %get3A_7, %get3A_8] : memref<2x1x2000x128xf32, #tpu.memory_space<vmem>>, vector<1x1x2000x128xf32>
    %get3A_10 = vector.shape_cast %get3A_9 : vector<1x1x2000x128xf32> to vector<2000x128xf32>
    %add3A = arith.addf %get3A_4, %get3A_10 : vector<2000x128xf32>
    %get3A_11 = arith.constant 0 : index
    %get3A_12 = arith.constant 1 : index
    %get3A_13 = arith.constant 0 : index
    %get3A_14 = arith.constant 0 : index
    %get3A_15 = vector.load %arg3[%get3A_11, %get3A_12, %get3A_13, %get3A_14] : memref<1x2x2000x128xf32, #tpu.memory_space<vmem>>, vector<1x1x2000x128xf32>
    %get3A_16 = vector.shape_cast %get3A_15 : vector<1x1x2000x128xf32> to vector<2000x128xf32>
    %get3A_17 = arith.constant 1 : index
    %get3A_18 = arith.constant 0 : index
    %get3A_19 = arith.constant 0 : index
    %get3A_20 = arith.constant 0 : index
    %get3A_21 = vector.load %arg4[%get3A_17, %get3A_18, %get3A_19, %get3A_20] : memref<2x1x2000x128xf32, #tpu.memory_space<vmem>>, vector<1x1x2000x128xf32>
    %get3A_22 = vector.shape_cast %get3A_21 : vector<1x1x2000x128xf32> to vector<2000x128xf32>
    %add3A_23 = arith.addf %get3A_16, %get3A_22 : vector<2000x128xf32>
    %concatenate3A = tpu.concatenate %add3A, %add3A_23 in 1 : vector<2000x128xf32>, vector<2000x128xf32> -> vector<2000x256xf32>
    %get3A_24 = arith.constant 0 : index
    %get3A_25 = arith.constant 0 : index
    %get3A_26 = arith.constant 0 : index
    %get3A_27 = vector.load %arg5[%get3A_24, %get3A_25, %get3A_26] : memref<1x2000x1xf32, #tpu.memory_space<vmem>>, vector<1x2000x1xf32>
    %get3A_28 = vector.shape_cast %get3A_27 : vector<1x2000x1xf32> to vector<2000x1xf32>
    %mul3A = vector.broadcast %get3A_28 : vector<2000x1xf32> to vector<2000x256xf32>
    %mul3A_29 = arith.mulf %mul3A, %concatenate3A : vector<2000x256xf32>
    %get3A_30 = arith.constant 0 : index
    %get3A_31 = arith.constant 0 : index
    %get3A_32 = arith.constant 0 : index
    %get3A_33 = vector.load %arg6[%get3A_30, %get3A_31, %get3A_32] : memref<1x1x256xf32, #tpu.memory_space<vmem>>, vector<1x1x256xf32>
    %get3A_34 = vector.shape_cast %get3A_33 : vector<1x1x256xf32> to vector<1x256xf32>
    %add3A_35 = vector.broadcast %get3A_34 : vector<1x256xf32> to vector<2000x256xf32>
    %add3A_36 = arith.addf %mul3A_29, %add3A_35 : vector<2000x256xf32>
    %reduce_sum3A = arith.constant dense<0.000000e+00> : vector<2000xf32>
    %reduce_sum3A_37 = vector.multi_reduction <add>, %add3A_36, %reduce_sum3A [1] : vector<2000x256xf32> to vector<2000xf32>
    %broadcast_in_dim3A = vector.shape_cast %reduce_sum3A_37 : vector<2000xf32> to vector<2000x1xf32>
    %div3A = arith.constant 2.560000e+02 : f32
    %div3A_38 = vector.broadcast %div3A : f32 to vector<2000x1xf32>
    %div3A_39 = arith.divf %broadcast_in_dim3A, %div3A_38 : vector<2000x1xf32>
    %sub3A = vector.broadcast %div3A_39 : vector<2000x1xf32> to vector<2000x256xf32>
    %sub3A_40 = arith.subf %add3A_36, %sub3A : vector<2000x256xf32>
    %integer_pow3A = arith.mulf %sub3A_40, %sub3A_40 : vector<2000x256xf32>
    %reduce_sum3A_41 = arith.constant dense<0.000000e+00> : vector<2000xf32>
    %reduce_sum3A_42 = vector.multi_reduction <add>, %integer_pow3A, %reduce_sum3A_41 [1] : vector<2000x256xf32> to vector<2000xf32>
    %broadcast_in_dim3A_43 = vector.shape_cast %reduce_sum3A_42 : vector<2000xf32> to vector<2000x1xf32>
    %div3A_44 = arith.constant 2.560000e+02 : f32
    %div3A_45 = vector.broadcast %div3A_44 : f32 to vector<2000x1xf32>
    %div3A_46 = arith.divf %broadcast_in_dim3A_43, %div3A_45 : vector<2000x1xf32>
    %sub3A_47 = vector.broadcast %div3A_39 : vector<2000x1xf32> to vector<2000x256xf32>
    %sub3A_48 = arith.subf %add3A_36, %sub3A_47 : vector<2000x256xf32>
    %add3A_49 = arith.constant 9.99999974E-6 : f32
    %add3A_50 = vector.broadcast %add3A_49 : f32 to vector<2000x1xf32>
    %add3A_51 = arith.addf %div3A_46, %add3A_50 : vector<2000x1xf32>
    %rsqrt3A = math.rsqrt %add3A_51 : vector<2000x1xf32>
    %mul3A_52 = vector.broadcast %rsqrt3A : vector<2000x1xf32> to vector<2000x256xf32>
    %mul3A_53 = arith.mulf %sub3A_48, %mul3A_52 : vector<2000x256xf32>
    %get3A_54 = arith.constant 0 : index
    %get3A_55 = arith.constant 0 : index
    %get3A_56 = arith.constant 0 : index
    %get3A_57 = vector.load %arg7[%get3A_54, %get3A_55, %get3A_56] : memref<1x1x256xf32, #tpu.memory_space<vmem>>, vector<1x1x256xf32>
    %get3A_58 = vector.shape_cast %get3A_57 : vector<1x1x256xf32> to vector<1x256xf32>
    %mul3A_59 = vector.broadcast %get3A_58 : vector<1x256xf32> to vector<2000x256xf32>
    %mul3A_60 = arith.mulf %mul3A_53, %mul3A_59 : vector<2000x256xf32>
    %get3A_61 = arith.constant 0 : index
    %get3A_62 = arith.constant 0 : index
    %get3A_63 = arith.constant 0 : index
    %get3A_64 = vector.load %arg8[%get3A_61, %get3A_62, %get3A_63] : memref<1x1x256xf32, #tpu.memory_space<vmem>>, vector<1x1x256xf32>
    %get3A_65 = vector.shape_cast %get3A_64 : vector<1x1x256xf32> to vector<1x256xf32>
    %add3A_66 = vector.broadcast %get3A_65 : vector<1x256xf32> to vector<2000x256xf32>
    %add3A_67 = arith.addf %mul3A_60, %add3A_66 : vector<2000x256xf32>
    %get3A_68 = arith.constant 0 : index
    %get3A_69 = arith.constant 0 : index
    %get3A_70 = arith.constant 0 : index
    %get3A_71 = vector.load %arg2[%get3A_68, %get3A_69, %get3A_70] : memref<1x2000x256xf32, #tpu.memory_space<vmem>>, vector<1x2000x256xf32>
    %get3A_72 = vector.shape_cast %get3A_71 : vector<1x2000x256xf32> to vector<2000x256xf32>
    %max3A = arith.constant 0.000000e+00 : f32
    %max3A_73 = vector.broadcast %max3A : f32 to vector<2000x256xf32>
    %max3A_74 = arith.maximumf %add3A_67, %max3A_73 : vector<2000x256xf32>
    %add3A_75 = arith.addf %get3A_72, %max3A_74 : vector<2000x256xf32>
    %swap3A = arith.constant 0 : index
    %swap3A_76 = arith.constant 0 : index
    %swap3A_77 = arith.constant 0 : index
    %swap3A_78 = vector.load %arg10[%swap3A, %swap3A_76, %swap3A_77] : memref<1x2000x256xf32, #tpu.memory_space<vmem>>, vector<1x2000x256xf32>
    %swap3A_79 = vector.shape_cast %swap3A_78 : vector<1x2000x256xf32> to vector<2000x256xf32>
    %swap3A_80 = vector.shape_cast %add3A_75 : vector<2000x256xf32> to vector<1x2000x256xf32>
    tpu.vector_store %arg10[%swap3A, %swap3A_76, %swap3A_77], %swap3A_80 {strides = array<i32>} : memref<1x2000x256xf32, #tpu.memory_space<vmem>>, vector<1x2000x256xf32>,
    %mul3A_81 = vector.broadcast %get3A_28 : vector<2000x1xf32> to vector<2000x256xf32>
    %mul3A_82 = arith.mulf %mul3A_81, %add3A_75 : vector<2000x256xf32>
    %get3A_83 = arith.constant 0 : index
    %get3A_84 = arith.constant 0 : index
    %get3A_85 = arith.constant 0 : index
    %get3A_86 = vector.load %arg9[%get3A_83, %get3A_84, %get3A_85] : memref<1x256x256xf32, #tpu.memory_space<vmem>>, vector<1x256x256xf32>
    %get3A_87 = vector.shape_cast %get3A_86 : vector<1x256x256xf32> to vector<256x256xf32>
    %dot_general3A = arith.constant dense<0.000000e+00> : vector<2000x256xf32>
    %dot_general3A_88 = tpu.matmul %mul3A_82, %get3A_87, %dot_general3A {dimension_numbers = #tpu.dot_dimension_numbers<[1], [0], [0], [1], [0, 0, 1, 1], [], []>, transpose_lhs_hint = false} : vector<2000x256xf32>, vector<256x256xf32>, vector<2000x256xf32> -> vector<2000x256xf32>
    %slice3A = vector.extract_strided_slice %dot_general3A_88 {offsets = [0, 0], sizes = [2000, 128], strides = [1, 1]} : vector<2000x256xf32> to vector<2000x128xf32>
    %swap3A_89 = arith.constant 0 : index
    %swap3A_90 = arith.constant 0 : index
    %swap3A_91 = arith.constant 0 : index
    %swap3A_92 = arith.constant 0 : index
    %swap3A_93 = vector.load %arg11[%swap3A_89, %swap3A_90, %swap3A_91, %swap3A_92] : memref<2x1x2000x128xf32, #tpu.memory_space<vmem>>, vector<1x1x2000x128xf32>
    %swap3A_94 = vector.shape_cast %swap3A_93 : vector<1x1x2000x128xf32> to vector<2000x128xf32>
    %swap3A_95 = vector.shape_cast %slice3A : vector<2000x128xf32> to vector<1x1x2000x128xf32>
    tpu.vector_store %arg11[%swap3A_89, %swap3A_90, %swap3A_91, %swap3A_92], %swap3A_95 {strides = array<i32>} : memref<2x1x2000x128xf32, #tpu.memory_space<vmem>>, vector<1x1x2000x128xf32>,
    %slice3A_96 = vector.extract_strided_slice %dot_general3A_88 {offsets = [0, 128], sizes = [2000, 128], strides = [1, 1]} : vector<2000x256xf32> to vector<2000x128xf32>
    %swap3A_97 = arith.constant 1 : index
    %swap3A_98 = arith.constant 0 : index
    %swap3A_99 = arith.constant 0 : index
    %swap3A_100 = arith.constant 0 : index
    %swap3A_101 = vector.load %arg11[%swap3A_97, %swap3A_98, %swap3A_99, %swap3A_100] : memref<2x1x2000x128xf32, #tpu.memory_space<vmem>>, vector<1x1x2000x128xf32>
    %swap3A_102 = vector.shape_cast %swap3A_101 : vector<1x1x2000x128xf32> to vector<2000x128xf32>
    %swap3A_103 = vector.shape_cast %slice3A_96 : vector<2000x128xf32> to vector<1x1x2000x128xf32>
    tpu.vector_store %arg11[%swap3A_97, %swap3A_98, %swap3A_99, %swap3A_100], %swap3A_103 {strides = array<i32>} : memref<2x1x2000x128xf32, #tpu.memory_space<vmem>>, vector<1x1x2000x128xf32>,
    return
  }
  func.func @transform_0(%arg0: i32, %arg1: i32) -> (i32, i32, i32) {
    %c0_i32 = arith.constant 0 : i32
    %c0_i32_0 = arith.constant 0 : i32
    return %arg0, %arg1, %c0_i32 : i32, i32, i32
  }
  func.func @transform_1(%arg0: i32, %arg1: i32) -> (i32, i32, i32, i32) {
    %c0_i32 = arith.constant 0 : i32
    %c0_i32_0 = arith.constant 0 : i32
    %c0_i32_1 = arith.constant 0 : i32
    return %arg0, %c0_i32, %arg1, %c0_i32_0 : i32, i32, i32, i32
  }
  func.func @transform_2(%arg0: i32, %arg1: i32) -> (i32, i32, i32, i32) {
    %c0_i32 = arith.constant 0 : i32
    %c0_i32_0 = arith.constant 0 : i32
    %c0_i32_1 = arith.constant 0 : i32
    return %c0_i32, %arg0, %arg1, %c0_i32_0 : i32, i32, i32, i32
  }
  func.func @transform_3(%arg0: i32, %arg1: i32) -> (i32, i32, i32) {
    %c0_i32 = arith.constant 0 : i32
    %c0_i32_0 = arith.constant 0 : i32
    return %arg0, %arg1, %c0_i32 : i32, i32, i32
  }
  func.func @transform_4(%arg0: i32, %arg1: i32) -> (i32, i32, i32) {
    %c0_i32 = arith.constant 0 : i32
    %c0_i32_0 = arith.constant 0 : i32
    %c0_i32_1 = arith.constant 0 : i32
    return %arg0, %c0_i32, %c0_i32_0 : i32, i32, i32
  }
  func.func @transform_5(%arg0: i32, %arg1: i32) -> (i32, i32, i32) {
    %c0_i32 = arith.constant 0 : i32
    %c0_i32_0 = arith.constant 0 : i32
    %c0_i32_1 = arith.constant 0 : i32
    return %arg0, %c0_i32, %c0_i32_0 : i32, i32, i32
  }
  func.func @transform_6(%arg0: i32, %arg1: i32) -> (i32, i32, i32) {
    %c0_i32 = arith.constant 0 : i32
    %c0_i32_0 = arith.constant 0 : i32
    %c0_i32_1 = arith.constant 0 : i32
    return %arg0, %c0_i32, %c0_i32_0 : i32, i32, i32
  }
  func.func @transform_7(%arg0: i32, %arg1: i32) -> (i32, i32, i32) {
    %c0_i32 = arith.constant 0 : i32
    %c0_i32_0 = arith.constant 0 : i32
    %c0_i32_1 = arith.constant 0 : i32
    return %arg0, %c0_i32, %c0_i32_0 : i32, i32, i32
  }
  func.func @transform_8(%arg0: i32, %arg1: i32) -> (i32, i32, i32) {
    %c0_i32 = arith.constant 0 : i32
    %c0_i32_0 = arith.constant 0 : i32
    return %arg0, %arg1, %c0_i32 : i32, i32, i32
  }
  func.func @transform_9(%arg0: i32, %arg1: i32) -> (i32, i32, i32, i32) {
    %c0_i32 = arith.constant 0 : i32
    %c0_i32_0 = arith.constant 0 : i32
    %c0_i32_1 = arith.constant 0 : i32
    return %c0_i32, %arg0, %arg1, %c0_i32_0 : i32, i32, i32, i32
  }
}

module attributes {stable_mosaic.version = 14 : i64} {
  func.func @body(%arg0: i32, %arg1: i32, %arg2: memref<1x2000x256xf32, #tpu.memory_space<vmem>>, %arg3: memref<1x2x2000x128xf32, #tpu.memory_space<vmem>>, %arg4: memref<2x1x2000x128xf32, #tpu.memory_space<vmem>>, %arg5: memref<1x2000x1xf32, #tpu.memory_space<vmem>>, %arg6: memref<1x1x256xf32, #tpu.memory_space<vmem>>, %arg7: memref<1x1x256xf32, #tpu.memory_space<vmem>>, %arg8: memref<1x1x256xf32, #tpu.memory_space<vmem>>, %arg9: memref<1x2000x256xf32, #tpu.memory_space<vmem>>) attributes {dimension_semantics = [#tpu.dimension_semantics<arbitrary>, #tpu.dimension_semantics<arbitrary>], iteration_bounds = array<i64: 2, 5>, scalar_prefetch = 0 : i64, scratch_operands = 0 : i64, tpu.core_type = #tpu.core_type<tc>, window_params = [{transform_indices = @transform_0, window_bounds = array<i64: 1, 2000, 256>}, {transform_indices = @transform_1, window_bounds = array<i64: 1, 2, 2000, 128>}, {transform_indices = @transform_2, window_bounds = array<i64: 2, 1, 2000, 128>}, {transform_indices = @transform_3, window_bounds = array<i64: 1, 2000, 1>}, {transform_indices = @transform_4, window_bounds = array<i64: 1, 1, 256>}, {transform_indices = @transform_5, window_bounds = array<i64: 1, 1, 256>}, {transform_indices = @transform_6, window_bounds = array<i64: 1, 1, 256>}, {transform_indices = @transform_7, window_bounds = array<i64: 1, 2000, 256>}]} {
    %get3A = arith.constant 0 : index
    %get3A_0 = arith.constant 0 : index
    %get3A_1 = arith.constant 0 : index
    %get3A_2 = arith.constant 0 : index
    %get3A_3 = vector.load %arg3[%get3A, %get3A_0, %get3A_1, %get3A_2] : memref<1x2x2000x128xf32, #tpu.memory_space<vmem>>, vector<1x1x2000x128xf32>
    %get3A_4 = vector.shape_cast %get3A_3 : vector<1x1x2000x128xf32> to vector<2000x128xf32>
    %get3A_5 = arith.constant 0 : index
    %get3A_6 = arith.constant 0 : index
    %get3A_7 = arith.constant 0 : index
    %get3A_8 = arith.constant 0 : index
    %get3A_9 = vector.load %arg4[%get3A_5, %get3A_6, %get3A_7, %get3A_8] : memref<2x1x2000x128xf32, #tpu.memory_space<vmem>>, vector<1x1x2000x128xf32>
    %get3A_10 = vector.shape_cast %get3A_9 : vector<1x1x2000x128xf32> to vector<2000x128xf32>
    %add3A = arith.addf %get3A_4, %get3A_10 : vector<2000x128xf32>
    %get3A_11 = arith.constant 0 : index
    %get3A_12 = arith.constant 1 : index
    %get3A_13 = arith.constant 0 : index
    %get3A_14 = arith.constant 0 : index
    %get3A_15 = vector.load %arg3[%get3A_11, %get3A_12, %get3A_13, %get3A_14] : memref<1x2x2000x128xf32, #tpu.memory_space<vmem>>, vector<1x1x2000x128xf32>
    %get3A_16 = vector.shape_cast %get3A_15 : vector<1x1x2000x128xf32> to vector<2000x128xf32>
    %get3A_17 = arith.constant 1 : index
    %get3A_18 = arith.constant 0 : index
    %get3A_19 = arith.constant 0 : index
    %get3A_20 = arith.constant 0 : index
    %get3A_21 = vector.load %arg4[%get3A_17, %get3A_18, %get3A_19, %get3A_20] : memref<2x1x2000x128xf32, #tpu.memory_space<vmem>>, vector<1x1x2000x128xf32>
    %get3A_22 = vector.shape_cast %get3A_21 : vector<1x1x2000x128xf32> to vector<2000x128xf32>
    %add3A_23 = arith.addf %get3A_16, %get3A_22 : vector<2000x128xf32>
    %concatenate3A = tpu.concatenate %add3A, %add3A_23 in 1 : vector<2000x128xf32>, vector<2000x128xf32> -> vector<2000x256xf32>
    %get3A_24 = arith.constant 0 : index
    %get3A_25 = arith.constant 0 : index
    %get3A_26 = arith.constant 0 : index
    %get3A_27 = vector.load %arg5[%get3A_24, %get3A_25, %get3A_26] : memref<1x2000x1xf32, #tpu.memory_space<vmem>>, vector<1x2000x1xf32>
    %get3A_28 = vector.shape_cast %get3A_27 : vector<1x2000x1xf32> to vector<2000x1xf32>
    %mul3A = vector.broadcast %get3A_28 : vector<2000x1xf32> to vector<2000x256xf32>
    %mul3A_29 = arith.mulf %mul3A, %concatenate3A : vector<2000x256xf32>
    %get3A_30 = arith.constant 0 : index
    %get3A_31 = arith.constant 0 : index
    %get3A_32 = arith.constant 0 : index
    %get3A_33 = vector.load %arg6[%get3A_30, %get3A_31, %get3A_32] : memref<1x1x256xf32, #tpu.memory_space<vmem>>, vector<1x1x256xf32>
    %get3A_34 = vector.shape_cast %get3A_33 : vector<1x1x256xf32> to vector<1x256xf32>
    %add3A_35 = vector.broadcast %get3A_34 : vector<1x256xf32> to vector<2000x256xf32>
    %add3A_36 = arith.addf %mul3A_29, %add3A_35 : vector<2000x256xf32>
    %reduce_sum3A = arith.constant dense<0.000000e+00> : vector<2000xf32>
    %reduce_sum3A_37 = vector.multi_reduction <add>, %add3A_36, %reduce_sum3A [1] : vector<2000x256xf32> to vector<2000xf32>
    %broadcast_in_dim3A = vector.shape_cast %reduce_sum3A_37 : vector<2000xf32> to vector<2000x1xf32>
    %div3A = arith.constant 2.560000e+02 : f32
    %div3A_38 = vector.broadcast %div3A : f32 to vector<2000x1xf32>
    %div3A_39 = arith.divf %broadcast_in_dim3A, %div3A_38 : vector<2000x1xf32>
    %sub3A = vector.broadcast %div3A_39 : vector<2000x1xf32> to vector<2000x256xf32>
    %sub3A_40 = arith.subf %add3A_36, %sub3A : vector<2000x256xf32>
    %integer_pow3A = arith.mulf %sub3A_40, %sub3A_40 : vector<2000x256xf32>
    %reduce_sum3A_41 = arith.constant dense<0.000000e+00> : vector<2000xf32>
    %reduce_sum3A_42 = vector.multi_reduction <add>, %integer_pow3A, %reduce_sum3A_41 [1] : vector<2000x256xf32> to vector<2000xf32>
    %broadcast_in_dim3A_43 = vector.shape_cast %reduce_sum3A_42 : vector<2000xf32> to vector<2000x1xf32>
    %div3A_44 = arith.constant 2.560000e+02 : f32
    %div3A_45 = vector.broadcast %div3A_44 : f32 to vector<2000x1xf32>
    %div3A_46 = arith.divf %broadcast_in_dim3A_43, %div3A_45 : vector<2000x1xf32>
    %sub3A_47 = vector.broadcast %div3A_39 : vector<2000x1xf32> to vector<2000x256xf32>
    %sub3A_48 = arith.subf %add3A_36, %sub3A_47 : vector<2000x256xf32>
    %add3A_49 = arith.constant 9.99999974E-6 : f32
    %add3A_50 = vector.broadcast %add3A_49 : f32 to vector<2000x1xf32>
    %add3A_51 = arith.addf %div3A_46, %add3A_50 : vector<2000x1xf32>
    %rsqrt3A = math.rsqrt %add3A_51 : vector<2000x1xf32>
    %mul3A_52 = vector.broadcast %rsqrt3A : vector<2000x1xf32> to vector<2000x256xf32>
    %mul3A_53 = arith.mulf %sub3A_48, %mul3A_52 : vector<2000x256xf32>
    %get3A_54 = arith.constant 0 : index
    %get3A_55 = arith.constant 0 : index
    %get3A_56 = arith.constant 0 : index
    %get3A_57 = vector.load %arg7[%get3A_54, %get3A_55, %get3A_56] : memref<1x1x256xf32, #tpu.memory_space<vmem>>, vector<1x1x256xf32>
    %get3A_58 = vector.shape_cast %get3A_57 : vector<1x1x256xf32> to vector<1x256xf32>
    %mul3A_59 = vector.broadcast %get3A_58 : vector<1x256xf32> to vector<2000x256xf32>
    %mul3A_60 = arith.mulf %mul3A_53, %mul3A_59 : vector<2000x256xf32>
    %get3A_61 = arith.constant 0 : index
    %get3A_62 = arith.constant 0 : index
    %get3A_63 = arith.constant 0 : index
    %get3A_64 = vector.load %arg8[%get3A_61, %get3A_62, %get3A_63] : memref<1x1x256xf32, #tpu.memory_space<vmem>>, vector<1x1x256xf32>
    %get3A_65 = vector.shape_cast %get3A_64 : vector<1x1x256xf32> to vector<1x256xf32>
    %add3A_66 = vector.broadcast %get3A_65 : vector<1x256xf32> to vector<2000x256xf32>
    %add3A_67 = arith.addf %mul3A_60, %add3A_66 : vector<2000x256xf32>
    %get3A_68 = arith.constant 0 : index
    %get3A_69 = arith.constant 0 : index
    %get3A_70 = arith.constant 0 : index
    %get3A_71 = vector.load %arg2[%get3A_68, %get3A_69, %get3A_70] : memref<1x2000x256xf32, #tpu.memory_space<vmem>>, vector<1x2000x256xf32>
    %get3A_72 = vector.shape_cast %get3A_71 : vector<1x2000x256xf32> to vector<2000x256xf32>
    %max3A = arith.constant 0.000000e+00 : f32
    %max3A_73 = vector.broadcast %max3A : f32 to vector<2000x256xf32>
    %max3A_74 = arith.maximumf %add3A_67, %max3A_73 : vector<2000x256xf32>
    %add3A_75 = arith.addf %get3A_72, %max3A_74 : vector<2000x256xf32>
    %swap3A = arith.constant 0 : index
    %swap3A_76 = arith.constant 0 : index
    %swap3A_77 = arith.constant 0 : index
    %swap3A_78 = vector.load %arg9[%swap3A, %swap3A_76, %swap3A_77] : memref<1x2000x256xf32, #tpu.memory_space<vmem>>, vector<1x2000x256xf32>
    %swap3A_79 = vector.shape_cast %swap3A_78 : vector<1x2000x256xf32> to vector<2000x256xf32>
    %swap3A_80 = vector.shape_cast %add3A_75 : vector<2000x256xf32> to vector<1x2000x256xf32>
    tpu.vector_store %arg9[%swap3A, %swap3A_76, %swap3A_77], %swap3A_80 {strides = array<i32>} : memref<1x2000x256xf32, #tpu.memory_space<vmem>>, vector<1x2000x256xf32>,
    return
  }
  func.func @transform_0(%arg0: i32, %arg1: i32) -> (i32, i32, i32) {
    %c0_i32 = arith.constant 0 : i32
    %c0_i32_0 = arith.constant 0 : i32
    return %arg0, %arg1, %c0_i32 : i32, i32, i32
  }
  func.func @transform_1(%arg0: i32, %arg1: i32) -> (i32, i32, i32, i32) {
    %c0_i32 = arith.constant 0 : i32
    %c0_i32_0 = arith.constant 0 : i32
    %c0_i32_1 = arith.constant 0 : i32
    return %arg0, %c0_i32, %arg1, %c0_i32_0 : i32, i32, i32, i32
  }
  func.func @transform_2(%arg0: i32, %arg1: i32) -> (i32, i32, i32, i32) {
    %c0_i32 = arith.constant 0 : i32
    %c0_i32_0 = arith.constant 0 : i32
    %c0_i32_1 = arith.constant 0 : i32
    return %c0_i32, %arg0, %arg1, %c0_i32_0 : i32, i32, i32, i32
  }
  func.func @transform_3(%arg0: i32, %arg1: i32) -> (i32, i32, i32) {
    %c0_i32 = arith.constant 0 : i32
    %c0_i32_0 = arith.constant 0 : i32
    return %arg0, %arg1, %c0_i32 : i32, i32, i32
  }
  func.func @transform_4(%arg0: i32, %arg1: i32) -> (i32, i32, i32) {
    %c0_i32 = arith.constant 0 : i32
    %c0_i32_0 = arith.constant 0 : i32
    %c0_i32_1 = arith.constant 0 : i32
    return %arg0, %c0_i32, %c0_i32_0 : i32, i32, i32
  }
  func.func @transform_5(%arg0: i32, %arg1: i32) -> (i32, i32, i32) {
    %c0_i32 = arith.constant 0 : i32
    %c0_i32_0 = arith.constant 0 : i32
    %c0_i32_1 = arith.constant 0 : i32
    return %arg0, %c0_i32, %c0_i32_0 : i32, i32, i32
  }
  func.func @transform_6(%arg0: i32, %arg1: i32) -> (i32, i32, i32) {
    %c0_i32 = arith.constant 0 : i32
    %c0_i32_0 = arith.constant 0 : i32
    %c0_i32_1 = arith.constant 0 : i32
    return %arg0, %c0_i32, %c0_i32_0 : i32, i32, i32
  }
  func.func @transform_7(%arg0: i32, %arg1: i32) -> (i32, i32, i32) {
    %c0_i32 = arith.constant 0 : i32
    %c0_i32_0 = arith.constant 0 : i32
    return %arg0, %arg1, %c0_i32 : i32, i32, i32
  }
}

module attributes {stable_mosaic.version = 14 : i64} {
  func.func @body(%arg0: i32, %arg1: i32, %arg2: memref<1x2000x256xf32, #tpu.memory_space<vmem>>, %arg3: memref<1x1x1x2000xi32, #tpu.memory_space<vmem>>, %arg4: memref<1x8x256xf32, #tpu.memory_space<vmem>>, %arg5: memref<8x384xf32, #tpu.memory_space<vmem>>) attributes {dimension_semantics = [#tpu.dimension_semantics<arbitrary>, #tpu.dimension_semantics<arbitrary>], iteration_bounds = array<i64: 2, 5>, scalar_prefetch = 0 : i64, scratch_operands = 1 : i64, tpu.core_type = #tpu.core_type<tc>, window_params = [{transform_indices = @transform_0, window_bounds = array<i64: 1, 2000, 256>}, {transform_indices = @transform_1, window_bounds = array<i64: 1, 1, 1, 2000>}, {transform_indices = @transform_2, window_bounds = array<i64: 1, 8, 256>}]} {
    %eq3A = arith.constant 0 : i32
    %eq3A_0 = arith.cmpi eq, %arg1, %eq3A : i32
    %convert_element_type3A = arith.extui %eq3A_0 : i1 to i32
    %cond3A = arith.constant 0 : i32
    %cond3A_1 = arith.cmpi ne, %convert_element_type3A, %cond3A : i32
    scf.if %cond3A_1 {
      %broadcast_in_dim3A_29 = arith.constant 0.000000e+00 : f32
      %broadcast_in_dim3A_30 = vector.broadcast %broadcast_in_dim3A_29 : f32 to vector<8x384xf32>
      %swap3A_31 = arith.constant 0 : index
      %swap3A_32 = arith.constant 0 : index
      %swap3A_33 = vector.load %arg5[%swap3A_31, %swap3A_32] : memref<8x384xf32, #tpu.memory_space<vmem>>, vector<8x384xf32>
      tpu.vector_store %arg5[%swap3A_31, %swap3A_32], %broadcast_in_dim3A_30 {strides = array<i32>} : memref<8x384xf32, #tpu.memory_space<vmem>>, vector<8x384xf32>,
    } else {
    }
    %get3A = arith.constant 0 : index
    %get3A_2 = arith.constant 0 : index
    %get3A_3 = arith.constant 0 : index
    %get3A_4 = arith.constant 0 : index
    %get3A_5 = vector.load %arg3[%get3A, %get3A_2, %get3A_3, %get3A_4] : memref<1x1x1x2000xi32, #tpu.memory_space<vmem>>, vector<1x1x1x2000xi32>
    %get3A_6 = vector.shape_cast %get3A_5 : vector<1x1x1x2000xi32> to vector<2000xi32>
    %broadcast_in_dim3A = vector.shape_cast %get3A_6 : vector<2000xi32> to vector<2000x1xi32>
    %iota3A = tpu.iota {dimensions = array<i32: 1>} : vector<2000x8xi32>
    %eq3A_7 = vector.broadcast %broadcast_in_dim3A : vector<2000x1xi32> to vector<2000x8xi32>
    %eq3A_8 = arith.cmpi eq, %eq3A_7, %iota3A : vector<2000x8xi32>
    %convert_element_type3A_9 = arith.extui %eq3A_8 : vector<2000x8xi1> to vector<2000x8xi32>
    %convert_element_type3A_10 = arith.sitofp %convert_element_type3A_9 : vector<2000x8xi32> to vector<2000x8xf32>
    %get3A_11 = arith.constant 0 : index
    %get3A_12 = arith.constant 0 : index
    %get3A_13 = arith.constant 0 : index
    %get3A_14 = vector.load %arg2[%get3A_11, %get3A_12, %get3A_13] : memref<1x2000x256xf32, #tpu.memory_space<vmem>>, vector<1x2000x256xf32>
    %get3A_15 = vector.shape_cast %get3A_14 : vector<1x2000x256xf32> to vector<2000x256xf32>
    %broadcast_in_dim3A_16 = arith.constant 1.000000e+00 : f32
    %broadcast_in_dim3A_17 = vector.broadcast %broadcast_in_dim3A_16 : f32 to vector<2000x128xf32>
    %concatenate3A = tpu.concatenate %get3A_15, %broadcast_in_dim3A_17 in 1 : vector<2000x256xf32>, vector<2000x128xf32> -> vector<2000x384xf32>
    %get3A_18 = arith.constant 0 : index
    %get3A_19 = arith.constant 0 : index
    %get3A_20 = vector.load %arg5[%get3A_18, %get3A_19] : memref<8x384xf32, #tpu.memory_space<vmem>>, vector<8x384xf32>
    %transpose3A = tpu.transpose %convert_element_type3A_10, [1, 0] : vector<2000x8xf32> -> vector<8x2000xf32>
    %dot_general3A = arith.constant dense<0.000000e+00> : vector<8x384xf32>
    %dot_general3A_21 = tpu.matmul %transpose3A, %concatenate3A, %dot_general3A {dimension_numbers = #tpu.dot_dimension_numbers<[1], [0], [0], [1], [0, 0, 1, 1], [], []>, transpose_lhs_hint = false} : vector<8x2000xf32>, vector<2000x384xf32>, vector<8x384xf32> -> vector<8x384xf32>
    %add3A = arith.addf %get3A_20, %dot_general3A_21 : vector<8x384xf32>
    %swap3A = arith.constant 0 : index
    %swap3A_22 = arith.constant 0 : index
    %swap3A_23 = vector.load %arg5[%swap3A, %swap3A_22] : memref<8x384xf32, #tpu.memory_space<vmem>>, vector<8x384xf32>
    tpu.vector_store %arg5[%swap3A, %swap3A_22], %add3A {strides = array<i32>} : memref<8x384xf32, #tpu.memory_space<vmem>>, vector<8x384xf32>,
    %eq3A_24 = arith.constant 4 : i32
    %eq3A_25 = arith.cmpi eq, %arg1, %eq3A_24 : i32
    %convert_element_type3A_26 = arith.extui %eq3A_25 : i1 to i32
    %cond3A_27 = arith.constant 0 : i32
    %cond3A_28 = arith.cmpi ne, %convert_element_type3A_26, %cond3A_27 : i32
    scf.if %cond3A_28 {
      %get3A_29 = arith.constant 0 : index
      %get3A_30 = arith.constant 0 : index
      %get3A_31 = vector.load %arg5[%get3A_29, %get3A_30] : memref<8x384xf32, #tpu.memory_space<vmem>>, vector<8x256xf32>
      %get3A_32 = arith.constant 0 : index
      %get3A_33 = arith.constant 256 : index
      %get3A_34 = vector.load %arg5[%get3A_32, %get3A_33] : memref<8x384xf32, #tpu.memory_space<vmem>>, vector<8x1xf32>
      %max3A = arith.constant 1.000000e+00 : f32
      %max3A_35 = vector.broadcast %max3A : f32 to vector<8x1xf32>
      %max3A_36 = arith.maximumf %get3A_34, %max3A_35 : vector<8x1xf32>
      %div3A = vector.broadcast %max3A_36 : vector<8x1xf32> to vector<8x256xf32>
      %div3A_37 = arith.divf %get3A_31, %div3A : vector<8x256xf32>
      %swap3A_38 = arith.constant 0 : index
      %swap3A_39 = arith.constant 0 : index
      %swap3A_40 = arith.constant 0 : index
      %swap3A_41 = vector.load %arg4[%swap3A_38, %swap3A_39, %swap3A_40] : memref<1x8x256xf32, #tpu.memory_space<vmem>>, vector<1x8x256xf32>
      %swap3A_42 = vector.shape_cast %swap3A_41 : vector<1x8x256xf32> to vector<8x256xf32>
      %swap3A_43 = vector.shape_cast %div3A_37 : vector<8x256xf32> to vector<1x8x256xf32>
      tpu.vector_store %arg4[%swap3A_38, %swap3A_39, %swap3A_40], %swap3A_43 {strides = array<i32>} : memref<1x8x256xf32, #tpu.memory_space<vmem>>, vector<1x8x256xf32>,
    } else {
    }
    return
  }
  func.func @transform_0(%arg0: i32, %arg1: i32) -> (i32, i32, i32) {
    %c0_i32 = arith.constant 0 : i32
    %c0_i32_0 = arith.constant 0 : i32
    return %arg0, %arg1, %c0_i32 : i32, i32, i32
  }
  func.func @transform_1(%arg0: i32, %arg1: i32) -> (i32, i32, i32, i32) {
    %c0_i32 = arith.constant 0 : i32
    %c0_i32_0 = arith.constant 0 : i32
    %c0_i32_1 = arith.constant 0 : i32
    return %arg0, %arg1, %c0_i32, %c0_i32_0 : i32, i32, i32, i32
  }
  func.func @transform_2(%arg0: i32, %arg1: i32) -> (i32, i32, i32) {
    %c0_i32 = arith.constant 0 : i32
    %c0_i32_0 = arith.constant 0 : i32
    %c0_i32_1 = arith.constant 0 : i32
    return %arg0, %c0_i32, %c0_i32_0 : i32, i32, i32
  }
}

module attributes {stable_mosaic.version = 14 : i64} {
  func.func @body(%arg0: memref<2x8x256xf32, #tpu.memory_space<vmem>>, %arg1: memref<2x256x10xf32, #tpu.memory_space<vmem>>, %arg2: memref<1x10xf32, #tpu.memory_space<vmem>>, %arg3: memref<8x10xf32, #tpu.memory_space<vmem>>) attributes {dimension_semantics = [], scalar_prefetch = 0 : i64, scratch_operands = 0 : i64, tpu.core_type = #tpu.core_type<tc>} {
    %get3A = arith.constant 0 : index
    %get3A_0 = arith.constant 0 : index
    %get3A_1 = arith.constant 0 : index
    %get3A_2 = vector.load %arg0[%get3A, %get3A_0, %get3A_1] : memref<2x8x256xf32, #tpu.memory_space<vmem>>, vector<1x8x256xf32>
    %get3A_3 = vector.shape_cast %get3A_2 : vector<1x8x256xf32> to vector<8x256xf32>
    %get3A_4 = arith.constant 0 : index
    %get3A_5 = arith.constant 0 : index
    %get3A_6 = arith.constant 0 : index
    %get3A_7 = vector.load %arg1[%get3A_4, %get3A_5, %get3A_6] : memref<2x256x10xf32, #tpu.memory_space<vmem>>, vector<1x256x10xf32>
    %get3A_8 = vector.shape_cast %get3A_7 : vector<1x256x10xf32> to vector<256x10xf32>
    %dot_general3A = arith.constant dense<0.000000e+00> : vector<8x10xf32>
    %dot_general3A_9 = tpu.matmul %get3A_3, %get3A_8, %dot_general3A {dimension_numbers = #tpu.dot_dimension_numbers<[1], [0], [0], [1], [0, 0, 1, 1], [], []>, transpose_lhs_hint = false} : vector<8x256xf32>, vector<256x10xf32>, vector<8x10xf32> -> vector<8x10xf32>
    %get3A_10 = arith.constant 1 : index
    %get3A_11 = arith.constant 0 : index
    %get3A_12 = arith.constant 0 : index
    %get3A_13 = vector.load %arg0[%get3A_10, %get3A_11, %get3A_12] : memref<2x8x256xf32, #tpu.memory_space<vmem>>, vector<1x8x256xf32>
    %get3A_14 = vector.shape_cast %get3A_13 : vector<1x8x256xf32> to vector<8x256xf32>
    %get3A_15 = arith.constant 1 : index
    %get3A_16 = arith.constant 0 : index
    %get3A_17 = arith.constant 0 : index
    %get3A_18 = vector.load %arg1[%get3A_15, %get3A_16, %get3A_17] : memref<2x256x10xf32, #tpu.memory_space<vmem>>, vector<1x256x10xf32>
    %get3A_19 = vector.shape_cast %get3A_18 : vector<1x256x10xf32> to vector<256x10xf32>
    %dot_general3A_20 = arith.constant dense<0.000000e+00> : vector<8x10xf32>
    %dot_general3A_21 = tpu.matmul %get3A_14, %get3A_19, %dot_general3A_20 {dimension_numbers = #tpu.dot_dimension_numbers<[1], [0], [0], [1], [0, 0, 1, 1], [], []>, transpose_lhs_hint = false} : vector<8x256xf32>, vector<256x10xf32>, vector<8x10xf32> -> vector<8x10xf32>
    %add3A = arith.addf %dot_general3A_9, %dot_general3A_21 : vector<8x10xf32>
    %get3A_22 = arith.constant 0 : index
    %get3A_23 = arith.constant 0 : index
    %get3A_24 = vector.load %arg2[%get3A_22, %get3A_23] : memref<1x10xf32, #tpu.memory_space<vmem>>, vector<1x10xf32>
    %add3A_25 = vector.broadcast %get3A_24 : vector<1x10xf32> to vector<8x10xf32>
    %add3A_26 = arith.addf %add3A, %add3A_25 : vector<8x10xf32>
    %swap3A = arith.constant 0 : index
    %swap3A_27 = arith.constant 0 : index
    %swap3A_28 = vector.load %arg3[%swap3A, %swap3A_27] : memref<8x10xf32, #tpu.memory_space<vmem>>, vector<8x10xf32>
    tpu.vector_store %arg3[%swap3A, %swap3A_27], %add3A_26 {strides = array<i32>} : memref<8x10xf32, #tpu.memory_space<vmem>>, vector<8x10xf32>,
    return
  }
}

</mosaic_0001>

<sc_bundles>
// kernel: kernel.14.cloned.1.call-start
scs
__scs_entry_jumppad:
0x0: {  	(pc) =	sbr.rel $0x88, $3  }
0x1: {  	(tag) =	ssettag $0x0;
	lr =	simm.s32 $0x1  }
0x2: {  	[smem:$0x3F93] =	sst lr;
	_ =	strace $0xD0000000  }
0x3: {  	_ = 	snop  }
0x4: {  	_ = 	snop  }
0x5: {  	_ = 	snop  }
0x6: {  	_ = 	snop  }
0x7: {  	_ = 	snop  }
__scs_overlays_trampoline_lowered:
0x8: {  	[smem:$0x3FA2] =	sst s0  }
0x9: {  	[smem:$0x3FA3] =	sst s1  }
0xa: {  	[smem:$0x3FA4] =	sst s2  }
0xb: {  	[smem:$0x3FA5] =	sst s3  }
0xc: {  	[smem:$0x3FA6] =	sst s4  }
0xd: {  	[smem:$0x3FA7] =	sst s5  }
0xe: {  	[smem:$0x3FA8] =	sst s6  }
0xf: {  	[smem:$0x3FA9] =	sst s7  }
0x10: {  	[smem:$0x3FAA] =	sst s8  }
0x11: {  	[smem:$0x3FAB] =	sst s9;
	s0 =	simm.s32 @!p0 $0x0  }
0x12: {  	s1 =	sld [smem:$0x3F91];
	s0 =	simm.s32 @p0 $0x1  }
0x13: {  	[smem:$0x3FAC] =	sst s0;
	s0 =	simm.s32 @!p1 $0x0  }
0x14: {  	s2 =	sld [smem:$0x3F90];
	s0 =	simm.s32 @p1 $0x1  }
0x15: {  	[smem:$0x3FAD] =	sst s0;
	s0 =	simm.s32 @!p2 $0x0  }
0x16: {  	s3 =	sld [smem:$0x3FDB];
	s0 =	simm.s32 @p2 $0x1  }
0x17: {  	s4 =	simm.s32 $0x1BF5;
	[smem:$0x3FAF] =	sst s0  }
0x18: {  	s0 =	sld [smem:$0x3F92];
	_ =	swait.ge [sflag:s4], $0x0  }
0x19: {  	s7 =	sld [smem:$0x3F93]  }
0x1a: {  	s8 =	sadd.s32 $0xFFFFE003, lr  }
0x1b: {  	s9 =	sadd.s32 $0xFFFFFEF7, lr;
	s5 =	simm.s32 $0xFFFFFFFF;
	p2 =	slt.u32 s8, $0xFFFFF086  }
0x1c: {  	p1 =	slt.u32 s9, $0xF7A;
	s5 =	simm.s32 @!p2 $0x0  }
0x1d: {  	s5 =	simm.s32 @p1 $0x1;
	p0 =	seq.s32 s7, s2  }
0x1e: {  	s7 =	smul.u32 @!p0 $0xF7A, s2;
	p2 =	seq.s32 @!p0 s5, $0x0  }
0x1f: {  	s9 =	smul.u32 $0xF7A, s1;
	s8 =	simm.s32 @!p0 $0x1BF5;
	p2 =	por !p2, p0  }
0x20: {  	[sflag:s8] =	ssyncset.s32 @!p0 $0xFFFFF086;
	s6 =	sadd.s32 @!p0 s3, s7;
	s7 =	simm.s32 @!p0 $0x108  }
0x21: {  	s3 =	sadd.s32 s3, s9;
	s6 =	sadd.s32 @!p0 $0x88, s6;
	s7 =	simm.s32 @p2 $0x1082  }
0x22: {  	[simem:s7], [sflag:s8] =	dma.local @!p0 [hbm:s6], $0xF7A  }
0x23: {  	s9 =	sor.u32 $0xD0000000, s2;
	s6 =	simm.s32 $0x108;
	_ =	swait.ge @!p0 [sflag:s8], $0x0  }
0x24: {  	s3 =	sadd.s32 $0x88, s3;
	s6 =	simm.s32 @!p1 $0x1082;
	[sflag:s4] =	ssyncset.s32 $0xFFFFF086  }
0x25: {  	[simem:s6], [sflag:s4] =	dma.local [hbm:s3], $0xF7A  }
0x26: {  	[smem:$0x3F93] =	sst s1;
	(tag) =	ssettag s2;
	_ =	strace s9  }
0x27: {  	s1 =	sld [smem:$0x3FA3]  }
0x28: {  	s2 =	sld [smem:$0x3FA4]  }
0x29: {  	s4 =	sld [smem:$0x3FA6]  }
0x2a: {  	p0 =	seq.s32 s5, $0x0;
	s5 =	sld [smem:$0x3FA7]  }
0x2b: {  	s6 =	sld [smem:$0x3FA8]  }
0x2c: {  	s7 =	sld [smem:$0x3FA9]  }
0x2d: {  	s3 =	simm.s32 $0x108;
	s8 =	sld [smem:$0x3FAA]  }
0x2e: {  	s3 =	simm.s32 @!p0 $0x1082;
	s9 =	sld [smem:$0x3FAB]  }
0x2f: {  	lr =	sadd.s32 s0, s3;
	s0 =	sld [smem:$0x3FA2]  }
0x30: {  	s3 =	sld [smem:$0x3FA5]  }
0x31: {  	[smem:$0x3FAE] =	sst s10  }
0x32: {  	s10 =	sld [smem:$0x3FAC];
	_ =	sdelay $0x3  }
0x33: {  	p0 =	seq.s32 s10, $0x1;
	s10 =	sld [smem:$0x3FAE];
	_ =	sdelay $0x3  }
0x34: {  	[smem:$0x3FAE] =	sst s10  }
0x35: {  	s10 =	sld [smem:$0x3FAD];
	_ =	sdelay $0x3  }
0x36: {  	p1 =	seq.s32 s10, $0x1;
	s10 =	sld [smem:$0x3FAE];
	_ =	sdelay $0x3  }
0x37: {  	[smem:$0x3FAE] =	sst s10  }
0x38: {  	s10 =	sld [smem:$0x3FAF]  }
0x39: {  	_ = 	snop;
	(pc) =	sbr.ind lr, $3  }
0x3a: {  	_ = 	snop  }
0x3b: {  	_ = 	snop  }
0x3c: {  	p2 =	seq.s32 s10, $0x1;
	s10 =	sld [smem:$0x3FAE]  }
0x3d: {  	_ =	shalt  }
0x3e: {  	_ =	shalt  }
0x3f: {  	_ =	shalt  }
0x40: {  	_ =	shalt  }
0x41: {  	_ =	shalt  }
0x42: {  	_ =	shalt  }
0x43: {  	_ =	shalt  }
0x44: {  	_ =	shalt  }
0x45: {  	_ =	shalt  }
0x46: {  	_ =	shalt  }
0x47: {  	_ =	shalt  }
0x48: {  	_ =	shalt  }
0x49: {  	_ =	shalt  }
0x4a: {  	_ =	shalt  }
0x4b: {  	_ =	shalt  }
0x4c: {  	_ =	shalt  }
0x4d: {  	_ =	shalt  }
0x4e: {  	_ =	shalt  }
0x4f: {  	_ =	shalt  }
0x50: {  	_ =	shalt  }
0x51: {  	_ =	shalt  }
0x52: {  	_ =	shalt  }
0x53: {  	_ =	shalt  }
0x54: {  	_ =	shalt  }
0x55: {  	_ =	shalt  }
0x56: {  	_ =	shalt  }
0x57: {  	_ =	shalt  }
0x58: {  	_ =	shalt  }
0x59: {  	_ =	shalt  }
0x5a: {  	_ =	shalt  }
0x5b: {  	_ =	shalt  }
0x5c: {  	_ =	shalt  }
0x5d: {  	_ =	shalt  }
0x5e: {  	_ =	shalt  }
0x5f: {  	_ =	shalt  }
0x60: {  	_ =	shalt  }
0x61: {  	_ =	shalt  }
0x62: {  	_ =	shalt  }
0x63: {  	_ =	shalt  }
0x64: {  	_ =	shalt  }
0x65: {  	_ =	shalt  }
0x66: {  	_ =	shalt  }
0x67: {  	_ =	shalt  }
0x68: {  	_ =	shalt  }
0x69: {  	_ =	shalt  }
0x6a: {  	_ =	shalt  }
0x6b: {  	_ =	shalt  }
0x6c: {  	_ =	shalt  }
0x6d: {  	_ =	shalt  }
0x6e: {  	_ =	shalt  }
0x6f: {  	_ =	shalt  }
0x70: {  	_ =	shalt  }
0x71: {  	_ =	shalt  }
0x72: {  	_ =	shalt  }
0x73: {  	_ =	shalt  }
0x74: {  	_ =	shalt  }
0x75: {  	_ =	shalt  }
0x76: {  	_ =	shalt  }
0x77: {  	_ =	shalt  }
0x78: {  	_ =	shalt  }
0x79: {  	_ =	shalt  }
0x7a: {  	_ =	shalt  }
0x7b: {  	_ =	shalt  }
0x7c: {  	_ =	shalt  }
0x7d: {  	_ =	shalt  }
0x7e: {  	_ =	shalt  }
0x7f: {  	_ =	shalt  }
0x80: {  	_ =	shalt  }
0x81: {  	_ =	shalt  }
0x82: {  	_ =	shalt  }
0x83: {  	_ =	shalt  }
0x84: {  	_ =	shalt  }
0x85: {  	_ =	shalt  }
0x86: {  	_ =	shalt  }
0x87: {  	_ =	shalt  }
.Lfunc_end0:
.L_simem_size_0:
called_computation_lowered:
.L_overlay_start_0:
0x88: {  	s2 =	sld [smem:$0x3FD9]  }
0x89: {  	s3 =	sld [smem:$0x3FFE];
	_ =	sdelay $0x1  }
0x8a: {  	s1 =	srdreg.scid  }
0x8b: {  	s0 =	sand.u32 $0x1, s1  }
0x8c: {  	s16 =	sshll.u32 s0, $0xA;
	s2 =	sadd.s32 s3, s2  }
0x8d: {  	s2 =	sadd.s32 s2, s16  }
0x8e: {  	[smem:$0x3FBA] =	sst s2  }
0x8f: {  	_ = 	snop  }
0x90: {  	(tm) =	ssettm $0x1  }
0x91: {  	s17 =	sld [smem:$0x3FFB];
	_ =	sdelay $0x3  }
0x92: {  	_ =	strace s17  }
0x93: {  	s2 =	sld [smem:$0x3FFC];
	_ =	sdelay $0x3  }
0x94: {  	_ =	strace s2  }
0x95: {  	s2 =	sld [smem:$0x3FFD];
	_ =	sdelay $0x3  }
0x96: {  	_ =	strace s2  }
0x97: {  	_ =	strace $0x8FFFFFFF  }
0x98: {  	s18 =	sld [smem:$0x3FDB];
	_ =	sdelay $0x1  }
0x99: {  	s19 =	simm.s32 $_scs_section_size  }
0x9a: {  	s4 =	simm.s32 $_size__tile_overlayer_lowered;
	s5 =	simm.s32 $_tile_overlayer_lowered  }
0x9b: {  	s22 =	simm.s32 $0x1BFF;
	s21 =	sshll.u32 s5, $0x1;
	s2 =	sadd.s32 s19, s18  }
0x9c: {  	s6 =	simm.s32 $0x0;
	s20 =	sshll.u32 s4, $0x1;
	s4 =	sadd.s32 s21, s2  }
0x9d: {  	[timem:s6], [sflag:s22] =	dma.local [hbm:s4], s20  }
0x9e: {  	_ =	swait.ge [sflag:s22], s20  }
0x9f: {  	s3 =	ssub.s32 $0x0, s20;
	[sflag:s22] =	ssyncset.done $0x0  }
0xa0: {  	[sflag:s22] =	ssyncadd.s32 s3;
	_ =	sdelay $0x1  }
0xa1: {  	s23 =	simm.s32 $0x1B8B  }
0xa2: {  	_ =	swait.ge [sflag:s23], $0x1  }
0xa3: {  	[sflag:s23] =	ssyncset.done $0x0  }
0xa4: {  	s25 =	simm.s32 $0x1B8E;
	s24 =	sld [smem:$0x3FFE];
	[sflag:s23] =	ssyncadd.s32 $0xFFFFFFFF  }
0xa5: {  	s26 =	simm.s32 $execute0_lowered;
	[smem:$0x3FD2] =	sst s25  }
0xa6: {  	s4 =	sshll.u32 s26, $0x1;
	_ =	strace $0x80000046;
	[dreg:$0x1] =	wrdreg $0xFFFFFFFF  }
0xa7: {  	s28 =	simm.s32 $_size_execute0_lowered;
	s2 =	sadd.s32 s2, s4;
	[dreg:$0x0] =	wrdreg $0x0  }
0xa8: {  	s4 =	sshll.u32 s28, $0x1;
	[dreg:$0x2] =	wrdreg s2  }
0xa9: {  	[dreg:$0x3] =	wrdreg s4  }
0xaa: {  	[dreg:$0x4] =	wrdreg $0xC0  }
0xab: {  	_ =	task [dreg:s6], $0x5FFFF  }
0xac: {  	[dreg:$0x1] =	wrdreg $0xFFFFFFFF  }
0xad: {  	[dreg:$0x0] =	wrdreg $0x60  }
0xae: {  	[dreg:$0x2] =	wrdreg s24  }
0xaf: {  	[dreg:$0x3] =	wrdreg $0x6C000  }
0xb0: {  	[dreg:$0x4] =	wrdreg $0x9  }
0xb1: {  	_ =	task.clear_ibuf [dreg:s6], $0x5FFFF;
	_ =	strace $0x90000046  }
0xb2: {  	s29 =	simm.s32 $0x9;
	_ =	strace $0x80000048  }
0xb3: {  	_ =	swait.ge [sflag:s29], $0x1  }
0xb4: {  	[sflag:s29] =	ssyncadd.s32 $0xFFFFFFFF  }
0xb5: {  	_ =	strace $0x90000048  }
0xb6: {  	_ =	sfence  }
0xb7: {  	s30 =	sld [smem:$0x0];
	_ =	sdelay $0x2  }
0xb8: {  	s31 =	sshll.u32 s1, $0xD;
	s1 =	sshrl.u32 s1, $0x2  }
0xb9: {  	s3 =	sand.u32 $0x4000, s31;
	s1 =	sadd.s32 s1, s30  }
0xba: {  	s0 =	sor.u32 s3, s0;
	s1 =	sshll.u32 s1, $0x11  }
0xbb: {  	s0 =	sor.u32 s1, s0  }
0xbc: {  	s0 =	sadd.s32 $0x8F2B, s0  }
0xbd: {  	[sflag:s0] =	ssyncadd.remote.s32 $0x1  }
0xbe: {  	_ =	sfence.sel $0xFFFF  }
0xbf: {  	[dreg:$0x0] =	wrdreg $0xFFFFFFFF;
	(pc) =	sbr.abs _section_cstart, $3  }
0xc0: {  	[dreg:$0x1] =	wrdreg $0xFFFFFFFF  }
0xc1: {  	_ =	task.clear_ibuf [dreg:s6], $0x2FFFF;
	_ =	strace $0x9FFFFFFF  }
0xc2: {  	(tm) =	ssettm $0x7FFFFFFF  }
0xc3: {  	_ =	shalt  }
tec
execute0_lowered:
.L_overlay_start_1:
0x0: {  	(tag) =	ssettag $0x1  }
0x1: {  	s0 =	rddreg [dreg:$0x0]  }
0x2: {  	s1 =	rddreg [dreg:$0x1];
	s7 =	stileid.u32  }
0x3: {  	s2 =	srdreg.scid;
	s3 =	simm.s32 $0x0;
	s5 =	smul.u32 $0x13C00, s7  }
0x4: {  	s2 =	sand.u32 $0x1, s2;
	s6 =	sshll.u32 s7, $0xB;
	s7 =	smul.u32 $0x4F000, s7  }
0x5: {  	[smem:$0x7FF] =	sst s3;
	s4 =	smul.u32 $0x13C000, s2  }
0x6: {  	s6 =	sadd.s32 s6, s0;
	s11 =	ssub.s32 $0x2, s2;
	s2 =	sshll.u32 s2, $0xF  }
0x7: {  	_ =	strace $0x80000047;
	s8 =	sshrl.u32 s11, $0x1;
	s2 =	sadd.s32 s2, s6  }
0x8: {  	s7 =	sshrl.u32 s7, $0x2;
	s4 =	sadd.s32 s5, s4;
	s2 =	sadd.s32 $0x4A00, s2  }
0x9: {  	s5 =	ssub.s32 s11, s8;
	s4 =	sshrl.u32 s4, $0x3;
	[dreg:$0x15] =	wrdreg s2  }
0xa: {  	s10 =	smax.u32 s5, $0x1;
	s0 =	sadd.s32 s4, s0;
	s4 =	sadd.s32 s7, s1  }
0xb: {  	[dreg:$0x17] =	wrdreg s10;
	s7 =	sadd.s32 $0x400, s4  }
0xc: {  	s12 =	sadd.s32 $0x800, s4;
	[dreg:$0x3] =	wrdreg s7  }
0xd: {  	s13 =	sadd.s32 $0xC00, s4;
	[dreg:$0x4] =	wrdreg s12  }
0xe: {  	s14 =	sadd.s32 $0x1000, s4;
	[dreg:$0x5] =	wrdreg s13  }
0xf: {  	s15 =	sadd.s32 $0x1400, s4;
	[dreg:$0x6] =	wrdreg s14  }
0x10: {  	s16 =	sadd.s32 $0x1800, s4;
	[dreg:$0x7] =	wrdreg s15  }
0x11: {  	s17 =	sadd.s32 $0x1C00, s4;
	[dreg:$0x8] =	wrdreg s16  }
0x12: {  	s18 =	sadd.s32 $0x2000, s4;
	[dreg:$0x9] =	wrdreg s17  }
0x13: {  	s19 =	sadd.s32 $0x2400, s4;
	[dreg:$0xa] =	wrdreg s18  }
0x14: {  	s20 =	sadd.s32 $0x2800, s4;
	[dreg:$0xb] =	wrdreg s19  }
0x15: {  	s21 =	sadd.s32 $0x2C00, s4;
	[dreg:$0xc] =	wrdreg s20  }
0x16: {  	s22 =	sadd.s32 $0x3000, s4;
	[dreg:$0xd] =	wrdreg s21  }
0x17: {  	s23 =	sadd.s32 $0x3400, s4;
	[dreg:$0xe] =	wrdreg s22  }
0x18: {  	s24 =	sadd.s32 $0x3800, s4;
	[dreg:$0xf] =	wrdreg s23  }
0x19: {  	s25 =	sadd.s32 $0x3C00, s4;
	[dreg:$0x10] =	wrdreg s24  }
0x1a: {  	s26 =	sadd.s32 $0x4000, s4;
	[dreg:$0x11] =	wrdreg s25  }
0x1b: {  	s8 =	sadd.s32 $0x4400, s4;
	[dreg:$0x12] =	wrdreg s26  }
0x1c: {  	s9 =	sadd.s32 $0x4800, s4;
	[dreg:$0x13] =	wrdreg s8  }
0x1d: {  	s0 =	sadd.s32 $0x14A00, s0;
	[dreg:$0x14] =	wrdreg s9  }
0x1e: {  	s11 =	sadd.s32 $0x4C00, s4;
	[dreg:$0x16] =	wrdreg s0  }
0x1f: {  	s2 =	sadd.s32 $0x8C00, s4;
	[dreg:$0x18] =	wrdreg s11  }
0x20: {  	s5 =	sadd.s32 $0x9000, s4;
	[smem:$0x7E7] =	sst s2  }
0x21: {  	s6 =	sadd.s32 $0x9400, s4;
	[smem:$0x7E8] =	sst s5  }
0x22: {  	s10 =	sadd.s32 $0xA400, s4;
	[smem:$0x7E9] =	sst s6  }
0x23: {  	s12 =	sadd.s32 $0x5000, s4;
	[smem:$0x7ED] =	sst s10  }
0x24: {  	s13 =	sadd.s32 $0x5400, s4;
	[dreg:$0x19] =	wrdreg s12  }
0x25: {  	s14 =	sadd.s32 $0x5800, s4;
	[dreg:$0x1a] =	wrdreg s13  }
0x26: {  	s15 =	sadd.s32 $0x5C00, s4;
	[dreg:$0x1b] =	wrdreg s14  }
0x27: {  	s16 =	sadd.s32 $0x6000, s4;
	[dreg:$0x1c] =	wrdreg s15  }
0x28: {  	s17 =	sadd.s32 $0x6400, s4;
	[dreg:$0x1d] =	wrdreg s16  }
0x29: {  	s18 =	sadd.s32 $0x6800, s4;
	[dreg:$0x1e] =	wrdreg s17  }
0x2a: {  	s19 =	sadd.s32 $0x6C00, s4;
	[dreg:$0x1f] =	wrdreg s18  }
0x2b: {  	s20 =	sadd.s32 $0x7000, s4;
	[smem:$0x7DF] =	sst s19  }
0x2c: {  	s21 =	sadd.s32 $0x7400, s4;
	[smem:$0x7E0] =	sst s20  }
0x2d: {  	s22 =	sadd.s32 $0x7800, s4;
	[smem:$0x7E1] =	sst s21  }
0x2e: {  	s23 =	sadd.s32 $0x7C00, s4;
	[smem:$0x7E2] =	sst s22  }
0x2f: {  	s24 =	sadd.s32 $0x8000, s4;
	[smem:$0x7E3] =	sst s23  }
0x30: {  	s25 =	sadd.s32 $0x8400, s4;
	[smem:$0x7E4] =	sst s24  }
0x31: {  	s26 =	sadd.s32 $0x8800, s4;
	[smem:$0x7E5] =	sst s25  }
0x32: {  	s7 =	sadd.s32 $0x9800, s4;
	[smem:$0x7E6] =	sst s26  }
0x33: {  	s8 =	sadd.s32 $0x9C00, s4;
	[smem:$0x7EA] =	sst s7  }
0x34: {  	s9 =	sadd.s32 $0xA000, s4;
	[smem:$0x7EB] =	sst s8  }
0x35: {  	s11 =	sadd.s32 $0xA800, s4;
	[smem:$0x7EC] =	sst s9  }
0x36: {  	[smem:$0x7EE] =	sst s11;
	s12 =	sadd.s32 $0xAC00, s4  }
0x37: {  	s13 =	sadd.s32 $0xB000, s4;
	[smem:$0x7EF] =	sst s12  }
0x38: {  	s14 =	sadd.s32 $0xB400, s4;
	[smem:$0x7F0] =	sst s13  }
0x39: {  	s15 =	sadd.s32 $0xB800, s4;
	[smem:$0x7F1] =	sst s14  }
0x3a: {  	s16 =	sadd.s32 $0xBC00, s4;
	[smem:$0x7F2] =	sst s15  }
0x3b: {  	s17 =	sadd.s32 $0xC000, s4;
	[smem:$0x7F3] =	sst s16  }
0x3c: {  	s18 =	sadd.s32 $0xC400, s4;
	[smem:$0x7F4] =	sst s17  }
0x3d: {  	s31 =	simm.s32 $0x6800;
	s19 =	sadd.s32 $0xC800, s4;
	[smem:$0x7F5] =	sst s18  }
0x3e: {  	s28 =	sadd.s32 $0x13000, s4;
	s20 =	sadd.s32 $0xCC00, s4;
	[smem:$0x7F6] =	sst s19  }
0x3f: {  	s29 =	sadd.s32 $0x13400, s4;
	s21 =	sadd.s32 $0xD000, s4;
	[smem:$0x7F7] =	sst s20  }
0x40: {  	s30 =	sadd.s32 $0x13800, s4;
	s22 =	sadd.s32 $0xD400, s4;
	[smem:$0x7F8] =	sst s21  }
0x41: {  	s10 =	sadd.s32 $0xEC00, s4;
	s23 =	sadd.s32 $0xD800, s4;
	[smem:$0x7F9] =	sst s22  }
0x42: {  	s0 =	simm.s32 $0x1;
	s24 =	sadd.s32 $0xDC00, s4;
	[smem:$0x7FA] =	sst s23  }
0x43: {  	s2 =	simm.s32 $0x50;
	s25 =	sadd.s32 $0xE000, s4;
	[smem:$0x7FB] =	sst s24  }
0x44: {  	s5 =	simm.s32 $0x4000;
	s26 =	sadd.s32 $0xE400, s4;
	[smem:$0x7FC] =	sst s25  }
0x45: {  	s9 =	sadd.s32 $0xE800, s4;
	s11 =	sadd.s32 $0xF000, s4;
	[smem:$0x7FD] =	sst s26  }
0x46: {  	s12 =	sadd.s32 $0xF400, s4;
	s13 =	sadd.s32 $0xF800, s4;
	s14 =	sadd.s32 $0xFC00, s4  }
0x47: {  	s15 =	sadd.s32 $0x10000, s4;
	s16 =	sadd.s32 $0x10400, s4;
	s17 =	sadd.s32 $0x10800, s4  }
0x48: {  	s18 =	sadd.s32 $0x10C00, s4;
	s19 =	sadd.s32 $0x11000, s4;
	s20 =	sadd.s32 $0x11400, s4  }
0x49: {  	s21 =	sadd.s32 $0x11800, s4;
	s22 =	sadd.s32 $0x11C00, s4;
	s23 =	sadd.s32 $0x12000, s4  }
0x4a: {  	v0 =	vimm.f32 $0.0e+00;
	v1 =	vimm.f32 $1.000000000e+00;
	s24 =	sadd.s32 $0x12400, s4;
	s25 =	sadd.s32 $0x12800, s4;
	s26 =	sadd.s32 $0x12C00, s4  }
.LBB2_1:
0x4b: {  	[tilespmem:$0x6800] =	vst v0  }
0x4c: {  	[tilespmem:$0x6880] =	vst v0  }
0x4d: {  	[tilespmem:$0x6900] =	vst v0  }
0x4e: {  	[tilespmem:$0x6980] =	vst v0  }
0x4f: {  	[tilespmem:$0x6A00] =	vst v0  }
0x50: {  	[tilespmem:$0x6A80] =	vst v0  }
0x51: {  	[tilespmem:$0x6B00] =	vst v0  }
0x52: {  	[tilespmem:$0x6B80] =	vst v0;
	s6 =	simm.s32 $0x200;
	s7 =	simm.s32 $0x0  }
.LBB2_2:
0x53: {  	p0 =	sne.s32 s6, $0x9E00;
	[tilespmem:s7+$0x4000] =	vst v1;
	s7 =	smov.u32 s6;
	s6 =	sadd.s32 $0x200, s6  }
.Ltmp0:
0x54: {  	(pc) =	sbr.rel @p0 .LBB2_2-.Ltmp0, $2  }
0x55: {  	_ =	sdelay $0x2  }
0x56: {  	s7 =	sshra.s32 s7, $0x2  }
0x57: {  	[tilespmem:s7+$0x4000] =	vst v1  }
0x58: {  	[spmem:s4] =	stream.linear.scatter [tilespmem:s31], [sflag:$0x1], $0x400, $0x38;
	[tilespmem:$0x9380] =	vst v63  }
0x59: {  	_ =	swait.ge [sflag:s0], $0x400  }
0x5a: {  	[sflag:s0] =	ssyncset.done $0x0  }
0x5b: {  	s6 =	rddreg [dreg:$0x3];
	[sflag:s0] =	ssyncadd.s32 $0xFFFFFC00  }
0x5c: {  	[spmem:s6] =	stream.linear.scatter [tilespmem:s31], [sflag:$0x1], $0x400, $0x38;
	[tilespmem:$0x9380] =	vst v63  }
0x5d: {  	_ =	swait.ge [sflag:s0], $0x400  }
0x5e: {  	[sflag:s0] =	ssyncset.done $0x0  }
0x5f: {  	s7 =	rddreg [dreg:$0x4];
	[sflag:s0] =	ssyncadd.s32 $0xFFFFFC00  }
0x60: {  	[spmem:s7] =	stream.linear.scatter [tilespmem:s31], [sflag:$0x1], $0x400, $0x38;
	[tilespmem:$0x9380] =	vst v63  }
0x61: {  	_ =	swait.ge [sflag:s0], $0x400  }
0x62: {  	[sflag:s0] =	ssyncset.done $0x0  }
0x63: {  	s8 =	rddreg [dreg:$0x5];
	[sflag:s0] =	ssyncadd.s32 $0xFFFFFC00  }
0x64: {  	[spmem:s8] =	stream.linear.scatter [tilespmem:s31], [sflag:$0x1], $0x400, $0x38;
	[tilespmem:$0x9380] =	vst v63  }
0x65: {  	_ =	swait.ge [sflag:s0], $0x400  }
0x66: {  	[sflag:s0] =	ssyncset.done $0x0  }
0x67: {  	s7 =	rddreg [dreg:$0x6];
	[sflag:s0] =	ssyncadd.s32 $0xFFFFFC00  }
0x68: {  	[spmem:s7] =	stream.linear.scatter [tilespmem:s31], [sflag:$0x1], $0x400, $0x38;
	[tilespmem:$0x9380] =	vst v63  }
0x69: {  	_ =	swait.ge [sflag:s0], $0x400  }
0x6a: {  	[sflag:s0] =	ssyncset.done $0x0  }
0x6b: {  	s8 =	rddreg [dreg:$0x7];
	[sflag:s0] =	ssyncadd.s32 $0xFFFFFC00  }
0x6c: {  	[spmem:s8] =	stream.linear.scatter [tilespmem:s31], [sflag:$0x1], $0x400, $0x38;
	[tilespmem:$0x9380] =	vst v63  }
0x6d: {  	_ =	swait.ge [sflag:s0], $0x400  }
0x6e: {  	[sflag:s0] =	ssyncset.done $0x0  }
0x6f: {  	s7 =	rddreg [dreg:$0x8];
	[sflag:s0] =	ssyncadd.s32 $0xFFFFFC00  }
0x70: {  	[spmem:s7] =	stream.linear.scatter [tilespmem:s31], [sflag:$0x1], $0x400, $0x38;
	[tilespmem:$0x9380] =	vst v63  }
0x71: {  	_ =	swait.ge [sflag:s0], $0x400  }
0x72: {  	[sflag:s0] =	ssyncset.done $0x0  }
0x73: {  	s8 =	rddreg [dreg:$0x9];
	[sflag:s0] =	ssyncadd.s32 $0xFFFFFC00  }
0x74: {  	[spmem:s8] =	stream.linear.scatter [tilespmem:s31], [sflag:$0x1], $0x400, $0x38;
	[tilespmem:$0x9380] =	vst v63  }
0x75: {  	_ =	swait.ge [sflag:s0], $0x400  }
0x76: {  	[sflag:s0] =	ssyncset.done $0x0  }
0x77: {  	s7 =	rddreg [dreg:$0xa];
	[sflag:s0] =	ssyncadd.s32 $0xFFFFFC00  }
0x78: {  	[spmem:s7] =	stream.linear.scatter [tilespmem:s31], [sflag:$0x1], $0x400, $0x38;
	[tilespmem:$0x9380] =	vst v63  }
0x79: {  	_ =	swait.ge [sflag:s0], $0x400  }
0x7a: {  	[sflag:s0] =	ssyncset.done $0x0  }
0x7b: {  	s8 =	rddreg [dreg:$0xb];
	[sflag:s0] =	ssyncadd.s32 $0xFFFFFC00  }
0x7c: {  	[spmem:s8] =	stream.linear.scatter [tilespmem:s31], [sflag:$0x1], $0x400, $0x38;
	[tilespmem:$0x9380] =	vst v63  }
0x7d: {  	_ =	swait.ge [sflag:s0], $0x400  }
0x7e: {  	[sflag:s0] =	ssyncset.done $0x0  }
0x7f: {  	s7 =	rddreg [dreg:$0xc];
	[sflag:s0] =	ssyncadd.s32 $0xFFFFFC00  }
0x80: {  	[spmem:s7] =	stream.linear.scatter [tilespmem:s31], [sflag:$0x1], $0x400, $0x38;
	[tilespmem:$0x9380] =	vst v63  }
0x81: {  	_ =	swait.ge [sflag:s0], $0x400  }
0x82: {  	[sflag:s0] =	ssyncset.done $0x0  }
0x83: {  	s8 =	rddreg [dreg:$0xd];
	[sflag:s0] =	ssyncadd.s32 $0xFFFFFC00  }
0x84: {  	[spmem:s8] =	stream.linear.scatter [tilespmem:s31], [sflag:$0x1], $0x400, $0x38;
	[tilespmem:$0x9380] =	vst v63  }
0x85: {  	_ =	swait.ge [sflag:s0], $0x400  }
0x86: {  	[sflag:s0] =	ssyncset.done $0x0  }
0x87: {  	s7 =	rddreg [dreg:$0xe];
	[sflag:s0] =	ssyncadd.s32 $0xFFFFFC00  }
0x88: {  	[spmem:s7] =	stream.linear.scatter [tilespmem:s31], [sflag:$0x1], $0x400, $0x38;
	[tilespmem:$0x9380] =	vst v63  }
0x89: {  	_ =	swait.ge [sflag:s0], $0x400  }
0x8a: {  	[sflag:s0] =	ssyncset.done $0x0  }
0x8b: {  	s8 =	rddreg [dreg:$0xf];
	[sflag:s0] =	ssyncadd.s32 $0xFFFFFC00  }
0x8c: {  	[spmem:s8] =	stream.linear.scatter [tilespmem:s31], [sflag:$0x1], $0x400, $0x38;
	[tilespmem:$0x9380] =	vst v63  }
0x8d: {  	_ =	swait.ge [sflag:s0], $0x400  }
0x8e: {  	[sflag:s0] =	ssyncset.done $0x0  }
0x8f: {  	s7 =	rddreg [dreg:$0x10];
	[sflag:s0] =	ssyncadd.s32 $0xFFFFFC00  }
0x90: {  	[spmem:s7] =	stream.linear.scatter [tilespmem:s31], [sflag:$0x1], $0x400, $0x38;
	[tilespmem:$0x9380] =	vst v63  }
0x91: {  	_ =	swait.ge [sflag:s0], $0x400  }
0x92: {  	[sflag:s0] =	ssyncset.done $0x0  }
0x93: {  	s8 =	rddreg [dreg:$0x11];
	[sflag:s0] =	ssyncadd.s32 $0xFFFFFC00  }
0x94: {  	[spmem:s8] =	stream.linear.scatter [tilespmem:s31], [sflag:$0x1], $0x400, $0x38;
	[tilespmem:$0x9380] =	vst v63  }
0x95: {  	_ =	swait.ge [sflag:s0], $0x400  }
0x96: {  	[sflag:s0] =	ssyncset.done $0x0  }
0x97: {  	s7 =	rddreg [dreg:$0x12];
	[sflag:s0] =	ssyncadd.s32 $0xFFFFFC00  }
0x98: {  	[spmem:s7] =	stream.linear.scatter [tilespmem:s31], [sflag:$0x1], $0x400, $0x38;
	[tilespmem:$0x9380] =	vst v63  }
0x99: {  	_ =	swait.ge [sflag:s0], $0x400  }
0x9a: {  	[sflag:s0] =	ssyncset.done $0x0  }
0x9b: {  	s8 =	rddreg [dreg:$0x13];
	[sflag:s0] =	ssyncadd.s32 $0xFFFFFC00  }
0x9c: {  	[spmem:s8] =	stream.linear.scatter [tilespmem:s31], [sflag:$0x1], $0x400, $0x38;
	[tilespmem:$0x9380] =	vst v63  }
0x9d: {  	_ =	swait.ge [sflag:s0], $0x400  }
0x9e: {  	[sflag:s0] =	ssyncset.done $0x0  }
0x9f: {  	s7 =	rddreg [dreg:$0x14];
	[sflag:s0] =	ssyncadd.s32 $0xFFFFFC00  }
0xa0: {  	[spmem:s7] =	stream.linear.scatter [tilespmem:s31], [sflag:$0x1], $0x400, $0x38;
	[tilespmem:$0x9380] =	vst v63  }
0xa1: {  	_ =	swait.ge [sflag:s0], $0x400  }
0xa2: {  	[sflag:s0] =	ssyncset.done $0x0  }
0xa3: {  	s8 =	rddreg [dreg:$0x18];
	[sflag:s0] =	ssyncadd.s32 $0xFFFFFC00  }
0xa4: {  	[spmem:s8] =	stream.linear.scatter [tilespmem:s31], [sflag:$0x1], $0x400, $0x38;
	[tilespmem:$0x9380] =	vst v63  }
0xa5: {  	_ =	swait.ge [sflag:s0], $0x400  }
0xa6: {  	[sflag:s0] =	ssyncset.done $0x0  }
0xa7: {  	s7 =	rddreg [dreg:$0x19];
	[sflag:s0] =	ssyncadd.s32 $0xFFFFFC00  }
0xa8: {  	[spmem:s7] =	stream.linear.scatter [tilespmem:s31], [sflag:$0x1], $0x400, $0x38;
	[tilespmem:$0x9380] =	vst v63  }
0xa9: {  	_ =	swait.ge [sflag:s0], $0x400  }
0xaa: {  	[sflag:s0] =	ssyncset.done $0x0  }
0xab: {  	s8 =	rddreg [dreg:$0x1a];
	[sflag:s0] =	ssyncadd.s32 $0xFFFFFC00  }
0xac: {  	[spmem:s8] =	stream.linear.scatter [tilespmem:s31], [sflag:$0x1], $0x400, $0x38;
	[tilespmem:$0x9380] =	vst v63  }
0xad: {  	_ =	swait.ge [sflag:s0], $0x400  }
0xae: {  	[sflag:s0] =	ssyncset.done $0x0  }
0xaf: {  	s7 =	rddreg [dreg:$0x1b];
	[sflag:s0] =	ssyncadd.s32 $0xFFFFFC00  }
0xb0: {  	[spmem:s7] =	stream.linear.scatter [tilespmem:s31], [sflag:$0x1], $0x400, $0x38;
	[tilespmem:$0x9380] =	vst v63  }
0xb1: {  	_ =	swait.ge [sflag:s0], $0x400  }
0xb2: {  	[sflag:s0] =	ssyncset.done $0x0  }
0xb3: {  	s8 =	rddreg [dreg:$0x1c];
	[sflag:s0] =	ssyncadd.s32 $0xFFFFFC00  }
0xb4: {  	[spmem:s8] =	stream.linear.scatter [tilespmem:s31], [sflag:$0x1], $0x400, $0x38;
	[tilespmem:$0x9380] =	vst v63  }
0xb5: {  	_ =	swait.ge [sflag:s0], $0x400  }
0xb6: {  	[sflag:s0] =	ssyncset.done $0x0  }
0xb7: {  	s7 =	rddreg [dreg:$0x1d];
	[sflag:s0] =	ssyncadd.s32 $0xFFFFFC00  }
0xb8: {  	[spmem:s7] =	stream.linear.scatter [tilespmem:s31], [sflag:$0x1], $0x400, $0x38;
	[tilespmem:$0x9380] =	vst v63  }
0xb9: {  	_ =	swait.ge [sflag:s0], $0x400  }
0xba: {  	[sflag:s0] =	ssyncset.done $0x0  }
0xbb: {  	s8 =	rddreg [dreg:$0x1e];
	[sflag:s0] =	ssyncadd.s32 $0xFFFFFC00  }
0xbc: {  	[spmem:s8] =	stream.linear.scatter [tilespmem:s31], [sflag:$0x1], $0x400, $0x38;
	[tilespmem:$0x9380] =	vst v63  }
0xbd: {  	_ =	swait.ge [sflag:s0], $0x400  }
0xbe: {  	[sflag:s0] =	ssyncset.done $0x0  }
0xbf: {  	s7 =	rddreg [dreg:$0x1f];
	[sflag:s0] =	ssyncadd.s32 $0xFFFFFC00  }
0xc0: {  	[spmem:s7] =	stream.linear.scatter [tilespmem:s31], [sflag:$0x1], $0x400, $0x38;
	[tilespmem:$0x9380] =	vst v63  }
0xc1: {  	_ =	swait.ge [sflag:s0], $0x400  }
0xc2: {  	s8 =	sld [smem:$0x7DF]  }
0xc3: {  	[sflag:s0] =	ssyncset.done $0x0  }
0xc4: {  	[sflag:s0] =	ssyncadd.s32 $0xFFFFFC00  }
0xc5: {  	[spmem:s8] =	stream.linear.scatter [tilespmem:s31], [sflag:$0x1], $0x400, $0x38;
	[tilespmem:$0x9380] =	vst v63  }
0xc6: {  	_ =	swait.ge [sflag:s0], $0x400  }
0xc7: {  	s7 =	sld [smem:$0x7E0]  }
0xc8: {  	[sflag:s0] =	ssyncset.done $0x0  }
0xc9: {  	[sflag:s0] =	ssyncadd.s32 $0xFFFFFC00  }
0xca: {  	[spmem:s7] =	stream.linear.scatter [tilespmem:s31], [sflag:$0x1], $0x400, $0x38;
	[tilespmem:$0x9380] =	vst v63  }
0xcb: {  	_ =	swait.ge [sflag:s0], $0x400  }
0xcc: {  	s8 =	sld [smem:$0x7E1]  }
0xcd: {  	[sflag:s0] =	ssyncset.done $0x0  }
0xce: {  	[sflag:s0] =	ssyncadd.s32 $0xFFFFFC00  }
0xcf: {  	[spmem:s8] =	stream.linear.scatter [tilespmem:s31], [sflag:$0x1], $0x400, $0x38;
	[tilespmem:$0x9380] =	vst v63  }
0xd0: {  	_ =	swait.ge [sflag:s0], $0x400  }
0xd1: {  	s7 =	sld [smem:$0x7E2]  }
0xd2: {  	[sflag:s0] =	ssyncset.done $0x0  }
0xd3: {  	[sflag:s0] =	ssyncadd.s32 $0xFFFFFC00  }
0xd4: {  	[spmem:s7] =	stream.linear.scatter [tilespmem:s31], [sflag:$0x1], $0x400, $0x38;
	[tilespmem:$0x9380] =	vst v63  }
0xd5: {  	_ =	swait.ge [sflag:s0], $0x400  }
0xd6: {  	s8 =	sld [smem:$0x7E3]  }
0xd7: {  	[sflag:s0] =	ssyncset.done $0x0  }
0xd8: {  	[sflag:s0] =	ssyncadd.s32 $0xFFFFFC00  }
0xd9: {  	[spmem:s8] =	stream.linear.scatter [tilespmem:s31], [sflag:$0x1], $0x400, $0x38;
	[tilespmem:$0x9380] =	vst v63  }
0xda: {  	_ =	swait.ge [sflag:s0], $0x400  }
0xdb: {  	s7 =	sld [smem:$0x7E4]  }
0xdc: {  	[sflag:s0] =	ssyncset.done $0x0  }
0xdd: {  	[sflag:s0] =	ssyncadd.s32 $0xFFFFFC00  }
0xde: {  	[spmem:s7] =	stream.linear.scatter [tilespmem:s31], [sflag:$0x1], $0x400, $0x38;
	[tilespmem:$0x9380] =	vst v63  }
0xdf: {  	_ =	swait.ge [sflag:s0], $0x400  }
0xe0: {  	s8 =	sld [smem:$0x7E5]  }
0xe1: {  	[sflag:s0] =	ssyncset.done $0x0  }
0xe2: {  	[sflag:s0] =	ssyncadd.s32 $0xFFFFFC00  }
0xe3: {  	[spmem:s8] =	stream.linear.scatter [tilespmem:s31], [sflag:$0x1], $0x400, $0x38;
	[tilespmem:$0x9380] =	vst v63  }
0xe4: {  	_ =	swait.ge [sflag:s0], $0x400  }
0xe5: {  	s7 =	sld [smem:$0x7E6]  }
0xe6: {  	[sflag:s0] =	ssyncset.done $0x0  }
0xe7: {  	[sflag:s0] =	ssyncadd.s32 $0xFFFFFC00  }
0xe8: {  	[spmem:s7] =	stream.linear.scatter [tilespmem:s31], [sflag:$0x1], $0x400, $0x38;
	[tilespmem:$0x9380] =	vst v63  }
0xe9: {  	_ =	swait.ge [sflag:s0], $0x400  }
0xea: {  	s8 =	sld [smem:$0x7E7]  }
0xeb: {  	[sflag:s0] =	ssyncset.done $0x0  }
0xec: {  	[sflag:s0] =	ssyncadd.s32 $0xFFFFFC00  }
0xed: {  	[spmem:s8] =	stream.linear.scatter [tilespmem:s31], [sflag:$0x1], $0x400, $0x38;
	[tilespmem:$0x9380] =	vst v63  }
0xee: {  	_ =	swait.ge [sflag:s0], $0x400  }
0xef: {  	s7 =	sld [smem:$0x7E8]  }
0xf0: {  	[sflag:s0] =	ssyncset.done $0x0  }
0xf1: {  	[sflag:s0] =	ssyncadd.s32 $0xFFFFFC00  }
0xf2: {  	[spmem:s7] =	stream.linear.scatter [tilespmem:s31], [sflag:$0x1], $0x400, $0x38;
	[tilespmem:$0x9380] =	vst v63  }
0xf3: {  	_ =	swait.ge [sflag:s0], $0x400  }
0xf4: {  	s8 =	sld [smem:$0x7E9]  }
0xf5: {  	[sflag:s0] =	ssyncset.done $0x0  }
0xf6: {  	[sflag:s0] =	ssyncadd.s32 $0xFFFFFC00  }
0xf7: {  	[spmem:s8] =	stream.linear.scatter [tilespmem:s31], [sflag:$0x1], $0x400, $0x38;
	[tilespmem:$0x9380] =	vst v63  }
0xf8: {  	_ =	swait.ge [sflag:s0], $0x400  }
0xf9: {  	s7 =	sld [smem:$0x7EA]  }
0xfa: {  	[sflag:s0] =	ssyncset.done $0x0  }
0xfb: {  	[sflag:s0] =	ssyncadd.s32 $0xFFFFFC00  }
0xfc: {  	[spmem:s7] =	stream.linear.scatter [tilespmem:s31], [sflag:$0x1], $0x400, $0x38;
	[tilespmem:$0x9380] =	vst v63  }
0xfd: {  	_ =	swait.ge [sflag:s0], $0x400  }
0xfe: {  	s8 =	sld [smem:$0x7EB]  }
0xff: {  	[sflag:s0] =	ssyncset.done $0x0  }
0x100: {  	[sflag:s0] =	ssyncadd.s32 $0xFFFFFC00  }
0x101: {  	[spmem:s8] =	stream.linear.scatter [tilespmem:s31], [sflag:$0x1], $0x400, $0x38;
	[tilespmem:$0x9380] =	vst v63  }
0x102: {  	_ =	swait.ge [sflag:s0], $0x400  }
0x103: {  	s7 =	sld [smem:$0x7EC]  }
0x104: {  	[sflag:s0] =	ssyncset.done $0x0  }
0x105: {  	[sflag:s0] =	ssyncadd.s32 $0xFFFFFC00  }
0x106: {  	[spmem:s7] =	stream.linear.scatter [tilespmem:s31], [sflag:$0x1], $0x400, $0x38;
	[tilespmem:$0x9380] =	vst v63  }
0x107: {  	_ =	swait.ge [sflag:s0], $0x400  }
0x108: {  	s8 =	sld [smem:$0x7ED]  }
0x109: {  	[sflag:s0] =	ssyncset.done $0x0  }
0x10a: {  	[sflag:s0] =	ssyncadd.s32 $0xFFFFFC00  }
0x10b: {  	[spmem:s8] =	stream.linear.scatter [tilespmem:s31], [sflag:$0x1], $0x400, $0x38;
	[tilespmem:$0x9380] =	vst v63  }
0x10c: {  	_ =	swait.ge [sflag:s0], $0x400  }
0x10d: {  	s7 =	sld [smem:$0x7EE]  }
0x10e: {  	[sflag:s0] =	ssyncset.done $0x0  }
0x10f: {  	[sflag:s0] =	ssyncadd.s32 $0xFFFFFC00  }
0x110: {  	[spmem:s7] =	stream.linear.scatter [tilespmem:s31], [sflag:$0x1], $0x400, $0x38;
	[tilespmem:$0x9380] =	vst v63  }
0x111: {  	_ =	swait.ge [sflag:s0], $0x400  }
0x112: {  	s8 =	sld [smem:$0x7EF]  }
0x113: {  	[sflag:s0] =	ssyncset.done $0x0  }
0x114: {  	[sflag:s0] =	ssyncadd.s32 $0xFFFFFC00  }
0x115: {  	[spmem:s8] =	stream.linear.scatter [tilespmem:s31], [sflag:$0x1], $0x400, $0x38;
	[tilespmem:$0x9380] =	vst v63  }
0x116: {  	_ =	swait.ge [sflag:s0], $0x400  }
0x117: {  	s7 =	sld [smem:$0x7F0]  }
0x118: {  	[sflag:s0] =	ssyncset.done $0x0  }
0x119: {  	[sflag:s0] =	ssyncadd.s32 $0xFFFFFC00  }
0x11a: {  	[spmem:s7] =	stream.linear.scatter [tilespmem:s31], [sflag:$0x1], $0x400, $0x38;
	[tilespmem:$0x9380] =	vst v63  }
0x11b: {  	_ =	swait.ge [sflag:s0], $0x400  }
0x11c: {  	s8 =	sld [smem:$0x7F1]  }
0x11d: {  	[sflag:s0] =	ssyncset.done $0x0  }
0x11e: {  	[sflag:s0] =	ssyncadd.s32 $0xFFFFFC00  }
0x11f: {  	[spmem:s8] =	stream.linear.scatter [tilespmem:s31], [sflag:$0x1], $0x400, $0x38;
	[tilespmem:$0x9380] =	vst v63  }
0x120: {  	_ =	swait.ge [sflag:s0], $0x400  }
0x121: {  	s7 =	sld [smem:$0x7F2]  }
0x122: {  	[sflag:s0] =	ssyncset.done $0x0  }
0x123: {  	[sflag:s0] =	ssyncadd.s32 $0xFFFFFC00  }
0x124: {  	[spmem:s7] =	stream.linear.scatter [tilespmem:s31], [sflag:$0x1], $0x400, $0x38;
	[tilespmem:$0x9380] =	vst v63  }
0x125: {  	_ =	swait.ge [sflag:s0], $0x400  }
0x126: {  	s8 =	sld [smem:$0x7F3]  }
0x127: {  	[sflag:s0] =	ssyncset.done $0x0  }
0x128: {  	[sflag:s0] =	ssyncadd.s32 $0xFFFFFC00  }
0x129: {  	[spmem:s8] =	stream.linear.scatter [tilespmem:s31], [sflag:$0x1], $0x400, $0x38;
	[tilespmem:$0x9380] =	vst v63  }
0x12a: {  	_ =	swait.ge [sflag:s0], $0x400  }
0x12b: {  	s7 =	sld [smem:$0x7F4]  }
0x12c: {  	[sflag:s0] =	ssyncset.done $0x0  }
0x12d: {  	[sflag:s0] =	ssyncadd.s32 $0xFFFFFC00  }
0x12e: {  	[spmem:s7] =	stream.linear.scatter [tilespmem:s31], [sflag:$0x1], $0x400, $0x38;
	[tilespmem:$0x9380] =	vst v63  }
0x12f: {  	_ =	swait.ge [sflag:s0], $0x400  }
0x130: {  	s8 =	sld [smem:$0x7F5]  }
0x131: {  	[sflag:s0] =	ssyncset.done $0x0  }
0x132: {  	[sflag:s0] =	ssyncadd.s32 $0xFFFFFC00  }
0x133: {  	[spmem:s8] =	stream.linear.scatter [tilespmem:s31], [sflag:$0x1], $0x400, $0x38;
	[tilespmem:$0x9380] =	vst v63  }
0x134: {  	_ =	swait.ge [sflag:s0], $0x400  }
0x135: {  	s7 =	sld [smem:$0x7F6]  }
0x136: {  	[sflag:s0] =	ssyncset.done $0x0  }
0x137: {  	[sflag:s0] =	ssyncadd.s32 $0xFFFFFC00  }
0x138: {  	[spmem:s7] =	stream.linear.scatter [tilespmem:s31], [sflag:$0x1], $0x400, $0x38;
	[tilespmem:$0x9380] =	vst v63  }
0x139: {  	_ =	swait.ge [sflag:s0], $0x400  }
0x13a: {  	s8 =	sld [smem:$0x7F7]  }
0x13b: {  	[sflag:s0] =	ssyncset.done $0x0  }
0x13c: {  	[sflag:s0] =	ssyncadd.s32 $0xFFFFFC00  }
0x13d: {  	[spmem:s8] =	stream.linear.scatter [tilespmem:s31], [sflag:$0x1], $0x400, $0x38;
	[tilespmem:$0x9380] =	vst v63  }
0x13e: {  	_ =	swait.ge [sflag:s0], $0x400  }
0x13f: {  	s7 =	sld [smem:$0x7F8]  }
0x140: {  	[sflag:s0] =	ssyncset.done $0x0  }
0x141: {  	[sflag:s0] =	ssyncadd.s32 $0xFFFFFC00  }
0x142: {  	[spmem:s7] =	stream.linear.scatter [tilespmem:s31], [sflag:$0x1], $0x400, $0x38;
	[tilespmem:$0x9380] =	vst v63  }
0x143: {  	_ =	swait.ge [sflag:s0], $0x400  }
0x144: {  	s8 =	sld [smem:$0x7F9]  }
0x145: {  	[sflag:s0] =	ssyncset.done $0x0  }
0x146: {  	[sflag:s0] =	ssyncadd.s32 $0xFFFFFC00  }
0x147: {  	[spmem:s8] =	stream.linear.scatter [tilespmem:s31], [sflag:$0x1], $0x400, $0x38;
	[tilespmem:$0x9380] =	vst v63  }
0x148: {  	_ =	swait.ge [sflag:s0], $0x400  }
0x149: {  	s7 =	sld [smem:$0x7FA]  }
0x14a: {  	[sflag:s0] =	ssyncset.done $0x0  }
0x14b: {  	[sflag:s0] =	ssyncadd.s32 $0xFFFFFC00  }
0x14c: {  	[spmem:s7] =	stream.linear.scatter [tilespmem:s31], [sflag:$0x1], $0x400, $0x38;
	[tilespmem:$0x9380] =	vst v63  }
0x14d: {  	_ =	swait.ge [sflag:s0], $0x400  }
0x14e: {  	s8 =	sld [smem:$0x7FB]  }
0x14f: {  	[sflag:s0] =	ssyncset.done $0x0  }
0x150: {  	[sflag:s0] =	ssyncadd.s32 $0xFFFFFC00  }
0x151: {  	[spmem:s8] =	stream.linear.scatter [tilespmem:s31], [sflag:$0x1], $0x400, $0x38;
	[tilespmem:$0x9380] =	vst v63  }
0x152: {  	_ =	swait.ge [sflag:s0], $0x400  }
0x153: {  	s7 =	sld [smem:$0x7FC]  }
0x154: {  	[sflag:s0] =	ssyncset.done $0x0  }
0x155: {  	[sflag:s0] =	ssyncadd.s32 $0xFFFFFC00  }
0x156: {  	[spmem:s7] =	stream.linear.scatter [tilespmem:s31], [sflag:$0x1], $0x400, $0x38;
	[tilespmem:$0x9380] =	vst v63  }
0x157: {  	_ =	swait.ge [sflag:s0], $0x400  }
0x158: {  	s8 =	sld [smem:$0x7FD]  }
0x159: {  	[sflag:s0] =	ssyncset.done $0x0  }
0x15a: {  	[sflag:s0] =	ssyncadd.s32 $0xFFFFFC00  }
0x15b: {  	[spmem:s8] =	stream.linear.scatter [tilespmem:s31], [sflag:$0x1], $0x400, $0x38;
	[tilespmem:$0x9380] =	vst v63  }
0x15c: {  	_ =	swait.ge [sflag:s0], $0x400  }
0x15d: {  	[sflag:s0] =	ssyncset.done $0x0  }
0x15e: {  	[sflag:s0] =	ssyncadd.s32 $0xFFFFFC00  }
0x15f: {  	[spmem:s9] =	stream.linear.scatter [tilespmem:s31], [sflag:$0x1], $0x400, $0x38;
	[tilespmem:$0x9380] =	vst v63  }
0x160: {  	_ =	swait.ge [sflag:s0], $0x400  }
0x161: {  	[sflag:s0] =	ssyncset.done $0x0  }
0x162: {  	[sflag:s0] =	ssyncadd.s32 $0xFFFFFC00  }
0x163: {  	[spmem:s10] =	stream.linear.scatter [tilespmem:s31], [sflag:$0x1], $0x400, $0x38;
	[tilespmem:$0x9380] =	vst v63  }
0x164: {  	_ =	swait.ge [sflag:s0], $0x400  }
0x165: {  	[sflag:s0] =	ssyncset.done $0x0  }
0x166: {  	[sflag:s0] =	ssyncadd.s32 $0xFFFFFC00  }
0x167: {  	[spmem:s11] =	stream.linear.scatter [tilespmem:s31], [sflag:$0x1], $0x400, $0x38;
	[tilespmem:$0x9380] =	vst v63  }
0x168: {  	_ =	swait.ge [sflag:s0], $0x400  }
0x169: {  	[sflag:s0] =	ssyncset.done $0x0  }
0x16a: {  	[sflag:s0] =	ssyncadd.s32 $0xFFFFFC00  }
0x16b: {  	[spmem:s12] =	stream.linear.scatter [tilespmem:s31], [sflag:$0x1], $0x400, $0x38;
	[tilespmem:$0x9380] =	vst v63  }
0x16c: {  	_ =	swait.ge [sflag:s0], $0x400  }
0x16d: {  	[sflag:s0] =	ssyncset.done $0x0  }
0x16e: {  	[sflag:s0] =	ssyncadd.s32 $0xFFFFFC00  }
0x16f: {  	[spmem:s13] =	stream.linear.scatter [tilespmem:s31], [sflag:$0x1], $0x400, $0x38;
	[tilespmem:$0x9380] =	vst v63  }
0x170: {  	_ =	swait.ge [sflag:s0], $0x400  }
0x171: {  	[sflag:s0] =	ssyncset.done $0x0  }
0x172: {  	[sflag:s0] =	ssyncadd.s32 $0xFFFFFC00  }
0x173: {  	[spmem:s14] =	stream.linear.scatter [tilespmem:s31], [sflag:$0x1], $0x400, $0x38;
	[tilespmem:$0x9380] =	vst v63  }
0x174: {  	_ =	swait.ge [sflag:s0], $0x400  }
0x175: {  	[sflag:s0] =	ssyncset.done $0x0  }
0x176: {  	[sflag:s0] =	ssyncadd.s32 $0xFFFFFC00  }
0x177: {  	[spmem:s15] =	stream.linear.scatter [tilespmem:s31], [sflag:$0x1], $0x400, $0x38;
	[tilespmem:$0x9380] =	vst v63  }
0x178: {  	_ =	swait.ge [sflag:s0], $0x400  }
0x179: {  	[sflag:s0] =	ssyncset.done $0x0  }
0x17a: {  	[sflag:s0] =	ssyncadd.s32 $0xFFFFFC00  }
0x17b: {  	[spmem:s16] =	stream.linear.scatter [tilespmem:s31], [sflag:$0x1], $0x400, $0x38;
	[tilespmem:$0x9380] =	vst v63  }
0x17c: {  	_ =	swait.ge [sflag:s0], $0x400  }
0x17d: {  	[sflag:s0] =	ssyncset.done $0x0  }
0x17e: {  	[sflag:s0] =	ssyncadd.s32 $0xFFFFFC00  }
0x17f: {  	[spmem:s17] =	stream.linear.scatter [tilespmem:s31], [sflag:$0x1], $0x400, $0x38;
	[tilespmem:$0x9380] =	vst v63  }
0x180: {  	_ =	swait.ge [sflag:s0], $0x400  }
0x181: {  	[sflag:s0] =	ssyncset.done $0x0  }
0x182: {  	[sflag:s0] =	ssyncadd.s32 $0xFFFFFC00  }
0x183: {  	[spmem:s18] =	stream.linear.scatter [tilespmem:s31], [sflag:$0x1], $0x400, $0x38;
	[tilespmem:$0x9380] =	vst v63  }
0x184: {  	_ =	swait.ge [sflag:s0], $0x400  }
0x185: {  	[sflag:s0] =	ssyncset.done $0x0  }
0x186: {  	[sflag:s0] =	ssyncadd.s32 $0xFFFFFC00  }
0x187: {  	[spmem:s19] =	stream.linear.scatter [tilespmem:s31], [sflag:$0x1], $0x400, $0x38;
	[tilespmem:$0x9380] =	vst v63  }
0x188: {  	_ =	swait.ge [sflag:s0], $0x400  }
0x189: {  	[sflag:s0] =	ssyncset.done $0x0  }
0x18a: {  	[sflag:s0] =	ssyncadd.s32 $0xFFFFFC00  }
0x18b: {  	[spmem:s20] =	stream.linear.scatter [tilespmem:s31], [sflag:$0x1], $0x400, $0x38;
	[tilespmem:$0x9380] =	vst v63  }
0x18c: {  	_ =	swait.ge [sflag:s0], $0x400  }
0x18d: {  	[sflag:s0] =	ssyncset.done $0x0  }
0x18e: {  	[sflag:s0] =	ssyncadd.s32 $0xFFFFFC00  }
0x18f: {  	[spmem:s21] =	stream.linear.scatter [tilespmem:s31], [sflag:$0x1], $0x400, $0x38;
	[tilespmem:$0x9380] =	vst v63  }
0x190: {  	_ =	swait.ge [sflag:s0], $0x400  }
0x191: {  	[sflag:s0] =	ssyncset.done $0x0  }
0x192: {  	[sflag:s0] =	ssyncadd.s32 $0xFFFFFC00  }
0x193: {  	[spmem:s22] =	stream.linear.scatter [tilespmem:s31], [sflag:$0x1], $0x400, $0x38;
	[tilespmem:$0x9380] =	vst v63  }
0x194: {  	_ =	swait.ge [sflag:s0], $0x400  }
0x195: {  	[sflag:s0] =	ssyncset.done $0x0  }
0x196: {  	[sflag:s0] =	ssyncadd.s32 $0xFFFFFC00  }
0x197: {  	[spmem:s23] =	stream.linear.scatter [tilespmem:s31], [sflag:$0x1], $0x400, $0x38;
	[tilespmem:$0x9380] =	vst v63  }
0x198: {  	_ =	swait.ge [sflag:s0], $0x400  }
0x199: {  	[sflag:s0] =	ssyncset.done $0x0  }
0x19a: {  	[sflag:s0] =	ssyncadd.s32 $0xFFFFFC00  }
0x19b: {  	[spmem:s24] =	stream.linear.scatter [tilespmem:s31], [sflag:$0x1], $0x400, $0x38;
	[tilespmem:$0x9380] =	vst v63  }
0x19c: {  	_ =	swait.ge [sflag:s0], $0x400  }
0x19d: {  	[sflag:s0] =	ssyncset.done $0x0  }
0x19e: {  	[sflag:s0] =	ssyncadd.s32 $0xFFFFFC00  }
0x19f: {  	[spmem:s25] =	stream.linear.scatter [tilespmem:s31], [sflag:$0x1], $0x400, $0x38;
	[tilespmem:$0x9380] =	vst v63  }
0x1a0: {  	_ =	swait.ge [sflag:s0], $0x400  }
0x1a1: {  	[sflag:s0] =	ssyncset.done $0x0  }
0x1a2: {  	[sflag:s0] =	ssyncadd.s32 $0xFFFFFC00  }
0x1a3: {  	[spmem:s26] =	stream.linear.scatter [tilespmem:s31], [sflag:$0x1], $0x400, $0x38;
	[tilespmem:$0x9380] =	vst v63  }
0x1a4: {  	_ =	swait.ge [sflag:s0], $0x400  }
0x1a5: {  	[sflag:s0] =	ssyncset.done $0x0  }
0x1a6: {  	[sflag:s0] =	ssyncadd.s32 $0xFFFFFC00  }
0x1a7: {  	[spmem:s28] =	stream.linear.scatter [tilespmem:s31], [sflag:$0x1], $0x400, $0x38;
	[tilespmem:$0x9380] =	vst v63  }
0x1a8: {  	_ =	swait.ge [sflag:s0], $0x400  }
0x1a9: {  	[sflag:s0] =	ssyncset.done $0x0  }
0x1aa: {  	[sflag:s0] =	ssyncadd.s32 $0xFFFFFC00  }
0x1ab: {  	[spmem:s29] =	stream.linear.scatter [tilespmem:s31], [sflag:$0x1], $0x400, $0x38;
	[tilespmem:$0x9380] =	vst v63  }
0x1ac: {  	_ =	swait.ge [sflag:s0], $0x400  }
0x1ad: {  	[sflag:s0] =	ssyncset.done $0x0  }
0x1ae: {  	[sflag:s0] =	ssyncadd.s32 $0xFFFFFC00  }
0x1af: {  	[spmem:s30] =	stream.linear.scatter [tilespmem:s31], [sflag:$0x1], $0x400, $0x38;
	[tilespmem:$0x9380] =	vst v63  }
0x1b0: {  	_ =	swait.ge [sflag:s0], $0x400  }
0x1b1: {  	[sflag:s0] =	ssyncset.done $0x0  }
0x1b2: {  	[sflag:s0] =	ssyncadd.s32 $0xFFFFFC00  }
0x1b3: {  	[bflag:$0x0] =	sbarrier.arrive $0xFFFF  }
0x1b4: {  	s7 =	simm.s32 $0x0;
	s8 =	rddreg [dreg:$0x15]  }
0x1b5: {  	[tilespmem:s7], [sflag:$0x1] =	stream.linear.gather [hbm4b:s8+s7], $0x3F00, $0x38;
	[tilespmem:$0x9380] =	vst v63  }
0x1b6: {  	_ =	swait.ge [sflag:s0], $0x3F00  }
0x1b7: {  	[sflag:s0] =	ssyncset.done $0x0  }
0x1b8: {  	s8 =	simm.s32 $0x0;
	[sflag:s0] =	ssyncadd.s32 $0xFFFFC100  }
0x1b9: {  	[spmem:s1] =	stream.indirect.scatter.add.f32 [tilespmem:s5], [sflag:$0x1], $0x10, s8, s2, $0xb8;
	[tilespmem:$0x9380] =	vst v63  }
0x1ba: {  	_ =	swait.ge [sflag:s0], $0x500  }
0x1bb: {  	s6 =	simm.s32 $0x200;
	[sflag:s0] =	ssyncset.done $0x0  }
.LBB2_4:
0x1bc: {  	s7 =	sshra.s32 s6, $0x2;
	[sflag:s0] =	ssyncadd.s32 $0xFFFFFB00;
	p0 =	sne.s32 s6, $0xFA00  }
0x1bd: {  	[spmem:s1] =	stream.indirect.scatter.add.f32 [tilespmem:s5], [sflag:$0x1], $0x10, s7, s2, $0xb8;
	[tilespmem:$0x9380] =	vst v63  }
.Ltmp1:
0x1be: {  	_ = 	snop;
	(pc) =	sbr.rel @p0 .LBB2_4-.Ltmp1, $4  }
0x1bf: {  	_ = 	snop  }
0x1c0: {  	s6 =	sadd.s32 $0x200, s6  }
0x1c1: {  	_ =	swait.ge [sflag:s0], $0x500  }
0x1c2: {  	[sflag:s0] =	ssyncset.done $0x0  }
0x1c3: {  	[sflag:s0] =	ssyncadd.s32 $0xFFFFFB00;
	s6 =	stileid.u32  }
0x1c4: {  	s6 =	sshll.u32 s6, $0x6;
	[bflag:$0x0] =	sbarrier.arrive $0xFFFF  }
0x1c5: {  	s7 =	sshrl.u32 s4, $0x3;
	s6 =	sor.u32 $0x1C01, s6;
	s8 =	rddreg [dreg:$0x16]  }
0x1c6: {  	[hbm:s8], [sflag:s6] =	dma.local [spmem:s7], $0x2780  }
0x1c7: {  	_ =	swait.ge [sflag:s0], $0x2780  }
0x1c8: {  	s3 =	sadd.s32 $0x1, s3;
	s8 =	rddreg [dreg:$0x17]  }
0x1c9: {  	p0 =	sne.s32 s3, s8  }
.Ltmp2:
0x1ca: {  	_ = 	snop;
	(pc) =	sbr.rel @p0 .LBB2_1-.Ltmp2, $3  }
0x1cb: {  	_ =	sdelay $0x1  }
0x1cc: {  	[sflag:s0] =	ssyncset.done $0x0  }
0x1cd: {  	[sflag:s0] =	ssyncadd.s32 $0xFFFFD880  }
0x1ce: {  	_ =	sfence.sel $0x180000  }
0x1cf: {  	[bflag:$0x0] =	sbarrier.arrive $0xFFFF  }
0x1d0: {  	_ =	strace $0x90000047  }
0x1d1: {  	s0 =	stileid.u32;
	[bflag:$0x2] =	sbarrier.arrive $0xFFFF  }
0x1d2: {  	p0 =	sne.s32 s0, $0x0;
	s0 =	rddreg [dreg:$0x2]  }
0x1d3: {  	s0 =	sadd.s32 @!p0 $0x100000, s0  }
0x1d4: {  	[sflag:s0] =	ssyncadd.tile.s32 @!p0 $0x1;
	_ =	shalt  }
.Lfunc_end2:
_tile_overlayer_lowered:
.L_overlay_start_2:
0x1d5: {  	(tag) =	ssettag $0x2  }
0x1d6: {  	s0 =	rddreg [dreg:$0x0];
	s2 =	stileid.u32  }
0x1d7: {  	s1 =	rddreg [dreg:$0x1];
	p0 =	sne.s32 s2, $0x0  }
0x1d8: {  	s3 =	rddreg [dreg:$0x2];
	[bflag:$0x3] =	sbarrier.arrive $0xFFFF;
	s2 =	simm.s32 @!p0 $0x1C01  }
0x1d9: {  	[timem:s3], [sflag:s2] =	dma.local @!p0 [hbm:s0], s1  }
0x1da: {  	s0 =	simm.s32 @!p0 $0x1  }
0x1db: {  	_ =	swait.ge @!p0 [sflag:s0], s1  }
0x1dc: {  	s1 =	ssub.s32 @!p0 $0x0, s1;
	[sflag:s0] =	ssyncset.done @!p0 $0x0  }
0x1dd: {  	[sflag:s0] =	ssyncadd.s32 @!p0 s1  }
0x1de: {  	[bflag:$0x3] =	sbarrier.arrive $0xFFFF  }
0x1df: {  	_ =	shalt  }

// kernel: kernel.17.cloned.1.call-start
scs
__scs_entry_jumppad:
0x0: {  	(pc) =	sbr.rel $0x88, $3  }
0x1: {  	(tag) =	ssettag $0x0;
	lr =	simm.s32 $0x1  }
0x2: {  	[smem:$0x3F93] =	sst lr;
	_ =	strace $0xD0000000  }
0x3: {  	_ = 	snop  }
0x4: {  	_ = 	snop  }
0x5: {  	_ = 	snop  }
0x6: {  	_ = 	snop  }
0x7: {  	_ = 	snop  }
__scs_overlays_trampoline_lowered:
0x8: {  	[smem:$0x3FA2] =	sst s0  }
0x9: {  	[smem:$0x3FA3] =	sst s1  }
0xa: {  	[smem:$0x3FA4] =	sst s2  }
0xb: {  	[smem:$0x3FA5] =	sst s3  }
0xc: {  	[smem:$0x3FA6] =	sst s4  }
0xd: {  	[smem:$0x3FA7] =	sst s5  }
0xe: {  	[smem:$0x3FA8] =	sst s6  }
0xf: {  	[smem:$0x3FA9] =	sst s7  }
0x10: {  	[smem:$0x3FAA] =	sst s8  }
0x11: {  	[smem:$0x3FAB] =	sst s9;
	s0 =	simm.s32 @!p0 $0x0  }
0x12: {  	s1 =	sld [smem:$0x3F91];
	s0 =	simm.s32 @p0 $0x1  }
0x13: {  	[smem:$0x3FAC] =	sst s0;
	s0 =	simm.s32 @!p1 $0x0  }
0x14: {  	s2 =	sld [smem:$0x3F90];
	s0 =	simm.s32 @p1 $0x1  }
0x15: {  	[smem:$0x3FAD] =	sst s0;
	s0 =	simm.s32 @!p2 $0x0  }
0x16: {  	s3 =	sld [smem:$0x3FDB];
	s0 =	simm.s32 @p2 $0x1  }
0x17: {  	s4 =	simm.s32 $0x1BF5;
	[smem:$0x3FAF] =	sst s0  }
0x18: {  	s0 =	sld [smem:$0x3F92];
	_ =	swait.ge [sflag:s4], $0x0  }
0x19: {  	s7 =	sld [smem:$0x3F93]  }
0x1a: {  	s8 =	sadd.s32 $0xFFFFE003, lr  }
0x1b: {  	s9 =	sadd.s32 $0xFFFFFEF7, lr;
	s5 =	simm.s32 $0xFFFFFFFF;
	p2 =	slt.u32 s8, $0xFFFFF086  }
0x1c: {  	p1 =	slt.u32 s9, $0xF7A;
	s5 =	simm.s32 @!p2 $0x0  }
0x1d: {  	s5 =	simm.s32 @p1 $0x1;
	p0 =	seq.s32 s7, s2  }
0x1e: {  	s7 =	smul.u32 @!p0 $0xF7A, s2;
	p2 =	seq.s32 @!p0 s5, $0x0  }
0x1f: {  	s9 =	smul.u32 $0xF7A, s1;
	s8 =	simm.s32 @!p0 $0x1BF5;
	p2 =	por !p2, p0  }
0x20: {  	[sflag:s8] =	ssyncset.s32 @!p0 $0xFFFFF086;
	s6 =	sadd.s32 @!p0 s3, s7;
	s7 =	simm.s32 @!p0 $0x108  }
0x21: {  	s3 =	sadd.s32 s3, s9;
	s6 =	sadd.s32 @!p0 $0x88, s6;
	s7 =	simm.s32 @p2 $0x1082  }
0x22: {  	[simem:s7], [sflag:s8] =	dma.local @!p0 [hbm:s6], $0xF7A  }
0x23: {  	s9 =	sor.u32 $0xD0000000, s2;
	s6 =	simm.s32 $0x108;
	_ =	swait.ge @!p0 [sflag:s8], $0x0  }
0x24: {  	s3 =	sadd.s32 $0x88, s3;
	s6 =	simm.s32 @!p1 $0x1082;
	[sflag:s4] =	ssyncset.s32 $0xFFFFF086  }
0x25: {  	[simem:s6], [sflag:s4] =	dma.local [hbm:s3], $0xF7A  }
0x26: {  	[smem:$0x3F93] =	sst s1;
	(tag) =	ssettag s2;
	_ =	strace s9  }
0x27: {  	s1 =	sld [smem:$0x3FA3]  }
0x28: {  	s2 =	sld [smem:$0x3FA4]  }
0x29: {  	s4 =	sld [smem:$0x3FA6]  }
0x2a: {  	p0 =	seq.s32 s5, $0x0;
	s5 =	sld [smem:$0x3FA7]  }
0x2b: {  	s6 =	sld [smem:$0x3FA8]  }
0x2c: {  	s7 =	sld [smem:$0x3FA9]  }
0x2d: {  	s3 =	simm.s32 $0x108;
	s8 =	sld [smem:$0x3FAA]  }
0x2e: {  	s3 =	simm.s32 @!p0 $0x1082;
	s9 =	sld [smem:$0x3FAB]  }
0x2f: {  	lr =	sadd.s32 s0, s3;
	s0 =	sld [smem:$0x3FA2]  }
0x30: {  	s3 =	sld [smem:$0x3FA5]  }
0x31: {  	[smem:$0x3FAE] =	sst s10  }
0x32: {  	s10 =	sld [smem:$0x3FAC];
	_ =	sdelay $0x3  }
0x33: {  	p0 =	seq.s32 s10, $0x1;
	s10 =	sld [smem:$0x3FAE];
	_ =	sdelay $0x3  }
0x34: {  	[smem:$0x3FAE] =	sst s10  }
0x35: {  	s10 =	sld [smem:$0x3FAD];
	_ =	sdelay $0x3  }
0x36: {  	p1 =	seq.s32 s10, $0x1;
	s10 =	sld [smem:$0x3FAE];
	_ =	sdelay $0x3  }
0x37: {  	[smem:$0x3FAE] =	sst s10  }
0x38: {  	s10 =	sld [smem:$0x3FAF]  }
0x39: {  	_ = 	snop;
	(pc) =	sbr.ind lr, $3  }
0x3a: {  	_ = 	snop  }
0x3b: {  	_ = 	snop  }
0x3c: {  	p2 =	seq.s32 s10, $0x1;
	s10 =	sld [smem:$0x3FAE]  }
0x3d: {  	_ =	shalt  }
0x3e: {  	_ =	shalt  }
0x3f: {  	_ =	shalt  }
0x40: {  	_ =	shalt  }
0x41: {  	_ =	shalt  }
0x42: {  	_ =	shalt  }
0x43: {  	_ =	shalt  }
0x44: {  	_ =	shalt  }
0x45: {  	_ =	shalt  }
0x46: {  	_ =	shalt  }
0x47: {  	_ =	shalt  }
0x48: {  	_ =	shalt  }
0x49: {  	_ =	shalt  }
0x4a: {  	_ =	shalt  }
0x4b: {  	_ =	shalt  }
0x4c: {  	_ =	shalt  }
0x4d: {  	_ =	shalt  }
0x4e: {  	_ =	shalt  }
0x4f: {  	_ =	shalt  }
0x50: {  	_ =	shalt  }
0x51: {  	_ =	shalt  }
0x52: {  	_ =	shalt  }
0x53: {  	_ =	shalt  }
0x54: {  	_ =	shalt  }
0x55: {  	_ =	shalt  }
0x56: {  	_ =	shalt  }
0x57: {  	_ =	shalt  }
0x58: {  	_ =	shalt  }
0x59: {  	_ =	shalt  }
0x5a: {  	_ =	shalt  }
0x5b: {  	_ =	shalt  }
0x5c: {  	_ =	shalt  }
0x5d: {  	_ =	shalt  }
0x5e: {  	_ =	shalt  }
0x5f: {  	_ =	shalt  }
0x60: {  	_ =	shalt  }
0x61: {  	_ =	shalt  }
0x62: {  	_ =	shalt  }
0x63: {  	_ =	shalt  }
0x64: {  	_ =	shalt  }
0x65: {  	_ =	shalt  }
0x66: {  	_ =	shalt  }
0x67: {  	_ =	shalt  }
0x68: {  	_ =	shalt  }
0x69: {  	_ =	shalt  }
0x6a: {  	_ =	shalt  }
0x6b: {  	_ =	shalt  }
0x6c: {  	_ =	shalt  }
0x6d: {  	_ =	shalt  }
0x6e: {  	_ =	shalt  }
0x6f: {  	_ =	shalt  }
0x70: {  	_ =	shalt  }
0x71: {  	_ =	shalt  }
0x72: {  	_ =	shalt  }
0x73: {  	_ =	shalt  }
0x74: {  	_ =	shalt  }
0x75: {  	_ =	shalt  }
0x76: {  	_ =	shalt  }
0x77: {  	_ =	shalt  }
0x78: {  	_ =	shalt  }
0x79: {  	_ =	shalt  }
0x7a: {  	_ =	shalt  }
0x7b: {  	_ =	shalt  }
0x7c: {  	_ =	shalt  }
0x7d: {  	_ =	shalt  }
0x7e: {  	_ =	shalt  }
0x7f: {  	_ =	shalt  }
0x80: {  	_ =	shalt  }
0x81: {  	_ =	shalt  }
0x82: {  	_ =	shalt  }
0x83: {  	_ =	shalt  }
0x84: {  	_ =	shalt  }
0x85: {  	_ =	shalt  }
0x86: {  	_ =	shalt  }
0x87: {  	_ =	shalt  }
.Lfunc_end0:
.L_simem_size_0:
called_computation.1_lowered:
.L_overlay_start_0:
0x88: {  	s2 =	sld [smem:$0x3FD9]  }
0x89: {  	s3 =	sld [smem:$0x3FFE];
	_ =	sdelay $0x1  }
0x8a: {  	s1 =	srdreg.scid  }
0x8b: {  	s0 =	sand.u32 $0x1, s1  }
0x8c: {  	s16 =	sshll.u32 s0, $0xA;
	s2 =	sadd.s32 s3, s2  }
0x8d: {  	s2 =	sadd.s32 s2, s16  }
0x8e: {  	[smem:$0x3FBA] =	sst s2  }
0x8f: {  	_ = 	snop  }
0x90: {  	(tm) =	ssettm $0x1  }
0x91: {  	s17 =	sld [smem:$0x3FFB];
	_ =	sdelay $0x3  }
0x92: {  	_ =	strace s17  }
0x93: {  	s2 =	sld [smem:$0x3FFC];
	_ =	sdelay $0x3  }
0x94: {  	_ =	strace s2  }
0x95: {  	s2 =	sld [smem:$0x3FFD];
	_ =	sdelay $0x3  }
0x96: {  	_ =	strace s2  }
0x97: {  	_ =	strace $0x8FFFFFFF  }
0x98: {  	s18 =	sld [smem:$0x3FDB];
	_ =	sdelay $0x1  }
0x99: {  	s19 =	simm.s32 $_scs_section_size  }
0x9a: {  	s4 =	simm.s32 $_size__tile_overlayer_lowered;
	s5 =	simm.s32 $_tile_overlayer_lowered  }
0x9b: {  	s22 =	simm.s32 $0x1BFF;
	s21 =	sshll.u32 s5, $0x1;
	s2 =	sadd.s32 s19, s18  }
0x9c: {  	s6 =	simm.s32 $0x0;
	s20 =	sshll.u32 s4, $0x1;
	s4 =	sadd.s32 s21, s2  }
0x9d: {  	[timem:s6], [sflag:s22] =	dma.local [hbm:s4], s20  }
0x9e: {  	_ =	swait.ge [sflag:s22], s20  }
0x9f: {  	s3 =	ssub.s32 $0x0, s20;
	[sflag:s22] =	ssyncset.done $0x0  }
0xa0: {  	[sflag:s22] =	ssyncadd.s32 s3;
	_ =	sdelay $0x1  }
0xa1: {  	s23 =	simm.s32 $0x1B8B  }
0xa2: {  	_ =	swait.ge [sflag:s23], $0x1  }
0xa3: {  	[sflag:s23] =	ssyncset.done $0x0  }
0xa4: {  	s25 =	simm.s32 $0x1B8E;
	s24 =	sld [smem:$0x3FFE];
	[sflag:s23] =	ssyncadd.s32 $0xFFFFFFFF  }
0xa5: {  	s26 =	simm.s32 $execute0_lowered;
	[smem:$0x3FD2] =	sst s25  }
0xa6: {  	s4 =	sshll.u32 s26, $0x1;
	_ =	strace $0x80000049;
	[dreg:$0x1] =	wrdreg $0xFFFFFFFF  }
0xa7: {  	s28 =	simm.s32 $_size_execute0_lowered;
	s2 =	sadd.s32 s2, s4;
	[dreg:$0x0] =	wrdreg $0x0  }
0xa8: {  	s4 =	sshll.u32 s28, $0x1;
	[dreg:$0x2] =	wrdreg s2  }
0xa9: {  	[dreg:$0x3] =	wrdreg s4  }
0xaa: {  	[dreg:$0x4] =	wrdreg $0xC0  }
0xab: {  	_ =	task [dreg:s6], $0x5FFFF  }
0xac: {  	[dreg:$0x1] =	wrdreg $0xFFFFFFFF  }
0xad: {  	[dreg:$0x0] =	wrdreg $0x60  }
0xae: {  	[dreg:$0x2] =	wrdreg s24  }
0xaf: {  	[dreg:$0x3] =	wrdreg $0xB7800  }
0xb0: {  	[dreg:$0x4] =	wrdreg $0x9  }
0xb1: {  	_ =	task.clear_ibuf [dreg:s6], $0x5FFFF;
	_ =	strace $0x90000049  }
0xb2: {  	s29 =	simm.s32 $0x9;
	_ =	strace $0x8000004B  }
0xb3: {  	_ =	swait.ge [sflag:s29], $0x1  }
0xb4: {  	[sflag:s29] =	ssyncadd.s32 $0xFFFFFFFF  }
0xb5: {  	_ =	strace $0x9000004B  }
0xb6: {  	_ =	sfence  }
0xb7: {  	s30 =	sld [smem:$0x0];
	_ =	sdelay $0x2  }
0xb8: {  	s31 =	sshll.u32 s1, $0xD;
	s1 =	sshrl.u32 s1, $0x2  }
0xb9: {  	s3 =	sand.u32 $0x4000, s31;
	s1 =	sadd.s32 s1, s30  }
0xba: {  	s0 =	sor.u32 s3, s0;
	s1 =	sshll.u32 s1, $0x11  }
0xbb: {  	s0 =	sor.u32 s1, s0  }
0xbc: {  	s0 =	sadd.s32 $0x8F2B, s0  }
0xbd: {  	[sflag:s0] =	ssyncadd.remote.s32 $0x1  }
0xbe: {  	_ =	sfence.sel $0xFFFF  }
0xbf: {  	[dreg:$0x0] =	wrdreg $0xFFFFFFFF;
	(pc) =	sbr.abs _section_cstart, $3  }
0xc0: {  	[dreg:$0x1] =	wrdreg $0xFFFFFFFF  }
0xc1: {  	_ =	task.clear_ibuf [dreg:s6], $0x2FFFF;
	_ =	strace $0x9FFFFFFF  }
0xc2: {  	(tm) =	ssettm $0x7FFFFFFF  }
0xc3: {  	_ =	shalt  }
tec
execute0_lowered:
.L_overlay_start_1:
0x0: {  	(tag) =	ssettag $0x1  }
0x1: {  	s5 =	rddreg [dreg:$0x0]  }
0x2: {  	s2 =	rddreg [dreg:$0x1]  }
0x3: {  	s0 =	rddreg [dreg:$0x2];
	s3 =	simm.s32 $0x0;
	s1 =	stileid.u32  }
0x4: {  	s4 =	srdreg.scid;
	s16 =	simm.s32 $0x80;
	s17 =	simm.s32 $0x400  }
0x5: {  	s18 =	simm.s32 $0x50;
	[smem:$0x7FF] =	sst s3;
	s7 =	smul.u32 $0x278, s1  }
0x6: {  	s6 =	sand.u32 $0x1, s4;
	s4 =	sadd.s32 $0x1B3E00, s5;
	s10 =	smul.u32 $0x2780, s1  }
0x7: {  	s9 =	sshll.u32 s1, $0xB;
	s11 =	sadd.s32 $0x103E00, s5;
	s20 =	smul.u32 $0x4F000, s1  }
0x8: {  	s13 =	sshrl.u32 s1, $0x3;
	s26 =	sshll.u32 s1, $0x7;
	s8 =	smul.u32 $0x2780, s6  }
0x9: {  	s28 =	sshll.u32 s1, $0x6;
	s21 =	ssub.s32 $0x2, s6;
	s6 =	smul.u32 $0x4F000, s6  }
0xa: {  	_ =	strace $0x8000004A;
	s12 =	sadd.s32 s9, s5;
	s23 =	smul.u32 $0x13C00, s13  }
0xb: {  	s9 =	sand.u32 $0x380, s26;
	s19 =	sadd.s32 s10, s5;
	s22 =	sshrl.u32 s21, $0x1  }
0xc: {  	s25 =	sshrl.u32 s20, $0x2;
	s20 =	simm.s32 $0x8F80;
	s7 =	sadd.s32 s7, s8  }
0xd: {  	s24 =	ssub.s32 s21, s22;
	s15 =	sadd.s32 s25, s2;
	s6 =	sadd.s32 s6, s23  }
0xe: {  	s8 =	sadd.s32 $0x4A00, s12;
	s21 =	simm.s32 $0x1;
	s22 =	simm.s32 $0x2  }
0xf: {  	s23 =	simm.s32 $0x0;
	s7 =	sshll.u32 s7, $0x4;
	s29 =	sor.u32 s9, s6  }
0x10: {  	s6 =	sor.u32 $0x1C03, s28;
	s13 =	smax.u32 s24, $0x1;
	s14 =	sadd.s32 s7, s5  }
0x11: {  	s5 =	sadd.s32 $0x14A00, s19;
	s30 =	sshrl.u32 s29, $0x3;
	s9 =	sadd.s32 $0x27800, s29  }
0x12: {  	s19 =	simm.s32 $0x6780;
	s7 =	sadd.s32 s11, s30;
	s31 =	sshrl.u32 s9, $0x3  }
0x13: {  	s9 =	sadd.s32 $0x250200, s14;
	s10 =	sadd.s32 s11, s31;
	s11 =	sadd.s32 $0xCA00, s12  }
0x14: {  	s12 =	sadd.s32 $0x29F200, s14;
	s14 =	sshrl.u32 s15, $0x3;
	s15 =	simm.s32 $0x3  }
.LBB2_1:
0x15: {  	[spmem:s14], [sflag:s6] =	dma.local [hbm:s5], $0x2780  }
0x16: {  	_ =	swait.ge [sflag:s15], $0x2780  }
0x17: {  	[sflag:s15] =	ssyncset.done $0x0  }
0x18: {  	[sflag:s15] =	ssyncadd.s32 $0xFFFFD880  }
0x19: {  	[bflag:$0x0] =	sbarrier.arrive $0xFFFF  }
0x1a: {  	[tilespmem:s3], [sflag:$0x3] =	stream.strided.gather [hbm4b:s7+s16], $0x2780, s17, s16, $0x38;
	[tilespmem:$0x1F380] =	vst v63  }
0x1b: {  	_ =	swait.ge [sflag:s15], $0x2780  }
0x1c: {  	[sflag:s15] =	ssyncset.done $0x0  }
0x1d: {  	s24 =	simm.s32 $0x2780;
	[sflag:s15] =	ssyncadd.s32 $0xFFFFD880  }
0x1e: {  	[tilespmem:s24], [sflag:$0x3] =	stream.linear.gather [hbm4b:s8+s3], $0x3F00, $0x38;
	[tilespmem:$0x1F380] =	vst v63  }
0x1f: {  	_ =	swait.ge [sflag:s15], $0x3F00  }
0x20: {  	[sflag:s15] =	ssyncset.done $0x0  }
0x21: {  	s25 =	simm.s32 $0x0;
	[sflag:s15] =	ssyncadd.s32 $0xFFFFC100  }
0x22: {  	[tilespmem:s19], [sflag:$0x1] =	stream.indirect.gather [hbm4b:s4+s18], $0x80, s25, s18, $0xb8;
	[tilespmem:$0x1F380] =	vst v63  }
0x23: {  	s30 =	simm.s32 $0x50  }
0x24: {  	[tilespmem:s20], [sflag:$0x2] =	stream.indirect.gather [hbm4b:s4+s18], $0x80, s30, s18, $0xb8;
	[tilespmem:$0x1F380] =	vst v63  }
0x25: {  	_ =	swait.ge [sflag:s21], $0x2800  }
0x26: {  	[sflag:s21] =	ssyncset.done $0x0  }
0x27: {  	[sflag:s21] =	ssyncadd.s32 $0xFFFFD800  }
0x28: {  	[spmem:s2] =	stream.indirect.scatter.add.f32 [tilespmem:s19], [sflag:$0x3], $0x80, s24, s18, $0xb8;
	[tilespmem:$0x1F380] =	vst v63  }
0x29: {  	_ =	swait.ge [sflag:s15], $0x2800  }
0x2a: {  	[sflag:s15] =	ssyncset.done $0x0  }
0x2b: {  	[sflag:s15] =	ssyncadd.s32 $0xFFFFD800  }
0x2c: {  	_ =	swait.ge [sflag:s22], $0x2800  }
0x2d: {  	[sflag:s22] =	ssyncset.done $0x0  }
0x2e: {  	s31 =	simm.s32 $0x2800;
	[sflag:s22] =	ssyncadd.s32 $0xFFFFD800  }
0x2f: {  	[spmem:s2] =	stream.indirect.scatter.add.f32 [tilespmem:s20], [sflag:$0x3], $0x80, s31, s18, $0xb8;
	[tilespmem:$0x1F380] =	vst v63  }
0x30: {  	s26 =	simm.s32 $0x500;
	_ =	swait.ge [sflag:s15], $0x2800  }
0x31: {  	s25 =	simm.s32 $0x280;
	s24 =	simm.s32 $0x2880;
	[sflag:s15] =	ssyncset.done $0x0  }
.LBB2_2:
0x32: {  	s28 =	sshra.s32 s25, $0x2  }
0x33: {  	[sflag:s15] =	ssyncadd.s32 $0xFFFFD800;
	s25 =	smov.u32 s26;
	s29 =	sadd.s32 $0x280, s26  }
0x34: {  	[tilespmem:s19], [sflag:$0x1] =	stream.indirect.gather [hbm4b:s4+s18], $0x80, s28, s18, $0xb8;
	[tilespmem:$0x1F380] =	vst v63  }
0x35: {  	p0 =	sne.s32 s26, $0x9B00;
	s26 =	sadd.s32 $0x50, s28  }
0x36: {  	[tilespmem:s20], [sflag:$0x2] =	stream.indirect.gather [hbm4b:s4+s18], $0x80, s26, s18, $0xb8;
	[tilespmem:$0x1F380] =	vst v63  }
0x37: {  	_ =	swait.ge [sflag:s21], $0x2800  }
0x38: {  	[sflag:s21] =	ssyncset.done $0x0  }
0x39: {  	[sflag:s21] =	ssyncadd.s32 $0xFFFFD800  }
0x3a: {  	[spmem:s2] =	stream.indirect.scatter.add.f32 [tilespmem:s19], [sflag:$0x3], $0x80, s24, s18, $0xb8;
	[tilespmem:$0x1F380] =	vst v63  }
0x3b: {  	_ =	swait.ge [sflag:s15], $0x2800  }
0x3c: {  	[sflag:s15] =	ssyncset.done $0x0  }
0x3d: {  	[sflag:s15] =	ssyncadd.s32 $0xFFFFD800  }
0x3e: {  	_ =	swait.ge [sflag:s22], $0x2800  }
.Ltmp0:
0x3f: {  	[sflag:s22] =	ssyncset.done $0x0;
	(pc) =	sbr.rel @p0 .LBB2_2-.Ltmp0, $4  }
0x40: {  	s26 =	sadd.s32 $0x80, s24;
	[sflag:s22] =	ssyncadd.s32 $0xFFFFD800  }
0x41: {  	[spmem:s2] =	stream.indirect.scatter.add.f32 [tilespmem:s20], [sflag:$0x3], $0x80, s26, s18, $0xb8;
	[tilespmem:$0x1F380] =	vst v63  }
0x42: {  	_ =	swait.ge [sflag:s15], $0x2800  }
0x43: {  	s24 =	sadd.s32 $0x100, s24;
	s26 =	smov.u32 s29;
	[sflag:s15] =	ssyncset.done $0x0  }
0x44: {  	s25 =	sshra.s32 s25, $0x2;
	[sflag:s15] =	ssyncadd.s32 $0xFFFFD800  }
0x45: {  	[tilespmem:s19], [sflag:$0x1] =	stream.indirect.gather [hbm4b:s4+s18], $0x80, s25, s18, $0xb8;
	[tilespmem:$0x1F380] =	vst v63  }
0x46: {  	s25 =	sadd.s32 $0x50, s25  }
0x47: {  	[tilespmem:s20], [sflag:$0x2] =	stream.indirect.gather [hbm4b:s4+s18], $0x80, s25, s18, $0xb8;
	[tilespmem:$0x1F380] =	vst v63  }
0x48: {  	_ =	swait.ge [sflag:s21], $0x2800  }
0x49: {  	[sflag:s21] =	ssyncset.done $0x0  }
0x4a: {  	[sflag:s21] =	ssyncadd.s32 $0xFFFFD800  }
0x4b: {  	[spmem:s2] =	stream.indirect.scatter.add.f32 [tilespmem:s19], [sflag:$0x3], $0x80, s24, s18, $0xb8;
	[tilespmem:$0x1F380] =	vst v63  }
0x4c: {  	_ =	swait.ge [sflag:s15], $0x2800  }
0x4d: {  	[sflag:s15] =	ssyncset.done $0x0  }
0x4e: {  	[sflag:s15] =	ssyncadd.s32 $0xFFFFD800  }
0x4f: {  	_ =	swait.ge [sflag:s22], $0x2800  }
0x50: {  	[sflag:s22] =	ssyncset.done $0x0  }
0x51: {  	s25 =	sadd.s32 $0x80, s24;
	[sflag:s22] =	ssyncadd.s32 $0xFFFFD800  }
0x52: {  	[spmem:s2] =	stream.indirect.scatter.add.f32 [tilespmem:s20], [sflag:$0x3], $0x80, s25, s18, $0xb8;
	[tilespmem:$0x1F380] =	vst v63  }
0x53: {  	_ =	swait.ge [sflag:s15], $0x2800  }
0x54: {  	[sflag:s15] =	ssyncset.done $0x0  }
0x55: {  	[sflag:s15] =	ssyncadd.s32 $0xFFFFD800  }
0x56: {  	[bflag:$0x0] =	sbarrier.arrive $0xFFFF  }
0x57: {  	[hbm:s9], [sflag:s6] =	dma.local [spmem:s14], $0x2780  }
0x58: {  	_ =	swait.ge [sflag:s15], $0x2780  }
0x59: {  	[sflag:s15] =	ssyncset.done $0x0  }
0x5a: {  	[sflag:s15] =	ssyncadd.s32 $0xFFFFD880  }
0x5b: {  	[bflag:$0x0] =	sbarrier.arrive $0xFFFF  }
0x5c: {  	[spmem:s14], [sflag:s6] =	dma.local [hbm:s5], $0x2780  }
0x5d: {  	_ =	swait.ge [sflag:s15], $0x2780  }
0x5e: {  	[sflag:s15] =	ssyncset.done $0x0  }
0x5f: {  	[sflag:s15] =	ssyncadd.s32 $0xFFFFD880  }
0x60: {  	s26 =	simm.s32 $0x0;
	[bflag:$0x0] =	sbarrier.arrive $0xFFFF  }
0x61: {  	[tilespmem:s26], [sflag:$0x3] =	stream.strided.gather [hbm4b:s10+s16], $0x2780, s17, s16, $0x38;
	[tilespmem:$0x1F380] =	vst v63  }
0x62: {  	_ =	swait.ge [sflag:s15], $0x2780  }
0x63: {  	[sflag:s15] =	ssyncset.done $0x0  }
0x64: {  	s28 =	simm.s32 $0x2780;
	[sflag:s15] =	ssyncadd.s32 $0xFFFFD880  }
0x65: {  	[tilespmem:s28], [sflag:$0x3] =	stream.linear.gather [hbm4b:s11+s26], $0x3F00, $0x38;
	[tilespmem:$0x1F380] =	vst v63  }
0x66: {  	_ =	swait.ge [sflag:s15], $0x3F00  }
0x67: {  	[sflag:s15] =	ssyncset.done $0x0  }
0x68: {  	s29 =	simm.s32 $0x0;
	[sflag:s15] =	ssyncadd.s32 $0xFFFFC100  }
0x69: {  	[tilespmem:s19], [sflag:$0x1] =	stream.indirect.gather [hbm4b:s4+s18], $0x80, s29, s18, $0xb8;
	[tilespmem:$0x1F380] =	vst v63  }
0x6a: {  	s30 =	simm.s32 $0x50  }
0x6b: {  	[tilespmem:s20], [sflag:$0x2] =	stream.indirect.gather [hbm4b:s4+s18], $0x80, s30, s18, $0xb8;
	[tilespmem:$0x1F380] =	vst v63  }
0x6c: {  	_ =	swait.ge [sflag:s21], $0x2800  }
0x6d: {  	[sflag:s21] =	ssyncset.done $0x0  }
0x6e: {  	[sflag:s21] =	ssyncadd.s32 $0xFFFFD800  }
0x6f: {  	[spmem:s2] =	stream.indirect.scatter.add.f32 [tilespmem:s19], [sflag:$0x3], $0x80, s28, s18, $0xb8;
	[tilespmem:$0x1F380] =	vst v63  }
0x70: {  	_ =	swait.ge [sflag:s15], $0x2800  }
0x71: {  	[sflag:s15] =	ssyncset.done $0x0  }
0x72: {  	[sflag:s15] =	ssyncadd.s32 $0xFFFFD800  }
0x73: {  	_ =	swait.ge [sflag:s22], $0x2800  }
0x74: {  	[sflag:s22] =	ssyncset.done $0x0  }
0x75: {  	s31 =	simm.s32 $0x2800;
	[sflag:s22] =	ssyncadd.s32 $0xFFFFD800  }
0x76: {  	[spmem:s2] =	stream.indirect.scatter.add.f32 [tilespmem:s20], [sflag:$0x3], $0x80, s31, s18, $0xb8;
	[tilespmem:$0x1F380] =	vst v63  }
0x77: {  	s24 =	simm.s32 $0x2880;
	_ =	swait.ge [sflag:s15], $0x2800  }
0x78: {  	s25 =	simm.s32 $0x280;
	s26 =	simm.s32 $0x500;
	[sflag:s15] =	ssyncset.done $0x0  }
.LBB2_4:
0x79: {  	s28 =	sshra.s32 s25, $0x2  }
0x7a: {  	[sflag:s15] =	ssyncadd.s32 $0xFFFFD800;
	s25 =	smov.u32 s26;
	s29 =	sadd.s32 $0x280, s26  }
0x7b: {  	[tilespmem:s19], [sflag:$0x1] =	stream.indirect.gather [hbm4b:s4+s18], $0x80, s28, s18, $0xb8;
	[tilespmem:$0x1F380] =	vst v63  }
0x7c: {  	p0 =	sne.s32 s26, $0x9B00;
	s26 =	sadd.s32 $0x50, s28  }
0x7d: {  	[tilespmem:s20], [sflag:$0x2] =	stream.indirect.gather [hbm4b:s4+s18], $0x80, s26, s18, $0xb8;
	[tilespmem:$0x1F380] =	vst v63  }
0x7e: {  	_ =	swait.ge [sflag:s21], $0x2800  }
0x7f: {  	[sflag:s21] =	ssyncset.done $0x0  }
0x80: {  	[sflag:s21] =	ssyncadd.s32 $0xFFFFD800  }
0x81: {  	[spmem:s2] =	stream.indirect.scatter.add.f32 [tilespmem:s19], [sflag:$0x3], $0x80, s24, s18, $0xb8;
	[tilespmem:$0x1F380] =	vst v63  }
0x82: {  	_ =	swait.ge [sflag:s15], $0x2800  }
0x83: {  	[sflag:s15] =	ssyncset.done $0x0  }
0x84: {  	[sflag:s15] =	ssyncadd.s32 $0xFFFFD800  }
0x85: {  	_ =	swait.ge [sflag:s22], $0x2800  }
.Ltmp1:
0x86: {  	[sflag:s22] =	ssyncset.done $0x0;
	(pc) =	sbr.rel @p0 .LBB2_4-.Ltmp1, $4  }
0x87: {  	s26 =	sadd.s32 $0x80, s24;
	[sflag:s22] =	ssyncadd.s32 $0xFFFFD800  }
0x88: {  	[spmem:s2] =	stream.indirect.scatter.add.f32 [tilespmem:s20], [sflag:$0x3], $0x80, s26, s18, $0xb8;
	[tilespmem:$0x1F380] =	vst v63  }
0x89: {  	_ =	swait.ge [sflag:s15], $0x2800  }
0x8a: {  	s24 =	sadd.s32 $0x100, s24;
	s26 =	smov.u32 s29;
	[sflag:s15] =	ssyncset.done $0x0  }
0x8b: {  	s25 =	sshra.s32 s25, $0x2;
	[sflag:s15] =	ssyncadd.s32 $0xFFFFD800  }
0x8c: {  	[tilespmem:s19], [sflag:$0x1] =	stream.indirect.gather [hbm4b:s4+s18], $0x80, s25, s18, $0xb8;
	[tilespmem:$0x1F380] =	vst v63  }
0x8d: {  	s25 =	sadd.s32 $0x50, s25  }
0x8e: {  	[tilespmem:s20], [sflag:$0x2] =	stream.indirect.gather [hbm4b:s4+s18], $0x80, s25, s18, $0xb8;
	[tilespmem:$0x1F380] =	vst v63  }
0x8f: {  	_ =	swait.ge [sflag:s21], $0x2800  }
0x90: {  	[sflag:s21] =	ssyncset.done $0x0  }
0x91: {  	[sflag:s21] =	ssyncadd.s32 $0xFFFFD800  }
0x92: {  	[spmem:s2] =	stream.indirect.scatter.add.f32 [tilespmem:s19], [sflag:$0x3], $0x80, s24, s18, $0xb8;
	[tilespmem:$0x1F380] =	vst v63  }
0x93: {  	_ =	swait.ge [sflag:s15], $0x2800  }
0x94: {  	[sflag:s15] =	ssyncset.done $0x0  }
0x95: {  	[sflag:s15] =	ssyncadd.s32 $0xFFFFD800  }
0x96: {  	_ =	swait.ge [sflag:s22], $0x2800  }
0x97: {  	[sflag:s22] =	ssyncset.done $0x0  }
0x98: {  	s31 =	sadd.s32 $0x80, s24;
	[sflag:s22] =	ssyncadd.s32 $0xFFFFD800  }
0x99: {  	[spmem:s2] =	stream.indirect.scatter.add.f32 [tilespmem:s20], [sflag:$0x3], $0x80, s31, s18, $0xb8;
	[tilespmem:$0x1F380] =	vst v63  }
0x9a: {  	_ =	swait.ge [sflag:s15], $0x2800  }
0x9b: {  	[sflag:s15] =	ssyncset.done $0x0  }
0x9c: {  	s23 =	sadd.s32 $0x1, s23;
	[sflag:s15] =	ssyncadd.s32 $0xFFFFD800  }
0x9d: {  	p0 =	sne.s32 s23, s13;
	[bflag:$0x0] =	sbarrier.arrive $0xFFFF  }
0x9e: {  	[hbm:s12], [sflag:s6] =	dma.local [spmem:s14], $0x2780  }
.Ltmp2:
0x9f: {  	_ =	swait.ge [sflag:s15], $0x2780;
	(pc) =	sbr.rel @p0 .LBB2_1-.Ltmp2, $3  }
0xa0: {  	[sflag:s15] =	ssyncset.done $0x0  }
0xa1: {  	[sflag:s15] =	ssyncadd.s32 $0xFFFFD880  }
0xa2: {  	[bflag:$0x0] =	sbarrier.arrive $0xFFFF;
	_ =	sdelay $0x1  }
0xa3: {  	_ =	sfence.sel $0x180000  }
0xa4: {  	[bflag:$0x0] =	sbarrier.arrive $0xFFFF  }
0xa5: {  	p0 =	sne.s32 s1, $0x0;
	_ =	strace $0x9000004A  }
0xa6: {  	s0 =	sadd.s32 @!p0 $0x100000, s0;
	[bflag:$0x2] =	sbarrier.arrive $0xFFFF  }
0xa7: {  	[sflag:s0] =	ssyncadd.tile.s32 @!p0 $0x1;
	_ =	shalt  }
.Lfunc_end2:
_tile_overlayer_lowered:
.L_overlay_start_2:
0xa8: {  	(tag) =	ssettag $0x2  }
0xa9: {  	s0 =	rddreg [dreg:$0x0];
	s2 =	stileid.u32  }
0xaa: {  	s1 =	rddreg [dreg:$0x1];
	p0 =	sne.s32 s2, $0x0  }
0xab: {  	s3 =	rddreg [dreg:$0x2];
	[bflag:$0x3] =	sbarrier.arrive $0xFFFF;
	s2 =	simm.s32 @!p0 $0x1C03  }
0xac: {  	[timem:s3], [sflag:s2] =	dma.local @!p0 [hbm:s0], s1  }
0xad: {  	s0 =	simm.s32 @!p0 $0x3  }
0xae: {  	_ =	swait.ge @!p0 [sflag:s0], s1  }
0xaf: {  	s1 =	ssub.s32 @!p0 $0x0, s1;
	[sflag:s0] =	ssyncset.done @!p0 $0x0  }
0xb0: {  	[sflag:s0] =	ssyncadd.s32 @!p0 s1  }
0xb1: {  	[bflag:$0x3] =	sbarrier.arrive $0xFFFF  }
0xb2: {  	_ =	shalt  }

// kernel: kernel.20.cloned.1.call-start
scs
__scs_entry_jumppad:
0x0: {  	(pc) =	sbr.rel $0x88, $3  }
0x1: {  	(tag) =	ssettag $0x0;
	lr =	simm.s32 $0x1  }
0x2: {  	[smem:$0x3F93] =	sst lr;
	_ =	strace $0xD0000000  }
0x3: {  	_ = 	snop  }
0x4: {  	_ = 	snop  }
0x5: {  	_ = 	snop  }
0x6: {  	_ = 	snop  }
0x7: {  	_ = 	snop  }
__scs_overlays_trampoline_lowered:
0x8: {  	[smem:$0x3FA2] =	sst s0  }
0x9: {  	[smem:$0x3FA3] =	sst s1  }
0xa: {  	[smem:$0x3FA4] =	sst s2  }
0xb: {  	[smem:$0x3FA5] =	sst s3  }
0xc: {  	[smem:$0x3FA6] =	sst s4  }
0xd: {  	[smem:$0x3FA7] =	sst s5  }
0xe: {  	[smem:$0x3FA8] =	sst s6  }
0xf: {  	[smem:$0x3FA9] =	sst s7  }
0x10: {  	[smem:$0x3FAA] =	sst s8  }
0x11: {  	[smem:$0x3FAB] =	sst s9;
	s0 =	simm.s32 @!p0 $0x0  }
0x12: {  	s1 =	sld [smem:$0x3F91];
	s0 =	simm.s32 @p0 $0x1  }
0x13: {  	[smem:$0x3FAC] =	sst s0;
	s0 =	simm.s32 @!p1 $0x0  }
0x14: {  	s2 =	sld [smem:$0x3F90];
	s0 =	simm.s32 @p1 $0x1  }
0x15: {  	[smem:$0x3FAD] =	sst s0;
	s0 =	simm.s32 @!p2 $0x0  }
0x16: {  	s3 =	sld [smem:$0x3FDB];
	s0 =	simm.s32 @p2 $0x1  }
0x17: {  	s4 =	simm.s32 $0x1BF5;
	[smem:$0x3FAF] =	sst s0  }
0x18: {  	s0 =	sld [smem:$0x3F92];
	_ =	swait.ge [sflag:s4], $0x0  }
0x19: {  	s7 =	sld [smem:$0x3F93]  }
0x1a: {  	s8 =	sadd.s32 $0xFFFFE003, lr  }
0x1b: {  	s9 =	sadd.s32 $0xFFFFFEF7, lr;
	s5 =	simm.s32 $0xFFFFFFFF;
	p2 =	slt.u32 s8, $0xFFFFF086  }
0x1c: {  	p1 =	slt.u32 s9, $0xF7A;
	s5 =	simm.s32 @!p2 $0x0  }
0x1d: {  	s5 =	simm.s32 @p1 $0x1;
	p0 =	seq.s32 s7, s2  }
0x1e: {  	s7 =	smul.u32 @!p0 $0xF7A, s2;
	p2 =	seq.s32 @!p0 s5, $0x0  }
0x1f: {  	s9 =	smul.u32 $0xF7A, s1;
	s8 =	simm.s32 @!p0 $0x1BF5;
	p2 =	por !p2, p0  }
0x20: {  	[sflag:s8] =	ssyncset.s32 @!p0 $0xFFFFF086;
	s6 =	sadd.s32 @!p0 s3, s7;
	s7 =	simm.s32 @!p0 $0x108  }
0x21: {  	s3 =	sadd.s32 s3, s9;
	s6 =	sadd.s32 @!p0 $0x88, s6;
	s7 =	simm.s32 @p2 $0x1082  }
0x22: {  	[simem:s7], [sflag:s8] =	dma.local @!p0 [hbm:s6], $0xF7A  }
0x23: {  	s9 =	sor.u32 $0xD0000000, s2;
	s6 =	simm.s32 $0x108;
	_ =	swait.ge @!p0 [sflag:s8], $0x0  }
0x24: {  	s3 =	sadd.s32 $0x88, s3;
	s6 =	simm.s32 @!p1 $0x1082;
	[sflag:s4] =	ssyncset.s32 $0xFFFFF086  }
0x25: {  	[simem:s6], [sflag:s4] =	dma.local [hbm:s3], $0xF7A  }
0x26: {  	[smem:$0x3F93] =	sst s1;
	(tag) =	ssettag s2;
	_ =	strace s9  }
0x27: {  	s1 =	sld [smem:$0x3FA3]  }
0x28: {  	s2 =	sld [smem:$0x3FA4]  }
0x29: {  	s4 =	sld [smem:$0x3FA6]  }
0x2a: {  	p0 =	seq.s32 s5, $0x0;
	s5 =	sld [smem:$0x3FA7]  }
0x2b: {  	s6 =	sld [smem:$0x3FA8]  }
0x2c: {  	s7 =	sld [smem:$0x3FA9]  }
0x2d: {  	s3 =	simm.s32 $0x108;
	s8 =	sld [smem:$0x3FAA]  }
0x2e: {  	s3 =	simm.s32 @!p0 $0x1082;
	s9 =	sld [smem:$0x3FAB]  }
0x2f: {  	lr =	sadd.s32 s0, s3;
	s0 =	sld [smem:$0x3FA2]  }
0x30: {  	s3 =	sld [smem:$0x3FA5]  }
0x31: {  	[smem:$0x3FAE] =	sst s10  }
0x32: {  	s10 =	sld [smem:$0x3FAC];
	_ =	sdelay $0x3  }
0x33: {  	p0 =	seq.s32 s10, $0x1;
	s10 =	sld [smem:$0x3FAE];
	_ =	sdelay $0x3  }
0x34: {  	[smem:$0x3FAE] =	sst s10  }
0x35: {  	s10 =	sld [smem:$0x3FAD];
	_ =	sdelay $0x3  }
0x36: {  	p1 =	seq.s32 s10, $0x1;
	s10 =	sld [smem:$0x3FAE];
	_ =	sdelay $0x3  }
0x37: {  	[smem:$0x3FAE] =	sst s10  }
0x38: {  	s10 =	sld [smem:$0x3FAF]  }
0x39: {  	_ = 	snop;
	(pc) =	sbr.ind lr, $3  }
0x3a: {  	_ = 	snop  }
0x3b: {  	_ = 	snop  }
0x3c: {  	p2 =	seq.s32 s10, $0x1;
	s10 =	sld [smem:$0x3FAE]  }
0x3d: {  	_ =	shalt  }
0x3e: {  	_ =	shalt  }
0x3f: {  	_ =	shalt  }
0x40: {  	_ =	shalt  }
0x41: {  	_ =	shalt  }
0x42: {  	_ =	shalt  }
0x43: {  	_ =	shalt  }
0x44: {  	_ =	shalt  }
0x45: {  	_ =	shalt  }
0x46: {  	_ =	shalt  }
0x47: {  	_ =	shalt  }
0x48: {  	_ =	shalt  }
0x49: {  	_ =	shalt  }
0x4a: {  	_ =	shalt  }
0x4b: {  	_ =	shalt  }
0x4c: {  	_ =	shalt  }
0x4d: {  	_ =	shalt  }
0x4e: {  	_ =	shalt  }
0x4f: {  	_ =	shalt  }
0x50: {  	_ =	shalt  }
0x51: {  	_ =	shalt  }
0x52: {  	_ =	shalt  }
0x53: {  	_ =	shalt  }
0x54: {  	_ =	shalt  }
0x55: {  	_ =	shalt  }
0x56: {  	_ =	shalt  }
0x57: {  	_ =	shalt  }
0x58: {  	_ =	shalt  }
0x59: {  	_ =	shalt  }
0x5a: {  	_ =	shalt  }
0x5b: {  	_ =	shalt  }
0x5c: {  	_ =	shalt  }
0x5d: {  	_ =	shalt  }
0x5e: {  	_ =	shalt  }
0x5f: {  	_ =	shalt  }
0x60: {  	_ =	shalt  }
0x61: {  	_ =	shalt  }
0x62: {  	_ =	shalt  }
0x63: {  	_ =	shalt  }
0x64: {  	_ =	shalt  }
0x65: {  	_ =	shalt  }
0x66: {  	_ =	shalt  }
0x67: {  	_ =	shalt  }
0x68: {  	_ =	shalt  }
0x69: {  	_ =	shalt  }
0x6a: {  	_ =	shalt  }
0x6b: {  	_ =	shalt  }
0x6c: {  	_ =	shalt  }
0x6d: {  	_ =	shalt  }
0x6e: {  	_ =	shalt  }
0x6f: {  	_ =	shalt  }
0x70: {  	_ =	shalt  }
0x71: {  	_ =	shalt  }
0x72: {  	_ =	shalt  }
0x73: {  	_ =	shalt  }
0x74: {  	_ =	shalt  }
0x75: {  	_ =	shalt  }
0x76: {  	_ =	shalt  }
0x77: {  	_ =	shalt  }
0x78: {  	_ =	shalt  }
0x79: {  	_ =	shalt  }
0x7a: {  	_ =	shalt  }
0x7b: {  	_ =	shalt  }
0x7c: {  	_ =	shalt  }
0x7d: {  	_ =	shalt  }
0x7e: {  	_ =	shalt  }
0x7f: {  	_ =	shalt  }
0x80: {  	_ =	shalt  }
0x81: {  	_ =	shalt  }
0x82: {  	_ =	shalt  }
0x83: {  	_ =	shalt  }
0x84: {  	_ =	shalt  }
0x85: {  	_ =	shalt  }
0x86: {  	_ =	shalt  }
0x87: {  	_ =	shalt  }
.Lfunc_end0:
.L_simem_size_0:
called_computation.2_lowered:
.L_overlay_start_0:
0x88: {  	s2 =	sld [smem:$0x3FD9]  }
0x89: {  	s3 =	sld [smem:$0x3FFE];
	_ =	sdelay $0x1  }
0x8a: {  	s1 =	srdreg.scid  }
0x8b: {  	s0 =	sand.u32 $0x1, s1  }
0x8c: {  	s16 =	sshll.u32 s0, $0xA;
	s2 =	sadd.s32 s3, s2  }
0x8d: {  	s2 =	sadd.s32 s2, s16  }
0x8e: {  	[smem:$0x3FBA] =	sst s2  }
0x8f: {  	_ = 	snop  }
0x90: {  	(tm) =	ssettm $0x1  }
0x91: {  	s17 =	sld [smem:$0x3FFB];
	_ =	sdelay $0x3  }
0x92: {  	_ =	strace s17  }
0x93: {  	s2 =	sld [smem:$0x3FFC];
	_ =	sdelay $0x3  }
0x94: {  	_ =	strace s2  }
0x95: {  	s2 =	sld [smem:$0x3FFD];
	_ =	sdelay $0x3  }
0x96: {  	_ =	strace s2  }
0x97: {  	_ =	strace $0x8FFFFFFF  }
0x98: {  	s18 =	sld [smem:$0x3FDB];
	_ =	sdelay $0x1  }
0x99: {  	s19 =	simm.s32 $_scs_section_size  }
0x9a: {  	s4 =	simm.s32 $_size__tile_overlayer_lowered;
	s5 =	simm.s32 $_tile_overlayer_lowered  }
0x9b: {  	s22 =	simm.s32 $0x1BFF;
	s21 =	sshll.u32 s5, $0x1;
	s2 =	sadd.s32 s19, s18  }
0x9c: {  	s6 =	simm.s32 $0x0;
	s20 =	sshll.u32 s4, $0x1;
	s4 =	sadd.s32 s21, s2  }
0x9d: {  	[timem:s6], [sflag:s22] =	dma.local [hbm:s4], s20  }
0x9e: {  	_ =	swait.ge [sflag:s22], s20  }
0x9f: {  	s3 =	ssub.s32 $0x0, s20;
	[sflag:s22] =	ssyncset.done $0x0  }
0xa0: {  	[sflag:s22] =	ssyncadd.s32 s3;
	_ =	sdelay $0x1  }
0xa1: {  	s23 =	simm.s32 $0x1B8B  }
0xa2: {  	_ =	swait.ge [sflag:s23], $0x1  }
0xa3: {  	[sflag:s23] =	ssyncset.done $0x0  }
0xa4: {  	s25 =	simm.s32 $0x1B8E;
	s24 =	sld [smem:$0x3FFE];
	[sflag:s23] =	ssyncadd.s32 $0xFFFFFFFF  }
0xa5: {  	s26 =	simm.s32 $execute0_lowered;
	[smem:$0x3FD2] =	sst s25  }
0xa6: {  	s4 =	sshll.u32 s26, $0x1;
	_ =	strace $0x8000004C;
	[dreg:$0x1] =	wrdreg $0xFFFFFFFF  }
0xa7: {  	s28 =	simm.s32 $_size_execute0_lowered;
	s2 =	sadd.s32 s2, s4;
	[dreg:$0x0] =	wrdreg $0x0  }
0xa8: {  	s4 =	sshll.u32 s28, $0x1;
	[dreg:$0x2] =	wrdreg s2  }
0xa9: {  	[dreg:$0x3] =	wrdreg s4  }
0xaa: {  	[dreg:$0x4] =	wrdreg $0xC0  }
0xab: {  	_ =	task [dreg:s6], $0x5FFFF  }
0xac: {  	[dreg:$0x1] =	wrdreg $0xFFFFFFFF  }
0xad: {  	[dreg:$0x0] =	wrdreg $0x60  }
0xae: {  	[dreg:$0x2] =	wrdreg s24  }
0xaf: {  	[dreg:$0x3] =	wrdreg $0xB7800  }
0xb0: {  	[dreg:$0x4] =	wrdreg $0x9  }
0xb1: {  	_ =	task.clear_ibuf [dreg:s6], $0x5FFFF;
	_ =	strace $0x9000004C  }
0xb2: {  	s29 =	simm.s32 $0x9;
	_ =	strace $0x8000004E  }
0xb3: {  	_ =	swait.ge [sflag:s29], $0x1  }
0xb4: {  	[sflag:s29] =	ssyncadd.s32 $0xFFFFFFFF  }
0xb5: {  	_ =	strace $0x9000004E  }
0xb6: {  	_ =	sfence  }
0xb7: {  	s30 =	sld [smem:$0x0];
	_ =	sdelay $0x2  }
0xb8: {  	s31 =	sshll.u32 s1, $0xD;
	s1 =	sshrl.u32 s1, $0x2  }
0xb9: {  	s3 =	sand.u32 $0x4000, s31;
	s1 =	sadd.s32 s1, s30  }
0xba: {  	s0 =	sor.u32 s3, s0;
	s1 =	sshll.u32 s1, $0x11  }
0xbb: {  	s0 =	sor.u32 s1, s0  }
0xbc: {  	s0 =	sadd.s32 $0x8F2B, s0  }
0xbd: {  	[sflag:s0] =	ssyncadd.remote.s32 $0x1  }
0xbe: {  	_ =	sfence.sel $0xFFFF  }
0xbf: {  	[dreg:$0x0] =	wrdreg $0xFFFFFFFF;
	(pc) =	sbr.abs _section_cstart, $3  }
0xc0: {  	[dreg:$0x1] =	wrdreg $0xFFFFFFFF  }
0xc1: {  	_ =	task.clear_ibuf [dreg:s6], $0x2FFFF;
	_ =	strace $0x9FFFFFFF  }
0xc2: {  	(tm) =	ssettm $0x7FFFFFFF  }
0xc3: {  	_ =	shalt  }
tec
execute0_lowered:
.L_overlay_start_1:
0x0: {  	(tag) =	ssettag $0x1  }
0x1: {  	s5 =	rddreg [dreg:$0x0]  }
0x2: {  	s2 =	rddreg [dreg:$0x1]  }
0x3: {  	s0 =	rddreg [dreg:$0x2];
	s3 =	simm.s32 $0x0;
	s1 =	stileid.u32  }
0x4: {  	s4 =	srdreg.scid;
	s16 =	simm.s32 $0x80;
	s17 =	simm.s32 $0x400  }
0x5: {  	s18 =	simm.s32 $0x50;
	[smem:$0x7FF] =	sst s3;
	s7 =	smul.u32 $0x278, s1  }
0x6: {  	s6 =	sand.u32 $0x1, s4;
	s4 =	sadd.s32 $0x2EE200, s5;
	s10 =	smul.u32 $0x2780, s1  }
0x7: {  	s9 =	sshll.u32 s1, $0xB;
	s11 =	sadd.s32 $0x103E00, s5;
	s20 =	smul.u32 $0x4F000, s1  }
0x8: {  	s13 =	sshrl.u32 s1, $0x3;
	s26 =	sshll.u32 s1, $0x7;
	s8 =	smul.u32 $0x2780, s6  }
0x9: {  	s28 =	sshll.u32 s1, $0x6;
	s21 =	ssub.s32 $0x2, s6;
	s6 =	smul.u32 $0x4F000, s6  }
0xa: {  	_ =	strace $0x8000004D;
	s12 =	sadd.s32 s9, s5;
	s23 =	smul.u32 $0x13C00, s13  }
0xb: {  	s9 =	sand.u32 $0x380, s26;
	s19 =	sadd.s32 s10, s5;
	s22 =	sshrl.u32 s21, $0x1  }
0xc: {  	s25 =	sshrl.u32 s20, $0x2;
	s20 =	simm.s32 $0x8F80;
	s7 =	sadd.s32 s7, s8  }
0xd: {  	s24 =	ssub.s32 s21, s22;
	s15 =	sadd.s32 s25, s2;
	s6 =	sadd.s32 s6, s23  }
0xe: {  	s8 =	sadd.s32 $0x4A00, s12;
	s21 =	simm.s32 $0x1;
	s22 =	simm.s32 $0x2  }
0xf: {  	s23 =	simm.s32 $0x0;
	s7 =	sshll.u32 s7, $0x4;
	s29 =	sor.u32 s9, s6  }
0x10: {  	s6 =	sor.u32 $0x1C03, s28;
	s13 =	smax.u32 s24, $0x1;
	s14 =	sadd.s32 s7, s5  }
0x11: {  	s5 =	sadd.s32 $0x14A00, s19;
	s30 =	sshrl.u32 s29, $0x3;
	s9 =	sadd.s32 $0x27800, s29  }
0x12: {  	s19 =	simm.s32 $0x6780;
	s7 =	sadd.s32 s11, s30;
	s31 =	sshrl.u32 s9, $0x3  }
0x13: {  	s9 =	sadd.s32 $0x117A00, s14;
	s10 =	sadd.s32 s11, s31;
	s11 =	sadd.s32 $0xCA00, s12  }
0x14: {  	s12 =	sadd.s32 $0x166A00, s14;
	s14 =	sshrl.u32 s15, $0x3;
	s15 =	simm.s32 $0x3  }
.LBB2_1:
0x15: {  	[spmem:s14], [sflag:s6] =	dma.local [hbm:s5], $0x2780  }
0x16: {  	_ =	swait.ge [sflag:s15], $0x2780  }
0x17: {  	[sflag:s15] =	ssyncset.done $0x0  }
0x18: {  	[sflag:s15] =	ssyncadd.s32 $0xFFFFD880  }
0x19: {  	[bflag:$0x0] =	sbarrier.arrive $0xFFFF  }
0x1a: {  	[tilespmem:s3], [sflag:$0x3] =	stream.strided.gather [hbm4b:s7+s16], $0x2780, s17, s16, $0x38;
	[tilespmem:$0x1F380] =	vst v63  }
0x1b: {  	_ =	swait.ge [sflag:s15], $0x2780  }
0x1c: {  	[sflag:s15] =	ssyncset.done $0x0  }
0x1d: {  	s24 =	simm.s32 $0x2780;
	[sflag:s15] =	ssyncadd.s32 $0xFFFFD880  }
0x1e: {  	[tilespmem:s24], [sflag:$0x3] =	stream.linear.gather [hbm4b:s8+s3], $0x3F00, $0x38;
	[tilespmem:$0x1F380] =	vst v63  }
0x1f: {  	_ =	swait.ge [sflag:s15], $0x3F00  }
0x20: {  	[sflag:s15] =	ssyncset.done $0x0  }
0x21: {  	s25 =	simm.s32 $0x0;
	[sflag:s15] =	ssyncadd.s32 $0xFFFFC100  }
0x22: {  	[tilespmem:s19], [sflag:$0x1] =	stream.indirect.gather [hbm4b:s4+s18], $0x80, s25, s18, $0xb8;
	[tilespmem:$0x1F380] =	vst v63  }
0x23: {  	s30 =	simm.s32 $0x50  }
0x24: {  	[tilespmem:s20], [sflag:$0x2] =	stream.indirect.gather [hbm4b:s4+s18], $0x80, s30, s18, $0xb8;
	[tilespmem:$0x1F380] =	vst v63  }
0x25: {  	_ =	swait.ge [sflag:s21], $0x2800  }
0x26: {  	[sflag:s21] =	ssyncset.done $0x0  }
0x27: {  	[sflag:s21] =	ssyncadd.s32 $0xFFFFD800  }
0x28: {  	[spmem:s2] =	stream.indirect.scatter.add.f32 [tilespmem:s19], [sflag:$0x3], $0x80, s24, s18, $0xb8;
	[tilespmem:$0x1F380] =	vst v63  }
0x29: {  	_ =	swait.ge [sflag:s15], $0x2800  }
0x2a: {  	[sflag:s15] =	ssyncset.done $0x0  }
0x2b: {  	[sflag:s15] =	ssyncadd.s32 $0xFFFFD800  }
0x2c: {  	_ =	swait.ge [sflag:s22], $0x2800  }
0x2d: {  	[sflag:s22] =	ssyncset.done $0x0  }
0x2e: {  	s31 =	simm.s32 $0x2800;
	[sflag:s22] =	ssyncadd.s32 $0xFFFFD800  }
0x2f: {  	[spmem:s2] =	stream.indirect.scatter.add.f32 [tilespmem:s20], [sflag:$0x3], $0x80, s31, s18, $0xb8;
	[tilespmem:$0x1F380] =	vst v63  }
0x30: {  	s26 =	simm.s32 $0x500;
	_ =	swait.ge [sflag:s15], $0x2800  }
0x31: {  	s25 =	simm.s32 $0x280;
	s24 =	simm.s32 $0x2880;
	[sflag:s15] =	ssyncset.done $0x0  }
.LBB2_2:
0x32: {  	s28 =	sshra.s32 s25, $0x2  }
0x33: {  	[sflag:s15] =	ssyncadd.s32 $0xFFFFD800;
	s25 =	smov.u32 s26;
	s29 =	sadd.s32 $0x280, s26  }
0x34: {  	[tilespmem:s19], [sflag:$0x1] =	stream.indirect.gather [hbm4b:s4+s18], $0x80, s28, s18, $0xb8;
	[tilespmem:$0x1F380] =	vst v63  }
0x35: {  	p0 =	sne.s32 s26, $0x9B00;
	s26 =	sadd.s32 $0x50, s28  }
0x36: {  	[tilespmem:s20], [sflag:$0x2] =	stream.indirect.gather [hbm4b:s4+s18], $0x80, s26, s18, $0xb8;
	[tilespmem:$0x1F380] =	vst v63  }
0x37: {  	_ =	swait.ge [sflag:s21], $0x2800  }
0x38: {  	[sflag:s21] =	ssyncset.done $0x0  }
0x39: {  	[sflag:s21] =	ssyncadd.s32 $0xFFFFD800  }
0x3a: {  	[spmem:s2] =	stream.indirect.scatter.add.f32 [tilespmem:s19], [sflag:$0x3], $0x80, s24, s18, $0xb8;
	[tilespmem:$0x1F380] =	vst v63  }
0x3b: {  	_ =	swait.ge [sflag:s15], $0x2800  }
0x3c: {  	[sflag:s15] =	ssyncset.done $0x0  }
0x3d: {  	[sflag:s15] =	ssyncadd.s32 $0xFFFFD800  }
0x3e: {  	_ =	swait.ge [sflag:s22], $0x2800  }
.Ltmp0:
0x3f: {  	[sflag:s22] =	ssyncset.done $0x0;
	(pc) =	sbr.rel @p0 .LBB2_2-.Ltmp0, $4  }
0x40: {  	s26 =	sadd.s32 $0x80, s24;
	[sflag:s22] =	ssyncadd.s32 $0xFFFFD800  }
0x41: {  	[spmem:s2] =	stream.indirect.scatter.add.f32 [tilespmem:s20], [sflag:$0x3], $0x80, s26, s18, $0xb8;
	[tilespmem:$0x1F380] =	vst v63  }
0x42: {  	_ =	swait.ge [sflag:s15], $0x2800  }
0x43: {  	s24 =	sadd.s32 $0x100, s24;
	s26 =	smov.u32 s29;
	[sflag:s15] =	ssyncset.done $0x0  }
0x44: {  	s25 =	sshra.s32 s25, $0x2;
	[sflag:s15] =	ssyncadd.s32 $0xFFFFD800  }
0x45: {  	[tilespmem:s19], [sflag:$0x1] =	stream.indirect.gather [hbm4b:s4+s18], $0x80, s25, s18, $0xb8;
	[tilespmem:$0x1F380] =	vst v63  }
0x46: {  	s25 =	sadd.s32 $0x50, s25  }
0x47: {  	[tilespmem:s20], [sflag:$0x2] =	stream.indirect.gather [hbm4b:s4+s18], $0x80, s25, s18, $0xb8;
	[tilespmem:$0x1F380] =	vst v63  }
0x48: {  	_ =	swait.ge [sflag:s21], $0x2800  }
0x49: {  	[sflag:s21] =	ssyncset.done $0x0  }
0x4a: {  	[sflag:s21] =	ssyncadd.s32 $0xFFFFD800  }
0x4b: {  	[spmem:s2] =	stream.indirect.scatter.add.f32 [tilespmem:s19], [sflag:$0x3], $0x80, s24, s18, $0xb8;
	[tilespmem:$0x1F380] =	vst v63  }
0x4c: {  	_ =	swait.ge [sflag:s15], $0x2800  }
0x4d: {  	[sflag:s15] =	ssyncset.done $0x0  }
0x4e: {  	[sflag:s15] =	ssyncadd.s32 $0xFFFFD800  }
0x4f: {  	_ =	swait.ge [sflag:s22], $0x2800  }
0x50: {  	[sflag:s22] =	ssyncset.done $0x0  }
0x51: {  	s25 =	sadd.s32 $0x80, s24;
	[sflag:s22] =	ssyncadd.s32 $0xFFFFD800  }
0x52: {  	[spmem:s2] =	stream.indirect.scatter.add.f32 [tilespmem:s20], [sflag:$0x3], $0x80, s25, s18, $0xb8;
	[tilespmem:$0x1F380] =	vst v63  }
0x53: {  	_ =	swait.ge [sflag:s15], $0x2800  }
0x54: {  	[sflag:s15] =	ssyncset.done $0x0  }
0x55: {  	[sflag:s15] =	ssyncadd.s32 $0xFFFFD800  }
0x56: {  	[bflag:$0x0] =	sbarrier.arrive $0xFFFF  }
0x57: {  	[hbm:s9], [sflag:s6] =	dma.local [spmem:s14], $0x2780  }
0x58: {  	_ =	swait.ge [sflag:s15], $0x2780  }
0x59: {  	[sflag:s15] =	ssyncset.done $0x0  }
0x5a: {  	[sflag:s15] =	ssyncadd.s32 $0xFFFFD880  }
0x5b: {  	[bflag:$0x0] =	sbarrier.arrive $0xFFFF  }
0x5c: {  	[spmem:s14], [sflag:s6] =	dma.local [hbm:s5], $0x2780  }
0x5d: {  	_ =	swait.ge [sflag:s15], $0x2780  }
0x5e: {  	[sflag:s15] =	ssyncset.done $0x0  }
0x5f: {  	[sflag:s15] =	ssyncadd.s32 $0xFFFFD880  }
0x60: {  	s26 =	simm.s32 $0x0;
	[bflag:$0x0] =	sbarrier.arrive $0xFFFF  }
0x61: {  	[tilespmem:s26], [sflag:$0x3] =	stream.strided.gather [hbm4b:s10+s16], $0x2780, s17, s16, $0x38;
	[tilespmem:$0x1F380] =	vst v63  }
0x62: {  	_ =	swait.ge [sflag:s15], $0x2780  }
0x63: {  	[sflag:s15] =	ssyncset.done $0x0  }
0x64: {  	s28 =	simm.s32 $0x2780;
	[sflag:s15] =	ssyncadd.s32 $0xFFFFD880  }
0x65: {  	[tilespmem:s28], [sflag:$0x3] =	stream.linear.gather [hbm4b:s11+s26], $0x3F00, $0x38;
	[tilespmem:$0x1F380] =	vst v63  }
0x66: {  	_ =	swait.ge [sflag:s15], $0x3F00  }
0x67: {  	[sflag:s15] =	ssyncset.done $0x0  }
0x68: {  	s29 =	simm.s32 $0x0;
	[sflag:s15] =	ssyncadd.s32 $0xFFFFC100  }
0x69: {  	[tilespmem:s19], [sflag:$0x1] =	stream.indirect.gather [hbm4b:s4+s18], $0x80, s29, s18, $0xb8;
	[tilespmem:$0x1F380] =	vst v63  }
0x6a: {  	s30 =	simm.s32 $0x50  }
0x6b: {  	[tilespmem:s20], [sflag:$0x2] =	stream.indirect.gather [hbm4b:s4+s18], $0x80, s30, s18, $0xb8;
	[tilespmem:$0x1F380] =	vst v63  }
0x6c: {  	_ =	swait.ge [sflag:s21], $0x2800  }
0x6d: {  	[sflag:s21] =	ssyncset.done $0x0  }
0x6e: {  	[sflag:s21] =	ssyncadd.s32 $0xFFFFD800  }
0x6f: {  	[spmem:s2] =	stream.indirect.scatter.add.f32 [tilespmem:s19], [sflag:$0x3], $0x80, s28, s18, $0xb8;
	[tilespmem:$0x1F380] =	vst v63  }
0x70: {  	_ =	swait.ge [sflag:s15], $0x2800  }
0x71: {  	[sflag:s15] =	ssyncset.done $0x0  }
0x72: {  	[sflag:s15] =	ssyncadd.s32 $0xFFFFD800  }
0x73: {  	_ =	swait.ge [sflag:s22], $0x2800  }
0x74: {  	[sflag:s22] =	ssyncset.done $0x0  }
0x75: {  	s31 =	simm.s32 $0x2800;
	[sflag:s22] =	ssyncadd.s32 $0xFFFFD800  }
0x76: {  	[spmem:s2] =	stream.indirect.scatter.add.f32 [tilespmem:s20], [sflag:$0x3], $0x80, s31, s18, $0xb8;
	[tilespmem:$0x1F380] =	vst v63  }
0x77: {  	s24 =	simm.s32 $0x2880;
	_ =	swait.ge [sflag:s15], $0x2800  }
0x78: {  	s25 =	simm.s32 $0x280;
	s26 =	simm.s32 $0x500;
	[sflag:s15] =	ssyncset.done $0x0  }
.LBB2_4:
0x79: {  	s28 =	sshra.s32 s25, $0x2  }
0x7a: {  	[sflag:s15] =	ssyncadd.s32 $0xFFFFD800;
	s25 =	smov.u32 s26;
	s29 =	sadd.s32 $0x280, s26  }
0x7b: {  	[tilespmem:s19], [sflag:$0x1] =	stream.indirect.gather [hbm4b:s4+s18], $0x80, s28, s18, $0xb8;
	[tilespmem:$0x1F380] =	vst v63  }
0x7c: {  	p0 =	sne.s32 s26, $0x9B00;
	s26 =	sadd.s32 $0x50, s28  }
0x7d: {  	[tilespmem:s20], [sflag:$0x2] =	stream.indirect.gather [hbm4b:s4+s18], $0x80, s26, s18, $0xb8;
	[tilespmem:$0x1F380] =	vst v63  }
0x7e: {  	_ =	swait.ge [sflag:s21], $0x2800  }
0x7f: {  	[sflag:s21] =	ssyncset.done $0x0  }
0x80: {  	[sflag:s21] =	ssyncadd.s32 $0xFFFFD800  }
0x81: {  	[spmem:s2] =	stream.indirect.scatter.add.f32 [tilespmem:s19], [sflag:$0x3], $0x80, s24, s18, $0xb8;
	[tilespmem:$0x1F380] =	vst v63  }
0x82: {  	_ =	swait.ge [sflag:s15], $0x2800  }
0x83: {  	[sflag:s15] =	ssyncset.done $0x0  }
0x84: {  	[sflag:s15] =	ssyncadd.s32 $0xFFFFD800  }
0x85: {  	_ =	swait.ge [sflag:s22], $0x2800  }
.Ltmp1:
0x86: {  	[sflag:s22] =	ssyncset.done $0x0;
	(pc) =	sbr.rel @p0 .LBB2_4-.Ltmp1, $4  }
0x87: {  	s26 =	sadd.s32 $0x80, s24;
	[sflag:s22] =	ssyncadd.s32 $0xFFFFD800  }
0x88: {  	[spmem:s2] =	stream.indirect.scatter.add.f32 [tilespmem:s20], [sflag:$0x3], $0x80, s26, s18, $0xb8;
	[tilespmem:$0x1F380] =	vst v63  }
0x89: {  	_ =	swait.ge [sflag:s15], $0x2800  }
0x8a: {  	s24 =	sadd.s32 $0x100, s24;
	s26 =	smov.u32 s29;
	[sflag:s15] =	ssyncset.done $0x0  }
0x8b: {  	s25 =	sshra.s32 s25, $0x2;
	[sflag:s15] =	ssyncadd.s32 $0xFFFFD800  }
0x8c: {  	[tilespmem:s19], [sflag:$0x1] =	stream.indirect.gather [hbm4b:s4+s18], $0x80, s25, s18, $0xb8;
	[tilespmem:$0x1F380] =	vst v63  }
0x8d: {  	s25 =	sadd.s32 $0x50, s25  }
0x8e: {  	[tilespmem:s20], [sflag:$0x2] =	stream.indirect.gather [hbm4b:s4+s18], $0x80, s25, s18, $0xb8;
	[tilespmem:$0x1F380] =	vst v63  }
0x8f: {  	_ =	swait.ge [sflag:s21], $0x2800  }
0x90: {  	[sflag:s21] =	ssyncset.done $0x0  }
0x91: {  	[sflag:s21] =	ssyncadd.s32 $0xFFFFD800  }
0x92: {  	[spmem:s2] =	stream.indirect.scatter.add.f32 [tilespmem:s19], [sflag:$0x3], $0x80, s24, s18, $0xb8;
	[tilespmem:$0x1F380] =	vst v63  }
0x93: {  	_ =	swait.ge [sflag:s15], $0x2800  }
0x94: {  	[sflag:s15] =	ssyncset.done $0x0  }
0x95: {  	[sflag:s15] =	ssyncadd.s32 $0xFFFFD800  }
0x96: {  	_ =	swait.ge [sflag:s22], $0x2800  }
0x97: {  	[sflag:s22] =	ssyncset.done $0x0  }
0x98: {  	s31 =	sadd.s32 $0x80, s24;
	[sflag:s22] =	ssyncadd.s32 $0xFFFFD800  }
0x99: {  	[spmem:s2] =	stream.indirect.scatter.add.f32 [tilespmem:s20], [sflag:$0x3], $0x80, s31, s18, $0xb8;
	[tilespmem:$0x1F380] =	vst v63  }
0x9a: {  	_ =	swait.ge [sflag:s15], $0x2800  }
0x9b: {  	[sflag:s15] =	ssyncset.done $0x0  }
0x9c: {  	s23 =	sadd.s32 $0x1, s23;
	[sflag:s15] =	ssyncadd.s32 $0xFFFFD800  }
0x9d: {  	p0 =	sne.s32 s23, s13;
	[bflag:$0x0] =	sbarrier.arrive $0xFFFF  }
0x9e: {  	[hbm:s12], [sflag:s6] =	dma.local [spmem:s14], $0x2780  }
.Ltmp2:
0x9f: {  	_ =	swait.ge [sflag:s15], $0x2780;
	(pc) =	sbr.rel @p0 .LBB2_1-.Ltmp2, $3  }
0xa0: {  	[sflag:s15] =	ssyncset.done $0x0  }
0xa1: {  	[sflag:s15] =	ssyncadd.s32 $0xFFFFD880  }
0xa2: {  	[bflag:$0x0] =	sbarrier.arrive $0xFFFF;
	_ =	sdelay $0x1  }
0xa3: {  	_ =	sfence.sel $0x180000  }
0xa4: {  	[bflag:$0x0] =	sbarrier.arrive $0xFFFF  }
0xa5: {  	p0 =	sne.s32 s1, $0x0;
	_ =	strace $0x9000004D  }
0xa6: {  	s0 =	sadd.s32 @!p0 $0x100000, s0;
	[bflag:$0x2] =	sbarrier.arrive $0xFFFF  }
0xa7: {  	[sflag:s0] =	ssyncadd.tile.s32 @!p0 $0x1;
	_ =	shalt  }
.Lfunc_end2:
_tile_overlayer_lowered:
.L_overlay_start_2:
0xa8: {  	(tag) =	ssettag $0x2  }
0xa9: {  	s0 =	rddreg [dreg:$0x0];
	s2 =	stileid.u32  }
0xaa: {  	s1 =	rddreg [dreg:$0x1];
	p0 =	sne.s32 s2, $0x0  }
0xab: {  	s3 =	rddreg [dreg:$0x2];
	[bflag:$0x3] =	sbarrier.arrive $0xFFFF;
	s2 =	simm.s32 @!p0 $0x1C03  }
0xac: {  	[timem:s3], [sflag:s2] =	dma.local @!p0 [hbm:s0], s1  }
0xad: {  	s0 =	simm.s32 @!p0 $0x3  }
0xae: {  	_ =	swait.ge @!p0 [sflag:s0], s1  }
0xaf: {  	s1 =	ssub.s32 @!p0 $0x0, s1;
	[sflag:s0] =	ssyncset.done @!p0 $0x0  }
0xb0: {  	[sflag:s0] =	ssyncadd.s32 @!p0 s1  }
0xb1: {  	[bflag:$0x3] =	sbarrier.arrive $0xFFFF  }
0xb2: {  	_ =	shalt  }

// kernel: kernel.23.cloned.1.call-start
scs
__scs_entry_jumppad:
0x0: {  	(pc) =	sbr.rel $0x88, $3  }
0x1: {  	(tag) =	ssettag $0x0;
	lr =	simm.s32 $0x1  }
0x2: {  	[smem:$0x3F93] =	sst lr;
	_ =	strace $0xD0000000  }
0x3: {  	_ = 	snop  }
0x4: {  	_ = 	snop  }
0x5: {  	_ = 	snop  }
0x6: {  	_ = 	snop  }
0x7: {  	_ = 	snop  }
__scs_overlays_trampoline_lowered:
0x8: {  	[smem:$0x3FA2] =	sst s0  }
0x9: {  	[smem:$0x3FA3] =	sst s1  }
0xa: {  	[smem:$0x3FA4] =	sst s2  }
0xb: {  	[smem:$0x3FA5] =	sst s3  }
0xc: {  	[smem:$0x3FA6] =	sst s4  }
0xd: {  	[smem:$0x3FA7] =	sst s5  }
0xe: {  	[smem:$0x3FA8] =	sst s6  }
0xf: {  	[smem:$0x3FA9] =	sst s7  }
0x10: {  	[smem:$0x3FAA] =	sst s8  }
0x11: {  	[smem:$0x3FAB] =	sst s9;
	s0 =	simm.s32 @!p0 $0x0  }
0x12: {  	s1 =	sld [smem:$0x3F91];
	s0 =	simm.s32 @p0 $0x1  }
0x13: {  	[smem:$0x3FAC] =	sst s0;
	s0 =	simm.s32 @!p1 $0x0  }
0x14: {  	s2 =	sld [smem:$0x3F90];
	s0 =	simm.s32 @p1 $0x1  }
0x15: {  	[smem:$0x3FAD] =	sst s0;
	s0 =	simm.s32 @!p2 $0x0  }
0x16: {  	s3 =	sld [smem:$0x3FDB];
	s0 =	simm.s32 @p2 $0x1  }
0x17: {  	s4 =	simm.s32 $0x1BF5;
	[smem:$0x3FAF] =	sst s0  }
0x18: {  	s0 =	sld [smem:$0x3F92];
	_ =	swait.ge [sflag:s4], $0x0  }
0x19: {  	s7 =	sld [smem:$0x3F93]  }
0x1a: {  	s8 =	sadd.s32 $0xFFFFE003, lr  }
0x1b: {  	s9 =	sadd.s32 $0xFFFFFEF7, lr;
	s5 =	simm.s32 $0xFFFFFFFF;
	p2 =	slt.u32 s8, $0xFFFFF086  }
0x1c: {  	p1 =	slt.u32 s9, $0xF7A;
	s5 =	simm.s32 @!p2 $0x0  }
0x1d: {  	s5 =	simm.s32 @p1 $0x1;
	p0 =	seq.s32 s7, s2  }
0x1e: {  	s7 =	smul.u32 @!p0 $0xF7A, s2;
	p2 =	seq.s32 @!p0 s5, $0x0  }
0x1f: {  	s9 =	smul.u32 $0xF7A, s1;
	s8 =	simm.s32 @!p0 $0x1BF5;
	p2 =	por !p2, p0  }
0x20: {  	[sflag:s8] =	ssyncset.s32 @!p0 $0xFFFFF086;
	s6 =	sadd.s32 @!p0 s3, s7;
	s7 =	simm.s32 @!p0 $0x108  }
0x21: {  	s3 =	sadd.s32 s3, s9;
	s6 =	sadd.s32 @!p0 $0x88, s6;
	s7 =	simm.s32 @p2 $0x1082  }
0x22: {  	[simem:s7], [sflag:s8] =	dma.local @!p0 [hbm:s6], $0xF7A  }
0x23: {  	s9 =	sor.u32 $0xD0000000, s2;
	s6 =	simm.s32 $0x108;
	_ =	swait.ge @!p0 [sflag:s8], $0x0  }
0x24: {  	s3 =	sadd.s32 $0x88, s3;
	s6 =	simm.s32 @!p1 $0x1082;
	[sflag:s4] =	ssyncset.s32 $0xFFFFF086  }
0x25: {  	[simem:s6], [sflag:s4] =	dma.local [hbm:s3], $0xF7A  }
0x26: {  	[smem:$0x3F93] =	sst s1;
	(tag) =	ssettag s2;
	_ =	strace s9  }
0x27: {  	s1 =	sld [smem:$0x3FA3]  }
0x28: {  	s2 =	sld [smem:$0x3FA4]  }
0x29: {  	s4 =	sld [smem:$0x3FA6]  }
0x2a: {  	p0 =	seq.s32 s5, $0x0;
	s5 =	sld [smem:$0x3FA7]  }
0x2b: {  	s6 =	sld [smem:$0x3FA8]  }
0x2c: {  	s7 =	sld [smem:$0x3FA9]  }
0x2d: {  	s3 =	simm.s32 $0x108;
	s8 =	sld [smem:$0x3FAA]  }
0x2e: {  	s3 =	simm.s32 @!p0 $0x1082;
	s9 =	sld [smem:$0x3FAB]  }
0x2f: {  	lr =	sadd.s32 s0, s3;
	s0 =	sld [smem:$0x3FA2]  }
0x30: {  	s3 =	sld [smem:$0x3FA5]  }
0x31: {  	[smem:$0x3FAE] =	sst s10  }
0x32: {  	s10 =	sld [smem:$0x3FAC];
	_ =	sdelay $0x3  }
0x33: {  	p0 =	seq.s32 s10, $0x1;
	s10 =	sld [smem:$0x3FAE];
	_ =	sdelay $0x3  }
0x34: {  	[smem:$0x3FAE] =	sst s10  }
0x35: {  	s10 =	sld [smem:$0x3FAD];
	_ =	sdelay $0x3  }
0x36: {  	p1 =	seq.s32 s10, $0x1;
	s10 =	sld [smem:$0x3FAE];
	_ =	sdelay $0x3  }
0x37: {  	[smem:$0x3FAE] =	sst s10  }
0x38: {  	s10 =	sld [smem:$0x3FAF]  }
0x39: {  	_ = 	snop;
	(pc) =	sbr.ind lr, $3  }
0x3a: {  	_ = 	snop  }
0x3b: {  	_ = 	snop  }
0x3c: {  	p2 =	seq.s32 s10, $0x1;
	s10 =	sld [smem:$0x3FAE]  }
0x3d: {  	_ =	shalt  }
0x3e: {  	_ =	shalt  }
0x3f: {  	_ =	shalt  }
0x40: {  	_ =	shalt  }
0x41: {  	_ =	shalt  }
0x42: {  	_ =	shalt  }
0x43: {  	_ =	shalt  }
0x44: {  	_ =	shalt  }
0x45: {  	_ =	shalt  }
0x46: {  	_ =	shalt  }
0x47: {  	_ =	shalt  }
0x48: {  	_ =	shalt  }
0x49: {  	_ =	shalt  }
0x4a: {  	_ =	shalt  }
0x4b: {  	_ =	shalt  }
0x4c: {  	_ =	shalt  }
0x4d: {  	_ =	shalt  }
0x4e: {  	_ =	shalt  }
0x4f: {  	_ =	shalt  }
0x50: {  	_ =	shalt  }
0x51: {  	_ =	shalt  }
0x52: {  	_ =	shalt  }
0x53: {  	_ =	shalt  }
0x54: {  	_ =	shalt  }
0x55: {  	_ =	shalt  }
0x56: {  	_ =	shalt  }
0x57: {  	_ =	shalt  }
0x58: {  	_ =	shalt  }
0x59: {  	_ =	shalt  }
0x5a: {  	_ =	shalt  }
0x5b: {  	_ =	shalt  }
0x5c: {  	_ =	shalt  }
0x5d: {  	_ =	shalt  }
0x5e: {  	_ =	shalt  }
0x5f: {  	_ =	shalt  }
0x60: {  	_ =	shalt  }
0x61: {  	_ =	shalt  }
0x62: {  	_ =	shalt  }
0x63: {  	_ =	shalt  }
0x64: {  	_ =	shalt  }
0x65: {  	_ =	shalt  }
0x66: {  	_ =	shalt  }
0x67: {  	_ =	shalt  }
0x68: {  	_ =	shalt  }
0x69: {  	_ =	shalt  }
0x6a: {  	_ =	shalt  }
0x6b: {  	_ =	shalt  }
0x6c: {  	_ =	shalt  }
0x6d: {  	_ =	shalt  }
0x6e: {  	_ =	shalt  }
0x6f: {  	_ =	shalt  }
0x70: {  	_ =	shalt  }
0x71: {  	_ =	shalt  }
0x72: {  	_ =	shalt  }
0x73: {  	_ =	shalt  }
0x74: {  	_ =	shalt  }
0x75: {  	_ =	shalt  }
0x76: {  	_ =	shalt  }
0x77: {  	_ =	shalt  }
0x78: {  	_ =	shalt  }
0x79: {  	_ =	shalt  }
0x7a: {  	_ =	shalt  }
0x7b: {  	_ =	shalt  }
0x7c: {  	_ =	shalt  }
0x7d: {  	_ =	shalt  }
0x7e: {  	_ =	shalt  }
0x7f: {  	_ =	shalt  }
0x80: {  	_ =	shalt  }
0x81: {  	_ =	shalt  }
0x82: {  	_ =	shalt  }
0x83: {  	_ =	shalt  }
0x84: {  	_ =	shalt  }
0x85: {  	_ =	shalt  }
0x86: {  	_ =	shalt  }
0x87: {  	_ =	shalt  }
.Lfunc_end0:
.L_simem_size_0:
called_computation.3_lowered:
.L_overlay_start_0:
0x88: {  	s2 =	sld [smem:$0x3FD9]  }
0x89: {  	s3 =	sld [smem:$0x3FFE];
	_ =	sdelay $0x1  }
0x8a: {  	s1 =	srdreg.scid  }
0x8b: {  	s0 =	sand.u32 $0x1, s1  }
0x8c: {  	s16 =	sshll.u32 s0, $0xA;
	s2 =	sadd.s32 s3, s2  }
0x8d: {  	s2 =	sadd.s32 s2, s16  }
0x8e: {  	[smem:$0x3FBA] =	sst s2  }
0x8f: {  	_ = 	snop  }
0x90: {  	(tm) =	ssettm $0x1  }
0x91: {  	s17 =	sld [smem:$0x3FFB];
	_ =	sdelay $0x3  }
0x92: {  	_ =	strace s17  }
0x93: {  	s2 =	sld [smem:$0x3FFC];
	_ =	sdelay $0x3  }
0x94: {  	_ =	strace s2  }
0x95: {  	s2 =	sld [smem:$0x3FFD];
	_ =	sdelay $0x3  }
0x96: {  	_ =	strace s2  }
0x97: {  	_ =	strace $0x8FFFFFFF  }
0x98: {  	s18 =	sld [smem:$0x3FDB];
	_ =	sdelay $0x1  }
0x99: {  	s19 =	simm.s32 $_scs_section_size  }
0x9a: {  	s4 =	simm.s32 $_size__tile_overlayer_lowered;
	s5 =	simm.s32 $_tile_overlayer_lowered  }
0x9b: {  	s22 =	simm.s32 $0x1BFF;
	s21 =	sshll.u32 s5, $0x1;
	s2 =	sadd.s32 s19, s18  }
0x9c: {  	s6 =	simm.s32 $0x0;
	s20 =	sshll.u32 s4, $0x1;
	s4 =	sadd.s32 s21, s2  }
0x9d: {  	[timem:s6], [sflag:s22] =	dma.local [hbm:s4], s20  }
0x9e: {  	_ =	swait.ge [sflag:s22], s20  }
0x9f: {  	s3 =	ssub.s32 $0x0, s20;
	[sflag:s22] =	ssyncset.done $0x0  }
0xa0: {  	[sflag:s22] =	ssyncadd.s32 s3;
	_ =	sdelay $0x1  }
0xa1: {  	s23 =	simm.s32 $0x1B8B  }
0xa2: {  	_ =	swait.ge [sflag:s23], $0x1  }
0xa3: {  	[sflag:s23] =	ssyncset.done $0x0  }
0xa4: {  	s25 =	simm.s32 $0x1B8E;
	s24 =	sld [smem:$0x3FFE];
	[sflag:s23] =	ssyncadd.s32 $0xFFFFFFFF  }
0xa5: {  	s26 =	simm.s32 $execute0_lowered;
	[smem:$0x3FD2] =	sst s25  }
0xa6: {  	s4 =	sshll.u32 s26, $0x1;
	_ =	strace $0x8000004F;
	[dreg:$0x1] =	wrdreg $0xFFFFFFFF  }
0xa7: {  	s28 =	simm.s32 $_size_execute0_lowered;
	s2 =	sadd.s32 s2, s4;
	[dreg:$0x0] =	wrdreg $0x0  }
0xa8: {  	s4 =	sshll.u32 s28, $0x1;
	[dreg:$0x2] =	wrdreg s2  }
0xa9: {  	[dreg:$0x3] =	wrdreg s4  }
0xaa: {  	[dreg:$0x4] =	wrdreg $0xC0  }
0xab: {  	_ =	task [dreg:s6], $0x5FFFF  }
0xac: {  	[dreg:$0x1] =	wrdreg $0xFFFFFFFF  }
0xad: {  	[dreg:$0x0] =	wrdreg $0x60  }
0xae: {  	[dreg:$0x2] =	wrdreg s24  }
0xaf: {  	[dreg:$0x3] =	wrdreg $0xB7800  }
0xb0: {  	[dreg:$0x4] =	wrdreg $0x9  }
0xb1: {  	_ =	task.clear_ibuf [dreg:s6], $0x5FFFF;
	_ =	strace $0x9000004F  }
0xb2: {  	s29 =	simm.s32 $0x9;
	_ =	strace $0x80000051  }
0xb3: {  	_ =	swait.ge [sflag:s29], $0x1  }
0xb4: {  	[sflag:s29] =	ssyncadd.s32 $0xFFFFFFFF  }
0xb5: {  	_ =	strace $0x90000051  }
0xb6: {  	_ =	sfence  }
0xb7: {  	s30 =	sld [smem:$0x0];
	_ =	sdelay $0x2  }
0xb8: {  	s31 =	sshll.u32 s1, $0xD;
	s1 =	sshrl.u32 s1, $0x2  }
0xb9: {  	s3 =	sand.u32 $0x4000, s31;
	s1 =	sadd.s32 s1, s30  }
0xba: {  	s0 =	sor.u32 s3, s0;
	s1 =	sshll.u32 s1, $0x11  }
0xbb: {  	s0 =	sor.u32 s1, s0  }
0xbc: {  	s0 =	sadd.s32 $0x8F2B, s0  }
0xbd: {  	[sflag:s0] =	ssyncadd.remote.s32 $0x1  }
0xbe: {  	_ =	sfence.sel $0xFFFF  }
0xbf: {  	[dreg:$0x0] =	wrdreg $0xFFFFFFFF;
	(pc) =	sbr.abs _section_cstart, $3  }
0xc0: {  	[dreg:$0x1] =	wrdreg $0xFFFFFFFF  }
0xc1: {  	_ =	task.clear_ibuf [dreg:s6], $0x2FFFF;
	_ =	strace $0x9FFFFFFF  }
0xc2: {  	(tm) =	ssettm $0x7FFFFFFF  }
0xc3: {  	_ =	shalt  }
tec
execute0_lowered:
.L_overlay_start_1:
0x0: {  	(tag) =	ssettag $0x1  }
0x1: {  	s5 =	rddreg [dreg:$0x0]  }
0x2: {  	s2 =	rddreg [dreg:$0x1]  }
0x3: {  	s0 =	rddreg [dreg:$0x2];
	s3 =	simm.s32 $0x0;
	s1 =	stileid.u32  }
0x4: {  	s4 =	srdreg.scid;
	s16 =	simm.s32 $0x80;
	s17 =	simm.s32 $0x400  }
0x5: {  	s18 =	simm.s32 $0x50;
	[smem:$0x7FF] =	sst s3;
	s7 =	smul.u32 $0x278, s1  }
0x6: {  	s6 =	sand.u32 $0x1, s4;
	s4 =	sadd.s32 $0x251E00, s5;
	s10 =	smul.u32 $0x2780, s1  }
0x7: {  	s9 =	sshll.u32 s1, $0xB;
	s11 =	sadd.s32 $0x103E00, s5;
	s20 =	smul.u32 $0x4F000, s1  }
0x8: {  	s13 =	sshrl.u32 s1, $0x3;
	s26 =	sshll.u32 s1, $0x7;
	s8 =	smul.u32 $0x2780, s6  }
0x9: {  	s28 =	sshll.u32 s1, $0x6;
	s21 =	ssub.s32 $0x2, s6;
	s6 =	smul.u32 $0x4F000, s6  }
0xa: {  	_ =	strace $0x80000050;
	s12 =	sadd.s32 s9, s5;
	s23 =	smul.u32 $0x13C00, s13  }
0xb: {  	s9 =	sand.u32 $0x380, s26;
	s19 =	sadd.s32 s10, s5;
	s22 =	sshrl.u32 s21, $0x1  }
0xc: {  	s25 =	sshrl.u32 s20, $0x2;
	s20 =	simm.s32 $0x8F80;
	s7 =	sadd.s32 s7, s8  }
0xd: {  	s24 =	ssub.s32 s21, s22;
	s15 =	sadd.s32 s25, s2;
	s6 =	sadd.s32 s6, s23  }
0xe: {  	s8 =	sadd.s32 $0x4A00, s12;
	s21 =	simm.s32 $0x1;
	s22 =	simm.s32 $0x2  }
0xf: {  	s23 =	simm.s32 $0x0;
	s7 =	sshll.u32 s7, $0x4;
	s29 =	sor.u32 s9, s6  }
0x10: {  	s6 =	sor.u32 $0x1C03, s28;
	s13 =	smax.u32 s24, $0x1;
	s14 =	sadd.s32 s7, s5  }
0x11: {  	s5 =	sadd.s32 $0x14A00, s19;
	s30 =	sshrl.u32 s29, $0x3;
	s9 =	sadd.s32 $0x27800, s29  }
0x12: {  	s19 =	simm.s32 $0x6780;
	s7 =	sadd.s32 s11, s30;
	s31 =	sshrl.u32 s9, $0x3  }
0x13: {  	s9 =	sadd.s32 $0x117A00, s14;
	s10 =	sadd.s32 s11, s31;
	s11 =	sadd.s32 $0xCA00, s12  }
0x14: {  	s12 =	sadd.s32 $0x166A00, s14;
	s14 =	sshrl.u32 s15, $0x3;
	s15 =	simm.s32 $0x3  }
.LBB2_1:
0x15: {  	[spmem:s14], [sflag:s6] =	dma.local [hbm:s5], $0x2780  }
0x16: {  	_ =	swait.ge [sflag:s15], $0x2780  }
0x17: {  	[sflag:s15] =	ssyncset.done $0x0  }
0x18: {  	[sflag:s15] =	ssyncadd.s32 $0xFFFFD880  }
0x19: {  	[bflag:$0x0] =	sbarrier.arrive $0xFFFF  }
0x1a: {  	[tilespmem:s3], [sflag:$0x3] =	stream.strided.gather [hbm4b:s7+s16], $0x2780, s17, s16, $0x38;
	[tilespmem:$0x1F380] =	vst v63  }
0x1b: {  	_ =	swait.ge [sflag:s15], $0x2780  }
0x1c: {  	[sflag:s15] =	ssyncset.done $0x0  }
0x1d: {  	s24 =	simm.s32 $0x2780;
	[sflag:s15] =	ssyncadd.s32 $0xFFFFD880  }
0x1e: {  	[tilespmem:s24], [sflag:$0x3] =	stream.linear.gather [hbm4b:s8+s3], $0x3F00, $0x38;
	[tilespmem:$0x1F380] =	vst v63  }
0x1f: {  	_ =	swait.ge [sflag:s15], $0x3F00  }
0x20: {  	[sflag:s15] =	ssyncset.done $0x0  }
0x21: {  	s25 =	simm.s32 $0x0;
	[sflag:s15] =	ssyncadd.s32 $0xFFFFC100  }
0x22: {  	[tilespmem:s19], [sflag:$0x1] =	stream.indirect.gather [hbm4b:s4+s18], $0x80, s25, s18, $0xb8;
	[tilespmem:$0x1F380] =	vst v63  }
0x23: {  	s30 =	simm.s32 $0x50  }
0x24: {  	[tilespmem:s20], [sflag:$0x2] =	stream.indirect.gather [hbm4b:s4+s18], $0x80, s30, s18, $0xb8;
	[tilespmem:$0x1F380] =	vst v63  }
0x25: {  	_ =	swait.ge [sflag:s21], $0x2800  }
0x26: {  	[sflag:s21] =	ssyncset.done $0x0  }
0x27: {  	[sflag:s21] =	ssyncadd.s32 $0xFFFFD800  }
0x28: {  	[spmem:s2] =	stream.indirect.scatter.add.f32 [tilespmem:s19], [sflag:$0x3], $0x80, s24, s18, $0xb8;
	[tilespmem:$0x1F380] =	vst v63  }
0x29: {  	_ =	swait.ge [sflag:s15], $0x2800  }
0x2a: {  	[sflag:s15] =	ssyncset.done $0x0  }
0x2b: {  	[sflag:s15] =	ssyncadd.s32 $0xFFFFD800  }
0x2c: {  	_ =	swait.ge [sflag:s22], $0x2800  }
0x2d: {  	[sflag:s22] =	ssyncset.done $0x0  }
0x2e: {  	s31 =	simm.s32 $0x2800;
	[sflag:s22] =	ssyncadd.s32 $0xFFFFD800  }
0x2f: {  	[spmem:s2] =	stream.indirect.scatter.add.f32 [tilespmem:s20], [sflag:$0x3], $0x80, s31, s18, $0xb8;
	[tilespmem:$0x1F380] =	vst v63  }
0x30: {  	s26 =	simm.s32 $0x500;
	_ =	swait.ge [sflag:s15], $0x2800  }
0x31: {  	s25 =	simm.s32 $0x280;
	s24 =	simm.s32 $0x2880;
	[sflag:s15] =	ssyncset.done $0x0  }
.LBB2_2:
0x32: {  	s28 =	sshra.s32 s25, $0x2  }
0x33: {  	[sflag:s15] =	ssyncadd.s32 $0xFFFFD800;
	s25 =	smov.u32 s26;
	s29 =	sadd.s32 $0x280, s26  }
0x34: {  	[tilespmem:s19], [sflag:$0x1] =	stream.indirect.gather [hbm4b:s4+s18], $0x80, s28, s18, $0xb8;
	[tilespmem:$0x1F380] =	vst v63  }
0x35: {  	p0 =	sne.s32 s26, $0x9B00;
	s26 =	sadd.s32 $0x50, s28  }
0x36: {  	[tilespmem:s20], [sflag:$0x2] =	stream.indirect.gather [hbm4b:s4+s18], $0x80, s26, s18, $0xb8;
	[tilespmem:$0x1F380] =	vst v63  }
0x37: {  	_ =	swait.ge [sflag:s21], $0x2800  }
0x38: {  	[sflag:s21] =	ssyncset.done $0x0  }
0x39: {  	[sflag:s21] =	ssyncadd.s32 $0xFFFFD800  }
0x3a: {  	[spmem:s2] =	stream.indirect.scatter.add.f32 [tilespmem:s19], [sflag:$0x3], $0x80, s24, s18, $0xb8;
	[tilespmem:$0x1F380] =	vst v63  }
0x3b: {  	_ =	swait.ge [sflag:s15], $0x2800  }
0x3c: {  	[sflag:s15] =	ssyncset.done $0x0  }
0x3d: {  	[sflag:s15] =	ssyncadd.s32 $0xFFFFD800  }
0x3e: {  	_ =	swait.ge [sflag:s22], $0x2800  }
.Ltmp0:
0x3f: {  	[sflag:s22] =	ssyncset.done $0x0;
	(pc) =	sbr.rel @p0 .LBB2_2-.Ltmp0, $4  }
0x40: {  	s26 =	sadd.s32 $0x80, s24;
	[sflag:s22] =	ssyncadd.s32 $0xFFFFD800  }
0x41: {  	[spmem:s2] =	stream.indirect.scatter.add.f32 [tilespmem:s20], [sflag:$0x3], $0x80, s26, s18, $0xb8;
	[tilespmem:$0x1F380] =	vst v63  }
0x42: {  	_ =	swait.ge [sflag:s15], $0x2800  }
0x43: {  	s24 =	sadd.s32 $0x100, s24;
	s26 =	smov.u32 s29;
	[sflag:s15] =	ssyncset.done $0x0  }
0x44: {  	s25 =	sshra.s32 s25, $0x2;
	[sflag:s15] =	ssyncadd.s32 $0xFFFFD800  }
0x45: {  	[tilespmem:s19], [sflag:$0x1] =	stream.indirect.gather [hbm4b:s4+s18], $0x80, s25, s18, $0xb8;
	[tilespmem:$0x1F380] =	vst v63  }
0x46: {  	s25 =	sadd.s32 $0x50, s25  }
0x47: {  	[tilespmem:s20], [sflag:$0x2] =	stream.indirect.gather [hbm4b:s4+s18], $0x80, s25, s18, $0xb8;
	[tilespmem:$0x1F380] =	vst v63  }
0x48: {  	_ =	swait.ge [sflag:s21], $0x2800  }
0x49: {  	[sflag:s21] =	ssyncset.done $0x0  }
0x4a: {  	[sflag:s21] =	ssyncadd.s32 $0xFFFFD800  }
0x4b: {  	[spmem:s2] =	stream.indirect.scatter.add.f32 [tilespmem:s19], [sflag:$0x3], $0x80, s24, s18, $0xb8;
	[tilespmem:$0x1F380] =	vst v63  }
0x4c: {  	_ =	swait.ge [sflag:s15], $0x2800  }
0x4d: {  	[sflag:s15] =	ssyncset.done $0x0  }
0x4e: {  	[sflag:s15] =	ssyncadd.s32 $0xFFFFD800  }
0x4f: {  	_ =	swait.ge [sflag:s22], $0x2800  }
0x50: {  	[sflag:s22] =	ssyncset.done $0x0  }
0x51: {  	s25 =	sadd.s32 $0x80, s24;
	[sflag:s22] =	ssyncadd.s32 $0xFFFFD800  }
0x52: {  	[spmem:s2] =	stream.indirect.scatter.add.f32 [tilespmem:s20], [sflag:$0x3], $0x80, s25, s18, $0xb8;
	[tilespmem:$0x1F380] =	vst v63  }
0x53: {  	_ =	swait.ge [sflag:s15], $0x2800  }
0x54: {  	[sflag:s15] =	ssyncset.done $0x0  }
0x55: {  	[sflag:s15] =	ssyncadd.s32 $0xFFFFD800  }
0x56: {  	[bflag:$0x0] =	sbarrier.arrive $0xFFFF  }
0x57: {  	[hbm:s9], [sflag:s6] =	dma.local [spmem:s14], $0x2780  }
0x58: {  	_ =	swait.ge [sflag:s15], $0x2780  }
0x59: {  	[sflag:s15] =	ssyncset.done $0x0  }
0x5a: {  	[sflag:s15] =	ssyncadd.s32 $0xFFFFD880  }
0x5b: {  	[bflag:$0x0] =	sbarrier.arrive $0xFFFF  }
0x5c: {  	[spmem:s14], [sflag:s6] =	dma.local [hbm:s5], $0x2780  }
0x5d: {  	_ =	swait.ge [sflag:s15], $0x2780  }
0x5e: {  	[sflag:s15] =	ssyncset.done $0x0  }
0x5f: {  	[sflag:s15] =	ssyncadd.s32 $0xFFFFD880  }
0x60: {  	s26 =	simm.s32 $0x0;
	[bflag:$0x0] =	sbarrier.arrive $0xFFFF  }
0x61: {  	[tilespmem:s26], [sflag:$0x3] =	stream.strided.gather [hbm4b:s10+s16], $0x2780, s17, s16, $0x38;
	[tilespmem:$0x1F380] =	vst v63  }
0x62: {  	_ =	swait.ge [sflag:s15], $0x2780  }
0x63: {  	[sflag:s15] =	ssyncset.done $0x0  }
0x64: {  	s28 =	simm.s32 $0x2780;
	[sflag:s15] =	ssyncadd.s32 $0xFFFFD880  }
0x65: {  	[tilespmem:s28], [sflag:$0x3] =	stream.linear.gather [hbm4b:s11+s26], $0x3F00, $0x38;
	[tilespmem:$0x1F380] =	vst v63  }
0x66: {  	_ =	swait.ge [sflag:s15], $0x3F00  }
0x67: {  	[sflag:s15] =	ssyncset.done $0x0  }
0x68: {  	s29 =	simm.s32 $0x0;
	[sflag:s15] =	ssyncadd.s32 $0xFFFFC100  }
0x69: {  	[tilespmem:s19], [sflag:$0x1] =	stream.indirect.gather [hbm4b:s4+s18], $0x80, s29, s18, $0xb8;
	[tilespmem:$0x1F380] =	vst v63  }
0x6a: {  	s30 =	simm.s32 $0x50  }
0x6b: {  	[tilespmem:s20], [sflag:$0x2] =	stream.indirect.gather [hbm4b:s4+s18], $0x80, s30, s18, $0xb8;
	[tilespmem:$0x1F380] =	vst v63  }
0x6c: {  	_ =	swait.ge [sflag:s21], $0x2800  }
0x6d: {  	[sflag:s21] =	ssyncset.done $0x0  }
0x6e: {  	[sflag:s21] =	ssyncadd.s32 $0xFFFFD800  }
0x6f: {  	[spmem:s2] =	stream.indirect.scatter.add.f32 [tilespmem:s19], [sflag:$0x3], $0x80, s28, s18, $0xb8;
	[tilespmem:$0x1F380] =	vst v63  }
0x70: {  	_ =	swait.ge [sflag:s15], $0x2800  }
0x71: {  	[sflag:s15] =	ssyncset.done $0x0  }
0x72: {  	[sflag:s15] =	ssyncadd.s32 $0xFFFFD800  }
0x73: {  	_ =	swait.ge [sflag:s22], $0x2800  }
0x74: {  	[sflag:s22] =	ssyncset.done $0x0  }
0x75: {  	s31 =	simm.s32 $0x2800;
	[sflag:s22] =	ssyncadd.s32 $0xFFFFD800  }
0x76: {  	[spmem:s2] =	stream.indirect.scatter.add.f32 [tilespmem:s20], [sflag:$0x3], $0x80, s31, s18, $0xb8;
	[tilespmem:$0x1F380] =	vst v63  }
0x77: {  	s24 =	simm.s32 $0x2880;
	_ =	swait.ge [sflag:s15], $0x2800  }
0x78: {  	s25 =	simm.s32 $0x280;
	s26 =	simm.s32 $0x500;
	[sflag:s15] =	ssyncset.done $0x0  }
.LBB2_4:
0x79: {  	s28 =	sshra.s32 s25, $0x2  }
0x7a: {  	[sflag:s15] =	ssyncadd.s32 $0xFFFFD800;
	s25 =	smov.u32 s26;
	s29 =	sadd.s32 $0x280, s26  }
0x7b: {  	[tilespmem:s19], [sflag:$0x1] =	stream.indirect.gather [hbm4b:s4+s18], $0x80, s28, s18, $0xb8;
	[tilespmem:$0x1F380] =	vst v63  }
0x7c: {  	p0 =	sne.s32 s26, $0x9B00;
	s26 =	sadd.s32 $0x50, s28  }
0x7d: {  	[tilespmem:s20], [sflag:$0x2] =	stream.indirect.gather [hbm4b:s4+s18], $0x80, s26, s18, $0xb8;
	[tilespmem:$0x1F380] =	vst v63  }
0x7e: {  	_ =	swait.ge [sflag:s21], $0x2800  }
0x7f: {  	[sflag:s21] =	ssyncset.done $0x0  }
0x80: {  	[sflag:s21] =	ssyncadd.s32 $0xFFFFD800  }
0x81: {  	[spmem:s2] =	stream.indirect.scatter.add.f32 [tilespmem:s19], [sflag:$0x3], $0x80, s24, s18, $0xb8;
	[tilespmem:$0x1F380] =	vst v63  }
0x82: {  	_ =	swait.ge [sflag:s15], $0x2800  }
0x83: {  	[sflag:s15] =	ssyncset.done $0x0  }
0x84: {  	[sflag:s15] =	ssyncadd.s32 $0xFFFFD800  }
0x85: {  	_ =	swait.ge [sflag:s22], $0x2800  }
.Ltmp1:
0x86: {  	[sflag:s22] =	ssyncset.done $0x0;
	(pc) =	sbr.rel @p0 .LBB2_4-.Ltmp1, $4  }
0x87: {  	s26 =	sadd.s32 $0x80, s24;
	[sflag:s22] =	ssyncadd.s32 $0xFFFFD800  }
0x88: {  	[spmem:s2] =	stream.indirect.scatter.add.f32 [tilespmem:s20], [sflag:$0x3], $0x80, s26, s18, $0xb8;
	[tilespmem:$0x1F380] =	vst v63  }
0x89: {  	_ =	swait.ge [sflag:s15], $0x2800  }
0x8a: {  	s24 =	sadd.s32 $0x100, s24;
	s26 =	smov.u32 s29;
	[sflag:s15] =	ssyncset.done $0x0  }
0x8b: {  	s25 =	sshra.s32 s25, $0x2;
	[sflag:s15] =	ssyncadd.s32 $0xFFFFD800  }
0x8c: {  	[tilespmem:s19], [sflag:$0x1] =	stream.indirect.gather [hbm4b:s4+s18], $0x80, s25, s18, $0xb8;
	[tilespmem:$0x1F380] =	vst v63  }
0x8d: {  	s25 =	sadd.s32 $0x50, s25  }
0x8e: {  	[tilespmem:s20], [sflag:$0x2] =	stream.indirect.gather [hbm4b:s4+s18], $0x80, s25, s18, $0xb8;
	[tilespmem:$0x1F380] =	vst v63  }
0x8f: {  	_ =	swait.ge [sflag:s21], $0x2800  }
0x90: {  	[sflag:s21] =	ssyncset.done $0x0  }
0x91: {  	[sflag:s21] =	ssyncadd.s32 $0xFFFFD800  }
0x92: {  	[spmem:s2] =	stream.indirect.scatter.add.f32 [tilespmem:s19], [sflag:$0x3], $0x80, s24, s18, $0xb8;
	[tilespmem:$0x1F380] =	vst v63  }
0x93: {  	_ =	swait.ge [sflag:s15], $0x2800  }
0x94: {  	[sflag:s15] =	ssyncset.done $0x0  }
0x95: {  	[sflag:s15] =	ssyncadd.s32 $0xFFFFD800  }
0x96: {  	_ =	swait.ge [sflag:s22], $0x2800  }
0x97: {  	[sflag:s22] =	ssyncset.done $0x0  }
0x98: {  	s31 =	sadd.s32 $0x80, s24;
	[sflag:s22] =	ssyncadd.s32 $0xFFFFD800  }
0x99: {  	[spmem:s2] =	stream.indirect.scatter.add.f32 [tilespmem:s20], [sflag:$0x3], $0x80, s31, s18, $0xb8;
	[tilespmem:$0x1F380] =	vst v63  }
0x9a: {  	_ =	swait.ge [sflag:s15], $0x2800  }
0x9b: {  	[sflag:s15] =	ssyncset.done $0x0  }
0x9c: {  	s23 =	sadd.s32 $0x1, s23;
	[sflag:s15] =	ssyncadd.s32 $0xFFFFD800  }
0x9d: {  	p0 =	sne.s32 s23, s13;
	[bflag:$0x0] =	sbarrier.arrive $0xFFFF  }
0x9e: {  	[hbm:s12], [sflag:s6] =	dma.local [spmem:s14], $0x2780  }
.Ltmp2:
0x9f: {  	_ =	swait.ge [sflag:s15], $0x2780;
	(pc) =	sbr.rel @p0 .LBB2_1-.Ltmp2, $3  }
0xa0: {  	[sflag:s15] =	ssyncset.done $0x0  }
0xa1: {  	[sflag:s15] =	ssyncadd.s32 $0xFFFFD880  }
0xa2: {  	[bflag:$0x0] =	sbarrier.arrive $0xFFFF;
	_ =	sdelay $0x1  }
0xa3: {  	_ =	sfence.sel $0x180000  }
0xa4: {  	[bflag:$0x0] =	sbarrier.arrive $0xFFFF  }
0xa5: {  	p0 =	sne.s32 s1, $0x0;
	_ =	strace $0x90000050  }
0xa6: {  	s0 =	sadd.s32 @!p0 $0x100000, s0;
	[bflag:$0x2] =	sbarrier.arrive $0xFFFF  }
0xa7: {  	[sflag:s0] =	ssyncadd.tile.s32 @!p0 $0x1;
	_ =	shalt  }
.Lfunc_end2:
_tile_overlayer_lowered:
.L_overlay_start_2:
0xa8: {  	(tag) =	ssettag $0x2  }
0xa9: {  	s0 =	rddreg [dreg:$0x0];
	s2 =	stileid.u32  }
0xaa: {  	s1 =	rddreg [dreg:$0x1];
	p0 =	sne.s32 s2, $0x0  }
0xab: {  	s3 =	rddreg [dreg:$0x2];
	[bflag:$0x3] =	sbarrier.arrive $0xFFFF;
	s2 =	simm.s32 @!p0 $0x1C03  }
0xac: {  	[timem:s3], [sflag:s2] =	dma.local @!p0 [hbm:s0], s1  }
0xad: {  	s0 =	simm.s32 @!p0 $0x3  }
0xae: {  	_ =	swait.ge @!p0 [sflag:s0], s1  }
0xaf: {  	s1 =	ssub.s32 @!p0 $0x0, s1;
	[sflag:s0] =	ssyncset.done @!p0 $0x0  }
0xb0: {  	[sflag:s0] =	ssyncadd.s32 @!p0 s1  }
0xb1: {  	[bflag:$0x3] =	sbarrier.arrive $0xFFFF  }
0xb2: {  	_ =	shalt  }

// kernel: kernel.26.cloned.1.call-start
scs
__scs_entry_jumppad:
0x0: {  	(pc) =	sbr.rel $0x88, $3  }
0x1: {  	(tag) =	ssettag $0x0;
	lr =	simm.s32 $0x1  }
0x2: {  	[smem:$0x3F93] =	sst lr;
	_ =	strace $0xD0000000  }
0x3: {  	_ = 	snop  }
0x4: {  	_ = 	snop  }
0x5: {  	_ = 	snop  }
0x6: {  	_ = 	snop  }
0x7: {  	_ = 	snop  }
__scs_overlays_trampoline_lowered:
0x8: {  	[smem:$0x3FA2] =	sst s0  }
0x9: {  	[smem:$0x3FA3] =	sst s1  }
0xa: {  	[smem:$0x3FA4] =	sst s2  }
0xb: {  	[smem:$0x3FA5] =	sst s3  }
0xc: {  	[smem:$0x3FA6] =	sst s4  }
0xd: {  	[smem:$0x3FA7] =	sst s5  }
0xe: {  	[smem:$0x3FA8] =	sst s6  }
0xf: {  	[smem:$0x3FA9] =	sst s7  }
0x10: {  	[smem:$0x3FAA] =	sst s8  }
0x11: {  	[smem:$0x3FAB] =	sst s9;
	s0 =	simm.s32 @!p0 $0x0  }
0x12: {  	s1 =	sld [smem:$0x3F91];
	s0 =	simm.s32 @p0 $0x1  }
0x13: {  	[smem:$0x3FAC] =	sst s0;
	s0 =	simm.s32 @!p1 $0x0  }
0x14: {  	s2 =	sld [smem:$0x3F90];
	s0 =	simm.s32 @p1 $0x1  }
0x15: {  	[smem:$0x3FAD] =	sst s0;
	s0 =	simm.s32 @!p2 $0x0  }
0x16: {  	s3 =	sld [smem:$0x3FDB];
	s0 =	simm.s32 @p2 $0x1  }
0x17: {  	s4 =	simm.s32 $0x1BF5;
	[smem:$0x3FAF] =	sst s0  }
0x18: {  	s0 =	sld [smem:$0x3F92];
	_ =	swait.ge [sflag:s4], $0x0  }
0x19: {  	s7 =	sld [smem:$0x3F93]  }
0x1a: {  	s8 =	sadd.s32 $0xFFFFE003, lr  }
0x1b: {  	s9 =	sadd.s32 $0xFFFFFEF7, lr;
	s5 =	simm.s32 $0xFFFFFFFF;
	p2 =	slt.u32 s8, $0xFFFFF086  }
0x1c: {  	p1 =	slt.u32 s9, $0xF7A;
	s5 =	simm.s32 @!p2 $0x0  }
0x1d: {  	s5 =	simm.s32 @p1 $0x1;
	p0 =	seq.s32 s7, s2  }
0x1e: {  	s7 =	smul.u32 @!p0 $0xF7A, s2;
	p2 =	seq.s32 @!p0 s5, $0x0  }
0x1f: {  	s9 =	smul.u32 $0xF7A, s1;
	s8 =	simm.s32 @!p0 $0x1BF5;
	p2 =	por !p2, p0  }
0x20: {  	[sflag:s8] =	ssyncset.s32 @!p0 $0xFFFFF086;
	s6 =	sadd.s32 @!p0 s3, s7;
	s7 =	simm.s32 @!p0 $0x108  }
0x21: {  	s3 =	sadd.s32 s3, s9;
	s6 =	sadd.s32 @!p0 $0x88, s6;
	s7 =	simm.s32 @p2 $0x1082  }
0x22: {  	[simem:s7], [sflag:s8] =	dma.local @!p0 [hbm:s6], $0xF7A  }
0x23: {  	s9 =	sor.u32 $0xD0000000, s2;
	s6 =	simm.s32 $0x108;
	_ =	swait.ge @!p0 [sflag:s8], $0x0  }
0x24: {  	s3 =	sadd.s32 $0x88, s3;
	s6 =	simm.s32 @!p1 $0x1082;
	[sflag:s4] =	ssyncset.s32 $0xFFFFF086  }
0x25: {  	[simem:s6], [sflag:s4] =	dma.local [hbm:s3], $0xF7A  }
0x26: {  	[smem:$0x3F93] =	sst s1;
	(tag) =	ssettag s2;
	_ =	strace s9  }
0x27: {  	s1 =	sld [smem:$0x3FA3]  }
0x28: {  	s2 =	sld [smem:$0x3FA4]  }
0x29: {  	s4 =	sld [smem:$0x3FA6]  }
0x2a: {  	p0 =	seq.s32 s5, $0x0;
	s5 =	sld [smem:$0x3FA7]  }
0x2b: {  	s6 =	sld [smem:$0x3FA8]  }
0x2c: {  	s7 =	sld [smem:$0x3FA9]  }
0x2d: {  	s3 =	simm.s32 $0x108;
	s8 =	sld [smem:$0x3FAA]  }
0x2e: {  	s3 =	simm.s32 @!p0 $0x1082;
	s9 =	sld [smem:$0x3FAB]  }
0x2f: {  	lr =	sadd.s32 s0, s3;
	s0 =	sld [smem:$0x3FA2]  }
0x30: {  	s3 =	sld [smem:$0x3FA5]  }
0x31: {  	[smem:$0x3FAE] =	sst s10  }
0x32: {  	s10 =	sld [smem:$0x3FAC];
	_ =	sdelay $0x3  }
0x33: {  	p0 =	seq.s32 s10, $0x1;
	s10 =	sld [smem:$0x3FAE];
	_ =	sdelay $0x3  }
0x34: {  	[smem:$0x3FAE] =	sst s10  }
0x35: {  	s10 =	sld [smem:$0x3FAD];
	_ =	sdelay $0x3  }
0x36: {  	p1 =	seq.s32 s10, $0x1;
	s10 =	sld [smem:$0x3FAE];
	_ =	sdelay $0x3  }
0x37: {  	[smem:$0x3FAE] =	sst s10  }
0x38: {  	s10 =	sld [smem:$0x3FAF]  }
0x39: {  	_ = 	snop;
	(pc) =	sbr.ind lr, $3  }
0x3a: {  	_ = 	snop  }
0x3b: {  	_ = 	snop  }
0x3c: {  	p2 =	seq.s32 s10, $0x1;
	s10 =	sld [smem:$0x3FAE]  }
0x3d: {  	_ =	shalt  }
0x3e: {  	_ =	shalt  }
0x3f: {  	_ =	shalt  }
0x40: {  	_ =	shalt  }
0x41: {  	_ =	shalt  }
0x42: {  	_ =	shalt  }
0x43: {  	_ =	shalt  }
0x44: {  	_ =	shalt  }
0x45: {  	_ =	shalt  }
0x46: {  	_ =	shalt  }
0x47: {  	_ =	shalt  }
0x48: {  	_ =	shalt  }
0x49: {  	_ =	shalt  }
0x4a: {  	_ =	shalt  }
0x4b: {  	_ =	shalt  }
0x4c: {  	_ =	shalt  }
0x4d: {  	_ =	shalt  }
0x4e: {  	_ =	shalt  }
0x4f: {  	_ =	shalt  }
0x50: {  	_ =	shalt  }
0x51: {  	_ =	shalt  }
0x52: {  	_ =	shalt  }
0x53: {  	_ =	shalt  }
0x54: {  	_ =	shalt  }
0x55: {  	_ =	shalt  }
0x56: {  	_ =	shalt  }
0x57: {  	_ =	shalt  }
0x58: {  	_ =	shalt  }
0x59: {  	_ =	shalt  }
0x5a: {  	_ =	shalt  }
0x5b: {  	_ =	shalt  }
0x5c: {  	_ =	shalt  }
0x5d: {  	_ =	shalt  }
0x5e: {  	_ =	shalt  }
0x5f: {  	_ =	shalt  }
0x60: {  	_ =	shalt  }
0x61: {  	_ =	shalt  }
0x62: {  	_ =	shalt  }
0x63: {  	_ =	shalt  }
0x64: {  	_ =	shalt  }
0x65: {  	_ =	shalt  }
0x66: {  	_ =	shalt  }
0x67: {  	_ =	shalt  }
0x68: {  	_ =	shalt  }
0x69: {  	_ =	shalt  }
0x6a: {  	_ =	shalt  }
0x6b: {  	_ =	shalt  }
0x6c: {  	_ =	shalt  }
0x6d: {  	_ =	shalt  }
0x6e: {  	_ =	shalt  }
0x6f: {  	_ =	shalt  }
0x70: {  	_ =	shalt  }
0x71: {  	_ =	shalt  }
0x72: {  	_ =	shalt  }
0x73: {  	_ =	shalt  }
0x74: {  	_ =	shalt  }
0x75: {  	_ =	shalt  }
0x76: {  	_ =	shalt  }
0x77: {  	_ =	shalt  }
0x78: {  	_ =	shalt  }
0x79: {  	_ =	shalt  }
0x7a: {  	_ =	shalt  }
0x7b: {  	_ =	shalt  }
0x7c: {  	_ =	shalt  }
0x7d: {  	_ =	shalt  }
0x7e: {  	_ =	shalt  }
0x7f: {  	_ =	shalt  }
0x80: {  	_ =	shalt  }
0x81: {  	_ =	shalt  }
0x82: {  	_ =	shalt  }
0x83: {  	_ =	shalt  }
0x84: {  	_ =	shalt  }
0x85: {  	_ =	shalt  }
0x86: {  	_ =	shalt  }
0x87: {  	_ =	shalt  }
.Lfunc_end0:
.L_simem_size_0:
called_computation.4_lowered:
.L_overlay_start_0:
0x88: {  	s2 =	sld [smem:$0x3FD9]  }
0x89: {  	s3 =	sld [smem:$0x3FFE];
	_ =	sdelay $0x1  }
0x8a: {  	s1 =	srdreg.scid  }
0x8b: {  	s0 =	sand.u32 $0x1, s1  }
0x8c: {  	s16 =	sshll.u32 s0, $0xA;
	s2 =	sadd.s32 s3, s2  }
0x8d: {  	s2 =	sadd.s32 s2, s16  }
0x8e: {  	[smem:$0x3FBA] =	sst s2  }
0x8f: {  	_ = 	snop  }
0x90: {  	(tm) =	ssettm $0x1  }
0x91: {  	s17 =	sld [smem:$0x3FFB];
	_ =	sdelay $0x3  }
0x92: {  	_ =	strace s17  }
0x93: {  	s2 =	sld [smem:$0x3FFC];
	_ =	sdelay $0x3  }
0x94: {  	_ =	strace s2  }
0x95: {  	s2 =	sld [smem:$0x3FFD];
	_ =	sdelay $0x3  }
0x96: {  	_ =	strace s2  }
0x97: {  	_ =	strace $0x8FFFFFFF  }
0x98: {  	s18 =	sld [smem:$0x3FDB];
	_ =	sdelay $0x1  }
0x99: {  	s19 =	simm.s32 $_scs_section_size  }
0x9a: {  	s4 =	simm.s32 $_size__tile_overlayer_lowered;
	s5 =	simm.s32 $_tile_overlayer_lowered  }
0x9b: {  	s22 =	simm.s32 $0x1BFF;
	s21 =	sshll.u32 s5, $0x1;
	s2 =	sadd.s32 s19, s18  }
0x9c: {  	s6 =	simm.s32 $0x0;
	s20 =	sshll.u32 s4, $0x1;
	s4 =	sadd.s32 s21, s2  }
0x9d: {  	[timem:s6], [sflag:s22] =	dma.local [hbm:s4], s20  }
0x9e: {  	_ =	swait.ge [sflag:s22], s20  }
0x9f: {  	s3 =	ssub.s32 $0x0, s20;
	[sflag:s22] =	ssyncset.done $0x0  }
0xa0: {  	[sflag:s22] =	ssyncadd.s32 s3;
	_ =	sdelay $0x1  }
0xa1: {  	s23 =	simm.s32 $0x1B8B  }
0xa2: {  	_ =	swait.ge [sflag:s23], $0x1  }
0xa3: {  	[sflag:s23] =	ssyncset.done $0x0  }
0xa4: {  	s25 =	simm.s32 $0x1B8E;
	s24 =	sld [smem:$0x3FFE];
	[sflag:s23] =	ssyncadd.s32 $0xFFFFFFFF  }
0xa5: {  	s26 =	simm.s32 $execute0_lowered;
	[smem:$0x3FD2] =	sst s25  }
0xa6: {  	s4 =	sshll.u32 s26, $0x1;
	_ =	strace $0x80000052;
	[dreg:$0x1] =	wrdreg $0xFFFFFFFF  }
0xa7: {  	s28 =	simm.s32 $_size_execute0_lowered;
	s2 =	sadd.s32 s2, s4;
	[dreg:$0x0] =	wrdreg $0x0  }
0xa8: {  	s4 =	sshll.u32 s28, $0x1;
	[dreg:$0x2] =	wrdreg s2  }
0xa9: {  	[dreg:$0x3] =	wrdreg s4  }
0xaa: {  	[dreg:$0x4] =	wrdreg $0xC0  }
0xab: {  	_ =	task [dreg:s6], $0x5FFFF  }
0xac: {  	[dreg:$0x1] =	wrdreg $0xFFFFFFFF  }
0xad: {  	[dreg:$0x0] =	wrdreg $0x60  }
0xae: {  	[dreg:$0x2] =	wrdreg s24  }
0xaf: {  	[dreg:$0x3] =	wrdreg $0xB7800  }
0xb0: {  	[dreg:$0x4] =	wrdreg $0x9  }
0xb1: {  	_ =	task.clear_ibuf [dreg:s6], $0x5FFFF;
	_ =	strace $0x90000052  }
0xb2: {  	s29 =	simm.s32 $0x9;
	_ =	strace $0x80000054  }
0xb3: {  	_ =	swait.ge [sflag:s29], $0x1  }
0xb4: {  	[sflag:s29] =	ssyncadd.s32 $0xFFFFFFFF  }
0xb5: {  	_ =	strace $0x90000054  }
0xb6: {  	_ =	sfence  }
0xb7: {  	s30 =	sld [smem:$0x0];
	_ =	sdelay $0x2  }
0xb8: {  	s31 =	sshll.u32 s1, $0xD;
	s1 =	sshrl.u32 s1, $0x2  }
0xb9: {  	s3 =	sand.u32 $0x4000, s31;
	s1 =	sadd.s32 s1, s30  }
0xba: {  	s0 =	sor.u32 s3, s0;
	s1 =	sshll.u32 s1, $0x11  }
0xbb: {  	s0 =	sor.u32 s1, s0  }
0xbc: {  	s0 =	sadd.s32 $0x8F2B, s0  }
0xbd: {  	[sflag:s0] =	ssyncadd.remote.s32 $0x1  }
0xbe: {  	_ =	sfence.sel $0xFFFF  }
0xbf: {  	[dreg:$0x0] =	wrdreg $0xFFFFFFFF;
	(pc) =	sbr.abs _section_cstart, $3  }
0xc0: {  	[dreg:$0x1] =	wrdreg $0xFFFFFFFF  }
0xc1: {  	_ =	task.clear_ibuf [dreg:s6], $0x2FFFF;
	_ =	strace $0x9FFFFFFF  }
0xc2: {  	(tm) =	ssettm $0x7FFFFFFF  }
0xc3: {  	_ =	shalt  }
tec
execute0_lowered:
.L_overlay_start_1:
0x0: {  	(tag) =	ssettag $0x1  }
0x1: {  	s5 =	rddreg [dreg:$0x0]  }
0x2: {  	s2 =	rddreg [dreg:$0x1]  }
0x3: {  	s0 =	rddreg [dreg:$0x2];
	s3 =	simm.s32 $0x0;
	s1 =	stileid.u32  }
0x4: {  	s4 =	srdreg.scid;
	s16 =	simm.s32 $0x80;
	s17 =	simm.s32 $0x400  }
0x5: {  	s18 =	simm.s32 $0x50;
	[smem:$0x7FF] =	sst s3;
	s7 =	smul.u32 $0x278, s1  }
0x6: {  	s6 =	sand.u32 $0x1, s4;
	s4 =	sadd.s32 $0x2EE200, s5;
	s10 =	smul.u32 $0x2780, s1  }
0x7: {  	s9 =	sshll.u32 s1, $0xB;
	s11 =	sadd.s32 $0x103E00, s5;
	s20 =	smul.u32 $0x4F000, s1  }
0x8: {  	s13 =	sshrl.u32 s1, $0x3;
	s26 =	sshll.u32 s1, $0x7;
	s8 =	smul.u32 $0x2780, s6  }
0x9: {  	s28 =	sshll.u32 s1, $0x6;
	s21 =	ssub.s32 $0x2, s6;
	s6 =	smul.u32 $0x4F000, s6  }
0xa: {  	_ =	strace $0x80000053;
	s12 =	sadd.s32 s9, s5;
	s23 =	smul.u32 $0x13C00, s13  }
0xb: {  	s9 =	sand.u32 $0x380, s26;
	s19 =	sadd.s32 s10, s5;
	s22 =	sshrl.u32 s21, $0x1  }
0xc: {  	s25 =	sshrl.u32 s20, $0x2;
	s20 =	simm.s32 $0x8F80;
	s7 =	sadd.s32 s7, s8  }
0xd: {  	s24 =	ssub.s32 s21, s22;
	s15 =	sadd.s32 s25, s2;
	s6 =	sadd.s32 s6, s23  }
0xe: {  	s8 =	sadd.s32 $0x4A00, s12;
	s21 =	simm.s32 $0x1;
	s22 =	simm.s32 $0x2  }
0xf: {  	s23 =	simm.s32 $0x0;
	s7 =	sshll.u32 s7, $0x4;
	s29 =	sor.u32 s9, s6  }
0x10: {  	s6 =	sor.u32 $0x1C03, s28;
	s13 =	smax.u32 s24, $0x1;
	s14 =	sadd.s32 s7, s5  }
0x11: {  	s5 =	sadd.s32 $0x14A00, s19;
	s30 =	sshrl.u32 s29, $0x3;
	s9 =	sadd.s32 $0x27800, s29  }
0x12: {  	s19 =	simm.s32 $0x6780;
	s7 =	sadd.s32 s11, s30;
	s31 =	sshrl.u32 s9, $0x3  }
0x13: {  	s9 =	sadd.s32 $0x117A00, s14;
	s10 =	sadd.s32 s11, s31;
	s11 =	sadd.s32 $0xCA00, s12  }
0x14: {  	s12 =	sadd.s32 $0x166A00, s14;
	s14 =	sshrl.u32 s15, $0x3;
	s15 =	simm.s32 $0x3  }
.LBB2_1:
0x15: {  	[spmem:s14], [sflag:s6] =	dma.local [hbm:s5], $0x2780  }
0x16: {  	_ =	swait.ge [sflag:s15], $0x2780  }
0x17: {  	[sflag:s15] =	ssyncset.done $0x0  }
0x18: {  	[sflag:s15] =	ssyncadd.s32 $0xFFFFD880  }
0x19: {  	[bflag:$0x0] =	sbarrier.arrive $0xFFFF  }
0x1a: {  	[tilespmem:s3], [sflag:$0x3] =	stream.strided.gather [hbm4b:s7+s16], $0x2780, s17, s16, $0x38;
	[tilespmem:$0x1F380] =	vst v63  }
0x1b: {  	_ =	swait.ge [sflag:s15], $0x2780  }
0x1c: {  	[sflag:s15] =	ssyncset.done $0x0  }
0x1d: {  	s24 =	simm.s32 $0x2780;
	[sflag:s15] =	ssyncadd.s32 $0xFFFFD880  }
0x1e: {  	[tilespmem:s24], [sflag:$0x3] =	stream.linear.gather [hbm4b:s8+s3], $0x3F00, $0x38;
	[tilespmem:$0x1F380] =	vst v63  }
0x1f: {  	_ =	swait.ge [sflag:s15], $0x3F00  }
0x20: {  	[sflag:s15] =	ssyncset.done $0x0  }
0x21: {  	s25 =	simm.s32 $0x0;
	[sflag:s15] =	ssyncadd.s32 $0xFFFFC100  }
0x22: {  	[tilespmem:s19], [sflag:$0x1] =	stream.indirect.gather [hbm4b:s4+s18], $0x80, s25, s18, $0xb8;
	[tilespmem:$0x1F380] =	vst v63  }
0x23: {  	s30 =	simm.s32 $0x50  }
0x24: {  	[tilespmem:s20], [sflag:$0x2] =	stream.indirect.gather [hbm4b:s4+s18], $0x80, s30, s18, $0xb8;
	[tilespmem:$0x1F380] =	vst v63  }
0x25: {  	_ =	swait.ge [sflag:s21], $0x2800  }
0x26: {  	[sflag:s21] =	ssyncset.done $0x0  }
0x27: {  	[sflag:s21] =	ssyncadd.s32 $0xFFFFD800  }
0x28: {  	[spmem:s2] =	stream.indirect.scatter.add.f32 [tilespmem:s19], [sflag:$0x3], $0x80, s24, s18, $0xb8;
	[tilespmem:$0x1F380] =	vst v63  }
0x29: {  	_ =	swait.ge [sflag:s15], $0x2800  }
0x2a: {  	[sflag:s15] =	ssyncset.done $0x0  }
0x2b: {  	[sflag:s15] =	ssyncadd.s32 $0xFFFFD800  }
0x2c: {  	_ =	swait.ge [sflag:s22], $0x2800  }
0x2d: {  	[sflag:s22] =	ssyncset.done $0x0  }
0x2e: {  	s31 =	simm.s32 $0x2800;
	[sflag:s22] =	ssyncadd.s32 $0xFFFFD800  }
0x2f: {  	[spmem:s2] =	stream.indirect.scatter.add.f32 [tilespmem:s20], [sflag:$0x3], $0x80, s31, s18, $0xb8;
	[tilespmem:$0x1F380] =	vst v63  }
0x30: {  	s26 =	simm.s32 $0x500;
	_ =	swait.ge [sflag:s15], $0x2800  }
0x31: {  	s25 =	simm.s32 $0x280;
	s24 =	simm.s32 $0x2880;
	[sflag:s15] =	ssyncset.done $0x0  }
.LBB2_2:
0x32: {  	s28 =	sshra.s32 s25, $0x2  }
0x33: {  	[sflag:s15] =	ssyncadd.s32 $0xFFFFD800;
	s25 =	smov.u32 s26;
	s29 =	sadd.s32 $0x280, s26  }
0x34: {  	[tilespmem:s19], [sflag:$0x1] =	stream.indirect.gather [hbm4b:s4+s18], $0x80, s28, s18, $0xb8;
	[tilespmem:$0x1F380] =	vst v63  }
0x35: {  	p0 =	sne.s32 s26, $0x9B00;
	s26 =	sadd.s32 $0x50, s28  }
0x36: {  	[tilespmem:s20], [sflag:$0x2] =	stream.indirect.gather [hbm4b:s4+s18], $0x80, s26, s18, $0xb8;
	[tilespmem:$0x1F380] =	vst v63  }
0x37: {  	_ =	swait.ge [sflag:s21], $0x2800  }
0x38: {  	[sflag:s21] =	ssyncset.done $0x0  }
0x39: {  	[sflag:s21] =	ssyncadd.s32 $0xFFFFD800  }
0x3a: {  	[spmem:s2] =	stream.indirect.scatter.add.f32 [tilespmem:s19], [sflag:$0x3], $0x80, s24, s18, $0xb8;
	[tilespmem:$0x1F380] =	vst v63  }
0x3b: {  	_ =	swait.ge [sflag:s15], $0x2800  }
0x3c: {  	[sflag:s15] =	ssyncset.done $0x0  }
0x3d: {  	[sflag:s15] =	ssyncadd.s32 $0xFFFFD800  }
0x3e: {  	_ =	swait.ge [sflag:s22], $0x2800  }
.Ltmp0:
0x3f: {  	[sflag:s22] =	ssyncset.done $0x0;
	(pc) =	sbr.rel @p0 .LBB2_2-.Ltmp0, $4  }
0x40: {  	s26 =	sadd.s32 $0x80, s24;
	[sflag:s22] =	ssyncadd.s32 $0xFFFFD800  }
0x41: {  	[spmem:s2] =	stream.indirect.scatter.add.f32 [tilespmem:s20], [sflag:$0x3], $0x80, s26, s18, $0xb8;
	[tilespmem:$0x1F380] =	vst v63  }
0x42: {  	_ =	swait.ge [sflag:s15], $0x2800  }
0x43: {  	s24 =	sadd.s32 $0x100, s24;
	s26 =	smov.u32 s29;
	[sflag:s15] =	ssyncset.done $0x0  }
0x44: {  	s25 =	sshra.s32 s25, $0x2;
	[sflag:s15] =	ssyncadd.s32 $0xFFFFD800  }
0x45: {  	[tilespmem:s19], [sflag:$0x1] =	stream.indirect.gather [hbm4b:s4+s18], $0x80, s25, s18, $0xb8;
	[tilespmem:$0x1F380] =	vst v63  }
0x46: {  	s25 =	sadd.s32 $0x50, s25  }
0x47: {  	[tilespmem:s20], [sflag:$0x2] =	stream.indirect.gather [hbm4b:s4+s18], $0x80, s25, s18, $0xb8;
	[tilespmem:$0x1F380] =	vst v63  }
0x48: {  	_ =	swait.ge [sflag:s21], $0x2800  }
0x49: {  	[sflag:s21] =	ssyncset.done $0x0  }
0x4a: {  	[sflag:s21] =	ssyncadd.s32 $0xFFFFD800  }
0x4b: {  	[spmem:s2] =	stream.indirect.scatter.add.f32 [tilespmem:s19], [sflag:$0x3], $0x80, s24, s18, $0xb8;
	[tilespmem:$0x1F380] =	vst v63  }
0x4c: {  	_ =	swait.ge [sflag:s15], $0x2800  }
0x4d: {  	[sflag:s15] =	ssyncset.done $0x0  }
0x4e: {  	[sflag:s15] =	ssyncadd.s32 $0xFFFFD800  }
0x4f: {  	_ =	swait.ge [sflag:s22], $0x2800  }
0x50: {  	[sflag:s22] =	ssyncset.done $0x0  }
0x51: {  	s25 =	sadd.s32 $0x80, s24;
	[sflag:s22] =	ssyncadd.s32 $0xFFFFD800  }
0x52: {  	[spmem:s2] =	stream.indirect.scatter.add.f32 [tilespmem:s20], [sflag:$0x3], $0x80, s25, s18, $0xb8;
	[tilespmem:$0x1F380] =	vst v63  }
0x53: {  	_ =	swait.ge [sflag:s15], $0x2800  }
0x54: {  	[sflag:s15] =	ssyncset.done $0x0  }
0x55: {  	[sflag:s15] =	ssyncadd.s32 $0xFFFFD800  }
0x56: {  	[bflag:$0x0] =	sbarrier.arrive $0xFFFF  }
0x57: {  	[hbm:s9], [sflag:s6] =	dma.local [spmem:s14], $0x2780  }
0x58: {  	_ =	swait.ge [sflag:s15], $0x2780  }
0x59: {  	[sflag:s15] =	ssyncset.done $0x0  }
0x5a: {  	[sflag:s15] =	ssyncadd.s32 $0xFFFFD880  }
0x5b: {  	[bflag:$0x0] =	sbarrier.arrive $0xFFFF  }
0x5c: {  	[spmem:s14], [sflag:s6] =	dma.local [hbm:s5], $0x2780  }
0x5d: {  	_ =	swait.ge [sflag:s15], $0x2780  }
0x5e: {  	[sflag:s15] =	ssyncset.done $0x0  }
0x5f: {  	[sflag:s15] =	ssyncadd.s32 $0xFFFFD880  }
0x60: {  	s26 =	simm.s32 $0x0;
	[bflag:$0x0] =	sbarrier.arrive $0xFFFF  }
0x61: {  	[tilespmem:s26], [sflag:$0x3] =	stream.strided.gather [hbm4b:s10+s16], $0x2780, s17, s16, $0x38;
	[tilespmem:$0x1F380] =	vst v63  }
0x62: {  	_ =	swait.ge [sflag:s15], $0x2780  }
0x63: {  	[sflag:s15] =	ssyncset.done $0x0  }
0x64: {  	s28 =	simm.s32 $0x2780;
	[sflag:s15] =	ssyncadd.s32 $0xFFFFD880  }
0x65: {  	[tilespmem:s28], [sflag:$0x3] =	stream.linear.gather [hbm4b:s11+s26], $0x3F00, $0x38;
	[tilespmem:$0x1F380] =	vst v63  }
0x66: {  	_ =	swait.ge [sflag:s15], $0x3F00  }
0x67: {  	[sflag:s15] =	ssyncset.done $0x0  }
0x68: {  	s29 =	simm.s32 $0x0;
	[sflag:s15] =	ssyncadd.s32 $0xFFFFC100  }
0x69: {  	[tilespmem:s19], [sflag:$0x1] =	stream.indirect.gather [hbm4b:s4+s18], $0x80, s29, s18, $0xb8;
	[tilespmem:$0x1F380] =	vst v63  }
0x6a: {  	s30 =	simm.s32 $0x50  }
0x6b: {  	[tilespmem:s20], [sflag:$0x2] =	stream.indirect.gather [hbm4b:s4+s18], $0x80, s30, s18, $0xb8;
	[tilespmem:$0x1F380] =	vst v63  }
0x6c: {  	_ =	swait.ge [sflag:s21], $0x2800  }
0x6d: {  	[sflag:s21] =	ssyncset.done $0x0  }
0x6e: {  	[sflag:s21] =	ssyncadd.s32 $0xFFFFD800  }
0x6f: {  	[spmem:s2] =	stream.indirect.scatter.add.f32 [tilespmem:s19], [sflag:$0x3], $0x80, s28, s18, $0xb8;
	[tilespmem:$0x1F380] =	vst v63  }
0x70: {  	_ =	swait.ge [sflag:s15], $0x2800  }
0x71: {  	[sflag:s15] =	ssyncset.done $0x0  }
0x72: {  	[sflag:s15] =	ssyncadd.s32 $0xFFFFD800  }
0x73: {  	_ =	swait.ge [sflag:s22], $0x2800  }
0x74: {  	[sflag:s22] =	ssyncset.done $0x0  }
0x75: {  	s31 =	simm.s32 $0x2800;
	[sflag:s22] =	ssyncadd.s32 $0xFFFFD800  }
0x76: {  	[spmem:s2] =	stream.indirect.scatter.add.f32 [tilespmem:s20], [sflag:$0x3], $0x80, s31, s18, $0xb8;
	[tilespmem:$0x1F380] =	vst v63  }
0x77: {  	s24 =	simm.s32 $0x2880;
	_ =	swait.ge [sflag:s15], $0x2800  }
0x78: {  	s25 =	simm.s32 $0x280;
	s26 =	simm.s32 $0x500;
	[sflag:s15] =	ssyncset.done $0x0  }
.LBB2_4:
0x79: {  	s28 =	sshra.s32 s25, $0x2  }
0x7a: {  	[sflag:s15] =	ssyncadd.s32 $0xFFFFD800;
	s25 =	smov.u32 s26;
	s29 =	sadd.s32 $0x280, s26  }
0x7b: {  	[tilespmem:s19], [sflag:$0x1] =	stream.indirect.gather [hbm4b:s4+s18], $0x80, s28, s18, $0xb8;
	[tilespmem:$0x1F380] =	vst v63  }
0x7c: {  	p0 =	sne.s32 s26, $0x9B00;
	s26 =	sadd.s32 $0x50, s28  }
0x7d: {  	[tilespmem:s20], [sflag:$0x2] =	stream.indirect.gather [hbm4b:s4+s18], $0x80, s26, s18, $0xb8;
	[tilespmem:$0x1F380] =	vst v63  }
0x7e: {  	_ =	swait.ge [sflag:s21], $0x2800  }
0x7f: {  	[sflag:s21] =	ssyncset.done $0x0  }
0x80: {  	[sflag:s21] =	ssyncadd.s32 $0xFFFFD800  }
0x81: {  	[spmem:s2] =	stream.indirect.scatter.add.f32 [tilespmem:s19], [sflag:$0x3], $0x80, s24, s18, $0xb8;
	[tilespmem:$0x1F380] =	vst v63  }
0x82: {  	_ =	swait.ge [sflag:s15], $0x2800  }
0x83: {  	[sflag:s15] =	ssyncset.done $0x0  }
0x84: {  	[sflag:s15] =	ssyncadd.s32 $0xFFFFD800  }
0x85: {  	_ =	swait.ge [sflag:s22], $0x2800  }
.Ltmp1:
0x86: {  	[sflag:s22] =	ssyncset.done $0x0;
	(pc) =	sbr.rel @p0 .LBB2_4-.Ltmp1, $4  }
0x87: {  	s26 =	sadd.s32 $0x80, s24;
	[sflag:s22] =	ssyncadd.s32 $0xFFFFD800  }
0x88: {  	[spmem:s2] =	stream.indirect.scatter.add.f32 [tilespmem:s20], [sflag:$0x3], $0x80, s26, s18, $0xb8;
	[tilespmem:$0x1F380] =	vst v63  }
0x89: {  	_ =	swait.ge [sflag:s15], $0x2800  }
0x8a: {  	s24 =	sadd.s32 $0x100, s24;
	s26 =	smov.u32 s29;
	[sflag:s15] =	ssyncset.done $0x0  }
0x8b: {  	s25 =	sshra.s32 s25, $0x2;
	[sflag:s15] =	ssyncadd.s32 $0xFFFFD800  }
0x8c: {  	[tilespmem:s19], [sflag:$0x1] =	stream.indirect.gather [hbm4b:s4+s18], $0x80, s25, s18, $0xb8;
	[tilespmem:$0x1F380] =	vst v63  }
0x8d: {  	s25 =	sadd.s32 $0x50, s25  }
0x8e: {  	[tilespmem:s20], [sflag:$0x2] =	stream.indirect.gather [hbm4b:s4+s18], $0x80, s25, s18, $0xb8;
	[tilespmem:$0x1F380] =	vst v63  }
0x8f: {  	_ =	swait.ge [sflag:s21], $0x2800  }
0x90: {  	[sflag:s21] =	ssyncset.done $0x0  }
0x91: {  	[sflag:s21] =	ssyncadd.s32 $0xFFFFD800  }
0x92: {  	[spmem:s2] =	stream.indirect.scatter.add.f32 [tilespmem:s19], [sflag:$0x3], $0x80, s24, s18, $0xb8;
	[tilespmem:$0x1F380] =	vst v63  }
0x93: {  	_ =	swait.ge [sflag:s15], $0x2800  }
0x94: {  	[sflag:s15] =	ssyncset.done $0x0  }
0x95: {  	[sflag:s15] =	ssyncadd.s32 $0xFFFFD800  }
0x96: {  	_ =	swait.ge [sflag:s22], $0x2800  }
0x97: {  	[sflag:s22] =	ssyncset.done $0x0  }
0x98: {  	s31 =	sadd.s32 $0x80, s24;
	[sflag:s22] =	ssyncadd.s32 $0xFFFFD800  }
0x99: {  	[spmem:s2] =	stream.indirect.scatter.add.f32 [tilespmem:s20], [sflag:$0x3], $0x80, s31, s18, $0xb8;
	[tilespmem:$0x1F380] =	vst v63  }
0x9a: {  	_ =	swait.ge [sflag:s15], $0x2800  }
0x9b: {  	[sflag:s15] =	ssyncset.done $0x0  }
0x9c: {  	s23 =	sadd.s32 $0x1, s23;
	[sflag:s15] =	ssyncadd.s32 $0xFFFFD800  }
0x9d: {  	p0 =	sne.s32 s23, s13;
	[bflag:$0x0] =	sbarrier.arrive $0xFFFF  }
0x9e: {  	[hbm:s12], [sflag:s6] =	dma.local [spmem:s14], $0x2780  }
.Ltmp2:
0x9f: {  	_ =	swait.ge [sflag:s15], $0x2780;
	(pc) =	sbr.rel @p0 .LBB2_1-.Ltmp2, $3  }
0xa0: {  	[sflag:s15] =	ssyncset.done $0x0  }
0xa1: {  	[sflag:s15] =	ssyncadd.s32 $0xFFFFD880  }
0xa2: {  	[bflag:$0x0] =	sbarrier.arrive $0xFFFF;
	_ =	sdelay $0x1  }
0xa3: {  	_ =	sfence.sel $0x180000  }
0xa4: {  	[bflag:$0x0] =	sbarrier.arrive $0xFFFF  }
0xa5: {  	p0 =	sne.s32 s1, $0x0;
	_ =	strace $0x90000053  }
0xa6: {  	s0 =	sadd.s32 @!p0 $0x100000, s0;
	[bflag:$0x2] =	sbarrier.arrive $0xFFFF  }
0xa7: {  	[sflag:s0] =	ssyncadd.tile.s32 @!p0 $0x1;
	_ =	shalt  }
.Lfunc_end2:
_tile_overlayer_lowered:
.L_overlay_start_2:
0xa8: {  	(tag) =	ssettag $0x2  }
0xa9: {  	s0 =	rddreg [dreg:$0x0];
	s2 =	stileid.u32  }
0xaa: {  	s1 =	rddreg [dreg:$0x1];
	p0 =	sne.s32 s2, $0x0  }
0xab: {  	s3 =	rddreg [dreg:$0x2];
	[bflag:$0x3] =	sbarrier.arrive $0xFFFF;
	s2 =	simm.s32 @!p0 $0x1C03  }
0xac: {  	[timem:s3], [sflag:s2] =	dma.local @!p0 [hbm:s0], s1  }
0xad: {  	s0 =	simm.s32 @!p0 $0x3  }
0xae: {  	_ =	swait.ge @!p0 [sflag:s0], s1  }
0xaf: {  	s1 =	ssub.s32 @!p0 $0x0, s1;
	[sflag:s0] =	ssyncset.done @!p0 $0x0  }
0xb0: {  	[sflag:s0] =	ssyncadd.s32 @!p0 s1  }
0xb1: {  	[bflag:$0x3] =	sbarrier.arrive $0xFFFF  }
0xb2: {  	_ =	shalt  }

</sc_bundles>
